<compile_context>
chip_gen: v7x
topology: tpu7x:2x2x1
jax: 0.10.2.dev20260603
libtpu: 0.0.44.dev20260713+nightly
codegen_flags: <defaults>
</compile_context>

<pallas_src>
import functools

import jax
import jax.numpy as jnp
from jax import lax
from jax.experimental import pallas as pl
from jax.experimental.pallas import tpu as pltpu
from jax.experimental.pallas import tpu_sc as plsc

N = 10000
F = 128
G = 16
C = 10

NC = 2
NS = 16
NW = NC * NS
CH = 512

NPAD = 10240
RPS = NPAD // NS

NBUF = 4
PREF = 2


def _chunks(ew):
    out = []
    off = 0
    while off < ew:
        ln = min(CH, ew - off)
        out.append((off, ln))
        off += ln
    return out


def _make_deg_kernel(ew):
    mesh = plsc.VectorSubcoreMesh(core_axis_name="c", subcore_axis_name="s")
    chunks = _chunks(ew)

    @functools.partial(
        pl.kernel,
        out_type=jax.ShapeDtypeStruct((NC, NPAD), jnp.float32),
        mesh=mesh,
        scratch_types=[
            pltpu.VMEM((ew,), jnp.int32),
            pltpu.VMEM((CH,), jnp.float32),
            pltpu.VMEM((RPS,), jnp.float32),
            pltpu.VMEM_SHARED((NPAD,), jnp.float32),
            pltpu.SemaphoreType.DMA,
        ],
        compiler_params=pltpu.CompilerParams(use_tc_tiling_on_sc=False),
    )
    def deg_kernel(dst_hbm, z_hbm, out_hbm, dst_v, ones_v, stage_v, deg_sh,
                   sem):
        cid = lax.axis_index("c")
        sid = lax.axis_index("s")
        wid = sid * NC + cid
        pltpu.sync_copy(dst_hbm.at[pl.ds(wid * ew, ew)], dst_v)
        def orow(i, _):
            ones_v[pl.ds(i * 16, 16)] = jnp.ones((16,), jnp.float32)
            return 0
        lax.fori_loop(0, CH // 16, orow, 0)
        pltpu.sync_copy(z_hbm.at[pl.ds(sid * RPS, RPS)],
                        deg_sh.at[pl.ds(sid * RPS, RPS)])
        plsc.subcore_barrier()

        descs = [pltpu.async_copy(ones_v.at[pl.ds(0, ln)],
                                  deg_sh.at[dst_v.at[pl.ds(off, ln)]],
                                  sem, add=True)
                 for off, ln in chunks]
        for d in descs:
            d.wait()
        plsc.subcore_barrier()
        pltpu.sync_copy(deg_sh.at[pl.ds(sid * RPS, RPS)], stage_v)
        pltpu.sync_copy(stage_v, out_hbm.at[cid, pl.ds(sid * RPS, RPS)])

    return deg_kernel


def _make_agg_kernel(ew, dout):
    mesh = plsc.VectorSubcoreMesh(core_axis_name="c", subcore_axis_name="s")
    chunks = _chunks(ew)
    kch = len(chunks)
    assert kch >= NBUF

    @functools.partial(
        pl.kernel,
        out_type=jax.ShapeDtypeStruct((NC, NPAD, dout), jnp.float32),
        mesh=mesh,
        scratch_types=(
            [pltpu.VMEM((ew,), jnp.int32),
             pltpu.VMEM((ew,), jnp.int32),
             pltpu.VMEM((RPS, dout), jnp.float32),
             pltpu.VMEM_SHARED((NPAD, dout), jnp.float32)]
            + [pltpu.VMEM((CH, dout), jnp.float32) for _ in range(NBUF)]
            + [pltpu.SemaphoreType.DMA for _ in range(2 * NBUF)]
        ),
        compiler_params=pltpu.CompilerParams(use_tc_tiling_on_sc=False),
    )
    def agg_kernel(ms_hbm, src_hbm, dst_hbm, z_hbm, out_hbm,
                   src_v, dst_v, stage_v, agg_sh, *bufs_and_sems):
        vals = bufs_and_sems[:NBUF]
        gsem = bufs_and_sems[NBUF:2 * NBUF]
        ssem = bufs_and_sems[2 * NBUF:]
        cid = lax.axis_index("c")
        sid = lax.axis_index("s")
        wid = sid * NC + cid
        pltpu.sync_copy(src_hbm.at[pl.ds(wid * ew, ew)], src_v)
        pltpu.sync_copy(dst_hbm.at[pl.ds(wid * ew, ew)], dst_v)
        pltpu.sync_copy(z_hbm.at[pl.ds(sid * RPS, RPS)],
                        agg_sh.at[pl.ds(sid * RPS, RPS)])
        plsc.subcore_barrier()

        def start_gather(j):
            off, ln = chunks[j]
            b = j % NBUF
            return pltpu.async_copy(ms_hbm.at[src_v.at[pl.ds(off, ln)]],
                                    vals[b].at[pl.ds(0, ln)], gsem[b])

        def start_scatter(j):
            off, ln = chunks[j]
            b = j % NBUF
            return pltpu.async_copy(vals[b].at[pl.ds(0, ln)],
                                    agg_sh.at[dst_v.at[pl.ds(off, ln)]],
                                    ssem[b], add=True)

        gd = [None] * kch
        sd = [None] * kch
        for j in range(PREF):
            gd[j] = start_gather(j)
        for j in range(kch):
            jp = j + PREF
            if jp < kch:
                if jp >= NBUF:
                    sd[jp - NBUF].wait()
                gd[jp] = start_gather(jp)
            gd[j].wait()
            sd[j] = start_scatter(j)
        for j in range(kch - NBUF, kch):
            sd[j].wait()
        plsc.subcore_barrier()
        pltpu.sync_copy(agg_sh.at[pl.ds(sid * RPS, RPS)], stage_v)
        pltpu.sync_copy(stage_v, out_hbm.at[cid, pl.ds(sid * RPS, RPS)])

    return agg_kernel



def _m1_body(x_ref, w1_ref, m1_ref):
    m1_ref[...] = jnp.dot(x_ref[...], w1_ref[...],
                          preferred_element_type=jnp.float32)


def _prep1_body(m1_ref, degp_ref, dinv_ref, ms1_ref):
    deg = degp_ref[0, :N] + degp_ref[1, :N] + 1.0
    dinv = lax.rsqrt(jnp.maximum(deg, 1e-12))
    dinv_ref[...] = dinv
    ms1_ref[...] = dinv[:, None] * m1_ref[...]


def _mid_body(agg_ref, dinv_ref, ms1_ref, b1_ref, w2_ref, ms2_ref):
    dinv = dinv_ref[...]
    agg = agg_ref[0, :N] + agg_ref[1, :N] + ms1_ref[...]
    h1 = jnp.maximum(dinv[:, None] * agg + b1_ref[...], 0.0)
    m2 = jnp.dot(h1, w2_ref[...], preferred_element_type=jnp.float32)
    ms2_ref[...] = dinv[:, None] * m2


def _final_body(agg_ref, dinv_ref, ms2_ref, b2_ref, batch_ref, wfc_ref,
                bfc_ref, out_ref):
    dinv = dinv_ref[...]
    agg = agg_ref[0, :N] + agg_ref[1, :N] + ms2_ref[...]
    h2 = jnp.maximum(dinv[:, None] * agg + b2_ref[...], 0.0)
    gids = lax.broadcasted_iota(jnp.int32, (N, G), 1)
    oh = (batch_ref[...][:, None] == gids).astype(jnp.float32)
    sums = lax.dot_general(oh, h2, (((0,), (0,)), ((), ())),
                           preferred_element_type=jnp.float32)
    cnt = jnp.sum(oh, axis=0)
    pooled = sums / jnp.maximum(cnt, 1.0)[:, None]
    out_ref[...] = jnp.dot(pooled, wfc_ref[...],
                           preferred_element_type=jnp.float32) + bfc_ref[...]



def kernel(x, edge_index, batch, W1, b1, W2, b2, Wfc, bfc):
    e = edge_index.shape[1]
    assert e % NW == 0
    ew = e // NW
    src = lax.optimization_barrier(edge_index[0])
    dst = lax.optimization_barrier(edge_index[1])

    degp = _make_deg_kernel(ew)(dst, jnp.zeros((NPAD,), jnp.float32))

    m1 = pl.pallas_call(
        _m1_body,
        out_shape=jax.ShapeDtypeStruct((N, 16), jnp.float32),
    )(x, W1)

    dinv, ms1 = pl.pallas_call(
        _prep1_body,
        out_shape=[jax.ShapeDtypeStruct((N,), jnp.float32),
                   jax.ShapeDtypeStruct((N, 16), jnp.float32)],
    )(m1, degp)

    agg1 = _make_agg_kernel(ew, 16)(ms1, src, dst,
                                    jnp.zeros((NPAD, 16), jnp.float32))

    ms2 = pl.pallas_call(
        _mid_body,
        out_shape=jax.ShapeDtypeStruct((N, 32), jnp.float32),
    )(agg1, dinv, ms1, b1, W2)

    agg2 = _make_agg_kernel(ew, 32)(ms2, src, dst,
                                    jnp.zeros((NPAD, 32), jnp.float32))

    out = pl.pallas_call(
        _final_body,
        out_shape=jax.ShapeDtypeStruct((G, C), jnp.float32),
    )(agg2, dinv, ms2, b2, batch.astype(jnp.int32), Wfc, bfc)
    return out

# --- scband reference (transcript-rebuilt; emitter-appended) ---
"""Pipeline reference for scband-graph-convolution-model-37993280700520 (READ-ONLY COPY).

The authoritative reference and input builder live on the scoring server;
editing this copy changes nothing except your own understanding.
"""

import jax, jax.numpy as jnp
import numpy as np

N = 10000
E = 320000
F = 128
C = 10
G = 16

def setup_inputs(seed: int = 0) -> dict:
    key = jax.random.key(seed)
    ks = jax.random.split(key, 10)
    x = jax.random.normal(ks[0], (N, F), dtype=jnp.float32)
    edge_index = jax.random.randint(ks[1], (2, E), 0, N, dtype=jnp.int32)
    batch = jnp.sort(jax.random.randint(ks[2], (N,), 0, G, dtype=jnp.int32))
    W1 = jax.random.normal(ks[3], (F, 16), dtype=jnp.float32) * (1.0 / np.sqrt(F))
    b1 = jnp.zeros((16,), dtype=jnp.float32)
    W2 = jax.random.normal(ks[4], (16, 32), dtype=jnp.float32) * (1.0 / np.sqrt(16))
    b2 = jnp.zeros((32,), dtype=jnp.float32)
    Wfc = jax.random.normal(ks[5], (32, C), dtype=jnp.float32) * (1.0 / np.sqrt(32))
    bfc = jnp.zeros((C,), dtype=jnp.float32)
    return {"x": x, "edge_index": edge_index, "batch": batch, "W1": W1, "b1": b1, "W2": W2, "b2": b2, "Wfc": Wfc, "bfc": bfc}

def reference(x, edge_index, batch, W1, b1, W2, b2, Wfc, bfc):
    n = x.shape[0]
    loop = jnp.arange(n, dtype=edge_index.dtype)
    src = jnp.concatenate([edge_index[0], loop])
    dst = jnp.concatenate([edge_index[1], loop])
    deg = jnp.zeros((n,), dtype=x.dtype).at[dst].add(1.0)
    dinv = jax.lax.rsqrt(jnp.maximum(deg, 1e-12))
    norm = dinv[src] * dinv[dst]

    def gcn_conv(h, W, b):
        m = h @ W
        agg = jnp.zeros((n, W.shape[1]), dtype=h.dtype).at[dst].add(m[src] * norm[:, None])
        return agg + b

    h1 = jax.nn.relu(gcn_conv(x, W1, b1))
    h2 = jax.nn.relu(gcn_conv(h1, W2, b2))
    sums = jax.ops.segment_sum(h2, batch, num_segments=G)
    cnt = jax.ops.segment_sum(jnp.ones((n, 1), dtype=h2.dtype), batch, num_segments=G)
    pooled = sums / jnp.maximum(cnt, 1.0)
    return pooled @ Wfc + bfc

if __name__ == "__main__":
    import jax
    _d = setup_inputs()
    print(jax.jit(kernel)(*tuple(_d.values())))

</pallas_src>

<mosaic_0001>
#map = affine_map<(d0, d1) -> (0)>
#map1 = affine_map<(d0, d1) -> (0, 0)>
module attributes {stable_mosaic.version = 14 : i64} {
  func.func @deg_kernel(%arg0: i32, %arg1: i32, %arg2: memref<320000xi32, #tpu.memory_space<hbm>>, %arg3: memref<10240xf32, #tpu.memory_space<hbm>>, %arg4: memref<2x10240xf32, #tpu.memory_space<hbm>>, %arg5: memref<10000xi32, #tpu.memory_space<vmem>>, %arg6: memref<512xf32, #tpu.memory_space<vmem>>, %arg7: memref<640xf32, #tpu.memory_space<vmem>>, %arg8: memref<10240xf32, #tpu.memory_space<vmem_shared>>, %arg9: memref<!tpu.dma_semaphore, #tpu.memory_space<semaphore_mem>>) attributes {dimension_semantics = [#tpu.dimension_semantics<core_parallel>, #tpu.dimension_semantics<subcore_parallel>], iteration_bounds = array<i64: 2, 16>, scalar_prefetch = 0 : i64, scratch_operands = 5 : i64, tpu.core_type = #tpu.core_type<sc_vector_subcore>, window_params = [{transform_indices = #map}, {transform_indices = #map}, {transform_indices = #map1}]} {
    %mul3A = arith.constant 2 : i32
    %mul3A_0 = arith.muli %arg1, %mul3A : i32
    %add3A = arith.addi %mul3A_0, %arg0 : i32
    %mul3A_1 = arith.constant 10000 : i32
    %mul3A_2 = arith.muli %add3A, %mul3A_1 : i32
    "tpu.region"() ({
      %run_scoped3A = tpu.sem_alloc : memref<!tpu.dma_semaphore, #tpu.memory_space<semaphore_mem>>
      %dma_start3A_256 = tpu.memref_slice %arg2[%mul3A_2] : memref<320000xi32, #tpu.memory_space<hbm>> -> memref<10000xi32, #tpu.memory_space<hbm>>
      %dma_start3A_257 = tpu.memref_slice %arg2[%mul3A_2] : memref<320000xi32, #tpu.memory_space<hbm>> -> memref<10000xi32, #tpu.memory_space<hbm>>
      tpu.enqueue_dma source(%dma_start3A_257 : memref<10000xi32, #tpu.memory_space<hbm>>) target(%arg5 : memref<10000xi32, #tpu.memory_space<vmem>>) target_semaphore(%run_scoped3A : memref<!tpu.dma_semaphore, #tpu.memory_space<semaphore_mem>>)
      %dma_wait3A_258 = tpu.memref_slice %arg2[%mul3A_2] : memref<320000xi32, #tpu.memory_space<hbm>> -> memref<10000xi32, #tpu.memory_space<hbm>>
      %dma_wait3A_259 = tpu.memref_slice %arg2[%mul3A_2] : memref<320000xi32, #tpu.memory_space<hbm>> -> memref<10000xi32, #tpu.memory_space<hbm>>
      tpu.wait_dma2 semaphore(%run_scoped3A : memref<!tpu.dma_semaphore, #tpu.memory_space<semaphore_mem>>) src(%dma_wait3A_259 : memref<10000xi32, #tpu.memory_space<hbm>>) dst(%arg5 : memref<10000xi32, #tpu.memory_space<vmem>>)
      tpu.yield
    }) : () -> ()
    %scan3A = arith.constant 0 : i32
    %scan3A_3 = arith.constant 0 : i32
    %scan3A_4 = arith.constant 32 : i32
    %scan3A_5 = arith.addi %scan3A_3, %scan3A_4 : i32
    %scan3A_6 = arith.constant 1 : i32
    %scan3A_7 = scf.for %scan3A_256 = %scan3A_3 to %scan3A_5 step %scan3A_6 iter_args(%scan3A_257 = %scan3A) -> (i32)  : i32 {
      %broadcast_in_dim3A = arith.constant 1.000000e+00 : f32
      %broadcast_in_dim3A_258 = vector.broadcast %broadcast_in_dim3A : f32 to vector<16xf32>
      %mul3A_259 = arith.constant 16 : i32
      %mul3A_260 = arith.muli %scan3A_256, %mul3A_259 : i32
      %swap3A = arith.index_cast %mul3A_260 : i32 to index
      %swap3A_261 = tpu.vector_load %arg6[%swap3A] {strides = array<i32>} : memref<512xf32, #tpu.memory_space<vmem>>, vector<16xf32>,
      %swap3A_262 = vector.shape_cast %swap3A_261 : vector<16xf32> to vector<16xf32>
      %swap3A_263 = vector.shape_cast %broadcast_in_dim3A_258 : vector<16xf32> to vector<16xf32>
      tpu.vector_store %arg6[%swap3A], %swap3A_263 {strides = array<i32>} : memref<512xf32, #tpu.memory_space<vmem>>, vector<16xf32>,
      %scan3A_264 = arith.constant 0 : i32
      scf.yield %scan3A_264 : i32
    }
    %scan3A_8 = arith.constant 32 : i32
    %mul3A_9 = arith.constant 640 : i32
    %mul3A_10 = arith.muli %arg1, %mul3A_9 : i32
    %mul3A_11 = arith.constant 640 : i32
    %mul3A_12 = arith.muli %arg1, %mul3A_11 : i32
    "tpu.region"() ({
      %run_scoped3A = tpu.sem_alloc : memref<!tpu.dma_semaphore, #tpu.memory_space<semaphore_mem>>
      %dma_start3A_256 = tpu.memref_slice %arg8[%mul3A_12] : memref<10240xf32, #tpu.memory_space<vmem_shared>> -> memref<640xf32, #tpu.memory_space<vmem_shared>>
      %dma_start3A_257 = tpu.memref_slice %arg3[%mul3A_10] : memref<10240xf32, #tpu.memory_space<hbm>> -> memref<640xf32, #tpu.memory_space<hbm>>
      tpu.enqueue_dma source(%dma_start3A_257 : memref<640xf32, #tpu.memory_space<hbm>>) target(%dma_start3A_256 : memref<640xf32, #tpu.memory_space<vmem_shared>>) target_semaphore(%run_scoped3A : memref<!tpu.dma_semaphore, #tpu.memory_space<semaphore_mem>>)
      %dma_wait3A_258 = tpu.memref_slice %arg8[%mul3A_12] : memref<10240xf32, #tpu.memory_space<vmem_shared>> -> memref<640xf32, #tpu.memory_space<vmem_shared>>
      %dma_wait3A_259 = tpu.memref_slice %arg3[%mul3A_10] : memref<10240xf32, #tpu.memory_space<hbm>> -> memref<640xf32, #tpu.memory_space<hbm>>
      tpu.wait_dma2 semaphore(%run_scoped3A : memref<!tpu.dma_semaphore, #tpu.memory_space<semaphore_mem>>) src(%dma_wait3A_259 : memref<640xf32, #tpu.memory_space<hbm>>) dst(%dma_wait3A_258 : memref<640xf32, #tpu.memory_space<vmem_shared>>)
      tpu.yield
    }) : () -> ()
    %barrier3A = arith.constant 0 : index
    tpu.barrier barrier_id(%barrier3A)
    %dma_start3A = arith.constant 0 : i32
    %dma_start3A_13 = tpu.memref_slice %arg6[%dma_start3A] : memref<512xf32, #tpu.memory_space<vmem>> -> memref<512xf32, #tpu.memory_space<vmem>>
    %dma_start3A_14 = arith.constant 0 : i32
    %dma_start3A_15 = tpu.memref_slice %arg5[%dma_start3A_14] : memref<10000xi32, #tpu.memory_space<vmem>> -> memref<512xi32, #tpu.memory_space<vmem>>
    %dma_start3A_16 = arith.constant 0 : i32
    %dma_start3A_17 = tpu.memref_slice %arg8[%dma_start3A_16] : memref<10240xf32, #tpu.memory_space<vmem_shared>> -> memref<10240xf32, #tpu.memory_space<vmem_shared>>
    tpu.enqueue_indirect_dma source(%dma_start3A_13 : memref<512xf32, #tpu.memory_space<vmem>>) target(%dma_start3A_17 : memref<10240xf32, #tpu.memory_space<vmem_shared>>) offsets(%dma_start3A_15 : memref<512xi32, #tpu.memory_space<vmem>>) semaphore(%arg9 : memref<!tpu.dma_semaphore, #tpu.memory_space<semaphore_mem>>) {add = true}
    %dma_start3A_18 = arith.constant 0 : i32
    %dma_start3A_19 = tpu.memref_slice %arg6[%dma_start3A_18] : memref<512xf32, #tpu.memory_space<vmem>> -> memref<512xf32, #tpu.memory_space<vmem>>
    %dma_start3A_20 = arith.constant 512 : i32
    %dma_start3A_21 = tpu.memref_slice %arg5[%dma_start3A_20] : memref<10000xi32, #tpu.memory_space<vmem>> -> memref<512xi32, #tpu.memory_space<vmem>>
    %dma_start3A_22 = arith.constant 0 : i32
    %dma_start3A_23 = tpu.memref_slice %arg8[%dma_start3A_22] : memref<10240xf32, #tpu.memory_space<vmem_shared>> -> memref<10240xf32, #tpu.memory_space<vmem_shared>>
    tpu.enqueue_indirect_dma source(%dma_start3A_19 : memref<512xf32, #tpu.memory_space<vmem>>) target(%dma_start3A_23 : memref<10240xf32, #tpu.memory_space<vmem_shared>>) offsets(%dma_start3A_21 : memref<512xi32, #tpu.memory_space<vmem>>) semaphore(%arg9 : memref<!tpu.dma_semaphore, #tpu.memory_space<semaphore_mem>>) {add = true}
    %dma_start3A_24 = arith.constant 0 : i32
    %dma_start3A_25 = tpu.memref_slice %arg6[%dma_start3A_24] : memref<512xf32, #tpu.memory_space<vmem>> -> memref<512xf32, #tpu.memory_space<vmem>>
    %dma_start3A_26 = arith.constant 1024 : i32
    %dma_start3A_27 = tpu.memref_slice %arg5[%dma_start3A_26] : memref<10000xi32, #tpu.memory_space<vmem>> -> memref<512xi32, #tpu.memory_space<vmem>>
    %dma_start3A_28 = arith.constant 0 : i32
    %dma_start3A_29 = tpu.memref_slice %arg8[%dma_start3A_28] : memref<10240xf32, #tpu.memory_space<vmem_shared>> -> memref<10240xf32, #tpu.memory_space<vmem_shared>>
    tpu.enqueue_indirect_dma source(%dma_start3A_25 : memref<512xf32, #tpu.memory_space<vmem>>) target(%dma_start3A_29 : memref<10240xf32, #tpu.memory_space<vmem_shared>>) offsets(%dma_start3A_27 : memref<512xi32, #tpu.memory_space<vmem>>) semaphore(%arg9 : memref<!tpu.dma_semaphore, #tpu.memory_space<semaphore_mem>>) {add = true}
    %dma_start3A_30 = arith.constant 0 : i32
    %dma_start3A_31 = tpu.memref_slice %arg6[%dma_start3A_30] : memref<512xf32, #tpu.memory_space<vmem>> -> memref<512xf32, #tpu.memory_space<vmem>>
    %dma_start3A_32 = arith.constant 1536 : i32
    %dma_start3A_33 = tpu.memref_slice %arg5[%dma_start3A_32] : memref<10000xi32, #tpu.memory_space<vmem>> -> memref<512xi32, #tpu.memory_space<vmem>>
    %dma_start3A_34 = arith.constant 0 : i32
    %dma_start3A_35 = tpu.memref_slice %arg8[%dma_start3A_34] : memref<10240xf32, #tpu.memory_space<vmem_shared>> -> memref<10240xf32, #tpu.memory_space<vmem_shared>>
    tpu.enqueue_indirect_dma source(%dma_start3A_31 : memref<512xf32, #tpu.memory_space<vmem>>) target(%dma_start3A_35 : memref<10240xf32, #tpu.memory_space<vmem_shared>>) offsets(%dma_start3A_33 : memref<512xi32, #tpu.memory_space<vmem>>) semaphore(%arg9 : memref<!tpu.dma_semaphore, #tpu.memory_space<semaphore_mem>>) {add = true}
    %dma_start3A_36 = arith.constant 0 : i32
    %dma_start3A_37 = tpu.memref_slice %arg6[%dma_start3A_36] : memref<512xf32, #tpu.memory_space<vmem>> -> memref<512xf32, #tpu.memory_space<vmem>>
    %dma_start3A_38 = arith.constant 2048 : i32
    %dma_start3A_39 = tpu.memref_slice %arg5[%dma_start3A_38] : memref<10000xi32, #tpu.memory_space<vmem>> -> memref<512xi32, #tpu.memory_space<vmem>>
    %dma_start3A_40 = arith.constant 0 : i32
    %dma_start3A_41 = tpu.memref_slice %arg8[%dma_start3A_40] : memref<10240xf32, #tpu.memory_space<vmem_shared>> -> memref<10240xf32, #tpu.memory_space<vmem_shared>>
    tpu.enqueue_indirect_dma source(%dma_start3A_37 : memref<512xf32, #tpu.memory_space<vmem>>) target(%dma_start3A_41 : memref<10240xf32, #tpu.memory_space<vmem_shared>>) offsets(%dma_start3A_39 : memref<512xi32, #tpu.memory_space<vmem>>) semaphore(%arg9 : memref<!tpu.dma_semaphore, #tpu.memory_space<semaphore_mem>>) {add = true}
    %dma_start3A_42 = arith.constant 0 : i32
    %dma_start3A_43 = tpu.memref_slice %arg6[%dma_start3A_42] : memref<512xf32, #tpu.memory_space<vmem>> -> memref<512xf32, #tpu.memory_space<vmem>>
    %dma_start3A_44 = arith.constant 2560 : i32
    %dma_start3A_45 = tpu.memref_slice %arg5[%dma_start3A_44] : memref<10000xi32, #tpu.memory_space<vmem>> -> memref<512xi32, #tpu.memory_space<vmem>>
    %dma_start3A_46 = arith.constant 0 : i32
    %dma_start3A_47 = tpu.memref_slice %arg8[%dma_start3A_46] : memref<10240xf32, #tpu.memory_space<vmem_shared>> -> memref<10240xf32, #tpu.memory_space<vmem_shared>>
    tpu.enqueue_indirect_dma source(%dma_start3A_43 : memref<512xf32, #tpu.memory_space<vmem>>) target(%dma_start3A_47 : memref<10240xf32, #tpu.memory_space<vmem_shared>>) offsets(%dma_start3A_45 : memref<512xi32, #tpu.memory_space<vmem>>) semaphore(%arg9 : memref<!tpu.dma_semaphore, #tpu.memory_space<semaphore_mem>>) {add = true}
    %dma_start3A_48 = arith.constant 0 : i32
    %dma_start3A_49 = tpu.memref_slice %arg6[%dma_start3A_48] : memref<512xf32, #tpu.memory_space<vmem>> -> memref<512xf32, #tpu.memory_space<vmem>>
    %dma_start3A_50 = arith.constant 3072 : i32
    %dma_start3A_51 = tpu.memref_slice %arg5[%dma_start3A_50] : memref<10000xi32, #tpu.memory_space<vmem>> -> memref<512xi32, #tpu.memory_space<vmem>>
    %dma_start3A_52 = arith.constant 0 : i32
    %dma_start3A_53 = tpu.memref_slice %arg8[%dma_start3A_52] : memref<10240xf32, #tpu.memory_space<vmem_shared>> -> memref<10240xf32, #tpu.memory_space<vmem_shared>>
    tpu.enqueue_indirect_dma source(%dma_start3A_49 : memref<512xf32, #tpu.memory_space<vmem>>) target(%dma_start3A_53 : memref<10240xf32, #tpu.memory_space<vmem_shared>>) offsets(%dma_start3A_51 : memref<512xi32, #tpu.memory_space<vmem>>) semaphore(%arg9 : memref<!tpu.dma_semaphore, #tpu.memory_space<semaphore_mem>>) {add = true}
    %dma_start3A_54 = arith.constant 0 : i32
    %dma_start3A_55 = tpu.memref_slice %arg6[%dma_start3A_54] : memref<512xf32, #tpu.memory_space<vmem>> -> memref<512xf32, #tpu.memory_space<vmem>>
    %dma_start3A_56 = arith.constant 3584 : i32
    %dma_start3A_57 = tpu.memref_slice %arg5[%dma_start3A_56] : memref<10000xi32, #tpu.memory_space<vmem>> -> memref<512xi32, #tpu.memory_space<vmem>>
    %dma_start3A_58 = arith.constant 0 : i32
    %dma_start3A_59 = tpu.memref_slice %arg8[%dma_start3A_58] : memref<10240xf32, #tpu.memory_space<vmem_shared>> -> memref<10240xf32, #tpu.memory_space<vmem_shared>>
    tpu.enqueue_indirect_dma source(%dma_start3A_55 : memref<512xf32, #tpu.memory_space<vmem>>) target(%dma_start3A_59 : memref<10240xf32, #tpu.memory_space<vmem_shared>>) offsets(%dma_start3A_57 : memref<512xi32, #tpu.memory_space<vmem>>) semaphore(%arg9 : memref<!tpu.dma_semaphore, #tpu.memory_space<semaphore_mem>>) {add = true}
    %dma_start3A_60 = arith.constant 0 : i32
    %dma_start3A_61 = tpu.memref_slice %arg6[%dma_start3A_60] : memref<512xf32, #tpu.memory_space<vmem>> -> memref<512xf32, #tpu.memory_space<vmem>>
    %dma_start3A_62 = arith.constant 4096 : i32
    %dma_start3A_63 = tpu.memref_slice %arg5[%dma_start3A_62] : memref<10000xi32, #tpu.memory_space<vmem>> -> memref<512xi32, #tpu.memory_space<vmem>>
    %dma_start3A_64 = arith.constant 0 : i32
    %dma_start3A_65 = tpu.memref_slice %arg8[%dma_start3A_64] : memref<10240xf32, #tpu.memory_space<vmem_shared>> -> memref<10240xf32, #tpu.memory_space<vmem_shared>>
    tpu.enqueue_indirect_dma source(%dma_start3A_61 : memref<512xf32, #tpu.memory_space<vmem>>) target(%dma_start3A_65 : memref<10240xf32, #tpu.memory_space<vmem_shared>>) offsets(%dma_start3A_63 : memref<512xi32, #tpu.memory_space<vmem>>) semaphore(%arg9 : memref<!tpu.dma_semaphore, #tpu.memory_space<semaphore_mem>>) {add = true}
    %dma_start3A_66 = arith.constant 0 : i32
    %dma_start3A_67 = tpu.memref_slice %arg6[%dma_start3A_66] : memref<512xf32, #tpu.memory_space<vmem>> -> memref<512xf32, #tpu.memory_space<vmem>>
    %dma_start3A_68 = arith.constant 4608 : i32
    %dma_start3A_69 = tpu.memref_slice %arg5[%dma_start3A_68] : memref<10000xi32, #tpu.memory_space<vmem>> -> memref<512xi32, #tpu.memory_space<vmem>>
    %dma_start3A_70 = arith.constant 0 : i32
    %dma_start3A_71 = tpu.memref_slice %arg8[%dma_start3A_70] : memref<10240xf32, #tpu.memory_space<vmem_shared>> -> memref<10240xf32, #tpu.memory_space<vmem_shared>>
    tpu.enqueue_indirect_dma source(%dma_start3A_67 : memref<512xf32, #tpu.memory_space<vmem>>) target(%dma_start3A_71 : memref<10240xf32, #tpu.memory_space<vmem_shared>>) offsets(%dma_start3A_69 : memref<512xi32, #tpu.memory_space<vmem>>) semaphore(%arg9 : memref<!tpu.dma_semaphore, #tpu.memory_space<semaphore_mem>>) {add = true}
    %dma_start3A_72 = arith.constant 0 : i32
    %dma_start3A_73 = tpu.memref_slice %arg6[%dma_start3A_72] : memref<512xf32, #tpu.memory_space<vmem>> -> memref<512xf32, #tpu.memory_space<vmem>>
    %dma_start3A_74 = arith.constant 5120 : i32
    %dma_start3A_75 = tpu.memref_slice %arg5[%dma_start3A_74] : memref<10000xi32, #tpu.memory_space<vmem>> -> memref<512xi32, #tpu.memory_space<vmem>>
    %dma_start3A_76 = arith.constant 0 : i32
    %dma_start3A_77 = tpu.memref_slice %arg8[%dma_start3A_76] : memref<10240xf32, #tpu.memory_space<vmem_shared>> -> memref<10240xf32, #tpu.memory_space<vmem_shared>>
    tpu.enqueue_indirect_dma source(%dma_start3A_73 : memref<512xf32, #tpu.memory_space<vmem>>) target(%dma_start3A_77 : memref<10240xf32, #tpu.memory_space<vmem_shared>>) offsets(%dma_start3A_75 : memref<512xi32, #tpu.memory_space<vmem>>) semaphore(%arg9 : memref<!tpu.dma_semaphore, #tpu.memory_space<semaphore_mem>>) {add = true}
    %dma_start3A_78 = arith.constant 0 : i32
    %dma_start3A_79 = tpu.memref_slice %arg6[%dma_start3A_78] : memref<512xf32, #tpu.memory_space<vmem>> -> memref<512xf32, #tpu.memory_space<vmem>>
    %dma_start3A_80 = arith.constant 5632 : i32
    %dma_start3A_81 = tpu.memref_slice %arg5[%dma_start3A_80] : memref<10000xi32, #tpu.memory_space<vmem>> -> memref<512xi32, #tpu.memory_space<vmem>>
    %dma_start3A_82 = arith.constant 0 : i32
    %dma_start3A_83 = tpu.memref_slice %arg8[%dma_start3A_82] : memref<10240xf32, #tpu.memory_space<vmem_shared>> -> memref<10240xf32, #tpu.memory_space<vmem_shared>>
    tpu.enqueue_indirect_dma source(%dma_start3A_79 : memref<512xf32, #tpu.memory_space<vmem>>) target(%dma_start3A_83 : memref<10240xf32, #tpu.memory_space<vmem_shared>>) offsets(%dma_start3A_81 : memref<512xi32, #tpu.memory_space<vmem>>) semaphore(%arg9 : memref<!tpu.dma_semaphore, #tpu.memory_space<semaphore_mem>>) {add = true}
    %dma_start3A_84 = arith.constant 0 : i32
    %dma_start3A_85 = tpu.memref_slice %arg6[%dma_start3A_84] : memref<512xf32, #tpu.memory_space<vmem>> -> memref<512xf32, #tpu.memory_space<vmem>>
    %dma_start3A_86 = arith.constant 6144 : i32
    %dma_start3A_87 = tpu.memref_slice %arg5[%dma_start3A_86] : memref<10000xi32, #tpu.memory_space<vmem>> -> memref<512xi32, #tpu.memory_space<vmem>>
    %dma_start3A_88 = arith.constant 0 : i32
    %dma_start3A_89 = tpu.memref_slice %arg8[%dma_start3A_88] : memref<10240xf32, #tpu.memory_space<vmem_shared>> -> memref<10240xf32, #tpu.memory_space<vmem_shared>>
    tpu.enqueue_indirect_dma source(%dma_start3A_85 : memref<512xf32, #tpu.memory_space<vmem>>) target(%dma_start3A_89 : memref<10240xf32, #tpu.memory_space<vmem_shared>>) offsets(%dma_start3A_87 : memref<512xi32, #tpu.memory_space<vmem>>) semaphore(%arg9 : memref<!tpu.dma_semaphore, #tpu.memory_space<semaphore_mem>>) {add = true}
    %dma_start3A_90 = arith.constant 0 : i32
    %dma_start3A_91 = tpu.memref_slice %arg6[%dma_start3A_90] : memref<512xf32, #tpu.memory_space<vmem>> -> memref<512xf32, #tpu.memory_space<vmem>>
    %dma_start3A_92 = arith.constant 6656 : i32
    %dma_start3A_93 = tpu.memref_slice %arg5[%dma_start3A_92] : memref<10000xi32, #tpu.memory_space<vmem>> -> memref<512xi32, #tpu.memory_space<vmem>>
    %dma_start3A_94 = arith.constant 0 : i32
    %dma_start3A_95 = tpu.memref_slice %arg8[%dma_start3A_94] : memref<10240xf32, #tpu.memory_space<vmem_shared>> -> memref<10240xf32, #tpu.memory_space<vmem_shared>>
    tpu.enqueue_indirect_dma source(%dma_start3A_91 : memref<512xf32, #tpu.memory_space<vmem>>) target(%dma_start3A_95 : memref<10240xf32, #tpu.memory_space<vmem_shared>>) offsets(%dma_start3A_93 : memref<512xi32, #tpu.memory_space<vmem>>) semaphore(%arg9 : memref<!tpu.dma_semaphore, #tpu.memory_space<semaphore_mem>>) {add = true}
    %dma_start3A_96 = arith.constant 0 : i32
    %dma_start3A_97 = tpu.memref_slice %arg6[%dma_start3A_96] : memref<512xf32, #tpu.memory_space<vmem>> -> memref<512xf32, #tpu.memory_space<vmem>>
    %dma_start3A_98 = arith.constant 7168 : i32
    %dma_start3A_99 = tpu.memref_slice %arg5[%dma_start3A_98] : memref<10000xi32, #tpu.memory_space<vmem>> -> memref<512xi32, #tpu.memory_space<vmem>>
    %dma_start3A_100 = arith.constant 0 : i32
    %dma_start3A_101 = tpu.memref_slice %arg8[%dma_start3A_100] : memref<10240xf32, #tpu.memory_space<vmem_shared>> -> memref<10240xf32, #tpu.memory_space<vmem_shared>>
    tpu.enqueue_indirect_dma source(%dma_start3A_97 : memref<512xf32, #tpu.memory_space<vmem>>) target(%dma_start3A_101 : memref<10240xf32, #tpu.memory_space<vmem_shared>>) offsets(%dma_start3A_99 : memref<512xi32, #tpu.memory_space<vmem>>) semaphore(%arg9 : memref<!tpu.dma_semaphore, #tpu.memory_space<semaphore_mem>>) {add = true}
    %dma_start3A_102 = arith.constant 0 : i32
    %dma_start3A_103 = tpu.memref_slice %arg6[%dma_start3A_102] : memref<512xf32, #tpu.memory_space<vmem>> -> memref<512xf32, #tpu.memory_space<vmem>>
    %dma_start3A_104 = arith.constant 7680 : i32
    %dma_start3A_105 = tpu.memref_slice %arg5[%dma_start3A_104] : memref<10000xi32, #tpu.memory_space<vmem>> -> memref<512xi32, #tpu.memory_space<vmem>>
    %dma_start3A_106 = arith.constant 0 : i32
    %dma_start3A_107 = tpu.memref_slice %arg8[%dma_start3A_106] : memref<10240xf32, #tpu.memory_space<vmem_shared>> -> memref<10240xf32, #tpu.memory_space<vmem_shared>>
    tpu.enqueue_indirect_dma source(%dma_start3A_103 : memref<512xf32, #tpu.memory_space<vmem>>) target(%dma_start3A_107 : memref<10240xf32, #tpu.memory_space<vmem_shared>>) offsets(%dma_start3A_105 : memref<512xi32, #tpu.memory_space<vmem>>) semaphore(%arg9 : memref<!tpu.dma_semaphore, #tpu.memory_space<semaphore_mem>>) {add = true}
    %dma_start3A_108 = arith.constant 0 : i32
    %dma_start3A_109 = tpu.memref_slice %arg6[%dma_start3A_108] : memref<512xf32, #tpu.memory_space<vmem>> -> memref<512xf32, #tpu.memory_space<vmem>>
    %dma_start3A_110 = arith.constant 8192 : i32
    %dma_start3A_111 = tpu.memref_slice %arg5[%dma_start3A_110] : memref<10000xi32, #tpu.memory_space<vmem>> -> memref<512xi32, #tpu.memory_space<vmem>>
    %dma_start3A_112 = arith.constant 0 : i32
    %dma_start3A_113 = tpu.memref_slice %arg8[%dma_start3A_112] : memref<10240xf32, #tpu.memory_space<vmem_shared>> -> memref<10240xf32, #tpu.memory_space<vmem_shared>>
    tpu.enqueue_indirect_dma source(%dma_start3A_109 : memref<512xf32, #tpu.memory_space<vmem>>) target(%dma_start3A_113 : memref<10240xf32, #tpu.memory_space<vmem_shared>>) offsets(%dma_start3A_111 : memref<512xi32, #tpu.memory_space<vmem>>) semaphore(%arg9 : memref<!tpu.dma_semaphore, #tpu.memory_space<semaphore_mem>>) {add = true}
    %dma_start3A_114 = arith.constant 0 : i32
    %dma_start3A_115 = tpu.memref_slice %arg6[%dma_start3A_114] : memref<512xf32, #tpu.memory_space<vmem>> -> memref<512xf32, #tpu.memory_space<vmem>>
    %dma_start3A_116 = arith.constant 8704 : i32
    %dma_start3A_117 = tpu.memref_slice %arg5[%dma_start3A_116] : memref<10000xi32, #tpu.memory_space<vmem>> -> memref<512xi32, #tpu.memory_space<vmem>>
    %dma_start3A_118 = arith.constant 0 : i32
    %dma_start3A_119 = tpu.memref_slice %arg8[%dma_start3A_118] : memref<10240xf32, #tpu.memory_space<vmem_shared>> -> memref<10240xf32, #tpu.memory_space<vmem_shared>>
    tpu.enqueue_indirect_dma source(%dma_start3A_115 : memref<512xf32, #tpu.memory_space<vmem>>) target(%dma_start3A_119 : memref<10240xf32, #tpu.memory_space<vmem_shared>>) offsets(%dma_start3A_117 : memref<512xi32, #tpu.memory_space<vmem>>) semaphore(%arg9 : memref<!tpu.dma_semaphore, #tpu.memory_space<semaphore_mem>>) {add = true}
    %dma_start3A_120 = arith.constant 0 : i32
    %dma_start3A_121 = tpu.memref_slice %arg6[%dma_start3A_120] : memref<512xf32, #tpu.memory_space<vmem>> -> memref<512xf32, #tpu.memory_space<vmem>>
    %dma_start3A_122 = arith.constant 9216 : i32
    %dma_start3A_123 = tpu.memref_slice %arg5[%dma_start3A_122] : memref<10000xi32, #tpu.memory_space<vmem>> -> memref<512xi32, #tpu.memory_space<vmem>>
    %dma_start3A_124 = arith.constant 0 : i32
    %dma_start3A_125 = tpu.memref_slice %arg8[%dma_start3A_124] : memref<10240xf32, #tpu.memory_space<vmem_shared>> -> memref<10240xf32, #tpu.memory_space<vmem_shared>>
    tpu.enqueue_indirect_dma source(%dma_start3A_121 : memref<512xf32, #tpu.memory_space<vmem>>) target(%dma_start3A_125 : memref<10240xf32, #tpu.memory_space<vmem_shared>>) offsets(%dma_start3A_123 : memref<512xi32, #tpu.memory_space<vmem>>) semaphore(%arg9 : memref<!tpu.dma_semaphore, #tpu.memory_space<semaphore_mem>>) {add = true}
    %dma_start3A_126 = arith.constant 0 : i32
    %dma_start3A_127 = tpu.memref_slice %arg6[%dma_start3A_126] : memref<512xf32, #tpu.memory_space<vmem>> -> memref<272xf32, #tpu.memory_space<vmem>>
    %dma_start3A_128 = arith.constant 9728 : i32
    %dma_start3A_129 = tpu.memref_slice %arg5[%dma_start3A_128] : memref<10000xi32, #tpu.memory_space<vmem>> -> memref<272xi32, #tpu.memory_space<vmem>>
    %dma_start3A_130 = arith.constant 0 : i32
    %dma_start3A_131 = tpu.memref_slice %arg8[%dma_start3A_130] : memref<10240xf32, #tpu.memory_space<vmem_shared>> -> memref<10240xf32, #tpu.memory_space<vmem_shared>>
    tpu.enqueue_indirect_dma source(%dma_start3A_127 : memref<272xf32, #tpu.memory_space<vmem>>) target(%dma_start3A_131 : memref<10240xf32, #tpu.memory_space<vmem_shared>>) offsets(%dma_start3A_129 : memref<272xi32, #tpu.memory_space<vmem>>) semaphore(%arg9 : memref<!tpu.dma_semaphore, #tpu.memory_space<semaphore_mem>>) {add = true}
    %dma_wait3A = arith.constant 0 : i32
    %dma_wait3A_132 = tpu.memref_slice %arg6[%dma_wait3A] : memref<512xf32, #tpu.memory_space<vmem>> -> memref<512xf32, #tpu.memory_space<vmem>>
    %dma_wait3A_133 = arith.constant 0 : i32
    %dma_wait3A_134 = tpu.memref_slice %arg5[%dma_wait3A_133] : memref<10000xi32, #tpu.memory_space<vmem>> -> memref<512xi32, #tpu.memory_space<vmem>>
    %dma_wait3A_135 = arith.constant 0 : i32
    %dma_wait3A_136 = tpu.memref_slice %arg8[%dma_wait3A_135] : memref<10240xf32, #tpu.memory_space<vmem_shared>> -> memref<10240xf32, #tpu.memory_space<vmem_shared>>
    tpu.wait_indirect_dma semaphore(%arg9 : memref<!tpu.dma_semaphore, #tpu.memory_space<semaphore_mem>>) src(%dma_wait3A_132 : memref<512xf32, #tpu.memory_space<vmem>>) dst(%dma_wait3A_136 : memref<10240xf32, #tpu.memory_space<vmem_shared>>)
    %dma_wait3A_137 = arith.constant 0 : i32
    %dma_wait3A_138 = tpu.memref_slice %arg6[%dma_wait3A_137] : memref<512xf32, #tpu.memory_space<vmem>> -> memref<512xf32, #tpu.memory_space<vmem>>
    %dma_wait3A_139 = arith.constant 512 : i32
    %dma_wait3A_140 = tpu.memref_slice %arg5[%dma_wait3A_139] : memref<10000xi32, #tpu.memory_space<vmem>> -> memref<512xi32, #tpu.memory_space<vmem>>
    %dma_wait3A_141 = arith.constant 0 : i32
    %dma_wait3A_142 = tpu.memref_slice %arg8[%dma_wait3A_141] : memref<10240xf32, #tpu.memory_space<vmem_shared>> -> memref<10240xf32, #tpu.memory_space<vmem_shared>>
    tpu.wait_indirect_dma semaphore(%arg9 : memref<!tpu.dma_semaphore, #tpu.memory_space<semaphore_mem>>) src(%dma_wait3A_138 : memref<512xf32, #tpu.memory_space<vmem>>) dst(%dma_wait3A_142 : memref<10240xf32, #tpu.memory_space<vmem_shared>>)
    %dma_wait3A_143 = arith.constant 0 : i32
    %dma_wait3A_144 = tpu.memref_slice %arg6[%dma_wait3A_143] : memref<512xf32, #tpu.memory_space<vmem>> -> memref<512xf32, #tpu.memory_space<vmem>>
    %dma_wait3A_145 = arith.constant 1024 : i32
    %dma_wait3A_146 = tpu.memref_slice %arg5[%dma_wait3A_145] : memref<10000xi32, #tpu.memory_space<vmem>> -> memref<512xi32, #tpu.memory_space<vmem>>
    %dma_wait3A_147 = arith.constant 0 : i32
    %dma_wait3A_148 = tpu.memref_slice %arg8[%dma_wait3A_147] : memref<10240xf32, #tpu.memory_space<vmem_shared>> -> memref<10240xf32, #tpu.memory_space<vmem_shared>>
    tpu.wait_indirect_dma semaphore(%arg9 : memref<!tpu.dma_semaphore, #tpu.memory_space<semaphore_mem>>) src(%dma_wait3A_144 : memref<512xf32, #tpu.memory_space<vmem>>) dst(%dma_wait3A_148 : memref<10240xf32, #tpu.memory_space<vmem_shared>>)
    %dma_wait3A_149 = arith.constant 0 : i32
    %dma_wait3A_150 = tpu.memref_slice %arg6[%dma_wait3A_149] : memref<512xf32, #tpu.memory_space<vmem>> -> memref<512xf32, #tpu.memory_space<vmem>>
    %dma_wait3A_151 = arith.constant 1536 : i32
    %dma_wait3A_152 = tpu.memref_slice %arg5[%dma_wait3A_151] : memref<10000xi32, #tpu.memory_space<vmem>> -> memref<512xi32, #tpu.memory_space<vmem>>
    %dma_wait3A_153 = arith.constant 0 : i32
    %dma_wait3A_154 = tpu.memref_slice %arg8[%dma_wait3A_153] : memref<10240xf32, #tpu.memory_space<vmem_shared>> -> memref<10240xf32, #tpu.memory_space<vmem_shared>>
    tpu.wait_indirect_dma semaphore(%arg9 : memref<!tpu.dma_semaphore, #tpu.memory_space<semaphore_mem>>) src(%dma_wait3A_150 : memref<512xf32, #tpu.memory_space<vmem>>) dst(%dma_wait3A_154 : memref<10240xf32, #tpu.memory_space<vmem_shared>>)
    %dma_wait3A_155 = arith.constant 0 : i32
    %dma_wait3A_156 = tpu.memref_slice %arg6[%dma_wait3A_155] : memref<512xf32, #tpu.memory_space<vmem>> -> memref<512xf32, #tpu.memory_space<vmem>>
    %dma_wait3A_157 = arith.constant 2048 : i32
    %dma_wait3A_158 = tpu.memref_slice %arg5[%dma_wait3A_157] : memref<10000xi32, #tpu.memory_space<vmem>> -> memref<512xi32, #tpu.memory_space<vmem>>
    %dma_wait3A_159 = arith.constant 0 : i32
    %dma_wait3A_160 = tpu.memref_slice %arg8[%dma_wait3A_159] : memref<10240xf32, #tpu.memory_space<vmem_shared>> -> memref<10240xf32, #tpu.memory_space<vmem_shared>>
    tpu.wait_indirect_dma semaphore(%arg9 : memref<!tpu.dma_semaphore, #tpu.memory_space<semaphore_mem>>) src(%dma_wait3A_156 : memref<512xf32, #tpu.memory_space<vmem>>) dst(%dma_wait3A_160 : memref<10240xf32, #tpu.memory_space<vmem_shared>>)
    %dma_wait3A_161 = arith.constant 0 : i32
    %dma_wait3A_162 = tpu.memref_slice %arg6[%dma_wait3A_161] : memref<512xf32, #tpu.memory_space<vmem>> -> memref<512xf32, #tpu.memory_space<vmem>>
    %dma_wait3A_163 = arith.constant 2560 : i32
    %dma_wait3A_164 = tpu.memref_slice %arg5[%dma_wait3A_163] : memref<10000xi32, #tpu.memory_space<vmem>> -> memref<512xi32, #tpu.memory_space<vmem>>
    %dma_wait3A_165 = arith.constant 0 : i32
    %dma_wait3A_166 = tpu.memref_slice %arg8[%dma_wait3A_165] : memref<10240xf32, #tpu.memory_space<vmem_shared>> -> memref<10240xf32, #tpu.memory_space<vmem_shared>>
    tpu.wait_indirect_dma semaphore(%arg9 : memref<!tpu.dma_semaphore, #tpu.memory_space<semaphore_mem>>) src(%dma_wait3A_162 : memref<512xf32, #tpu.memory_space<vmem>>) dst(%dma_wait3A_166 : memref<10240xf32, #tpu.memory_space<vmem_shared>>)
    %dma_wait3A_167 = arith.constant 0 : i32
    %dma_wait3A_168 = tpu.memref_slice %arg6[%dma_wait3A_167] : memref<512xf32, #tpu.memory_space<vmem>> -> memref<512xf32, #tpu.memory_space<vmem>>
    %dma_wait3A_169 = arith.constant 3072 : i32
    %dma_wait3A_170 = tpu.memref_slice %arg5[%dma_wait3A_169] : memref<10000xi32, #tpu.memory_space<vmem>> -> memref<512xi32, #tpu.memory_space<vmem>>
    %dma_wait3A_171 = arith.constant 0 : i32
    %dma_wait3A_172 = tpu.memref_slice %arg8[%dma_wait3A_171] : memref<10240xf32, #tpu.memory_space<vmem_shared>> -> memref<10240xf32, #tpu.memory_space<vmem_shared>>
    tpu.wait_indirect_dma semaphore(%arg9 : memref<!tpu.dma_semaphore, #tpu.memory_space<semaphore_mem>>) src(%dma_wait3A_168 : memref<512xf32, #tpu.memory_space<vmem>>) dst(%dma_wait3A_172 : memref<10240xf32, #tpu.memory_space<vmem_shared>>)
    %dma_wait3A_173 = arith.constant 0 : i32
    %dma_wait3A_174 = tpu.memref_slice %arg6[%dma_wait3A_173] : memref<512xf32, #tpu.memory_space<vmem>> -> memref<512xf32, #tpu.memory_space<vmem>>
    %dma_wait3A_175 = arith.constant 3584 : i32
    %dma_wait3A_176 = tpu.memref_slice %arg5[%dma_wait3A_175] : memref<10000xi32, #tpu.memory_space<vmem>> -> memref<512xi32, #tpu.memory_space<vmem>>
    %dma_wait3A_177 = arith.constant 0 : i32
    %dma_wait3A_178 = tpu.memref_slice %arg8[%dma_wait3A_177] : memref<10240xf32, #tpu.memory_space<vmem_shared>> -> memref<10240xf32, #tpu.memory_space<vmem_shared>>
    tpu.wait_indirect_dma semaphore(%arg9 : memref<!tpu.dma_semaphore, #tpu.memory_space<semaphore_mem>>) src(%dma_wait3A_174 : memref<512xf32, #tpu.memory_space<vmem>>) dst(%dma_wait3A_178 : memref<10240xf32, #tpu.memory_space<vmem_shared>>)
    %dma_wait3A_179 = arith.constant 0 : i32
    %dma_wait3A_180 = tpu.memref_slice %arg6[%dma_wait3A_179] : memref<512xf32, #tpu.memory_space<vmem>> -> memref<512xf32, #tpu.memory_space<vmem>>
    %dma_wait3A_181 = arith.constant 4096 : i32
    %dma_wait3A_182 = tpu.memref_slice %arg5[%dma_wait3A_181] : memref<10000xi32, #tpu.memory_space<vmem>> -> memref<512xi32, #tpu.memory_space<vmem>>
    %dma_wait3A_183 = arith.constant 0 : i32
    %dma_wait3A_184 = tpu.memref_slice %arg8[%dma_wait3A_183] : memref<10240xf32, #tpu.memory_space<vmem_shared>> -> memref<10240xf32, #tpu.memory_space<vmem_shared>>
    tpu.wait_indirect_dma semaphore(%arg9 : memref<!tpu.dma_semaphore, #tpu.memory_space<semaphore_mem>>) src(%dma_wait3A_180 : memref<512xf32, #tpu.memory_space<vmem>>) dst(%dma_wait3A_184 : memref<10240xf32, #tpu.memory_space<vmem_shared>>)
    %dma_wait3A_185 = arith.constant 0 : i32
    %dma_wait3A_186 = tpu.memref_slice %arg6[%dma_wait3A_185] : memref<512xf32, #tpu.memory_space<vmem>> -> memref<512xf32, #tpu.memory_space<vmem>>
    %dma_wait3A_187 = arith.constant 4608 : i32
    %dma_wait3A_188 = tpu.memref_slice %arg5[%dma_wait3A_187] : memref<10000xi32, #tpu.memory_space<vmem>> -> memref<512xi32, #tpu.memory_space<vmem>>
    %dma_wait3A_189 = arith.constant 0 : i32
    %dma_wait3A_190 = tpu.memref_slice %arg8[%dma_wait3A_189] : memref<10240xf32, #tpu.memory_space<vmem_shared>> -> memref<10240xf32, #tpu.memory_space<vmem_shared>>
    tpu.wait_indirect_dma semaphore(%arg9 : memref<!tpu.dma_semaphore, #tpu.memory_space<semaphore_mem>>) src(%dma_wait3A_186 : memref<512xf32, #tpu.memory_space<vmem>>) dst(%dma_wait3A_190 : memref<10240xf32, #tpu.memory_space<vmem_shared>>)
    %dma_wait3A_191 = arith.constant 0 : i32
    %dma_wait3A_192 = tpu.memref_slice %arg6[%dma_wait3A_191] : memref<512xf32, #tpu.memory_space<vmem>> -> memref<512xf32, #tpu.memory_space<vmem>>
    %dma_wait3A_193 = arith.constant 5120 : i32
    %dma_wait3A_194 = tpu.memref_slice %arg5[%dma_wait3A_193] : memref<10000xi32, #tpu.memory_space<vmem>> -> memref<512xi32, #tpu.memory_space<vmem>>
    %dma_wait3A_195 = arith.constant 0 : i32
    %dma_wait3A_196 = tpu.memref_slice %arg8[%dma_wait3A_195] : memref<10240xf32, #tpu.memory_space<vmem_shared>> -> memref<10240xf32, #tpu.memory_space<vmem_shared>>
    tpu.wait_indirect_dma semaphore(%arg9 : memref<!tpu.dma_semaphore, #tpu.memory_space<semaphore_mem>>) src(%dma_wait3A_192 : memref<512xf32, #tpu.memory_space<vmem>>) dst(%dma_wait3A_196 : memref<10240xf32, #tpu.memory_space<vmem_shared>>)
    %dma_wait3A_197 = arith.constant 0 : i32
    %dma_wait3A_198 = tpu.memref_slice %arg6[%dma_wait3A_197] : memref<512xf32, #tpu.memory_space<vmem>> -> memref<512xf32, #tpu.memory_space<vmem>>
    %dma_wait3A_199 = arith.constant 5632 : i32
    %dma_wait3A_200 = tpu.memref_slice %arg5[%dma_wait3A_199] : memref<10000xi32, #tpu.memory_space<vmem>> -> memref<512xi32, #tpu.memory_space<vmem>>
    %dma_wait3A_201 = arith.constant 0 : i32
    %dma_wait3A_202 = tpu.memref_slice %arg8[%dma_wait3A_201] : memref<10240xf32, #tpu.memory_space<vmem_shared>> -> memref<10240xf32, #tpu.memory_space<vmem_shared>>
    tpu.wait_indirect_dma semaphore(%arg9 : memref<!tpu.dma_semaphore, #tpu.memory_space<semaphore_mem>>) src(%dma_wait3A_198 : memref<512xf32, #tpu.memory_space<vmem>>) dst(%dma_wait3A_202 : memref<10240xf32, #tpu.memory_space<vmem_shared>>)
    %dma_wait3A_203 = arith.constant 0 : i32
    %dma_wait3A_204 = tpu.memref_slice %arg6[%dma_wait3A_203] : memref<512xf32, #tpu.memory_space<vmem>> -> memref<512xf32, #tpu.memory_space<vmem>>
    %dma_wait3A_205 = arith.constant 6144 : i32
    %dma_wait3A_206 = tpu.memref_slice %arg5[%dma_wait3A_205] : memref<10000xi32, #tpu.memory_space<vmem>> -> memref<512xi32, #tpu.memory_space<vmem>>
    %dma_wait3A_207 = arith.constant 0 : i32
    %dma_wait3A_208 = tpu.memref_slice %arg8[%dma_wait3A_207] : memref<10240xf32, #tpu.memory_space<vmem_shared>> -> memref<10240xf32, #tpu.memory_space<vmem_shared>>
    tpu.wait_indirect_dma semaphore(%arg9 : memref<!tpu.dma_semaphore, #tpu.memory_space<semaphore_mem>>) src(%dma_wait3A_204 : memref<512xf32, #tpu.memory_space<vmem>>) dst(%dma_wait3A_208 : memref<10240xf32, #tpu.memory_space<vmem_shared>>)
    %dma_wait3A_209 = arith.constant 0 : i32
    %dma_wait3A_210 = tpu.memref_slice %arg6[%dma_wait3A_209] : memref<512xf32, #tpu.memory_space<vmem>> -> memref<512xf32, #tpu.memory_space<vmem>>
    %dma_wait3A_211 = arith.constant 6656 : i32
    %dma_wait3A_212 = tpu.memref_slice %arg5[%dma_wait3A_211] : memref<10000xi32, #tpu.memory_space<vmem>> -> memref<512xi32, #tpu.memory_space<vmem>>
    %dma_wait3A_213 = arith.constant 0 : i32
    %dma_wait3A_214 = tpu.memref_slice %arg8[%dma_wait3A_213] : memref<10240xf32, #tpu.memory_space<vmem_shared>> -> memref<10240xf32, #tpu.memory_space<vmem_shared>>
    tpu.wait_indirect_dma semaphore(%arg9 : memref<!tpu.dma_semaphore, #tpu.memory_space<semaphore_mem>>) src(%dma_wait3A_210 : memref<512xf32, #tpu.memory_space<vmem>>) dst(%dma_wait3A_214 : memref<10240xf32, #tpu.memory_space<vmem_shared>>)
    %dma_wait3A_215 = arith.constant 0 : i32
    %dma_wait3A_216 = tpu.memref_slice %arg6[%dma_wait3A_215] : memref<512xf32, #tpu.memory_space<vmem>> -> memref<512xf32, #tpu.memory_space<vmem>>
    %dma_wait3A_217 = arith.constant 7168 : i32
    %dma_wait3A_218 = tpu.memref_slice %arg5[%dma_wait3A_217] : memref<10000xi32, #tpu.memory_space<vmem>> -> memref<512xi32, #tpu.memory_space<vmem>>
    %dma_wait3A_219 = arith.constant 0 : i32
    %dma_wait3A_220 = tpu.memref_slice %arg8[%dma_wait3A_219] : memref<10240xf32, #tpu.memory_space<vmem_shared>> -> memref<10240xf32, #tpu.memory_space<vmem_shared>>
    tpu.wait_indirect_dma semaphore(%arg9 : memref<!tpu.dma_semaphore, #tpu.memory_space<semaphore_mem>>) src(%dma_wait3A_216 : memref<512xf32, #tpu.memory_space<vmem>>) dst(%dma_wait3A_220 : memref<10240xf32, #tpu.memory_space<vmem_shared>>)
    %dma_wait3A_221 = arith.constant 0 : i32
    %dma_wait3A_222 = tpu.memref_slice %arg6[%dma_wait3A_221] : memref<512xf32, #tpu.memory_space<vmem>> -> memref<512xf32, #tpu.memory_space<vmem>>
    %dma_wait3A_223 = arith.constant 7680 : i32
    %dma_wait3A_224 = tpu.memref_slice %arg5[%dma_wait3A_223] : memref<10000xi32, #tpu.memory_space<vmem>> -> memref<512xi32, #tpu.memory_space<vmem>>
    %dma_wait3A_225 = arith.constant 0 : i32
    %dma_wait3A_226 = tpu.memref_slice %arg8[%dma_wait3A_225] : memref<10240xf32, #tpu.memory_space<vmem_shared>> -> memref<10240xf32, #tpu.memory_space<vmem_shared>>
    tpu.wait_indirect_dma semaphore(%arg9 : memref<!tpu.dma_semaphore, #tpu.memory_space<semaphore_mem>>) src(%dma_wait3A_222 : memref<512xf32, #tpu.memory_space<vmem>>) dst(%dma_wait3A_226 : memref<10240xf32, #tpu.memory_space<vmem_shared>>)
    %dma_wait3A_227 = arith.constant 0 : i32
    %dma_wait3A_228 = tpu.memref_slice %arg6[%dma_wait3A_227] : memref<512xf32, #tpu.memory_space<vmem>> -> memref<512xf32, #tpu.memory_space<vmem>>
    %dma_wait3A_229 = arith.constant 8192 : i32
    %dma_wait3A_230 = tpu.memref_slice %arg5[%dma_wait3A_229] : memref<10000xi32, #tpu.memory_space<vmem>> -> memref<512xi32, #tpu.memory_space<vmem>>
    %dma_wait3A_231 = arith.constant 0 : i32
    %dma_wait3A_232 = tpu.memref_slice %arg8[%dma_wait3A_231] : memref<10240xf32, #tpu.memory_space<vmem_shared>> -> memref<10240xf32, #tpu.memory_space<vmem_shared>>
    tpu.wait_indirect_dma semaphore(%arg9 : memref<!tpu.dma_semaphore, #tpu.memory_space<semaphore_mem>>) src(%dma_wait3A_228 : memref<512xf32, #tpu.memory_space<vmem>>) dst(%dma_wait3A_232 : memref<10240xf32, #tpu.memory_space<vmem_shared>>)
    %dma_wait3A_233 = arith.constant 0 : i32
    %dma_wait3A_234 = tpu.memref_slice %arg6[%dma_wait3A_233] : memref<512xf32, #tpu.memory_space<vmem>> -> memref<512xf32, #tpu.memory_space<vmem>>
    %dma_wait3A_235 = arith.constant 8704 : i32
    %dma_wait3A_236 = tpu.memref_slice %arg5[%dma_wait3A_235] : memref<10000xi32, #tpu.memory_space<vmem>> -> memref<512xi32, #tpu.memory_space<vmem>>
    %dma_wait3A_237 = arith.constant 0 : i32
    %dma_wait3A_238 = tpu.memref_slice %arg8[%dma_wait3A_237] : memref<10240xf32, #tpu.memory_space<vmem_shared>> -> memref<10240xf32, #tpu.memory_space<vmem_shared>>
    tpu.wait_indirect_dma semaphore(%arg9 : memref<!tpu.dma_semaphore, #tpu.memory_space<semaphore_mem>>) src(%dma_wait3A_234 : memref<512xf32, #tpu.memory_space<vmem>>) dst(%dma_wait3A_238 : memref<10240xf32, #tpu.memory_space<vmem_shared>>)
    %dma_wait3A_239 = arith.constant 0 : i32
    %dma_wait3A_240 = tpu.memref_slice %arg6[%dma_wait3A_239] : memref<512xf32, #tpu.memory_space<vmem>> -> memref<512xf32, #tpu.memory_space<vmem>>
    %dma_wait3A_241 = arith.constant 9216 : i32
    %dma_wait3A_242 = tpu.memref_slice %arg5[%dma_wait3A_241] : memref<10000xi32, #tpu.memory_space<vmem>> -> memref<512xi32, #tpu.memory_space<vmem>>
    %dma_wait3A_243 = arith.constant 0 : i32
    %dma_wait3A_244 = tpu.memref_slice %arg8[%dma_wait3A_243] : memref<10240xf32, #tpu.memory_space<vmem_shared>> -> memref<10240xf32, #tpu.memory_space<vmem_shared>>
    tpu.wait_indirect_dma semaphore(%arg9 : memref<!tpu.dma_semaphore, #tpu.memory_space<semaphore_mem>>) src(%dma_wait3A_240 : memref<512xf32, #tpu.memory_space<vmem>>) dst(%dma_wait3A_244 : memref<10240xf32, #tpu.memory_space<vmem_shared>>)
    %dma_wait3A_245 = arith.constant 0 : i32
    %dma_wait3A_246 = tpu.memref_slice %arg6[%dma_wait3A_245] : memref<512xf32, #tpu.memory_space<vmem>> -> memref<272xf32, #tpu.memory_space<vmem>>
    %dma_wait3A_247 = arith.constant 9728 : i32
    %dma_wait3A_248 = tpu.memref_slice %arg5[%dma_wait3A_247] : memref<10000xi32, #tpu.memory_space<vmem>> -> memref<272xi32, #tpu.memory_space<vmem>>
    %dma_wait3A_249 = arith.constant 0 : i32
    %dma_wait3A_250 = tpu.memref_slice %arg8[%dma_wait3A_249] : memref<10240xf32, #tpu.memory_space<vmem_shared>> -> memref<10240xf32, #tpu.memory_space<vmem_shared>>
    tpu.wait_indirect_dma semaphore(%arg9 : memref<!tpu.dma_semaphore, #tpu.memory_space<semaphore_mem>>) src(%dma_wait3A_246 : memref<272xf32, #tpu.memory_space<vmem>>) dst(%dma_wait3A_250 : memref<10240xf32, #tpu.memory_space<vmem_shared>>)
    %barrier3A_251 = arith.constant 0 : index
    tpu.barrier barrier_id(%barrier3A_251)
    %mul3A_252 = arith.constant 640 : i32
    %mul3A_253 = arith.muli %arg1, %mul3A_252 : i32
    "tpu.region"() ({
      %run_scoped3A = tpu.sem_alloc : memref<!tpu.dma_semaphore, #tpu.memory_space<semaphore_mem>>
      %dma_start3A_256 = tpu.memref_slice %arg8[%mul3A_253] : memref<10240xf32, #tpu.memory_space<vmem_shared>> -> memref<640xf32, #tpu.memory_space<vmem_shared>>
      %dma_start3A_257 = tpu.memref_slice %arg8[%mul3A_253] : memref<10240xf32, #tpu.memory_space<vmem_shared>> -> memref<640xf32, #tpu.memory_space<vmem_shared>>
      tpu.enqueue_dma source(%dma_start3A_257 : memref<640xf32, #tpu.memory_space<vmem_shared>>) target(%arg7 : memref<640xf32, #tpu.memory_space<vmem>>) target_semaphore(%run_scoped3A : memref<!tpu.dma_semaphore, #tpu.memory_space<semaphore_mem>>)
      %dma_wait3A_258 = tpu.memref_slice %arg8[%mul3A_253] : memref<10240xf32, #tpu.memory_space<vmem_shared>> -> memref<640xf32, #tpu.memory_space<vmem_shared>>
      %dma_wait3A_259 = tpu.memref_slice %arg8[%mul3A_253] : memref<10240xf32, #tpu.memory_space<vmem_shared>> -> memref<640xf32, #tpu.memory_space<vmem_shared>>
      tpu.wait_dma2 semaphore(%run_scoped3A : memref<!tpu.dma_semaphore, #tpu.memory_space<semaphore_mem>>) src(%dma_wait3A_259 : memref<640xf32, #tpu.memory_space<vmem_shared>>) dst(%arg7 : memref<640xf32, #tpu.memory_space<vmem>>)
      tpu.yield
    }) : () -> ()
    %mul3A_254 = arith.constant 640 : i32
    %mul3A_255 = arith.muli %arg1, %mul3A_254 : i32
    "tpu.region"() ({
      %run_scoped3A = tpu.sem_alloc : memref<!tpu.dma_semaphore, #tpu.memory_space<semaphore_mem>>
      %dma_start3A_256 = tpu.memref_slice %arg4[%arg0, %mul3A_255] : memref<2x10240xf32, #tpu.memory_space<hbm>> -> memref<1x640xf32, #tpu.memory_space<hbm>>
      %dma_start3A_257 = tpu.memref_squeeze %dma_start3A_256 : memref<1x640xf32, #tpu.memory_space<hbm>> -> memref<640xf32, #tpu.memory_space<hbm>>
      %dma_start3A_258 = tpu.memref_slice %arg4[%arg0, %mul3A_255] : memref<2x10240xf32, #tpu.memory_space<hbm>> -> memref<1x640xf32, #tpu.memory_space<hbm>>
      %dma_start3A_259 = tpu.memref_squeeze %dma_start3A_258 : memref<1x640xf32, #tpu.memory_space<hbm>> -> memref<640xf32, #tpu.memory_space<hbm>>
      tpu.enqueue_dma source(%arg7 : memref<640xf32, #tpu.memory_space<vmem>>) target(%dma_start3A_259 : memref<640xf32, #tpu.memory_space<hbm>>) target_semaphore(%run_scoped3A : memref<!tpu.dma_semaphore, #tpu.memory_space<semaphore_mem>>)
      %dma_wait3A_260 = tpu.memref_slice %arg4[%arg0, %mul3A_255] : memref<2x10240xf32, #tpu.memory_space<hbm>> -> memref<1x640xf32, #tpu.memory_space<hbm>>
      %dma_wait3A_261 = tpu.memref_squeeze %dma_wait3A_260 : memref<1x640xf32, #tpu.memory_space<hbm>> -> memref<640xf32, #tpu.memory_space<hbm>>
      %dma_wait3A_262 = tpu.memref_slice %arg4[%arg0, %mul3A_255] : memref<2x10240xf32, #tpu.memory_space<hbm>> -> memref<1x640xf32, #tpu.memory_space<hbm>>
      %dma_wait3A_263 = tpu.memref_squeeze %dma_wait3A_262 : memref<1x640xf32, #tpu.memory_space<hbm>> -> memref<640xf32, #tpu.memory_space<hbm>>
      tpu.wait_dma2 semaphore(%run_scoped3A : memref<!tpu.dma_semaphore, #tpu.memory_space<semaphore_mem>>) src(%arg7 : memref<640xf32, #tpu.memory_space<vmem>>) dst(%dma_wait3A_263 : memref<640xf32, #tpu.memory_space<hbm>>)
      tpu.yield
    }) : () -> ()
    return
  }
}

#map = affine_map<(d0, d1) -> (0, 0)>
#map1 = affine_map<(d0, d1) -> (0)>
#map2 = affine_map<(d0, d1) -> (0, 0, 0)>
module attributes {stable_mosaic.version = 14 : i64} {
  func.func @agg_kernel(%arg0: i32, %arg1: i32, %arg2: memref<10000x16xf32, #tpu.memory_space<hbm>>, %arg3: memref<320000xi32, #tpu.memory_space<hbm>>, %arg4: memref<320000xi32, #tpu.memory_space<hbm>>, %arg5: memref<10240x16xf32, #tpu.memory_space<hbm>>, %arg6: memref<2x10240x16xf32, #tpu.memory_space<hbm>>, %arg7: memref<10000xi32, #tpu.memory_space<vmem>>, %arg8: memref<10000xi32, #tpu.memory_space<vmem>>, %arg9: memref<640x16xf32, #tpu.memory_space<vmem>>, %arg10: memref<10240x16xf32, #tpu.memory_space<vmem_shared>>, %arg11: memref<512x16xf32, #tpu.memory_space<vmem>>, %arg12: memref<512x16xf32, #tpu.memory_space<vmem>>, %arg13: memref<512x16xf32, #tpu.memory_space<vmem>>, %arg14: memref<512x16xf32, #tpu.memory_space<vmem>>, %arg15: memref<!tpu.dma_semaphore, #tpu.memory_space<semaphore_mem>>, %arg16: memref<!tpu.dma_semaphore, #tpu.memory_space<semaphore_mem>>, %arg17: memref<!tpu.dma_semaphore, #tpu.memory_space<semaphore_mem>>, %arg18: memref<!tpu.dma_semaphore, #tpu.memory_space<semaphore_mem>>, %arg19: memref<!tpu.dma_semaphore, #tpu.memory_space<semaphore_mem>>, %arg20: memref<!tpu.dma_semaphore, #tpu.memory_space<semaphore_mem>>, %arg21: memref<!tpu.dma_semaphore, #tpu.memory_space<semaphore_mem>>, %arg22: memref<!tpu.dma_semaphore, #tpu.memory_space<semaphore_mem>>) attributes {dimension_semantics = [#tpu.dimension_semantics<core_parallel>, #tpu.dimension_semantics<subcore_parallel>], iteration_bounds = array<i64: 2, 16>, scalar_prefetch = 0 : i64, scratch_operands = 16 : i64, tpu.core_type = #tpu.core_type<sc_vector_subcore>, window_params = [{transform_indices = #map}, {transform_indices = #map1}, {transform_indices = #map1}, {transform_indices = #map}, {transform_indices = #map2}]} {
    %mul3A = arith.constant 2 : i32
    %mul3A_0 = arith.muli %arg1, %mul3A : i32
    %add3A = arith.addi %mul3A_0, %arg0 : i32
    %mul3A_1 = arith.constant 10000 : i32
    %mul3A_2 = arith.muli %add3A, %mul3A_1 : i32
    "tpu.region"() ({
      %run_scoped3A = tpu.sem_alloc : memref<!tpu.dma_semaphore, #tpu.memory_space<semaphore_mem>>
      %dma_start3A_652 = tpu.memref_slice %arg3[%mul3A_2] : memref<320000xi32, #tpu.memory_space<hbm>> -> memref<10000xi32, #tpu.memory_space<hbm>>
      %dma_start3A_653 = tpu.memref_slice %arg3[%mul3A_2] : memref<320000xi32, #tpu.memory_space<hbm>> -> memref<10000xi32, #tpu.memory_space<hbm>>
      tpu.enqueue_dma source(%dma_start3A_653 : memref<10000xi32, #tpu.memory_space<hbm>>) target(%arg7 : memref<10000xi32, #tpu.memory_space<vmem>>) target_semaphore(%run_scoped3A : memref<!tpu.dma_semaphore, #tpu.memory_space<semaphore_mem>>)
      %dma_wait3A_654 = tpu.memref_slice %arg3[%mul3A_2] : memref<320000xi32, #tpu.memory_space<hbm>> -> memref<10000xi32, #tpu.memory_space<hbm>>
      %dma_wait3A_655 = tpu.memref_slice %arg3[%mul3A_2] : memref<320000xi32, #tpu.memory_space<hbm>> -> memref<10000xi32, #tpu.memory_space<hbm>>
      tpu.wait_dma2 semaphore(%run_scoped3A : memref<!tpu.dma_semaphore, #tpu.memory_space<semaphore_mem>>) src(%dma_wait3A_655 : memref<10000xi32, #tpu.memory_space<hbm>>) dst(%arg7 : memref<10000xi32, #tpu.memory_space<vmem>>)
      tpu.yield
    }) : () -> ()
    %mul3A_3 = arith.constant 10000 : i32
    %mul3A_4 = arith.muli %add3A, %mul3A_3 : i32
    "tpu.region"() ({
      %run_scoped3A = tpu.sem_alloc : memref<!tpu.dma_semaphore, #tpu.memory_space<semaphore_mem>>
      %dma_start3A_652 = tpu.memref_slice %arg4[%mul3A_4] : memref<320000xi32, #tpu.memory_space<hbm>> -> memref<10000xi32, #tpu.memory_space<hbm>>
      %dma_start3A_653 = tpu.memref_slice %arg4[%mul3A_4] : memref<320000xi32, #tpu.memory_space<hbm>> -> memref<10000xi32, #tpu.memory_space<hbm>>
      tpu.enqueue_dma source(%dma_start3A_653 : memref<10000xi32, #tpu.memory_space<hbm>>) target(%arg8 : memref<10000xi32, #tpu.memory_space<vmem>>) target_semaphore(%run_scoped3A : memref<!tpu.dma_semaphore, #tpu.memory_space<semaphore_mem>>)
      %dma_wait3A_654 = tpu.memref_slice %arg4[%mul3A_4] : memref<320000xi32, #tpu.memory_space<hbm>> -> memref<10000xi32, #tpu.memory_space<hbm>>
      %dma_wait3A_655 = tpu.memref_slice %arg4[%mul3A_4] : memref<320000xi32, #tpu.memory_space<hbm>> -> memref<10000xi32, #tpu.memory_space<hbm>>
      tpu.wait_dma2 semaphore(%run_scoped3A : memref<!tpu.dma_semaphore, #tpu.memory_space<semaphore_mem>>) src(%dma_wait3A_655 : memref<10000xi32, #tpu.memory_space<hbm>>) dst(%arg8 : memref<10000xi32, #tpu.memory_space<vmem>>)
      tpu.yield
    }) : () -> ()
    %mul3A_5 = arith.constant 640 : i32
    %mul3A_6 = arith.muli %arg1, %mul3A_5 : i32
    %mul3A_7 = arith.constant 640 : i32
    %mul3A_8 = arith.muli %arg1, %mul3A_7 : i32
    "tpu.region"() ({
      %run_scoped3A = tpu.sem_alloc : memref<!tpu.dma_semaphore, #tpu.memory_space<semaphore_mem>>
      %dma_start3A_652 = arith.constant 0 : i32
      %dma_start3A_653 = tpu.memref_slice %arg10[%mul3A_8, %dma_start3A_652] : memref<10240x16xf32, #tpu.memory_space<vmem_shared>> -> memref<640x16xf32, #tpu.memory_space<vmem_shared>>
      %dma_start3A_654 = arith.constant 0 : i32
      %dma_start3A_655 = tpu.memref_slice %arg5[%mul3A_6, %dma_start3A_654] : memref<10240x16xf32, #tpu.memory_space<hbm>> -> memref<640x16xf32, #tpu.memory_space<hbm>>
      tpu.enqueue_dma source(%dma_start3A_655 : memref<640x16xf32, #tpu.memory_space<hbm>>) target(%dma_start3A_653 : memref<640x16xf32, #tpu.memory_space<vmem_shared>>) target_semaphore(%run_scoped3A : memref<!tpu.dma_semaphore, #tpu.memory_space<semaphore_mem>>)
      %dma_wait3A_656 = arith.constant 0 : i32
      %dma_wait3A_657 = tpu.memref_slice %arg10[%mul3A_8, %dma_wait3A_656] : memref<10240x16xf32, #tpu.memory_space<vmem_shared>> -> memref<640x16xf32, #tpu.memory_space<vmem_shared>>
      %dma_wait3A_658 = arith.constant 0 : i32
      %dma_wait3A_659 = tpu.memref_slice %arg5[%mul3A_6, %dma_wait3A_658] : memref<10240x16xf32, #tpu.memory_space<hbm>> -> memref<640x16xf32, #tpu.memory_space<hbm>>
      tpu.wait_dma2 semaphore(%run_scoped3A : memref<!tpu.dma_semaphore, #tpu.memory_space<semaphore_mem>>) src(%dma_wait3A_659 : memref<640x16xf32, #tpu.memory_space<hbm>>) dst(%dma_wait3A_657 : memref<640x16xf32, #tpu.memory_space<vmem_shared>>)
      tpu.yield
    }) : () -> ()
    %barrier3A = arith.constant 0 : index
    tpu.barrier barrier_id(%barrier3A)
    %dma_start3A = arith.constant 0 : i32
    %dma_start3A_9 = arith.constant 0 : i32
    %dma_start3A_10 = tpu.memref_slice %arg11[%dma_start3A, %dma_start3A_9] : memref<512x16xf32, #tpu.memory_space<vmem>> -> memref<512x16xf32, #tpu.memory_space<vmem>>
    %dma_start3A_11 = arith.constant 0 : i32
    %dma_start3A_12 = tpu.memref_slice %arg7[%dma_start3A_11] : memref<10000xi32, #tpu.memory_space<vmem>> -> memref<512xi32, #tpu.memory_space<vmem>>
    %dma_start3A_13 = arith.constant 0 : i32
    %dma_start3A_14 = arith.constant 0 : i32
    %dma_start3A_15 = tpu.memref_slice %arg2[%dma_start3A_13, %dma_start3A_14] : memref<10000x16xf32, #tpu.memory_space<hbm>> -> memref<10000x16xf32, #tpu.memory_space<hbm>>
    tpu.enqueue_indirect_dma source(%dma_start3A_15 : memref<10000x16xf32, #tpu.memory_space<hbm>>) target(%dma_start3A_10 : memref<512x16xf32, #tpu.memory_space<vmem>>) offsets(%dma_start3A_12 : memref<512xi32, #tpu.memory_space<vmem>>) semaphore(%arg15 : memref<!tpu.dma_semaphore, #tpu.memory_space<semaphore_mem>>)
    %dma_start3A_16 = arith.constant 0 : i32
    %dma_start3A_17 = arith.constant 0 : i32
    %dma_start3A_18 = tpu.memref_slice %arg12[%dma_start3A_16, %dma_start3A_17] : memref<512x16xf32, #tpu.memory_space<vmem>> -> memref<512x16xf32, #tpu.memory_space<vmem>>
    %dma_start3A_19 = arith.constant 512 : i32
    %dma_start3A_20 = tpu.memref_slice %arg7[%dma_start3A_19] : memref<10000xi32, #tpu.memory_space<vmem>> -> memref<512xi32, #tpu.memory_space<vmem>>
    %dma_start3A_21 = arith.constant 0 : i32
    %dma_start3A_22 = arith.constant 0 : i32
    %dma_start3A_23 = tpu.memref_slice %arg2[%dma_start3A_21, %dma_start3A_22] : memref<10000x16xf32, #tpu.memory_space<hbm>> -> memref<10000x16xf32, #tpu.memory_space<hbm>>
    tpu.enqueue_indirect_dma source(%dma_start3A_23 : memref<10000x16xf32, #tpu.memory_space<hbm>>) target(%dma_start3A_18 : memref<512x16xf32, #tpu.memory_space<vmem>>) offsets(%dma_start3A_20 : memref<512xi32, #tpu.memory_space<vmem>>) semaphore(%arg16 : memref<!tpu.dma_semaphore, #tpu.memory_space<semaphore_mem>>)
    %dma_start3A_24 = arith.constant 0 : i32
    %dma_start3A_25 = arith.constant 0 : i32
    %dma_start3A_26 = tpu.memref_slice %arg13[%dma_start3A_24, %dma_start3A_25] : memref<512x16xf32, #tpu.memory_space<vmem>> -> memref<512x16xf32, #tpu.memory_space<vmem>>
    %dma_start3A_27 = arith.constant 1024 : i32
    %dma_start3A_28 = tpu.memref_slice %arg7[%dma_start3A_27] : memref<10000xi32, #tpu.memory_space<vmem>> -> memref<512xi32, #tpu.memory_space<vmem>>
    %dma_start3A_29 = arith.constant 0 : i32
    %dma_start3A_30 = arith.constant 0 : i32
    %dma_start3A_31 = tpu.memref_slice %arg2[%dma_start3A_29, %dma_start3A_30] : memref<10000x16xf32, #tpu.memory_space<hbm>> -> memref<10000x16xf32, #tpu.memory_space<hbm>>
    tpu.enqueue_indirect_dma source(%dma_start3A_31 : memref<10000x16xf32, #tpu.memory_space<hbm>>) target(%dma_start3A_26 : memref<512x16xf32, #tpu.memory_space<vmem>>) offsets(%dma_start3A_28 : memref<512xi32, #tpu.memory_space<vmem>>) semaphore(%arg17 : memref<!tpu.dma_semaphore, #tpu.memory_space<semaphore_mem>>)
    %dma_wait3A = arith.constant 0 : i32
    %dma_wait3A_32 = arith.constant 0 : i32
    %dma_wait3A_33 = tpu.memref_slice %arg11[%dma_wait3A, %dma_wait3A_32] : memref<512x16xf32, #tpu.memory_space<vmem>> -> memref<512x16xf32, #tpu.memory_space<vmem>>
    %dma_wait3A_34 = arith.constant 0 : i32
    %dma_wait3A_35 = tpu.memref_slice %arg7[%dma_wait3A_34] : memref<10000xi32, #tpu.memory_space<vmem>> -> memref<512xi32, #tpu.memory_space<vmem>>
    %dma_wait3A_36 = arith.constant 0 : i32
    %dma_wait3A_37 = arith.constant 0 : i32
    %dma_wait3A_38 = tpu.memref_slice %arg2[%dma_wait3A_36, %dma_wait3A_37] : memref<10000x16xf32, #tpu.memory_space<hbm>> -> memref<10000x16xf32, #tpu.memory_space<hbm>>
    tpu.wait_indirect_dma semaphore(%arg15 : memref<!tpu.dma_semaphore, #tpu.memory_space<semaphore_mem>>) src(%dma_wait3A_38 : memref<10000x16xf32, #tpu.memory_space<hbm>>) dst(%dma_wait3A_33 : memref<512x16xf32, #tpu.memory_space<vmem>>)
    %dma_start3A_39 = arith.constant 0 : i32
    %dma_start3A_40 = arith.constant 0 : i32
    %dma_start3A_41 = tpu.memref_slice %arg11[%dma_start3A_39, %dma_start3A_40] : memref<512x16xf32, #tpu.memory_space<vmem>> -> memref<512x16xf32, #tpu.memory_space<vmem>>
    %dma_start3A_42 = arith.constant 0 : i32
    %dma_start3A_43 = tpu.memref_slice %arg8[%dma_start3A_42] : memref<10000xi32, #tpu.memory_space<vmem>> -> memref<512xi32, #tpu.memory_space<vmem>>
    %dma_start3A_44 = arith.constant 0 : i32
    %dma_start3A_45 = arith.constant 0 : i32
    %dma_start3A_46 = tpu.memref_slice %arg10[%dma_start3A_44, %dma_start3A_45] : memref<10240x16xf32, #tpu.memory_space<vmem_shared>> -> memref<10240x16xf32, #tpu.memory_space<vmem_shared>>
    tpu.enqueue_indirect_dma source(%dma_start3A_41 : memref<512x16xf32, #tpu.memory_space<vmem>>) target(%dma_start3A_46 : memref<10240x16xf32, #tpu.memory_space<vmem_shared>>) offsets(%dma_start3A_43 : memref<512xi32, #tpu.memory_space<vmem>>) semaphore(%arg19 : memref<!tpu.dma_semaphore, #tpu.memory_space<semaphore_mem>>) {add = true}
    %dma_start3A_47 = arith.constant 0 : i32
    %dma_start3A_48 = arith.constant 0 : i32
    %dma_start3A_49 = tpu.memref_slice %arg14[%dma_start3A_47, %dma_start3A_48] : memref<512x16xf32, #tpu.memory_space<vmem>> -> memref<512x16xf32, #tpu.memory_space<vmem>>
    %dma_start3A_50 = arith.constant 1536 : i32
    %dma_start3A_51 = tpu.memref_slice %arg7[%dma_start3A_50] : memref<10000xi32, #tpu.memory_space<vmem>> -> memref<512xi32, #tpu.memory_space<vmem>>
    %dma_start3A_52 = arith.constant 0 : i32
    %dma_start3A_53 = arith.constant 0 : i32
    %dma_start3A_54 = tpu.memref_slice %arg2[%dma_start3A_52, %dma_start3A_53] : memref<10000x16xf32, #tpu.memory_space<hbm>> -> memref<10000x16xf32, #tpu.memory_space<hbm>>
    tpu.enqueue_indirect_dma source(%dma_start3A_54 : memref<10000x16xf32, #tpu.memory_space<hbm>>) target(%dma_start3A_49 : memref<512x16xf32, #tpu.memory_space<vmem>>) offsets(%dma_start3A_51 : memref<512xi32, #tpu.memory_space<vmem>>) semaphore(%arg18 : memref<!tpu.dma_semaphore, #tpu.memory_space<semaphore_mem>>)
    %dma_wait3A_55 = arith.constant 0 : i32
    %dma_wait3A_56 = arith.constant 0 : i32
    %dma_wait3A_57 = tpu.memref_slice %arg12[%dma_wait3A_55, %dma_wait3A_56] : memref<512x16xf32, #tpu.memory_space<vmem>> -> memref<512x16xf32, #tpu.memory_space<vmem>>
    %dma_wait3A_58 = arith.constant 512 : i32
    %dma_wait3A_59 = tpu.memref_slice %arg7[%dma_wait3A_58] : memref<10000xi32, #tpu.memory_space<vmem>> -> memref<512xi32, #tpu.memory_space<vmem>>
    %dma_wait3A_60 = arith.constant 0 : i32
    %dma_wait3A_61 = arith.constant 0 : i32
    %dma_wait3A_62 = tpu.memref_slice %arg2[%dma_wait3A_60, %dma_wait3A_61] : memref<10000x16xf32, #tpu.memory_space<hbm>> -> memref<10000x16xf32, #tpu.memory_space<hbm>>
    tpu.wait_indirect_dma semaphore(%arg16 : memref<!tpu.dma_semaphore, #tpu.memory_space<semaphore_mem>>) src(%dma_wait3A_62 : memref<10000x16xf32, #tpu.memory_space<hbm>>) dst(%dma_wait3A_57 : memref<512x16xf32, #tpu.memory_space<vmem>>)
    %dma_start3A_63 = arith.constant 0 : i32
    %dma_start3A_64 = arith.constant 0 : i32
    %dma_start3A_65 = tpu.memref_slice %arg12[%dma_start3A_63, %dma_start3A_64] : memref<512x16xf32, #tpu.memory_space<vmem>> -> memref<512x16xf32, #tpu.memory_space<vmem>>
    %dma_start3A_66 = arith.constant 512 : i32
    %dma_start3A_67 = tpu.memref_slice %arg8[%dma_start3A_66] : memref<10000xi32, #tpu.memory_space<vmem>> -> memref<512xi32, #tpu.memory_space<vmem>>
    %dma_start3A_68 = arith.constant 0 : i32
    %dma_start3A_69 = arith.constant 0 : i32
    %dma_start3A_70 = tpu.memref_slice %arg10[%dma_start3A_68, %dma_start3A_69] : memref<10240x16xf32, #tpu.memory_space<vmem_shared>> -> memref<10240x16xf32, #tpu.memory_space<vmem_shared>>
    tpu.enqueue_indirect_dma source(%dma_start3A_65 : memref<512x16xf32, #tpu.memory_space<vmem>>) target(%dma_start3A_70 : memref<10240x16xf32, #tpu.memory_space<vmem_shared>>) offsets(%dma_start3A_67 : memref<512xi32, #tpu.memory_space<vmem>>) semaphore(%arg20 : memref<!tpu.dma_semaphore, #tpu.memory_space<semaphore_mem>>) {add = true}
    %dma_wait3A_71 = arith.constant 0 : i32
    %dma_wait3A_72 = arith.constant 0 : i32
    %dma_wait3A_73 = tpu.memref_slice %arg11[%dma_wait3A_71, %dma_wait3A_72] : memref<512x16xf32, #tpu.memory_space<vmem>> -> memref<512x16xf32, #tpu.memory_space<vmem>>
    %dma_wait3A_74 = arith.constant 0 : i32
    %dma_wait3A_75 = tpu.memref_slice %arg8[%dma_wait3A_74] : memref<10000xi32, #tpu.memory_space<vmem>> -> memref<512xi32, #tpu.memory_space<vmem>>
    %dma_wait3A_76 = arith.constant 0 : i32
    %dma_wait3A_77 = arith.constant 0 : i32
    %dma_wait3A_78 = tpu.memref_slice %arg10[%dma_wait3A_76, %dma_wait3A_77] : memref<10240x16xf32, #tpu.memory_space<vmem_shared>> -> memref<10240x16xf32, #tpu.memory_space<vmem_shared>>
    tpu.wait_indirect_dma semaphore(%arg19 : memref<!tpu.dma_semaphore, #tpu.memory_space<semaphore_mem>>) src(%dma_wait3A_73 : memref<512x16xf32, #tpu.memory_space<vmem>>) dst(%dma_wait3A_78 : memref<10240x16xf32, #tpu.memory_space<vmem_shared>>)
    %dma_start3A_79 = arith.constant 0 : i32
    %dma_start3A_80 = arith.constant 0 : i32
    %dma_start3A_81 = tpu.memref_slice %arg11[%dma_start3A_79, %dma_start3A_80] : memref<512x16xf32, #tpu.memory_space<vmem>> -> memref<512x16xf32, #tpu.memory_space<vmem>>
    %dma_start3A_82 = arith.constant 2048 : i32
    %dma_start3A_83 = tpu.memref_slice %arg7[%dma_start3A_82] : memref<10000xi32, #tpu.memory_space<vmem>> -> memref<512xi32, #tpu.memory_space<vmem>>
    %dma_start3A_84 = arith.constant 0 : i32
    %dma_start3A_85 = arith.constant 0 : i32
    %dma_start3A_86 = tpu.memref_slice %arg2[%dma_start3A_84, %dma_start3A_85] : memref<10000x16xf32, #tpu.memory_space<hbm>> -> memref<10000x16xf32, #tpu.memory_space<hbm>>
    tpu.enqueue_indirect_dma source(%dma_start3A_86 : memref<10000x16xf32, #tpu.memory_space<hbm>>) target(%dma_start3A_81 : memref<512x16xf32, #tpu.memory_space<vmem>>) offsets(%dma_start3A_83 : memref<512xi32, #tpu.memory_space<vmem>>) semaphore(%arg15 : memref<!tpu.dma_semaphore, #tpu.memory_space<semaphore_mem>>)
    %dma_wait3A_87 = arith.constant 0 : i32
    %dma_wait3A_88 = arith.constant 0 : i32
    %dma_wait3A_89 = tpu.memref_slice %arg13[%dma_wait3A_87, %dma_wait3A_88] : memref<512x16xf32, #tpu.memory_space<vmem>> -> memref<512x16xf32, #tpu.memory_space<vmem>>
    %dma_wait3A_90 = arith.constant 1024 : i32
    %dma_wait3A_91 = tpu.memref_slice %arg7[%dma_wait3A_90] : memref<10000xi32, #tpu.memory_space<vmem>> -> memref<512xi32, #tpu.memory_space<vmem>>
    %dma_wait3A_92 = arith.constant 0 : i32
    %dma_wait3A_93 = arith.constant 0 : i32
    %dma_wait3A_94 = tpu.memref_slice %arg2[%dma_wait3A_92, %dma_wait3A_93] : memref<10000x16xf32, #tpu.memory_space<hbm>> -> memref<10000x16xf32, #tpu.memory_space<hbm>>
    tpu.wait_indirect_dma semaphore(%arg17 : memref<!tpu.dma_semaphore, #tpu.memory_space<semaphore_mem>>) src(%dma_wait3A_94 : memref<10000x16xf32, #tpu.memory_space<hbm>>) dst(%dma_wait3A_89 : memref<512x16xf32, #tpu.memory_space<vmem>>)
    %dma_start3A_95 = arith.constant 0 : i32
    %dma_start3A_96 = arith.constant 0 : i32
    %dma_start3A_97 = tpu.memref_slice %arg13[%dma_start3A_95, %dma_start3A_96] : memref<512x16xf32, #tpu.memory_space<vmem>> -> memref<512x16xf32, #tpu.memory_space<vmem>>
    %dma_start3A_98 = arith.constant 1024 : i32
    %dma_start3A_99 = tpu.memref_slice %arg8[%dma_start3A_98] : memref<10000xi32, #tpu.memory_space<vmem>> -> memref<512xi32, #tpu.memory_space<vmem>>
    %dma_start3A_100 = arith.constant 0 : i32
    %dma_start3A_101 = arith.constant 0 : i32
    %dma_start3A_102 = tpu.memref_slice %arg10[%dma_start3A_100, %dma_start3A_101] : memref<10240x16xf32, #tpu.memory_space<vmem_shared>> -> memref<10240x16xf32, #tpu.memory_space<vmem_shared>>
    tpu.enqueue_indirect_dma source(%dma_start3A_97 : memref<512x16xf32, #tpu.memory_space<vmem>>) target(%dma_start3A_102 : memref<10240x16xf32, #tpu.memory_space<vmem_shared>>) offsets(%dma_start3A_99 : memref<512xi32, #tpu.memory_space<vmem>>) semaphore(%arg21 : memref<!tpu.dma_semaphore, #tpu.memory_space<semaphore_mem>>) {add = true}
    %dma_wait3A_103 = arith.constant 0 : i32
    %dma_wait3A_104 = arith.constant 0 : i32
    %dma_wait3A_105 = tpu.memref_slice %arg12[%dma_wait3A_103, %dma_wait3A_104] : memref<512x16xf32, #tpu.memory_space<vmem>> -> memref<512x16xf32, #tpu.memory_space<vmem>>
    %dma_wait3A_106 = arith.constant 512 : i32
    %dma_wait3A_107 = tpu.memref_slice %arg8[%dma_wait3A_106] : memref<10000xi32, #tpu.memory_space<vmem>> -> memref<512xi32, #tpu.memory_space<vmem>>
    %dma_wait3A_108 = arith.constant 0 : i32
    %dma_wait3A_109 = arith.constant 0 : i32
    %dma_wait3A_110 = tpu.memref_slice %arg10[%dma_wait3A_108, %dma_wait3A_109] : memref<10240x16xf32, #tpu.memory_space<vmem_shared>> -> memref<10240x16xf32, #tpu.memory_space<vmem_shared>>
    tpu.wait_indirect_dma semaphore(%arg20 : memref<!tpu.dma_semaphore, #tpu.memory_space<semaphore_mem>>) src(%dma_wait3A_105 : memref<512x16xf32, #tpu.memory_space<vmem>>) dst(%dma_wait3A_110 : memref<10240x16xf32, #tpu.memory_space<vmem_shared>>)
    %dma_start3A_111 = arith.constant 0 : i32
    %dma_start3A_112 = arith.constant 0 : i32
    %dma_start3A_113 = tpu.memref_slice %arg12[%dma_start3A_111, %dma_start3A_112] : memref<512x16xf32, #tpu.memory_space<vmem>> -> memref<512x16xf32, #tpu.memory_space<vmem>>
    %dma_start3A_114 = arith.constant 2560 : i32
    %dma_start3A_115 = tpu.memref_slice %arg7[%dma_start3A_114] : memref<10000xi32, #tpu.memory_space<vmem>> -> memref<512xi32, #tpu.memory_space<vmem>>
    %dma_start3A_116 = arith.constant 0 : i32
    %dma_start3A_117 = arith.constant 0 : i32
    %dma_start3A_118 = tpu.memref_slice %arg2[%dma_start3A_116, %dma_start3A_117] : memref<10000x16xf32, #tpu.memory_space<hbm>> -> memref<10000x16xf32, #tpu.memory_space<hbm>>
    tpu.enqueue_indirect_dma source(%dma_start3A_118 : memref<10000x16xf32, #tpu.memory_space<hbm>>) target(%dma_start3A_113 : memref<512x16xf32, #tpu.memory_space<vmem>>) offsets(%dma_start3A_115 : memref<512xi32, #tpu.memory_space<vmem>>) semaphore(%arg16 : memref<!tpu.dma_semaphore, #tpu.memory_space<semaphore_mem>>)
    %dma_wait3A_119 = arith.constant 0 : i32
    %dma_wait3A_120 = arith.constant 0 : i32
    %dma_wait3A_121 = tpu.memref_slice %arg14[%dma_wait3A_119, %dma_wait3A_120] : memref<512x16xf32, #tpu.memory_space<vmem>> -> memref<512x16xf32, #tpu.memory_space<vmem>>
    %dma_wait3A_122 = arith.constant 1536 : i32
    %dma_wait3A_123 = tpu.memref_slice %arg7[%dma_wait3A_122] : memref<10000xi32, #tpu.memory_space<vmem>> -> memref<512xi32, #tpu.memory_space<vmem>>
    %dma_wait3A_124 = arith.constant 0 : i32
    %dma_wait3A_125 = arith.constant 0 : i32
    %dma_wait3A_126 = tpu.memref_slice %arg2[%dma_wait3A_124, %dma_wait3A_125] : memref<10000x16xf32, #tpu.memory_space<hbm>> -> memref<10000x16xf32, #tpu.memory_space<hbm>>
    tpu.wait_indirect_dma semaphore(%arg18 : memref<!tpu.dma_semaphore, #tpu.memory_space<semaphore_mem>>) src(%dma_wait3A_126 : memref<10000x16xf32, #tpu.memory_space<hbm>>) dst(%dma_wait3A_121 : memref<512x16xf32, #tpu.memory_space<vmem>>)
    %dma_start3A_127 = arith.constant 0 : i32
    %dma_start3A_128 = arith.constant 0 : i32
    %dma_start3A_129 = tpu.memref_slice %arg14[%dma_start3A_127, %dma_start3A_128] : memref<512x16xf32, #tpu.memory_space<vmem>> -> memref<512x16xf32, #tpu.memory_space<vmem>>
    %dma_start3A_130 = arith.constant 1536 : i32
    %dma_start3A_131 = tpu.memref_slice %arg8[%dma_start3A_130] : memref<10000xi32, #tpu.memory_space<vmem>> -> memref<512xi32, #tpu.memory_space<vmem>>
    %dma_start3A_132 = arith.constant 0 : i32
    %dma_start3A_133 = arith.constant 0 : i32
    %dma_start3A_134 = tpu.memref_slice %arg10[%dma_start3A_132, %dma_start3A_133] : memref<10240x16xf32, #tpu.memory_space<vmem_shared>> -> memref<10240x16xf32, #tpu.memory_space<vmem_shared>>
    tpu.enqueue_indirect_dma source(%dma_start3A_129 : memref<512x16xf32, #tpu.memory_space<vmem>>) target(%dma_start3A_134 : memref<10240x16xf32, #tpu.memory_space<vmem_shared>>) offsets(%dma_start3A_131 : memref<512xi32, #tpu.memory_space<vmem>>) semaphore(%arg22 : memref<!tpu.dma_semaphore, #tpu.memory_space<semaphore_mem>>) {add = true}
    %dma_wait3A_135 = arith.constant 0 : i32
    %dma_wait3A_136 = arith.constant 0 : i32
    %dma_wait3A_137 = tpu.memref_slice %arg13[%dma_wait3A_135, %dma_wait3A_136] : memref<512x16xf32, #tpu.memory_space<vmem>> -> memref<512x16xf32, #tpu.memory_space<vmem>>
    %dma_wait3A_138 = arith.constant 1024 : i32
    %dma_wait3A_139 = tpu.memref_slice %arg8[%dma_wait3A_138] : memref<10000xi32, #tpu.memory_space<vmem>> -> memref<512xi32, #tpu.memory_space<vmem>>
    %dma_wait3A_140 = arith.constant 0 : i32
    %dma_wait3A_141 = arith.constant 0 : i32
    %dma_wait3A_142 = tpu.memref_slice %arg10[%dma_wait3A_140, %dma_wait3A_141] : memref<10240x16xf32, #tpu.memory_space<vmem_shared>> -> memref<10240x16xf32, #tpu.memory_space<vmem_shared>>
    tpu.wait_indirect_dma semaphore(%arg21 : memref<!tpu.dma_semaphore, #tpu.memory_space<semaphore_mem>>) src(%dma_wait3A_137 : memref<512x16xf32, #tpu.memory_space<vmem>>) dst(%dma_wait3A_142 : memref<10240x16xf32, #tpu.memory_space<vmem_shared>>)
    %dma_start3A_143 = arith.constant 0 : i32
    %dma_start3A_144 = arith.constant 0 : i32
    %dma_start3A_145 = tpu.memref_slice %arg13[%dma_start3A_143, %dma_start3A_144] : memref<512x16xf32, #tpu.memory_space<vmem>> -> memref<512x16xf32, #tpu.memory_space<vmem>>
    %dma_start3A_146 = arith.constant 3072 : i32
    %dma_start3A_147 = tpu.memref_slice %arg7[%dma_start3A_146] : memref<10000xi32, #tpu.memory_space<vmem>> -> memref<512xi32, #tpu.memory_space<vmem>>
    %dma_start3A_148 = arith.constant 0 : i32
    %dma_start3A_149 = arith.constant 0 : i32
    %dma_start3A_150 = tpu.memref_slice %arg2[%dma_start3A_148, %dma_start3A_149] : memref<10000x16xf32, #tpu.memory_space<hbm>> -> memref<10000x16xf32, #tpu.memory_space<hbm>>
    tpu.enqueue_indirect_dma source(%dma_start3A_150 : memref<10000x16xf32, #tpu.memory_space<hbm>>) target(%dma_start3A_145 : memref<512x16xf32, #tpu.memory_space<vmem>>) offsets(%dma_start3A_147 : memref<512xi32, #tpu.memory_space<vmem>>) semaphore(%arg17 : memref<!tpu.dma_semaphore, #tpu.memory_space<semaphore_mem>>)
    %dma_wait3A_151 = arith.constant 0 : i32
    %dma_wait3A_152 = arith.constant 0 : i32
    %dma_wait3A_153 = tpu.memref_slice %arg11[%dma_wait3A_151, %dma_wait3A_152] : memref<512x16xf32, #tpu.memory_space<vmem>> -> memref<512x16xf32, #tpu.memory_space<vmem>>
    %dma_wait3A_154 = arith.constant 2048 : i32
    %dma_wait3A_155 = tpu.memref_slice %arg7[%dma_wait3A_154] : memref<10000xi32, #tpu.memory_space<vmem>> -> memref<512xi32, #tpu.memory_space<vmem>>
    %dma_wait3A_156 = arith.constant 0 : i32
    %dma_wait3A_157 = arith.constant 0 : i32
    %dma_wait3A_158 = tpu.memref_slice %arg2[%dma_wait3A_156, %dma_wait3A_157] : memref<10000x16xf32, #tpu.memory_space<hbm>> -> memref<10000x16xf32, #tpu.memory_space<hbm>>
    tpu.wait_indirect_dma semaphore(%arg15 : memref<!tpu.dma_semaphore, #tpu.memory_space<semaphore_mem>>) src(%dma_wait3A_158 : memref<10000x16xf32, #tpu.memory_space<hbm>>) dst(%dma_wait3A_153 : memref<512x16xf32, #tpu.memory_space<vmem>>)
    %dma_start3A_159 = arith.constant 0 : i32
    %dma_start3A_160 = arith.constant 0 : i32
    %dma_start3A_161 = tpu.memref_slice %arg11[%dma_start3A_159, %dma_start3A_160] : memref<512x16xf32, #tpu.memory_space<vmem>> -> memref<512x16xf32, #tpu.memory_space<vmem>>
    %dma_start3A_162 = arith.constant 2048 : i32
    %dma_start3A_163 = tpu.memref_slice %arg8[%dma_start3A_162] : memref<10000xi32, #tpu.memory_space<vmem>> -> memref<512xi32, #tpu.memory_space<vmem>>
    %dma_start3A_164 = arith.constant 0 : i32
    %dma_start3A_165 = arith.constant 0 : i32
    %dma_start3A_166 = tpu.memref_slice %arg10[%dma_start3A_164, %dma_start3A_165] : memref<10240x16xf32, #tpu.memory_space<vmem_shared>> -> memref<10240x16xf32, #tpu.memory_space<vmem_shared>>
    tpu.enqueue_indirect_dma source(%dma_start3A_161 : memref<512x16xf32, #tpu.memory_space<vmem>>) target(%dma_start3A_166 : memref<10240x16xf32, #tpu.memory_space<vmem_shared>>) offsets(%dma_start3A_163 : memref<512xi32, #tpu.memory_space<vmem>>) semaphore(%arg19 : memref<!tpu.dma_semaphore, #tpu.memory_space<semaphore_mem>>) {add = true}
    %dma_wait3A_167 = arith.constant 0 : i32
    %dma_wait3A_168 = arith.constant 0 : i32
    %dma_wait3A_169 = tpu.memref_slice %arg14[%dma_wait3A_167, %dma_wait3A_168] : memref<512x16xf32, #tpu.memory_space<vmem>> -> memref<512x16xf32, #tpu.memory_space<vmem>>
    %dma_wait3A_170 = arith.constant 1536 : i32
    %dma_wait3A_171 = tpu.memref_slice %arg8[%dma_wait3A_170] : memref<10000xi32, #tpu.memory_space<vmem>> -> memref<512xi32, #tpu.memory_space<vmem>>
    %dma_wait3A_172 = arith.constant 0 : i32
    %dma_wait3A_173 = arith.constant 0 : i32
    %dma_wait3A_174 = tpu.memref_slice %arg10[%dma_wait3A_172, %dma_wait3A_173] : memref<10240x16xf32, #tpu.memory_space<vmem_shared>> -> memref<10240x16xf32, #tpu.memory_space<vmem_shared>>
    tpu.wait_indirect_dma semaphore(%arg22 : memref<!tpu.dma_semaphore, #tpu.memory_space<semaphore_mem>>) src(%dma_wait3A_169 : memref<512x16xf32, #tpu.memory_space<vmem>>) dst(%dma_wait3A_174 : memref<10240x16xf32, #tpu.memory_space<vmem_shared>>)
    %dma_start3A_175 = arith.constant 0 : i32
    %dma_start3A_176 = arith.constant 0 : i32
    %dma_start3A_177 = tpu.memref_slice %arg14[%dma_start3A_175, %dma_start3A_176] : memref<512x16xf32, #tpu.memory_space<vmem>> -> memref<512x16xf32, #tpu.memory_space<vmem>>
    %dma_start3A_178 = arith.constant 3584 : i32
    %dma_start3A_179 = tpu.memref_slice %arg7[%dma_start3A_178] : memref<10000xi32, #tpu.memory_space<vmem>> -> memref<512xi32, #tpu.memory_space<vmem>>
    %dma_start3A_180 = arith.constant 0 : i32
    %dma_start3A_181 = arith.constant 0 : i32
    %dma_start3A_182 = tpu.memref_slice %arg2[%dma_start3A_180, %dma_start3A_181] : memref<10000x16xf32, #tpu.memory_space<hbm>> -> memref<10000x16xf32, #tpu.memory_space<hbm>>
    tpu.enqueue_indirect_dma source(%dma_start3A_182 : memref<10000x16xf32, #tpu.memory_space<hbm>>) target(%dma_start3A_177 : memref<512x16xf32, #tpu.memory_space<vmem>>) offsets(%dma_start3A_179 : memref<512xi32, #tpu.memory_space<vmem>>) semaphore(%arg18 : memref<!tpu.dma_semaphore, #tpu.memory_space<semaphore_mem>>)
    %dma_wait3A_183 = arith.constant 0 : i32
    %dma_wait3A_184 = arith.constant 0 : i32
    %dma_wait3A_185 = tpu.memref_slice %arg12[%dma_wait3A_183, %dma_wait3A_184] : memref<512x16xf32, #tpu.memory_space<vmem>> -> memref<512x16xf32, #tpu.memory_space<vmem>>
    %dma_wait3A_186 = arith.constant 2560 : i32
    %dma_wait3A_187 = tpu.memref_slice %arg7[%dma_wait3A_186] : memref<10000xi32, #tpu.memory_space<vmem>> -> memref<512xi32, #tpu.memory_space<vmem>>
    %dma_wait3A_188 = arith.constant 0 : i32
    %dma_wait3A_189 = arith.constant 0 : i32
    %dma_wait3A_190 = tpu.memref_slice %arg2[%dma_wait3A_188, %dma_wait3A_189] : memref<10000x16xf32, #tpu.memory_space<hbm>> -> memref<10000x16xf32, #tpu.memory_space<hbm>>
    tpu.wait_indirect_dma semaphore(%arg16 : memref<!tpu.dma_semaphore, #tpu.memory_space<semaphore_mem>>) src(%dma_wait3A_190 : memref<10000x16xf32, #tpu.memory_space<hbm>>) dst(%dma_wait3A_185 : memref<512x16xf32, #tpu.memory_space<vmem>>)
    %dma_start3A_191 = arith.constant 0 : i32
    %dma_start3A_192 = arith.constant 0 : i32
    %dma_start3A_193 = tpu.memref_slice %arg12[%dma_start3A_191, %dma_start3A_192] : memref<512x16xf32, #tpu.memory_space<vmem>> -> memref<512x16xf32, #tpu.memory_space<vmem>>
    %dma_start3A_194 = arith.constant 2560 : i32
    %dma_start3A_195 = tpu.memref_slice %arg8[%dma_start3A_194] : memref<10000xi32, #tpu.memory_space<vmem>> -> memref<512xi32, #tpu.memory_space<vmem>>
    %dma_start3A_196 = arith.constant 0 : i32
    %dma_start3A_197 = arith.constant 0 : i32
    %dma_start3A_198 = tpu.memref_slice %arg10[%dma_start3A_196, %dma_start3A_197] : memref<10240x16xf32, #tpu.memory_space<vmem_shared>> -> memref<10240x16xf32, #tpu.memory_space<vmem_shared>>
    tpu.enqueue_indirect_dma source(%dma_start3A_193 : memref<512x16xf32, #tpu.memory_space<vmem>>) target(%dma_start3A_198 : memref<10240x16xf32, #tpu.memory_space<vmem_shared>>) offsets(%dma_start3A_195 : memref<512xi32, #tpu.memory_space<vmem>>) semaphore(%arg20 : memref<!tpu.dma_semaphore, #tpu.memory_space<semaphore_mem>>) {add = true}
    %dma_wait3A_199 = arith.constant 0 : i32
    %dma_wait3A_200 = arith.constant 0 : i32
    %dma_wait3A_201 = tpu.memref_slice %arg11[%dma_wait3A_199, %dma_wait3A_200] : memref<512x16xf32, #tpu.memory_space<vmem>> -> memref<512x16xf32, #tpu.memory_space<vmem>>
    %dma_wait3A_202 = arith.constant 2048 : i32
    %dma_wait3A_203 = tpu.memref_slice %arg8[%dma_wait3A_202] : memref<10000xi32, #tpu.memory_space<vmem>> -> memref<512xi32, #tpu.memory_space<vmem>>
    %dma_wait3A_204 = arith.constant 0 : i32
    %dma_wait3A_205 = arith.constant 0 : i32
    %dma_wait3A_206 = tpu.memref_slice %arg10[%dma_wait3A_204, %dma_wait3A_205] : memref<10240x16xf32, #tpu.memory_space<vmem_shared>> -> memref<10240x16xf32, #tpu.memory_space<vmem_shared>>
    tpu.wait_indirect_dma semaphore(%arg19 : memref<!tpu.dma_semaphore, #tpu.memory_space<semaphore_mem>>) src(%dma_wait3A_201 : memref<512x16xf32, #tpu.memory_space<vmem>>) dst(%dma_wait3A_206 : memref<10240x16xf32, #tpu.memory_space<vmem_shared>>)
    %dma_start3A_207 = arith.constant 0 : i32
    %dma_start3A_208 = arith.constant 0 : i32
    %dma_start3A_209 = tpu.memref_slice %arg11[%dma_start3A_207, %dma_start3A_208] : memref<512x16xf32, #tpu.memory_space<vmem>> -> memref<512x16xf32, #tpu.memory_space<vmem>>
    %dma_start3A_210 = arith.constant 4096 : i32
    %dma_start3A_211 = tpu.memref_slice %arg7[%dma_start3A_210] : memref<10000xi32, #tpu.memory_space<vmem>> -> memref<512xi32, #tpu.memory_space<vmem>>
    %dma_start3A_212 = arith.constant 0 : i32
    %dma_start3A_213 = arith.constant 0 : i32
    %dma_start3A_214 = tpu.memref_slice %arg2[%dma_start3A_212, %dma_start3A_213] : memref<10000x16xf32, #tpu.memory_space<hbm>> -> memref<10000x16xf32, #tpu.memory_space<hbm>>
    tpu.enqueue_indirect_dma source(%dma_start3A_214 : memref<10000x16xf32, #tpu.memory_space<hbm>>) target(%dma_start3A_209 : memref<512x16xf32, #tpu.memory_space<vmem>>) offsets(%dma_start3A_211 : memref<512xi32, #tpu.memory_space<vmem>>) semaphore(%arg15 : memref<!tpu.dma_semaphore, #tpu.memory_space<semaphore_mem>>)
    %dma_wait3A_215 = arith.constant 0 : i32
    %dma_wait3A_216 = arith.constant 0 : i32
    %dma_wait3A_217 = tpu.memref_slice %arg13[%dma_wait3A_215, %dma_wait3A_216] : memref<512x16xf32, #tpu.memory_space<vmem>> -> memref<512x16xf32, #tpu.memory_space<vmem>>
    %dma_wait3A_218 = arith.constant 3072 : i32
    %dma_wait3A_219 = tpu.memref_slice %arg7[%dma_wait3A_218] : memref<10000xi32, #tpu.memory_space<vmem>> -> memref<512xi32, #tpu.memory_space<vmem>>
    %dma_wait3A_220 = arith.constant 0 : i32
    %dma_wait3A_221 = arith.constant 0 : i32
    %dma_wait3A_222 = tpu.memref_slice %arg2[%dma_wait3A_220, %dma_wait3A_221] : memref<10000x16xf32, #tpu.memory_space<hbm>> -> memref<10000x16xf32, #tpu.memory_space<hbm>>
    tpu.wait_indirect_dma semaphore(%arg17 : memref<!tpu.dma_semaphore, #tpu.memory_space<semaphore_mem>>) src(%dma_wait3A_222 : memref<10000x16xf32, #tpu.memory_space<hbm>>) dst(%dma_wait3A_217 : memref<512x16xf32, #tpu.memory_space<vmem>>)
    %dma_start3A_223 = arith.constant 0 : i32
    %dma_start3A_224 = arith.constant 0 : i32
    %dma_start3A_225 = tpu.memref_slice %arg13[%dma_start3A_223, %dma_start3A_224] : memref<512x16xf32, #tpu.memory_space<vmem>> -> memref<512x16xf32, #tpu.memory_space<vmem>>
    %dma_start3A_226 = arith.constant 3072 : i32
    %dma_start3A_227 = tpu.memref_slice %arg8[%dma_start3A_226] : memref<10000xi32, #tpu.memory_space<vmem>> -> memref<512xi32, #tpu.memory_space<vmem>>
    %dma_start3A_228 = arith.constant 0 : i32
    %dma_start3A_229 = arith.constant 0 : i32
    %dma_start3A_230 = tpu.memref_slice %arg10[%dma_start3A_228, %dma_start3A_229] : memref<10240x16xf32, #tpu.memory_space<vmem_shared>> -> memref<10240x16xf32, #tpu.memory_space<vmem_shared>>
    tpu.enqueue_indirect_dma source(%dma_start3A_225 : memref<512x16xf32, #tpu.memory_space<vmem>>) target(%dma_start3A_230 : memref<10240x16xf32, #tpu.memory_space<vmem_shared>>) offsets(%dma_start3A_227 : memref<512xi32, #tpu.memory_space<vmem>>) semaphore(%arg21 : memref<!tpu.dma_semaphore, #tpu.memory_space<semaphore_mem>>) {add = true}
    %dma_wait3A_231 = arith.constant 0 : i32
    %dma_wait3A_232 = arith.constant 0 : i32
    %dma_wait3A_233 = tpu.memref_slice %arg12[%dma_wait3A_231, %dma_wait3A_232] : memref<512x16xf32, #tpu.memory_space<vmem>> -> memref<512x16xf32, #tpu.memory_space<vmem>>
    %dma_wait3A_234 = arith.constant 2560 : i32
    %dma_wait3A_235 = tpu.memref_slice %arg8[%dma_wait3A_234] : memref<10000xi32, #tpu.memory_space<vmem>> -> memref<512xi32, #tpu.memory_space<vmem>>
    %dma_wait3A_236 = arith.constant 0 : i32
    %dma_wait3A_237 = arith.constant 0 : i32
    %dma_wait3A_238 = tpu.memref_slice %arg10[%dma_wait3A_236, %dma_wait3A_237] : memref<10240x16xf32, #tpu.memory_space<vmem_shared>> -> memref<10240x16xf32, #tpu.memory_space<vmem_shared>>
    tpu.wait_indirect_dma semaphore(%arg20 : memref<!tpu.dma_semaphore, #tpu.memory_space<semaphore_mem>>) src(%dma_wait3A_233 : memref<512x16xf32, #tpu.memory_space<vmem>>) dst(%dma_wait3A_238 : memref<10240x16xf32, #tpu.memory_space<vmem_shared>>)
    %dma_start3A_239 = arith.constant 0 : i32
    %dma_start3A_240 = arith.constant 0 : i32
    %dma_start3A_241 = tpu.memref_slice %arg12[%dma_start3A_239, %dma_start3A_240] : memref<512x16xf32, #tpu.memory_space<vmem>> -> memref<512x16xf32, #tpu.memory_space<vmem>>
    %dma_start3A_242 = arith.constant 4608 : i32
    %dma_start3A_243 = tpu.memref_slice %arg7[%dma_start3A_242] : memref<10000xi32, #tpu.memory_space<vmem>> -> memref<512xi32, #tpu.memory_space<vmem>>
    %dma_start3A_244 = arith.constant 0 : i32
    %dma_start3A_245 = arith.constant 0 : i32
    %dma_start3A_246 = tpu.memref_slice %arg2[%dma_start3A_244, %dma_start3A_245] : memref<10000x16xf32, #tpu.memory_space<hbm>> -> memref<10000x16xf32, #tpu.memory_space<hbm>>
    tpu.enqueue_indirect_dma source(%dma_start3A_246 : memref<10000x16xf32, #tpu.memory_space<hbm>>) target(%dma_start3A_241 : memref<512x16xf32, #tpu.memory_space<vmem>>) offsets(%dma_start3A_243 : memref<512xi32, #tpu.memory_space<vmem>>) semaphore(%arg16 : memref<!tpu.dma_semaphore, #tpu.memory_space<semaphore_mem>>)
    %dma_wait3A_247 = arith.constant 0 : i32
    %dma_wait3A_248 = arith.constant 0 : i32
    %dma_wait3A_249 = tpu.memref_slice %arg14[%dma_wait3A_247, %dma_wait3A_248] : memref<512x16xf32, #tpu.memory_space<vmem>> -> memref<512x16xf32, #tpu.memory_space<vmem>>
    %dma_wait3A_250 = arith.constant 3584 : i32
    %dma_wait3A_251 = tpu.memref_slice %arg7[%dma_wait3A_250] : memref<10000xi32, #tpu.memory_space<vmem>> -> memref<512xi32, #tpu.memory_space<vmem>>
    %dma_wait3A_252 = arith.constant 0 : i32
    %dma_wait3A_253 = arith.constant 0 : i32
    %dma_wait3A_254 = tpu.memref_slice %arg2[%dma_wait3A_252, %dma_wait3A_253] : memref<10000x16xf32, #tpu.memory_space<hbm>> -> memref<10000x16xf32, #tpu.memory_space<hbm>>
    tpu.wait_indirect_dma semaphore(%arg18 : memref<!tpu.dma_semaphore, #tpu.memory_space<semaphore_mem>>) src(%dma_wait3A_254 : memref<10000x16xf32, #tpu.memory_space<hbm>>) dst(%dma_wait3A_249 : memref<512x16xf32, #tpu.memory_space<vmem>>)
    %dma_start3A_255 = arith.constant 0 : i32
    %dma_start3A_256 = arith.constant 0 : i32
    %dma_start3A_257 = tpu.memref_slice %arg14[%dma_start3A_255, %dma_start3A_256] : memref<512x16xf32, #tpu.memory_space<vmem>> -> memref<512x16xf32, #tpu.memory_space<vmem>>
    %dma_start3A_258 = arith.constant 3584 : i32
    %dma_start3A_259 = tpu.memref_slice %arg8[%dma_start3A_258] : memref<10000xi32, #tpu.memory_space<vmem>> -> memref<512xi32, #tpu.memory_space<vmem>>
    %dma_start3A_260 = arith.constant 0 : i32
    %dma_start3A_261 = arith.constant 0 : i32
    %dma_start3A_262 = tpu.memref_slice %arg10[%dma_start3A_260, %dma_start3A_261] : memref<10240x16xf32, #tpu.memory_space<vmem_shared>> -> memref<10240x16xf32, #tpu.memory_space<vmem_shared>>
    tpu.enqueue_indirect_dma source(%dma_start3A_257 : memref<512x16xf32, #tpu.memory_space<vmem>>) target(%dma_start3A_262 : memref<10240x16xf32, #tpu.memory_space<vmem_shared>>) offsets(%dma_start3A_259 : memref<512xi32, #tpu.memory_space<vmem>>) semaphore(%arg22 : memref<!tpu.dma_semaphore, #tpu.memory_space<semaphore_mem>>) {add = true}
    %dma_wait3A_263 = arith.constant 0 : i32
    %dma_wait3A_264 = arith.constant 0 : i32
    %dma_wait3A_265 = tpu.memref_slice %arg13[%dma_wait3A_263, %dma_wait3A_264] : memref<512x16xf32, #tpu.memory_space<vmem>> -> memref<512x16xf32, #tpu.memory_space<vmem>>
    %dma_wait3A_266 = arith.constant 3072 : i32
    %dma_wait3A_267 = tpu.memref_slice %arg8[%dma_wait3A_266] : memref<10000xi32, #tpu.memory_space<vmem>> -> memref<512xi32, #tpu.memory_space<vmem>>
    %dma_wait3A_268 = arith.constant 0 : i32
    %dma_wait3A_269 = arith.constant 0 : i32
    %dma_wait3A_270 = tpu.memref_slice %arg10[%dma_wait3A_268, %dma_wait3A_269] : memref<10240x16xf32, #tpu.memory_space<vmem_shared>> -> memref<10240x16xf32, #tpu.memory_space<vmem_shared>>
    tpu.wait_indirect_dma semaphore(%arg21 : memref<!tpu.dma_semaphore, #tpu.memory_space<semaphore_mem>>) src(%dma_wait3A_265 : memref<512x16xf32, #tpu.memory_space<vmem>>) dst(%dma_wait3A_270 : memref<10240x16xf32, #tpu.memory_space<vmem_shared>>)
    %dma_start3A_271 = arith.constant 0 : i32
    %dma_start3A_272 = arith.constant 0 : i32
    %dma_start3A_273 = tpu.memref_slice %arg13[%dma_start3A_271, %dma_start3A_272] : memref<512x16xf32, #tpu.memory_space<vmem>> -> memref<512x16xf32, #tpu.memory_space<vmem>>
    %dma_start3A_274 = arith.constant 5120 : i32
    %dma_start3A_275 = tpu.memref_slice %arg7[%dma_start3A_274] : memref<10000xi32, #tpu.memory_space<vmem>> -> memref<512xi32, #tpu.memory_space<vmem>>
    %dma_start3A_276 = arith.constant 0 : i32
    %dma_start3A_277 = arith.constant 0 : i32
    %dma_start3A_278 = tpu.memref_slice %arg2[%dma_start3A_276, %dma_start3A_277] : memref<10000x16xf32, #tpu.memory_space<hbm>> -> memref<10000x16xf32, #tpu.memory_space<hbm>>
    tpu.enqueue_indirect_dma source(%dma_start3A_278 : memref<10000x16xf32, #tpu.memory_space<hbm>>) target(%dma_start3A_273 : memref<512x16xf32, #tpu.memory_space<vmem>>) offsets(%dma_start3A_275 : memref<512xi32, #tpu.memory_space<vmem>>) semaphore(%arg17 : memref<!tpu.dma_semaphore, #tpu.memory_space<semaphore_mem>>)
    %dma_wait3A_279 = arith.constant 0 : i32
    %dma_wait3A_280 = arith.constant 0 : i32
    %dma_wait3A_281 = tpu.memref_slice %arg11[%dma_wait3A_279, %dma_wait3A_280] : memref<512x16xf32, #tpu.memory_space<vmem>> -> memref<512x16xf32, #tpu.memory_space<vmem>>
    %dma_wait3A_282 = arith.constant 4096 : i32
    %dma_wait3A_283 = tpu.memref_slice %arg7[%dma_wait3A_282] : memref<10000xi32, #tpu.memory_space<vmem>> -> memref<512xi32, #tpu.memory_space<vmem>>
    %dma_wait3A_284 = arith.constant 0 : i32
    %dma_wait3A_285 = arith.constant 0 : i32
    %dma_wait3A_286 = tpu.memref_slice %arg2[%dma_wait3A_284, %dma_wait3A_285] : memref<10000x16xf32, #tpu.memory_space<hbm>> -> memref<10000x16xf32, #tpu.memory_space<hbm>>
    tpu.wait_indirect_dma semaphore(%arg15 : memref<!tpu.dma_semaphore, #tpu.memory_space<semaphore_mem>>) src(%dma_wait3A_286 : memref<10000x16xf32, #tpu.memory_space<hbm>>) dst(%dma_wait3A_281 : memref<512x16xf32, #tpu.memory_space<vmem>>)
    %dma_start3A_287 = arith.constant 0 : i32
    %dma_start3A_288 = arith.constant 0 : i32
    %dma_start3A_289 = tpu.memref_slice %arg11[%dma_start3A_287, %dma_start3A_288] : memref<512x16xf32, #tpu.memory_space<vmem>> -> memref<512x16xf32, #tpu.memory_space<vmem>>
    %dma_start3A_290 = arith.constant 4096 : i32
    %dma_start3A_291 = tpu.memref_slice %arg8[%dma_start3A_290] : memref<10000xi32, #tpu.memory_space<vmem>> -> memref<512xi32, #tpu.memory_space<vmem>>
    %dma_start3A_292 = arith.constant 0 : i32
    %dma_start3A_293 = arith.constant 0 : i32
    %dma_start3A_294 = tpu.memref_slice %arg10[%dma_start3A_292, %dma_start3A_293] : memref<10240x16xf32, #tpu.memory_space<vmem_shared>> -> memref<10240x16xf32, #tpu.memory_space<vmem_shared>>
    tpu.enqueue_indirect_dma source(%dma_start3A_289 : memref<512x16xf32, #tpu.memory_space<vmem>>) target(%dma_start3A_294 : memref<10240x16xf32, #tpu.memory_space<vmem_shared>>) offsets(%dma_start3A_291 : memref<512xi32, #tpu.memory_space<vmem>>) semaphore(%arg19 : memref<!tpu.dma_semaphore, #tpu.memory_space<semaphore_mem>>) {add = true}
    %dma_wait3A_295 = arith.constant 0 : i32
    %dma_wait3A_296 = arith.constant 0 : i32
    %dma_wait3A_297 = tpu.memref_slice %arg14[%dma_wait3A_295, %dma_wait3A_296] : memref<512x16xf32, #tpu.memory_space<vmem>> -> memref<512x16xf32, #tpu.memory_space<vmem>>
    %dma_wait3A_298 = arith.constant 3584 : i32
    %dma_wait3A_299 = tpu.memref_slice %arg8[%dma_wait3A_298] : memref<10000xi32, #tpu.memory_space<vmem>> -> memref<512xi32, #tpu.memory_space<vmem>>
    %dma_wait3A_300 = arith.constant 0 : i32
    %dma_wait3A_301 = arith.constant 0 : i32
    %dma_wait3A_302 = tpu.memref_slice %arg10[%dma_wait3A_300, %dma_wait3A_301] : memref<10240x16xf32, #tpu.memory_space<vmem_shared>> -> memref<10240x16xf32, #tpu.memory_space<vmem_shared>>
    tpu.wait_indirect_dma semaphore(%arg22 : memref<!tpu.dma_semaphore, #tpu.memory_space<semaphore_mem>>) src(%dma_wait3A_297 : memref<512x16xf32, #tpu.memory_space<vmem>>) dst(%dma_wait3A_302 : memref<10240x16xf32, #tpu.memory_space<vmem_shared>>)
    %dma_start3A_303 = arith.constant 0 : i32
    %dma_start3A_304 = arith.constant 0 : i32
    %dma_start3A_305 = tpu.memref_slice %arg14[%dma_start3A_303, %dma_start3A_304] : memref<512x16xf32, #tpu.memory_space<vmem>> -> memref<512x16xf32, #tpu.memory_space<vmem>>
    %dma_start3A_306 = arith.constant 5632 : i32
    %dma_start3A_307 = tpu.memref_slice %arg7[%dma_start3A_306] : memref<10000xi32, #tpu.memory_space<vmem>> -> memref<512xi32, #tpu.memory_space<vmem>>
    %dma_start3A_308 = arith.constant 0 : i32
    %dma_start3A_309 = arith.constant 0 : i32
    %dma_start3A_310 = tpu.memref_slice %arg2[%dma_start3A_308, %dma_start3A_309] : memref<10000x16xf32, #tpu.memory_space<hbm>> -> memref<10000x16xf32, #tpu.memory_space<hbm>>
    tpu.enqueue_indirect_dma source(%dma_start3A_310 : memref<10000x16xf32, #tpu.memory_space<hbm>>) target(%dma_start3A_305 : memref<512x16xf32, #tpu.memory_space<vmem>>) offsets(%dma_start3A_307 : memref<512xi32, #tpu.memory_space<vmem>>) semaphore(%arg18 : memref<!tpu.dma_semaphore, #tpu.memory_space<semaphore_mem>>)
    %dma_wait3A_311 = arith.constant 0 : i32
    %dma_wait3A_312 = arith.constant 0 : i32
    %dma_wait3A_313 = tpu.memref_slice %arg12[%dma_wait3A_311, %dma_wait3A_312] : memref<512x16xf32, #tpu.memory_space<vmem>> -> memref<512x16xf32, #tpu.memory_space<vmem>>
    %dma_wait3A_314 = arith.constant 4608 : i32
    %dma_wait3A_315 = tpu.memref_slice %arg7[%dma_wait3A_314] : memref<10000xi32, #tpu.memory_space<vmem>> -> memref<512xi32, #tpu.memory_space<vmem>>
    %dma_wait3A_316 = arith.constant 0 : i32
    %dma_wait3A_317 = arith.constant 0 : i32
    %dma_wait3A_318 = tpu.memref_slice %arg2[%dma_wait3A_316, %dma_wait3A_317] : memref<10000x16xf32, #tpu.memory_space<hbm>> -> memref<10000x16xf32, #tpu.memory_space<hbm>>
    tpu.wait_indirect_dma semaphore(%arg16 : memref<!tpu.dma_semaphore, #tpu.memory_space<semaphore_mem>>) src(%dma_wait3A_318 : memref<10000x16xf32, #tpu.memory_space<hbm>>) dst(%dma_wait3A_313 : memref<512x16xf32, #tpu.memory_space<vmem>>)
    %dma_start3A_319 = arith.constant 0 : i32
    %dma_start3A_320 = arith.constant 0 : i32
    %dma_start3A_321 = tpu.memref_slice %arg12[%dma_start3A_319, %dma_start3A_320] : memref<512x16xf32, #tpu.memory_space<vmem>> -> memref<512x16xf32, #tpu.memory_space<vmem>>
    %dma_start3A_322 = arith.constant 4608 : i32
    %dma_start3A_323 = tpu.memref_slice %arg8[%dma_start3A_322] : memref<10000xi32, #tpu.memory_space<vmem>> -> memref<512xi32, #tpu.memory_space<vmem>>
    %dma_start3A_324 = arith.constant 0 : i32
    %dma_start3A_325 = arith.constant 0 : i32
    %dma_start3A_326 = tpu.memref_slice %arg10[%dma_start3A_324, %dma_start3A_325] : memref<10240x16xf32, #tpu.memory_space<vmem_shared>> -> memref<10240x16xf32, #tpu.memory_space<vmem_shared>>
    tpu.enqueue_indirect_dma source(%dma_start3A_321 : memref<512x16xf32, #tpu.memory_space<vmem>>) target(%dma_start3A_326 : memref<10240x16xf32, #tpu.memory_space<vmem_shared>>) offsets(%dma_start3A_323 : memref<512xi32, #tpu.memory_space<vmem>>) semaphore(%arg20 : memref<!tpu.dma_semaphore, #tpu.memory_space<semaphore_mem>>) {add = true}
    %dma_wait3A_327 = arith.constant 0 : i32
    %dma_wait3A_328 = arith.constant 0 : i32
    %dma_wait3A_329 = tpu.memref_slice %arg11[%dma_wait3A_327, %dma_wait3A_328] : memref<512x16xf32, #tpu.memory_space<vmem>> -> memref<512x16xf32, #tpu.memory_space<vmem>>
    %dma_wait3A_330 = arith.constant 4096 : i32
    %dma_wait3A_331 = tpu.memref_slice %arg8[%dma_wait3A_330] : memref<10000xi32, #tpu.memory_space<vmem>> -> memref<512xi32, #tpu.memory_space<vmem>>
    %dma_wait3A_332 = arith.constant 0 : i32
    %dma_wait3A_333 = arith.constant 0 : i32
    %dma_wait3A_334 = tpu.memref_slice %arg10[%dma_wait3A_332, %dma_wait3A_333] : memref<10240x16xf32, #tpu.memory_space<vmem_shared>> -> memref<10240x16xf32, #tpu.memory_space<vmem_shared>>
    tpu.wait_indirect_dma semaphore(%arg19 : memref<!tpu.dma_semaphore, #tpu.memory_space<semaphore_mem>>) src(%dma_wait3A_329 : memref<512x16xf32, #tpu.memory_space<vmem>>) dst(%dma_wait3A_334 : memref<10240x16xf32, #tpu.memory_space<vmem_shared>>)
    %dma_start3A_335 = arith.constant 0 : i32
    %dma_start3A_336 = arith.constant 0 : i32
    %dma_start3A_337 = tpu.memref_slice %arg11[%dma_start3A_335, %dma_start3A_336] : memref<512x16xf32, #tpu.memory_space<vmem>> -> memref<512x16xf32, #tpu.memory_space<vmem>>
    %dma_start3A_338 = arith.constant 6144 : i32
    %dma_start3A_339 = tpu.memref_slice %arg7[%dma_start3A_338] : memref<10000xi32, #tpu.memory_space<vmem>> -> memref<512xi32, #tpu.memory_space<vmem>>
    %dma_start3A_340 = arith.constant 0 : i32
    %dma_start3A_341 = arith.constant 0 : i32
    %dma_start3A_342 = tpu.memref_slice %arg2[%dma_start3A_340, %dma_start3A_341] : memref<10000x16xf32, #tpu.memory_space<hbm>> -> memref<10000x16xf32, #tpu.memory_space<hbm>>
    tpu.enqueue_indirect_dma source(%dma_start3A_342 : memref<10000x16xf32, #tpu.memory_space<hbm>>) target(%dma_start3A_337 : memref<512x16xf32, #tpu.memory_space<vmem>>) offsets(%dma_start3A_339 : memref<512xi32, #tpu.memory_space<vmem>>) semaphore(%arg15 : memref<!tpu.dma_semaphore, #tpu.memory_space<semaphore_mem>>)
    %dma_wait3A_343 = arith.constant 0 : i32
    %dma_wait3A_344 = arith.constant 0 : i32
    %dma_wait3A_345 = tpu.memref_slice %arg13[%dma_wait3A_343, %dma_wait3A_344] : memref<512x16xf32, #tpu.memory_space<vmem>> -> memref<512x16xf32, #tpu.memory_space<vmem>>
    %dma_wait3A_346 = arith.constant 5120 : i32
    %dma_wait3A_347 = tpu.memref_slice %arg7[%dma_wait3A_346] : memref<10000xi32, #tpu.memory_space<vmem>> -> memref<512xi32, #tpu.memory_space<vmem>>
    %dma_wait3A_348 = arith.constant 0 : i32
    %dma_wait3A_349 = arith.constant 0 : i32
    %dma_wait3A_350 = tpu.memref_slice %arg2[%dma_wait3A_348, %dma_wait3A_349] : memref<10000x16xf32, #tpu.memory_space<hbm>> -> memref<10000x16xf32, #tpu.memory_space<hbm>>
    tpu.wait_indirect_dma semaphore(%arg17 : memref<!tpu.dma_semaphore, #tpu.memory_space<semaphore_mem>>) src(%dma_wait3A_350 : memref<10000x16xf32, #tpu.memory_space<hbm>>) dst(%dma_wait3A_345 : memref<512x16xf32, #tpu.memory_space<vmem>>)
    %dma_start3A_351 = arith.constant 0 : i32
    %dma_start3A_352 = arith.constant 0 : i32
    %dma_start3A_353 = tpu.memref_slice %arg13[%dma_start3A_351, %dma_start3A_352] : memref<512x16xf32, #tpu.memory_space<vmem>> -> memref<512x16xf32, #tpu.memory_space<vmem>>
    %dma_start3A_354 = arith.constant 5120 : i32
    %dma_start3A_355 = tpu.memref_slice %arg8[%dma_start3A_354] : memref<10000xi32, #tpu.memory_space<vmem>> -> memref<512xi32, #tpu.memory_space<vmem>>
    %dma_start3A_356 = arith.constant 0 : i32
    %dma_start3A_357 = arith.constant 0 : i32
    %dma_start3A_358 = tpu.memref_slice %arg10[%dma_start3A_356, %dma_start3A_357] : memref<10240x16xf32, #tpu.memory_space<vmem_shared>> -> memref<10240x16xf32, #tpu.memory_space<vmem_shared>>
    tpu.enqueue_indirect_dma source(%dma_start3A_353 : memref<512x16xf32, #tpu.memory_space<vmem>>) target(%dma_start3A_358 : memref<10240x16xf32, #tpu.memory_space<vmem_shared>>) offsets(%dma_start3A_355 : memref<512xi32, #tpu.memory_space<vmem>>) semaphore(%arg21 : memref<!tpu.dma_semaphore, #tpu.memory_space<semaphore_mem>>) {add = true}
    %dma_wait3A_359 = arith.constant 0 : i32
    %dma_wait3A_360 = arith.constant 0 : i32
    %dma_wait3A_361 = tpu.memref_slice %arg12[%dma_wait3A_359, %dma_wait3A_360] : memref<512x16xf32, #tpu.memory_space<vmem>> -> memref<512x16xf32, #tpu.memory_space<vmem>>
    %dma_wait3A_362 = arith.constant 4608 : i32
    %dma_wait3A_363 = tpu.memref_slice %arg8[%dma_wait3A_362] : memref<10000xi32, #tpu.memory_space<vmem>> -> memref<512xi32, #tpu.memory_space<vmem>>
    %dma_wait3A_364 = arith.constant 0 : i32
    %dma_wait3A_365 = arith.constant 0 : i32
    %dma_wait3A_366 = tpu.memref_slice %arg10[%dma_wait3A_364, %dma_wait3A_365] : memref<10240x16xf32, #tpu.memory_space<vmem_shared>> -> memref<10240x16xf32, #tpu.memory_space<vmem_shared>>
    tpu.wait_indirect_dma semaphore(%arg20 : memref<!tpu.dma_semaphore, #tpu.memory_space<semaphore_mem>>) src(%dma_wait3A_361 : memref<512x16xf32, #tpu.memory_space<vmem>>) dst(%dma_wait3A_366 : memref<10240x16xf32, #tpu.memory_space<vmem_shared>>)
    %dma_start3A_367 = arith.constant 0 : i32
    %dma_start3A_368 = arith.constant 0 : i32
    %dma_start3A_369 = tpu.memref_slice %arg12[%dma_start3A_367, %dma_start3A_368] : memref<512x16xf32, #tpu.memory_space<vmem>> -> memref<512x16xf32, #tpu.memory_space<vmem>>
    %dma_start3A_370 = arith.constant 6656 : i32
    %dma_start3A_371 = tpu.memref_slice %arg7[%dma_start3A_370] : memref<10000xi32, #tpu.memory_space<vmem>> -> memref<512xi32, #tpu.memory_space<vmem>>
    %dma_start3A_372 = arith.constant 0 : i32
    %dma_start3A_373 = arith.constant 0 : i32
    %dma_start3A_374 = tpu.memref_slice %arg2[%dma_start3A_372, %dma_start3A_373] : memref<10000x16xf32, #tpu.memory_space<hbm>> -> memref<10000x16xf32, #tpu.memory_space<hbm>>
    tpu.enqueue_indirect_dma source(%dma_start3A_374 : memref<10000x16xf32, #tpu.memory_space<hbm>>) target(%dma_start3A_369 : memref<512x16xf32, #tpu.memory_space<vmem>>) offsets(%dma_start3A_371 : memref<512xi32, #tpu.memory_space<vmem>>) semaphore(%arg16 : memref<!tpu.dma_semaphore, #tpu.memory_space<semaphore_mem>>)
    %dma_wait3A_375 = arith.constant 0 : i32
    %dma_wait3A_376 = arith.constant 0 : i32
    %dma_wait3A_377 = tpu.memref_slice %arg14[%dma_wait3A_375, %dma_wait3A_376] : memref<512x16xf32, #tpu.memory_space<vmem>> -> memref<512x16xf32, #tpu.memory_space<vmem>>
    %dma_wait3A_378 = arith.constant 5632 : i32
    %dma_wait3A_379 = tpu.memref_slice %arg7[%dma_wait3A_378] : memref<10000xi32, #tpu.memory_space<vmem>> -> memref<512xi32, #tpu.memory_space<vmem>>
    %dma_wait3A_380 = arith.constant 0 : i32
    %dma_wait3A_381 = arith.constant 0 : i32
    %dma_wait3A_382 = tpu.memref_slice %arg2[%dma_wait3A_380, %dma_wait3A_381] : memref<10000x16xf32, #tpu.memory_space<hbm>> -> memref<10000x16xf32, #tpu.memory_space<hbm>>
    tpu.wait_indirect_dma semaphore(%arg18 : memref<!tpu.dma_semaphore, #tpu.memory_space<semaphore_mem>>) src(%dma_wait3A_382 : memref<10000x16xf32, #tpu.memory_space<hbm>>) dst(%dma_wait3A_377 : memref<512x16xf32, #tpu.memory_space<vmem>>)
    %dma_start3A_383 = arith.constant 0 : i32
    %dma_start3A_384 = arith.constant 0 : i32
    %dma_start3A_385 = tpu.memref_slice %arg14[%dma_start3A_383, %dma_start3A_384] : memref<512x16xf32, #tpu.memory_space<vmem>> -> memref<512x16xf32, #tpu.memory_space<vmem>>
    %dma_start3A_386 = arith.constant 5632 : i32
    %dma_start3A_387 = tpu.memref_slice %arg8[%dma_start3A_386] : memref<10000xi32, #tpu.memory_space<vmem>> -> memref<512xi32, #tpu.memory_space<vmem>>
    %dma_start3A_388 = arith.constant 0 : i32
    %dma_start3A_389 = arith.constant 0 : i32
    %dma_start3A_390 = tpu.memref_slice %arg10[%dma_start3A_388, %dma_start3A_389] : memref<10240x16xf32, #tpu.memory_space<vmem_shared>> -> memref<10240x16xf32, #tpu.memory_space<vmem_shared>>
    tpu.enqueue_indirect_dma source(%dma_start3A_385 : memref<512x16xf32, #tpu.memory_space<vmem>>) target(%dma_start3A_390 : memref<10240x16xf32, #tpu.memory_space<vmem_shared>>) offsets(%dma_start3A_387 : memref<512xi32, #tpu.memory_space<vmem>>) semaphore(%arg22 : memref<!tpu.dma_semaphore, #tpu.memory_space<semaphore_mem>>) {add = true}
    %dma_wait3A_391 = arith.constant 0 : i32
    %dma_wait3A_392 = arith.constant 0 : i32
    %dma_wait3A_393 = tpu.memref_slice %arg13[%dma_wait3A_391, %dma_wait3A_392] : memref<512x16xf32, #tpu.memory_space<vmem>> -> memref<512x16xf32, #tpu.memory_space<vmem>>
    %dma_wait3A_394 = arith.constant 5120 : i32
    %dma_wait3A_395 = tpu.memref_slice %arg8[%dma_wait3A_394] : memref<10000xi32, #tpu.memory_space<vmem>> -> memref<512xi32, #tpu.memory_space<vmem>>
    %dma_wait3A_396 = arith.constant 0 : i32
    %dma_wait3A_397 = arith.constant 0 : i32
    %dma_wait3A_398 = tpu.memref_slice %arg10[%dma_wait3A_396, %dma_wait3A_397] : memref<10240x16xf32, #tpu.memory_space<vmem_shared>> -> memref<10240x16xf32, #tpu.memory_space<vmem_shared>>
    tpu.wait_indirect_dma semaphore(%arg21 : memref<!tpu.dma_semaphore, #tpu.memory_space<semaphore_mem>>) src(%dma_wait3A_393 : memref<512x16xf32, #tpu.memory_space<vmem>>) dst(%dma_wait3A_398 : memref<10240x16xf32, #tpu.memory_space<vmem_shared>>)
    %dma_start3A_399 = arith.constant 0 : i32
    %dma_start3A_400 = arith.constant 0 : i32
    %dma_start3A_401 = tpu.memref_slice %arg13[%dma_start3A_399, %dma_start3A_400] : memref<512x16xf32, #tpu.memory_space<vmem>> -> memref<512x16xf32, #tpu.memory_space<vmem>>
    %dma_start3A_402 = arith.constant 7168 : i32
    %dma_start3A_403 = tpu.memref_slice %arg7[%dma_start3A_402] : memref<10000xi32, #tpu.memory_space<vmem>> -> memref<512xi32, #tpu.memory_space<vmem>>
    %dma_start3A_404 = arith.constant 0 : i32
    %dma_start3A_405 = arith.constant 0 : i32
    %dma_start3A_406 = tpu.memref_slice %arg2[%dma_start3A_404, %dma_start3A_405] : memref<10000x16xf32, #tpu.memory_space<hbm>> -> memref<10000x16xf32, #tpu.memory_space<hbm>>
    tpu.enqueue_indirect_dma source(%dma_start3A_406 : memref<10000x16xf32, #tpu.memory_space<hbm>>) target(%dma_start3A_401 : memref<512x16xf32, #tpu.memory_space<vmem>>) offsets(%dma_start3A_403 : memref<512xi32, #tpu.memory_space<vmem>>) semaphore(%arg17 : memref<!tpu.dma_semaphore, #tpu.memory_space<semaphore_mem>>)
    %dma_wait3A_407 = arith.constant 0 : i32
    %dma_wait3A_408 = arith.constant 0 : i32
    %dma_wait3A_409 = tpu.memref_slice %arg11[%dma_wait3A_407, %dma_wait3A_408] : memref<512x16xf32, #tpu.memory_space<vmem>> -> memref<512x16xf32, #tpu.memory_space<vmem>>
    %dma_wait3A_410 = arith.constant 6144 : i32
    %dma_wait3A_411 = tpu.memref_slice %arg7[%dma_wait3A_410] : memref<10000xi32, #tpu.memory_space<vmem>> -> memref<512xi32, #tpu.memory_space<vmem>>
    %dma_wait3A_412 = arith.constant 0 : i32
    %dma_wait3A_413 = arith.constant 0 : i32
    %dma_wait3A_414 = tpu.memref_slice %arg2[%dma_wait3A_412, %dma_wait3A_413] : memref<10000x16xf32, #tpu.memory_space<hbm>> -> memref<10000x16xf32, #tpu.memory_space<hbm>>
    tpu.wait_indirect_dma semaphore(%arg15 : memref<!tpu.dma_semaphore, #tpu.memory_space<semaphore_mem>>) src(%dma_wait3A_414 : memref<10000x16xf32, #tpu.memory_space<hbm>>) dst(%dma_wait3A_409 : memref<512x16xf32, #tpu.memory_space<vmem>>)
    %dma_start3A_415 = arith.constant 0 : i32
    %dma_start3A_416 = arith.constant 0 : i32
    %dma_start3A_417 = tpu.memref_slice %arg11[%dma_start3A_415, %dma_start3A_416] : memref<512x16xf32, #tpu.memory_space<vmem>> -> memref<512x16xf32, #tpu.memory_space<vmem>>
    %dma_start3A_418 = arith.constant 6144 : i32
    %dma_start3A_419 = tpu.memref_slice %arg8[%dma_start3A_418] : memref<10000xi32, #tpu.memory_space<vmem>> -> memref<512xi32, #tpu.memory_space<vmem>>
    %dma_start3A_420 = arith.constant 0 : i32
    %dma_start3A_421 = arith.constant 0 : i32
    %dma_start3A_422 = tpu.memref_slice %arg10[%dma_start3A_420, %dma_start3A_421] : memref<10240x16xf32, #tpu.memory_space<vmem_shared>> -> memref<10240x16xf32, #tpu.memory_space<vmem_shared>>
    tpu.enqueue_indirect_dma source(%dma_start3A_417 : memref<512x16xf32, #tpu.memory_space<vmem>>) target(%dma_start3A_422 : memref<10240x16xf32, #tpu.memory_space<vmem_shared>>) offsets(%dma_start3A_419 : memref<512xi32, #tpu.memory_space<vmem>>) semaphore(%arg19 : memref<!tpu.dma_semaphore, #tpu.memory_space<semaphore_mem>>) {add = true}
    %dma_wait3A_423 = arith.constant 0 : i32
    %dma_wait3A_424 = arith.constant 0 : i32
    %dma_wait3A_425 = tpu.memref_slice %arg14[%dma_wait3A_423, %dma_wait3A_424] : memref<512x16xf32, #tpu.memory_space<vmem>> -> memref<512x16xf32, #tpu.memory_space<vmem>>
    %dma_wait3A_426 = arith.constant 5632 : i32
    %dma_wait3A_427 = tpu.memref_slice %arg8[%dma_wait3A_426] : memref<10000xi32, #tpu.memory_space<vmem>> -> memref<512xi32, #tpu.memory_space<vmem>>
    %dma_wait3A_428 = arith.constant 0 : i32
    %dma_wait3A_429 = arith.constant 0 : i32
    %dma_wait3A_430 = tpu.memref_slice %arg10[%dma_wait3A_428, %dma_wait3A_429] : memref<10240x16xf32, #tpu.memory_space<vmem_shared>> -> memref<10240x16xf32, #tpu.memory_space<vmem_shared>>
    tpu.wait_indirect_dma semaphore(%arg22 : memref<!tpu.dma_semaphore, #tpu.memory_space<semaphore_mem>>) src(%dma_wait3A_425 : memref<512x16xf32, #tpu.memory_space<vmem>>) dst(%dma_wait3A_430 : memref<10240x16xf32, #tpu.memory_space<vmem_shared>>)
    %dma_start3A_431 = arith.constant 0 : i32
    %dma_start3A_432 = arith.constant 0 : i32
    %dma_start3A_433 = tpu.memref_slice %arg14[%dma_start3A_431, %dma_start3A_432] : memref<512x16xf32, #tpu.memory_space<vmem>> -> memref<512x16xf32, #tpu.memory_space<vmem>>
    %dma_start3A_434 = arith.constant 7680 : i32
    %dma_start3A_435 = tpu.memref_slice %arg7[%dma_start3A_434] : memref<10000xi32, #tpu.memory_space<vmem>> -> memref<512xi32, #tpu.memory_space<vmem>>
    %dma_start3A_436 = arith.constant 0 : i32
    %dma_start3A_437 = arith.constant 0 : i32
    %dma_start3A_438 = tpu.memref_slice %arg2[%dma_start3A_436, %dma_start3A_437] : memref<10000x16xf32, #tpu.memory_space<hbm>> -> memref<10000x16xf32, #tpu.memory_space<hbm>>
    tpu.enqueue_indirect_dma source(%dma_start3A_438 : memref<10000x16xf32, #tpu.memory_space<hbm>>) target(%dma_start3A_433 : memref<512x16xf32, #tpu.memory_space<vmem>>) offsets(%dma_start3A_435 : memref<512xi32, #tpu.memory_space<vmem>>) semaphore(%arg18 : memref<!tpu.dma_semaphore, #tpu.memory_space<semaphore_mem>>)
    %dma_wait3A_439 = arith.constant 0 : i32
    %dma_wait3A_440 = arith.constant 0 : i32
    %dma_wait3A_441 = tpu.memref_slice %arg12[%dma_wait3A_439, %dma_wait3A_440] : memref<512x16xf32, #tpu.memory_space<vmem>> -> memref<512x16xf32, #tpu.memory_space<vmem>>
    %dma_wait3A_442 = arith.constant 6656 : i32
    %dma_wait3A_443 = tpu.memref_slice %arg7[%dma_wait3A_442] : memref<10000xi32, #tpu.memory_space<vmem>> -> memref<512xi32, #tpu.memory_space<vmem>>
    %dma_wait3A_444 = arith.constant 0 : i32
    %dma_wait3A_445 = arith.constant 0 : i32
    %dma_wait3A_446 = tpu.memref_slice %arg2[%dma_wait3A_444, %dma_wait3A_445] : memref<10000x16xf32, #tpu.memory_space<hbm>> -> memref<10000x16xf32, #tpu.memory_space<hbm>>
    tpu.wait_indirect_dma semaphore(%arg16 : memref<!tpu.dma_semaphore, #tpu.memory_space<semaphore_mem>>) src(%dma_wait3A_446 : memref<10000x16xf32, #tpu.memory_space<hbm>>) dst(%dma_wait3A_441 : memref<512x16xf32, #tpu.memory_space<vmem>>)
    %dma_start3A_447 = arith.constant 0 : i32
    %dma_start3A_448 = arith.constant 0 : i32
    %dma_start3A_449 = tpu.memref_slice %arg12[%dma_start3A_447, %dma_start3A_448] : memref<512x16xf32, #tpu.memory_space<vmem>> -> memref<512x16xf32, #tpu.memory_space<vmem>>
    %dma_start3A_450 = arith.constant 6656 : i32
    %dma_start3A_451 = tpu.memref_slice %arg8[%dma_start3A_450] : memref<10000xi32, #tpu.memory_space<vmem>> -> memref<512xi32, #tpu.memory_space<vmem>>
    %dma_start3A_452 = arith.constant 0 : i32
    %dma_start3A_453 = arith.constant 0 : i32
    %dma_start3A_454 = tpu.memref_slice %arg10[%dma_start3A_452, %dma_start3A_453] : memref<10240x16xf32, #tpu.memory_space<vmem_shared>> -> memref<10240x16xf32, #tpu.memory_space<vmem_shared>>
    tpu.enqueue_indirect_dma source(%dma_start3A_449 : memref<512x16xf32, #tpu.memory_space<vmem>>) target(%dma_start3A_454 : memref<10240x16xf32, #tpu.memory_space<vmem_shared>>) offsets(%dma_start3A_451 : memref<512xi32, #tpu.memory_space<vmem>>) semaphore(%arg20 : memref<!tpu.dma_semaphore, #tpu.memory_space<semaphore_mem>>) {add = true}
    %dma_wait3A_455 = arith.constant 0 : i32
    %dma_wait3A_456 = arith.constant 0 : i32
    %dma_wait3A_457 = tpu.memref_slice %arg11[%dma_wait3A_455, %dma_wait3A_456] : memref<512x16xf32, #tpu.memory_space<vmem>> -> memref<512x16xf32, #tpu.memory_space<vmem>>
    %dma_wait3A_458 = arith.constant 6144 : i32
    %dma_wait3A_459 = tpu.memref_slice %arg8[%dma_wait3A_458] : memref<10000xi32, #tpu.memory_space<vmem>> -> memref<512xi32, #tpu.memory_space<vmem>>
    %dma_wait3A_460 = arith.constant 0 : i32
    %dma_wait3A_461 = arith.constant 0 : i32
    %dma_wait3A_462 = tpu.memref_slice %arg10[%dma_wait3A_460, %dma_wait3A_461] : memref<10240x16xf32, #tpu.memory_space<vmem_shared>> -> memref<10240x16xf32, #tpu.memory_space<vmem_shared>>
    tpu.wait_indirect_dma semaphore(%arg19 : memref<!tpu.dma_semaphore, #tpu.memory_space<semaphore_mem>>) src(%dma_wait3A_457 : memref<512x16xf32, #tpu.memory_space<vmem>>) dst(%dma_wait3A_462 : memref<10240x16xf32, #tpu.memory_space<vmem_shared>>)
    %dma_start3A_463 = arith.constant 0 : i32
    %dma_start3A_464 = arith.constant 0 : i32
    %dma_start3A_465 = tpu.memref_slice %arg11[%dma_start3A_463, %dma_start3A_464] : memref<512x16xf32, #tpu.memory_space<vmem>> -> memref<512x16xf32, #tpu.memory_space<vmem>>
    %dma_start3A_466 = arith.constant 8192 : i32
    %dma_start3A_467 = tpu.memref_slice %arg7[%dma_start3A_466] : memref<10000xi32, #tpu.memory_space<vmem>> -> memref<512xi32, #tpu.memory_space<vmem>>
    %dma_start3A_468 = arith.constant 0 : i32
    %dma_start3A_469 = arith.constant 0 : i32
    %dma_start3A_470 = tpu.memref_slice %arg2[%dma_start3A_468, %dma_start3A_469] : memref<10000x16xf32, #tpu.memory_space<hbm>> -> memref<10000x16xf32, #tpu.memory_space<hbm>>
    tpu.enqueue_indirect_dma source(%dma_start3A_470 : memref<10000x16xf32, #tpu.memory_space<hbm>>) target(%dma_start3A_465 : memref<512x16xf32, #tpu.memory_space<vmem>>) offsets(%dma_start3A_467 : memref<512xi32, #tpu.memory_space<vmem>>) semaphore(%arg15 : memref<!tpu.dma_semaphore, #tpu.memory_space<semaphore_mem>>)
    %dma_wait3A_471 = arith.constant 0 : i32
    %dma_wait3A_472 = arith.constant 0 : i32
    %dma_wait3A_473 = tpu.memref_slice %arg13[%dma_wait3A_471, %dma_wait3A_472] : memref<512x16xf32, #tpu.memory_space<vmem>> -> memref<512x16xf32, #tpu.memory_space<vmem>>
    %dma_wait3A_474 = arith.constant 7168 : i32
    %dma_wait3A_475 = tpu.memref_slice %arg7[%dma_wait3A_474] : memref<10000xi32, #tpu.memory_space<vmem>> -> memref<512xi32, #tpu.memory_space<vmem>>
    %dma_wait3A_476 = arith.constant 0 : i32
    %dma_wait3A_477 = arith.constant 0 : i32
    %dma_wait3A_478 = tpu.memref_slice %arg2[%dma_wait3A_476, %dma_wait3A_477] : memref<10000x16xf32, #tpu.memory_space<hbm>> -> memref<10000x16xf32, #tpu.memory_space<hbm>>
    tpu.wait_indirect_dma semaphore(%arg17 : memref<!tpu.dma_semaphore, #tpu.memory_space<semaphore_mem>>) src(%dma_wait3A_478 : memref<10000x16xf32, #tpu.memory_space<hbm>>) dst(%dma_wait3A_473 : memref<512x16xf32, #tpu.memory_space<vmem>>)
    %dma_start3A_479 = arith.constant 0 : i32
    %dma_start3A_480 = arith.constant 0 : i32
    %dma_start3A_481 = tpu.memref_slice %arg13[%dma_start3A_479, %dma_start3A_480] : memref<512x16xf32, #tpu.memory_space<vmem>> -> memref<512x16xf32, #tpu.memory_space<vmem>>
    %dma_start3A_482 = arith.constant 7168 : i32
    %dma_start3A_483 = tpu.memref_slice %arg8[%dma_start3A_482] : memref<10000xi32, #tpu.memory_space<vmem>> -> memref<512xi32, #tpu.memory_space<vmem>>
    %dma_start3A_484 = arith.constant 0 : i32
    %dma_start3A_485 = arith.constant 0 : i32
    %dma_start3A_486 = tpu.memref_slice %arg10[%dma_start3A_484, %dma_start3A_485] : memref<10240x16xf32, #tpu.memory_space<vmem_shared>> -> memref<10240x16xf32, #tpu.memory_space<vmem_shared>>
    tpu.enqueue_indirect_dma source(%dma_start3A_481 : memref<512x16xf32, #tpu.memory_space<vmem>>) target(%dma_start3A_486 : memref<10240x16xf32, #tpu.memory_space<vmem_shared>>) offsets(%dma_start3A_483 : memref<512xi32, #tpu.memory_space<vmem>>) semaphore(%arg21 : memref<!tpu.dma_semaphore, #tpu.memory_space<semaphore_mem>>) {add = true}
    %dma_wait3A_487 = arith.constant 0 : i32
    %dma_wait3A_488 = arith.constant 0 : i32
    %dma_wait3A_489 = tpu.memref_slice %arg12[%dma_wait3A_487, %dma_wait3A_488] : memref<512x16xf32, #tpu.memory_space<vmem>> -> memref<512x16xf32, #tpu.memory_space<vmem>>
    %dma_wait3A_490 = arith.constant 6656 : i32
    %dma_wait3A_491 = tpu.memref_slice %arg8[%dma_wait3A_490] : memref<10000xi32, #tpu.memory_space<vmem>> -> memref<512xi32, #tpu.memory_space<vmem>>
    %dma_wait3A_492 = arith.constant 0 : i32
    %dma_wait3A_493 = arith.constant 0 : i32
    %dma_wait3A_494 = tpu.memref_slice %arg10[%dma_wait3A_492, %dma_wait3A_493] : memref<10240x16xf32, #tpu.memory_space<vmem_shared>> -> memref<10240x16xf32, #tpu.memory_space<vmem_shared>>
    tpu.wait_indirect_dma semaphore(%arg20 : memref<!tpu.dma_semaphore, #tpu.memory_space<semaphore_mem>>) src(%dma_wait3A_489 : memref<512x16xf32, #tpu.memory_space<vmem>>) dst(%dma_wait3A_494 : memref<10240x16xf32, #tpu.memory_space<vmem_shared>>)
    %dma_start3A_495 = arith.constant 0 : i32
    %dma_start3A_496 = arith.constant 0 : i32
    %dma_start3A_497 = tpu.memref_slice %arg12[%dma_start3A_495, %dma_start3A_496] : memref<512x16xf32, #tpu.memory_space<vmem>> -> memref<512x16xf32, #tpu.memory_space<vmem>>
    %dma_start3A_498 = arith.constant 8704 : i32
    %dma_start3A_499 = tpu.memref_slice %arg7[%dma_start3A_498] : memref<10000xi32, #tpu.memory_space<vmem>> -> memref<512xi32, #tpu.memory_space<vmem>>
    %dma_start3A_500 = arith.constant 0 : i32
    %dma_start3A_501 = arith.constant 0 : i32
    %dma_start3A_502 = tpu.memref_slice %arg2[%dma_start3A_500, %dma_start3A_501] : memref<10000x16xf32, #tpu.memory_space<hbm>> -> memref<10000x16xf32, #tpu.memory_space<hbm>>
    tpu.enqueue_indirect_dma source(%dma_start3A_502 : memref<10000x16xf32, #tpu.memory_space<hbm>>) target(%dma_start3A_497 : memref<512x16xf32, #tpu.memory_space<vmem>>) offsets(%dma_start3A_499 : memref<512xi32, #tpu.memory_space<vmem>>) semaphore(%arg16 : memref<!tpu.dma_semaphore, #tpu.memory_space<semaphore_mem>>)
    %dma_wait3A_503 = arith.constant 0 : i32
    %dma_wait3A_504 = arith.constant 0 : i32
    %dma_wait3A_505 = tpu.memref_slice %arg14[%dma_wait3A_503, %dma_wait3A_504] : memref<512x16xf32, #tpu.memory_space<vmem>> -> memref<512x16xf32, #tpu.memory_space<vmem>>
    %dma_wait3A_506 = arith.constant 7680 : i32
    %dma_wait3A_507 = tpu.memref_slice %arg7[%dma_wait3A_506] : memref<10000xi32, #tpu.memory_space<vmem>> -> memref<512xi32, #tpu.memory_space<vmem>>
    %dma_wait3A_508 = arith.constant 0 : i32
    %dma_wait3A_509 = arith.constant 0 : i32
    %dma_wait3A_510 = tpu.memref_slice %arg2[%dma_wait3A_508, %dma_wait3A_509] : memref<10000x16xf32, #tpu.memory_space<hbm>> -> memref<10000x16xf32, #tpu.memory_space<hbm>>
    tpu.wait_indirect_dma semaphore(%arg18 : memref<!tpu.dma_semaphore, #tpu.memory_space<semaphore_mem>>) src(%dma_wait3A_510 : memref<10000x16xf32, #tpu.memory_space<hbm>>) dst(%dma_wait3A_505 : memref<512x16xf32, #tpu.memory_space<vmem>>)
    %dma_start3A_511 = arith.constant 0 : i32
    %dma_start3A_512 = arith.constant 0 : i32
    %dma_start3A_513 = tpu.memref_slice %arg14[%dma_start3A_511, %dma_start3A_512] : memref<512x16xf32, #tpu.memory_space<vmem>> -> memref<512x16xf32, #tpu.memory_space<vmem>>
    %dma_start3A_514 = arith.constant 7680 : i32
    %dma_start3A_515 = tpu.memref_slice %arg8[%dma_start3A_514] : memref<10000xi32, #tpu.memory_space<vmem>> -> memref<512xi32, #tpu.memory_space<vmem>>
    %dma_start3A_516 = arith.constant 0 : i32
    %dma_start3A_517 = arith.constant 0 : i32
    %dma_start3A_518 = tpu.memref_slice %arg10[%dma_start3A_516, %dma_start3A_517] : memref<10240x16xf32, #tpu.memory_space<vmem_shared>> -> memref<10240x16xf32, #tpu.memory_space<vmem_shared>>
    tpu.enqueue_indirect_dma source(%dma_start3A_513 : memref<512x16xf32, #tpu.memory_space<vmem>>) target(%dma_start3A_518 : memref<10240x16xf32, #tpu.memory_space<vmem_shared>>) offsets(%dma_start3A_515 : memref<512xi32, #tpu.memory_space<vmem>>) semaphore(%arg22 : memref<!tpu.dma_semaphore, #tpu.memory_space<semaphore_mem>>) {add = true}
    %dma_wait3A_519 = arith.constant 0 : i32
    %dma_wait3A_520 = arith.constant 0 : i32
    %dma_wait3A_521 = tpu.memref_slice %arg13[%dma_wait3A_519, %dma_wait3A_520] : memref<512x16xf32, #tpu.memory_space<vmem>> -> memref<512x16xf32, #tpu.memory_space<vmem>>
    %dma_wait3A_522 = arith.constant 7168 : i32
    %dma_wait3A_523 = tpu.memref_slice %arg8[%dma_wait3A_522] : memref<10000xi32, #tpu.memory_space<vmem>> -> memref<512xi32, #tpu.memory_space<vmem>>
    %dma_wait3A_524 = arith.constant 0 : i32
    %dma_wait3A_525 = arith.constant 0 : i32
    %dma_wait3A_526 = tpu.memref_slice %arg10[%dma_wait3A_524, %dma_wait3A_525] : memref<10240x16xf32, #tpu.memory_space<vmem_shared>> -> memref<10240x16xf32, #tpu.memory_space<vmem_shared>>
    tpu.wait_indirect_dma semaphore(%arg21 : memref<!tpu.dma_semaphore, #tpu.memory_space<semaphore_mem>>) src(%dma_wait3A_521 : memref<512x16xf32, #tpu.memory_space<vmem>>) dst(%dma_wait3A_526 : memref<10240x16xf32, #tpu.memory_space<vmem_shared>>)
    %dma_start3A_527 = arith.constant 0 : i32
    %dma_start3A_528 = arith.constant 0 : i32
    %dma_start3A_529 = tpu.memref_slice %arg13[%dma_start3A_527, %dma_start3A_528] : memref<512x16xf32, #tpu.memory_space<vmem>> -> memref<512x16xf32, #tpu.memory_space<vmem>>
    %dma_start3A_530 = arith.constant 9216 : i32
    %dma_start3A_531 = tpu.memref_slice %arg7[%dma_start3A_530] : memref<10000xi32, #tpu.memory_space<vmem>> -> memref<512xi32, #tpu.memory_space<vmem>>
    %dma_start3A_532 = arith.constant 0 : i32
    %dma_start3A_533 = arith.constant 0 : i32
    %dma_start3A_534 = tpu.memref_slice %arg2[%dma_start3A_532, %dma_start3A_533] : memref<10000x16xf32, #tpu.memory_space<hbm>> -> memref<10000x16xf32, #tpu.memory_space<hbm>>
    tpu.enqueue_indirect_dma source(%dma_start3A_534 : memref<10000x16xf32, #tpu.memory_space<hbm>>) target(%dma_start3A_529 : memref<512x16xf32, #tpu.memory_space<vmem>>) offsets(%dma_start3A_531 : memref<512xi32, #tpu.memory_space<vmem>>) semaphore(%arg17 : memref<!tpu.dma_semaphore, #tpu.memory_space<semaphore_mem>>)
    %dma_wait3A_535 = arith.constant 0 : i32
    %dma_wait3A_536 = arith.constant 0 : i32
    %dma_wait3A_537 = tpu.memref_slice %arg11[%dma_wait3A_535, %dma_wait3A_536] : memref<512x16xf32, #tpu.memory_space<vmem>> -> memref<512x16xf32, #tpu.memory_space<vmem>>
    %dma_wait3A_538 = arith.constant 8192 : i32
    %dma_wait3A_539 = tpu.memref_slice %arg7[%dma_wait3A_538] : memref<10000xi32, #tpu.memory_space<vmem>> -> memref<512xi32, #tpu.memory_space<vmem>>
    %dma_wait3A_540 = arith.constant 0 : i32
    %dma_wait3A_541 = arith.constant 0 : i32
    %dma_wait3A_542 = tpu.memref_slice %arg2[%dma_wait3A_540, %dma_wait3A_541] : memref<10000x16xf32, #tpu.memory_space<hbm>> -> memref<10000x16xf32, #tpu.memory_space<hbm>>
    tpu.wait_indirect_dma semaphore(%arg15 : memref<!tpu.dma_semaphore, #tpu.memory_space<semaphore_mem>>) src(%dma_wait3A_542 : memref<10000x16xf32, #tpu.memory_space<hbm>>) dst(%dma_wait3A_537 : memref<512x16xf32, #tpu.memory_space<vmem>>)
    %dma_start3A_543 = arith.constant 0 : i32
    %dma_start3A_544 = arith.constant 0 : i32
    %dma_start3A_545 = tpu.memref_slice %arg11[%dma_start3A_543, %dma_start3A_544] : memref<512x16xf32, #tpu.memory_space<vmem>> -> memref<512x16xf32, #tpu.memory_space<vmem>>
    %dma_start3A_546 = arith.constant 8192 : i32
    %dma_start3A_547 = tpu.memref_slice %arg8[%dma_start3A_546] : memref<10000xi32, #tpu.memory_space<vmem>> -> memref<512xi32, #tpu.memory_space<vmem>>
    %dma_start3A_548 = arith.constant 0 : i32
    %dma_start3A_549 = arith.constant 0 : i32
    %dma_start3A_550 = tpu.memref_slice %arg10[%dma_start3A_548, %dma_start3A_549] : memref<10240x16xf32, #tpu.memory_space<vmem_shared>> -> memref<10240x16xf32, #tpu.memory_space<vmem_shared>>
    tpu.enqueue_indirect_dma source(%dma_start3A_545 : memref<512x16xf32, #tpu.memory_space<vmem>>) target(%dma_start3A_550 : memref<10240x16xf32, #tpu.memory_space<vmem_shared>>) offsets(%dma_start3A_547 : memref<512xi32, #tpu.memory_space<vmem>>) semaphore(%arg19 : memref<!tpu.dma_semaphore, #tpu.memory_space<semaphore_mem>>) {add = true}
    %dma_wait3A_551 = arith.constant 0 : i32
    %dma_wait3A_552 = arith.constant 0 : i32
    %dma_wait3A_553 = tpu.memref_slice %arg14[%dma_wait3A_551, %dma_wait3A_552] : memref<512x16xf32, #tpu.memory_space<vmem>> -> memref<512x16xf32, #tpu.memory_space<vmem>>
    %dma_wait3A_554 = arith.constant 7680 : i32
    %dma_wait3A_555 = tpu.memref_slice %arg8[%dma_wait3A_554] : memref<10000xi32, #tpu.memory_space<vmem>> -> memref<512xi32, #tpu.memory_space<vmem>>
    %dma_wait3A_556 = arith.constant 0 : i32
    %dma_wait3A_557 = arith.constant 0 : i32
    %dma_wait3A_558 = tpu.memref_slice %arg10[%dma_wait3A_556, %dma_wait3A_557] : memref<10240x16xf32, #tpu.memory_space<vmem_shared>> -> memref<10240x16xf32, #tpu.memory_space<vmem_shared>>
    tpu.wait_indirect_dma semaphore(%arg22 : memref<!tpu.dma_semaphore, #tpu.memory_space<semaphore_mem>>) src(%dma_wait3A_553 : memref<512x16xf32, #tpu.memory_space<vmem>>) dst(%dma_wait3A_558 : memref<10240x16xf32, #tpu.memory_space<vmem_shared>>)
    %dma_start3A_559 = arith.constant 0 : i32
    %dma_start3A_560 = arith.constant 0 : i32
    %dma_start3A_561 = tpu.memref_slice %arg14[%dma_start3A_559, %dma_start3A_560] : memref<512x16xf32, #tpu.memory_space<vmem>> -> memref<272x16xf32, #tpu.memory_space<vmem>>
    %dma_start3A_562 = arith.constant 9728 : i32
    %dma_start3A_563 = tpu.memref_slice %arg7[%dma_start3A_562] : memref<10000xi32, #tpu.memory_space<vmem>> -> memref<272xi32, #tpu.memory_space<vmem>>
    %dma_start3A_564 = arith.constant 0 : i32
    %dma_start3A_565 = arith.constant 0 : i32
    %dma_start3A_566 = tpu.memref_slice %arg2[%dma_start3A_564, %dma_start3A_565] : memref<10000x16xf32, #tpu.memory_space<hbm>> -> memref<10000x16xf32, #tpu.memory_space<hbm>>
    tpu.enqueue_indirect_dma source(%dma_start3A_566 : memref<10000x16xf32, #tpu.memory_space<hbm>>) target(%dma_start3A_561 : memref<272x16xf32, #tpu.memory_space<vmem>>) offsets(%dma_start3A_563 : memref<272xi32, #tpu.memory_space<vmem>>) semaphore(%arg18 : memref<!tpu.dma_semaphore, #tpu.memory_space<semaphore_mem>>)
    %dma_wait3A_567 = arith.constant 0 : i32
    %dma_wait3A_568 = arith.constant 0 : i32
    %dma_wait3A_569 = tpu.memref_slice %arg12[%dma_wait3A_567, %dma_wait3A_568] : memref<512x16xf32, #tpu.memory_space<vmem>> -> memref<512x16xf32, #tpu.memory_space<vmem>>
    %dma_wait3A_570 = arith.constant 8704 : i32
    %dma_wait3A_571 = tpu.memref_slice %arg7[%dma_wait3A_570] : memref<10000xi32, #tpu.memory_space<vmem>> -> memref<512xi32, #tpu.memory_space<vmem>>
    %dma_wait3A_572 = arith.constant 0 : i32
    %dma_wait3A_573 = arith.constant 0 : i32
    %dma_wait3A_574 = tpu.memref_slice %arg2[%dma_wait3A_572, %dma_wait3A_573] : memref<10000x16xf32, #tpu.memory_space<hbm>> -> memref<10000x16xf32, #tpu.memory_space<hbm>>
    tpu.wait_indirect_dma semaphore(%arg16 : memref<!tpu.dma_semaphore, #tpu.memory_space<semaphore_mem>>) src(%dma_wait3A_574 : memref<10000x16xf32, #tpu.memory_space<hbm>>) dst(%dma_wait3A_569 : memref<512x16xf32, #tpu.memory_space<vmem>>)
    %dma_start3A_575 = arith.constant 0 : i32
    %dma_start3A_576 = arith.constant 0 : i32
    %dma_start3A_577 = tpu.memref_slice %arg12[%dma_start3A_575, %dma_start3A_576] : memref<512x16xf32, #tpu.memory_space<vmem>> -> memref<512x16xf32, #tpu.memory_space<vmem>>
    %dma_start3A_578 = arith.constant 8704 : i32
    %dma_start3A_579 = tpu.memref_slice %arg8[%dma_start3A_578] : memref<10000xi32, #tpu.memory_space<vmem>> -> memref<512xi32, #tpu.memory_space<vmem>>
    %dma_start3A_580 = arith.constant 0 : i32
    %dma_start3A_581 = arith.constant 0 : i32
    %dma_start3A_582 = tpu.memref_slice %arg10[%dma_start3A_580, %dma_start3A_581] : memref<10240x16xf32, #tpu.memory_space<vmem_shared>> -> memref<10240x16xf32, #tpu.memory_space<vmem_shared>>
    tpu.enqueue_indirect_dma source(%dma_start3A_577 : memref<512x16xf32, #tpu.memory_space<vmem>>) target(%dma_start3A_582 : memref<10240x16xf32, #tpu.memory_space<vmem_shared>>) offsets(%dma_start3A_579 : memref<512xi32, #tpu.memory_space<vmem>>) semaphore(%arg20 : memref<!tpu.dma_semaphore, #tpu.memory_space<semaphore_mem>>) {add = true}
    %dma_wait3A_583 = arith.constant 0 : i32
    %dma_wait3A_584 = arith.constant 0 : i32
    %dma_wait3A_585 = tpu.memref_slice %arg13[%dma_wait3A_583, %dma_wait3A_584] : memref<512x16xf32, #tpu.memory_space<vmem>> -> memref<512x16xf32, #tpu.memory_space<vmem>>
    %dma_wait3A_586 = arith.constant 9216 : i32
    %dma_wait3A_587 = tpu.memref_slice %arg7[%dma_wait3A_586] : memref<10000xi32, #tpu.memory_space<vmem>> -> memref<512xi32, #tpu.memory_space<vmem>>
    %dma_wait3A_588 = arith.constant 0 : i32
    %dma_wait3A_589 = arith.constant 0 : i32
    %dma_wait3A_590 = tpu.memref_slice %arg2[%dma_wait3A_588, %dma_wait3A_589] : memref<10000x16xf32, #tpu.memory_space<hbm>> -> memref<10000x16xf32, #tpu.memory_space<hbm>>
    tpu.wait_indirect_dma semaphore(%arg17 : memref<!tpu.dma_semaphore, #tpu.memory_space<semaphore_mem>>) src(%dma_wait3A_590 : memref<10000x16xf32, #tpu.memory_space<hbm>>) dst(%dma_wait3A_585 : memref<512x16xf32, #tpu.memory_space<vmem>>)
    %dma_start3A_591 = arith.constant 0 : i32
    %dma_start3A_592 = arith.constant 0 : i32
    %dma_start3A_593 = tpu.memref_slice %arg13[%dma_start3A_591, %dma_start3A_592] : memref<512x16xf32, #tpu.memory_space<vmem>> -> memref<512x16xf32, #tpu.memory_space<vmem>>
    %dma_start3A_594 = arith.constant 9216 : i32
    %dma_start3A_595 = tpu.memref_slice %arg8[%dma_start3A_594] : memref<10000xi32, #tpu.memory_space<vmem>> -> memref<512xi32, #tpu.memory_space<vmem>>
    %dma_start3A_596 = arith.constant 0 : i32
    %dma_start3A_597 = arith.constant 0 : i32
    %dma_start3A_598 = tpu.memref_slice %arg10[%dma_start3A_596, %dma_start3A_597] : memref<10240x16xf32, #tpu.memory_space<vmem_shared>> -> memref<10240x16xf32, #tpu.memory_space<vmem_shared>>
    tpu.enqueue_indirect_dma source(%dma_start3A_593 : memref<512x16xf32, #tpu.memory_space<vmem>>) target(%dma_start3A_598 : memref<10240x16xf32, #tpu.memory_space<vmem_shared>>) offsets(%dma_start3A_595 : memref<512xi32, #tpu.memory_space<vmem>>) semaphore(%arg21 : memref<!tpu.dma_semaphore, #tpu.memory_space<semaphore_mem>>) {add = true}
    %dma_wait3A_599 = arith.constant 0 : i32
    %dma_wait3A_600 = arith.constant 0 : i32
    %dma_wait3A_601 = tpu.memref_slice %arg14[%dma_wait3A_599, %dma_wait3A_600] : memref<512x16xf32, #tpu.memory_space<vmem>> -> memref<272x16xf32, #tpu.memory_space<vmem>>
    %dma_wait3A_602 = arith.constant 9728 : i32
    %dma_wait3A_603 = tpu.memref_slice %arg7[%dma_wait3A_602] : memref<10000xi32, #tpu.memory_space<vmem>> -> memref<272xi32, #tpu.memory_space<vmem>>
    %dma_wait3A_604 = arith.constant 0 : i32
    %dma_wait3A_605 = arith.constant 0 : i32
    %dma_wait3A_606 = tpu.memref_slice %arg2[%dma_wait3A_604, %dma_wait3A_605] : memref<10000x16xf32, #tpu.memory_space<hbm>> -> memref<10000x16xf32, #tpu.memory_space<hbm>>
    tpu.wait_indirect_dma semaphore(%arg18 : memref<!tpu.dma_semaphore, #tpu.memory_space<semaphore_mem>>) src(%dma_wait3A_606 : memref<10000x16xf32, #tpu.memory_space<hbm>>) dst(%dma_wait3A_601 : memref<272x16xf32, #tpu.memory_space<vmem>>)
    %dma_start3A_607 = arith.constant 0 : i32
    %dma_start3A_608 = arith.constant 0 : i32
    %dma_start3A_609 = tpu.memref_slice %arg14[%dma_start3A_607, %dma_start3A_608] : memref<512x16xf32, #tpu.memory_space<vmem>> -> memref<272x16xf32, #tpu.memory_space<vmem>>
    %dma_start3A_610 = arith.constant 9728 : i32
    %dma_start3A_611 = tpu.memref_slice %arg8[%dma_start3A_610] : memref<10000xi32, #tpu.memory_space<vmem>> -> memref<272xi32, #tpu.memory_space<vmem>>
    %dma_start3A_612 = arith.constant 0 : i32
    %dma_start3A_613 = arith.constant 0 : i32
    %dma_start3A_614 = tpu.memref_slice %arg10[%dma_start3A_612, %dma_start3A_613] : memref<10240x16xf32, #tpu.memory_space<vmem_shared>> -> memref<10240x16xf32, #tpu.memory_space<vmem_shared>>
    tpu.enqueue_indirect_dma source(%dma_start3A_609 : memref<272x16xf32, #tpu.memory_space<vmem>>) target(%dma_start3A_614 : memref<10240x16xf32, #tpu.memory_space<vmem_shared>>) offsets(%dma_start3A_611 : memref<272xi32, #tpu.memory_space<vmem>>) semaphore(%arg22 : memref<!tpu.dma_semaphore, #tpu.memory_space<semaphore_mem>>) {add = true}
    %dma_wait3A_615 = arith.constant 0 : i32
    %dma_wait3A_616 = arith.constant 0 : i32
    %dma_wait3A_617 = tpu.memref_slice %arg11[%dma_wait3A_615, %dma_wait3A_616] : memref<512x16xf32, #tpu.memory_space<vmem>> -> memref<512x16xf32, #tpu.memory_space<vmem>>
    %dma_wait3A_618 = arith.constant 8192 : i32
    %dma_wait3A_619 = tpu.memref_slice %arg8[%dma_wait3A_618] : memref<10000xi32, #tpu.memory_space<vmem>> -> memref<512xi32, #tpu.memory_space<vmem>>
    %dma_wait3A_620 = arith.constant 0 : i32
    %dma_wait3A_621 = arith.constant 0 : i32
    %dma_wait3A_622 = tpu.memref_slice %arg10[%dma_wait3A_620, %dma_wait3A_621] : memref<10240x16xf32, #tpu.memory_space<vmem_shared>> -> memref<10240x16xf32, #tpu.memory_space<vmem_shared>>
    tpu.wait_indirect_dma semaphore(%arg19 : memref<!tpu.dma_semaphore, #tpu.memory_space<semaphore_mem>>) src(%dma_wait3A_617 : memref<512x16xf32, #tpu.memory_space<vmem>>) dst(%dma_wait3A_622 : memref<10240x16xf32, #tpu.memory_space<vmem_shared>>)
    %dma_wait3A_623 = arith.constant 0 : i32
    %dma_wait3A_624 = arith.constant 0 : i32
    %dma_wait3A_625 = tpu.memref_slice %arg12[%dma_wait3A_623, %dma_wait3A_624] : memref<512x16xf32, #tpu.memory_space<vmem>> -> memref<512x16xf32, #tpu.memory_space<vmem>>
    %dma_wait3A_626 = arith.constant 8704 : i32
    %dma_wait3A_627 = tpu.memref_slice %arg8[%dma_wait3A_626] : memref<10000xi32, #tpu.memory_space<vmem>> -> memref<512xi32, #tpu.memory_space<vmem>>
    %dma_wait3A_628 = arith.constant 0 : i32
    %dma_wait3A_629 = arith.constant 0 : i32
    %dma_wait3A_630 = tpu.memref_slice %arg10[%dma_wait3A_628, %dma_wait3A_629] : memref<10240x16xf32, #tpu.memory_space<vmem_shared>> -> memref<10240x16xf32, #tpu.memory_space<vmem_shared>>
    tpu.wait_indirect_dma semaphore(%arg20 : memref<!tpu.dma_semaphore, #tpu.memory_space<semaphore_mem>>) src(%dma_wait3A_625 : memref<512x16xf32, #tpu.memory_space<vmem>>) dst(%dma_wait3A_630 : memref<10240x16xf32, #tpu.memory_space<vmem_shared>>)
    %dma_wait3A_631 = arith.constant 0 : i32
    %dma_wait3A_632 = arith.constant 0 : i32
    %dma_wait3A_633 = tpu.memref_slice %arg13[%dma_wait3A_631, %dma_wait3A_632] : memref<512x16xf32, #tpu.memory_space<vmem>> -> memref<512x16xf32, #tpu.memory_space<vmem>>
    %dma_wait3A_634 = arith.constant 9216 : i32
    %dma_wait3A_635 = tpu.memref_slice %arg8[%dma_wait3A_634] : memref<10000xi32, #tpu.memory_space<vmem>> -> memref<512xi32, #tpu.memory_space<vmem>>
    %dma_wait3A_636 = arith.constant 0 : i32
    %dma_wait3A_637 = arith.constant 0 : i32
    %dma_wait3A_638 = tpu.memref_slice %arg10[%dma_wait3A_636, %dma_wait3A_637] : memref<10240x16xf32, #tpu.memory_space<vmem_shared>> -> memref<10240x16xf32, #tpu.memory_space<vmem_shared>>
    tpu.wait_indirect_dma semaphore(%arg21 : memref<!tpu.dma_semaphore, #tpu.memory_space<semaphore_mem>>) src(%dma_wait3A_633 : memref<512x16xf32, #tpu.memory_space<vmem>>) dst(%dma_wait3A_638 : memref<10240x16xf32, #tpu.memory_space<vmem_shared>>)
    %dma_wait3A_639 = arith.constant 0 : i32
    %dma_wait3A_640 = arith.constant 0 : i32
    %dma_wait3A_641 = tpu.memref_slice %arg14[%dma_wait3A_639, %dma_wait3A_640] : memref<512x16xf32, #tpu.memory_space<vmem>> -> memref<272x16xf32, #tpu.memory_space<vmem>>
    %dma_wait3A_642 = arith.constant 9728 : i32
    %dma_wait3A_643 = tpu.memref_slice %arg8[%dma_wait3A_642] : memref<10000xi32, #tpu.memory_space<vmem>> -> memref<272xi32, #tpu.memory_space<vmem>>
    %dma_wait3A_644 = arith.constant 0 : i32
    %dma_wait3A_645 = arith.constant 0 : i32
    %dma_wait3A_646 = tpu.memref_slice %arg10[%dma_wait3A_644, %dma_wait3A_645] : memref<10240x16xf32, #tpu.memory_space<vmem_shared>> -> memref<10240x16xf32, #tpu.memory_space<vmem_shared>>
    tpu.wait_indirect_dma semaphore(%arg22 : memref<!tpu.dma_semaphore, #tpu.memory_space<semaphore_mem>>) src(%dma_wait3A_641 : memref<272x16xf32, #tpu.memory_space<vmem>>) dst(%dma_wait3A_646 : memref<10240x16xf32, #tpu.memory_space<vmem_shared>>)
    %barrier3A_647 = arith.constant 0 : index
    tpu.barrier barrier_id(%barrier3A_647)
    %mul3A_648 = arith.constant 640 : i32
    %mul3A_649 = arith.muli %arg1, %mul3A_648 : i32
    "tpu.region"() ({
      %run_scoped3A = tpu.sem_alloc : memref<!tpu.dma_semaphore, #tpu.memory_space<semaphore_mem>>
      %dma_start3A_652 = arith.constant 0 : i32
      %dma_start3A_653 = tpu.memref_slice %arg10[%mul3A_649, %dma_start3A_652] : memref<10240x16xf32, #tpu.memory_space<vmem_shared>> -> memref<640x16xf32, #tpu.memory_space<vmem_shared>>
      %dma_start3A_654 = arith.constant 0 : i32
      %dma_start3A_655 = tpu.memref_slice %arg10[%mul3A_649, %dma_start3A_654] : memref<10240x16xf32, #tpu.memory_space<vmem_shared>> -> memref<640x16xf32, #tpu.memory_space<vmem_shared>>
      tpu.enqueue_dma source(%dma_start3A_655 : memref<640x16xf32, #tpu.memory_space<vmem_shared>>) target(%arg9 : memref<640x16xf32, #tpu.memory_space<vmem>>) target_semaphore(%run_scoped3A : memref<!tpu.dma_semaphore, #tpu.memory_space<semaphore_mem>>)
      %dma_wait3A_656 = arith.constant 0 : i32
      %dma_wait3A_657 = tpu.memref_slice %arg10[%mul3A_649, %dma_wait3A_656] : memref<10240x16xf32, #tpu.memory_space<vmem_shared>> -> memref<640x16xf32, #tpu.memory_space<vmem_shared>>
      %dma_wait3A_658 = arith.constant 0 : i32
      %dma_wait3A_659 = tpu.memref_slice %arg10[%mul3A_649, %dma_wait3A_658] : memref<10240x16xf32, #tpu.memory_space<vmem_shared>> -> memref<640x16xf32, #tpu.memory_space<vmem_shared>>
      tpu.wait_dma2 semaphore(%run_scoped3A : memref<!tpu.dma_semaphore, #tpu.memory_space<semaphore_mem>>) src(%dma_wait3A_659 : memref<640x16xf32, #tpu.memory_space<vmem_shared>>) dst(%arg9 : memref<640x16xf32, #tpu.memory_space<vmem>>)
      tpu.yield
    }) : () -> ()
    %mul3A_650 = arith.constant 640 : i32
    %mul3A_651 = arith.muli %arg1, %mul3A_650 : i32
    "tpu.region"() ({
      %run_scoped3A = tpu.sem_alloc : memref<!tpu.dma_semaphore, #tpu.memory_space<semaphore_mem>>
      %dma_start3A_652 = arith.constant 0 : i32
      %dma_start3A_653 = tpu.memref_slice %arg6[%arg0, %mul3A_651, %dma_start3A_652] : memref<2x10240x16xf32, #tpu.memory_space<hbm>> -> memref<1x640x16xf32, #tpu.memory_space<hbm>>
      %dma_start3A_654 = tpu.memref_squeeze %dma_start3A_653 : memref<1x640x16xf32, #tpu.memory_space<hbm>> -> memref<640x16xf32, #tpu.memory_space<hbm>>
      %dma_start3A_655 = arith.constant 0 : i32
      %dma_start3A_656 = tpu.memref_slice %arg6[%arg0, %mul3A_651, %dma_start3A_655] : memref<2x10240x16xf32, #tpu.memory_space<hbm>> -> memref<1x640x16xf32, #tpu.memory_space<hbm>>
      %dma_start3A_657 = tpu.memref_squeeze %dma_start3A_656 : memref<1x640x16xf32, #tpu.memory_space<hbm>> -> memref<640x16xf32, #tpu.memory_space<hbm>>
      tpu.enqueue_dma source(%arg9 : memref<640x16xf32, #tpu.memory_space<vmem>>) target(%dma_start3A_657 : memref<640x16xf32, #tpu.memory_space<hbm>>) target_semaphore(%run_scoped3A : memref<!tpu.dma_semaphore, #tpu.memory_space<semaphore_mem>>)
      %dma_wait3A_658 = arith.constant 0 : i32
      %dma_wait3A_659 = tpu.memref_slice %arg6[%arg0, %mul3A_651, %dma_wait3A_658] : memref<2x10240x16xf32, #tpu.memory_space<hbm>> -> memref<1x640x16xf32, #tpu.memory_space<hbm>>
      %dma_wait3A_660 = tpu.memref_squeeze %dma_wait3A_659 : memref<1x640x16xf32, #tpu.memory_space<hbm>> -> memref<640x16xf32, #tpu.memory_space<hbm>>
      %dma_wait3A_661 = arith.constant 0 : i32
      %dma_wait3A_662 = tpu.memref_slice %arg6[%arg0, %mul3A_651, %dma_wait3A_661] : memref<2x10240x16xf32, #tpu.memory_space<hbm>> -> memref<1x640x16xf32, #tpu.memory_space<hbm>>
      %dma_wait3A_663 = tpu.memref_squeeze %dma_wait3A_662 : memref<1x640x16xf32, #tpu.memory_space<hbm>> -> memref<640x16xf32, #tpu.memory_space<hbm>>
      tpu.wait_dma2 semaphore(%run_scoped3A : memref<!tpu.dma_semaphore, #tpu.memory_space<semaphore_mem>>) src(%arg9 : memref<640x16xf32, #tpu.memory_space<vmem>>) dst(%dma_wait3A_663 : memref<640x16xf32, #tpu.memory_space<hbm>>)
      tpu.yield
    }) : () -> ()
    return
  }
}

#map = affine_map<(d0, d1) -> (0, 0)>
#map1 = affine_map<(d0, d1) -> (0)>
#map2 = affine_map<(d0, d1) -> (0, 0, 0)>
module attributes {stable_mosaic.version = 14 : i64} {
  func.func @agg_kernel(%arg0: i32, %arg1: i32, %arg2: memref<10000x32xf32, #tpu.memory_space<hbm>>, %arg3: memref<320000xi32, #tpu.memory_space<hbm>>, %arg4: memref<320000xi32, #tpu.memory_space<hbm>>, %arg5: memref<10240x32xf32, #tpu.memory_space<hbm>>, %arg6: memref<2x10240x32xf32, #tpu.memory_space<hbm>>, %arg7: memref<10000xi32, #tpu.memory_space<vmem>>, %arg8: memref<10000xi32, #tpu.memory_space<vmem>>, %arg9: memref<640x32xf32, #tpu.memory_space<vmem>>, %arg10: memref<10240x32xf32, #tpu.memory_space<vmem_shared>>, %arg11: memref<512x32xf32, #tpu.memory_space<vmem>>, %arg12: memref<512x32xf32, #tpu.memory_space<vmem>>, %arg13: memref<512x32xf32, #tpu.memory_space<vmem>>, %arg14: memref<512x32xf32, #tpu.memory_space<vmem>>, %arg15: memref<!tpu.dma_semaphore, #tpu.memory_space<semaphore_mem>>, %arg16: memref<!tpu.dma_semaphore, #tpu.memory_space<semaphore_mem>>, %arg17: memref<!tpu.dma_semaphore, #tpu.memory_space<semaphore_mem>>, %arg18: memref<!tpu.dma_semaphore, #tpu.memory_space<semaphore_mem>>, %arg19: memref<!tpu.dma_semaphore, #tpu.memory_space<semaphore_mem>>, %arg20: memref<!tpu.dma_semaphore, #tpu.memory_space<semaphore_mem>>, %arg21: memref<!tpu.dma_semaphore, #tpu.memory_space<semaphore_mem>>, %arg22: memref<!tpu.dma_semaphore, #tpu.memory_space<semaphore_mem>>) attributes {dimension_semantics = [#tpu.dimension_semantics<core_parallel>, #tpu.dimension_semantics<subcore_parallel>], iteration_bounds = array<i64: 2, 16>, scalar_prefetch = 0 : i64, scratch_operands = 16 : i64, tpu.core_type = #tpu.core_type<sc_vector_subcore>, window_params = [{transform_indices = #map}, {transform_indices = #map1}, {transform_indices = #map1}, {transform_indices = #map}, {transform_indices = #map2}]} {
    %mul3A = arith.constant 2 : i32
    %mul3A_0 = arith.muli %arg1, %mul3A : i32
    %add3A = arith.addi %mul3A_0, %arg0 : i32
    %mul3A_1 = arith.constant 10000 : i32
    %mul3A_2 = arith.muli %add3A, %mul3A_1 : i32
    "tpu.region"() ({
      %run_scoped3A = tpu.sem_alloc : memref<!tpu.dma_semaphore, #tpu.memory_space<semaphore_mem>>
      %dma_start3A_652 = tpu.memref_slice %arg3[%mul3A_2] : memref<320000xi32, #tpu.memory_space<hbm>> -> memref<10000xi32, #tpu.memory_space<hbm>>
      %dma_start3A_653 = tpu.memref_slice %arg3[%mul3A_2] : memref<320000xi32, #tpu.memory_space<hbm>> -> memref<10000xi32, #tpu.memory_space<hbm>>
      tpu.enqueue_dma source(%dma_start3A_653 : memref<10000xi32, #tpu.memory_space<hbm>>) target(%arg7 : memref<10000xi32, #tpu.memory_space<vmem>>) target_semaphore(%run_scoped3A : memref<!tpu.dma_semaphore, #tpu.memory_space<semaphore_mem>>)
      %dma_wait3A_654 = tpu.memref_slice %arg3[%mul3A_2] : memref<320000xi32, #tpu.memory_space<hbm>> -> memref<10000xi32, #tpu.memory_space<hbm>>
      %dma_wait3A_655 = tpu.memref_slice %arg3[%mul3A_2] : memref<320000xi32, #tpu.memory_space<hbm>> -> memref<10000xi32, #tpu.memory_space<hbm>>
      tpu.wait_dma2 semaphore(%run_scoped3A : memref<!tpu.dma_semaphore, #tpu.memory_space<semaphore_mem>>) src(%dma_wait3A_655 : memref<10000xi32, #tpu.memory_space<hbm>>) dst(%arg7 : memref<10000xi32, #tpu.memory_space<vmem>>)
      tpu.yield
    }) : () -> ()
    %mul3A_3 = arith.constant 10000 : i32
    %mul3A_4 = arith.muli %add3A, %mul3A_3 : i32
    "tpu.region"() ({
      %run_scoped3A = tpu.sem_alloc : memref<!tpu.dma_semaphore, #tpu.memory_space<semaphore_mem>>
      %dma_start3A_652 = tpu.memref_slice %arg4[%mul3A_4] : memref<320000xi32, #tpu.memory_space<hbm>> -> memref<10000xi32, #tpu.memory_space<hbm>>
      %dma_start3A_653 = tpu.memref_slice %arg4[%mul3A_4] : memref<320000xi32, #tpu.memory_space<hbm>> -> memref<10000xi32, #tpu.memory_space<hbm>>
      tpu.enqueue_dma source(%dma_start3A_653 : memref<10000xi32, #tpu.memory_space<hbm>>) target(%arg8 : memref<10000xi32, #tpu.memory_space<vmem>>) target_semaphore(%run_scoped3A : memref<!tpu.dma_semaphore, #tpu.memory_space<semaphore_mem>>)
      %dma_wait3A_654 = tpu.memref_slice %arg4[%mul3A_4] : memref<320000xi32, #tpu.memory_space<hbm>> -> memref<10000xi32, #tpu.memory_space<hbm>>
      %dma_wait3A_655 = tpu.memref_slice %arg4[%mul3A_4] : memref<320000xi32, #tpu.memory_space<hbm>> -> memref<10000xi32, #tpu.memory_space<hbm>>
      tpu.wait_dma2 semaphore(%run_scoped3A : memref<!tpu.dma_semaphore, #tpu.memory_space<semaphore_mem>>) src(%dma_wait3A_655 : memref<10000xi32, #tpu.memory_space<hbm>>) dst(%arg8 : memref<10000xi32, #tpu.memory_space<vmem>>)
      tpu.yield
    }) : () -> ()
    %mul3A_5 = arith.constant 640 : i32
    %mul3A_6 = arith.muli %arg1, %mul3A_5 : i32
    %mul3A_7 = arith.constant 640 : i32
    %mul3A_8 = arith.muli %arg1, %mul3A_7 : i32
    "tpu.region"() ({
      %run_scoped3A = tpu.sem_alloc : memref<!tpu.dma_semaphore, #tpu.memory_space<semaphore_mem>>
      %dma_start3A_652 = arith.constant 0 : i32
      %dma_start3A_653 = tpu.memref_slice %arg10[%mul3A_8, %dma_start3A_652] : memref<10240x32xf32, #tpu.memory_space<vmem_shared>> -> memref<640x32xf32, #tpu.memory_space<vmem_shared>>
      %dma_start3A_654 = arith.constant 0 : i32
      %dma_start3A_655 = tpu.memref_slice %arg5[%mul3A_6, %dma_start3A_654] : memref<10240x32xf32, #tpu.memory_space<hbm>> -> memref<640x32xf32, #tpu.memory_space<hbm>>
      tpu.enqueue_dma source(%dma_start3A_655 : memref<640x32xf32, #tpu.memory_space<hbm>>) target(%dma_start3A_653 : memref<640x32xf32, #tpu.memory_space<vmem_shared>>) target_semaphore(%run_scoped3A : memref<!tpu.dma_semaphore, #tpu.memory_space<semaphore_mem>>)
      %dma_wait3A_656 = arith.constant 0 : i32
      %dma_wait3A_657 = tpu.memref_slice %arg10[%mul3A_8, %dma_wait3A_656] : memref<10240x32xf32, #tpu.memory_space<vmem_shared>> -> memref<640x32xf32, #tpu.memory_space<vmem_shared>>
      %dma_wait3A_658 = arith.constant 0 : i32
      %dma_wait3A_659 = tpu.memref_slice %arg5[%mul3A_6, %dma_wait3A_658] : memref<10240x32xf32, #tpu.memory_space<hbm>> -> memref<640x32xf32, #tpu.memory_space<hbm>>
      tpu.wait_dma2 semaphore(%run_scoped3A : memref<!tpu.dma_semaphore, #tpu.memory_space<semaphore_mem>>) src(%dma_wait3A_659 : memref<640x32xf32, #tpu.memory_space<hbm>>) dst(%dma_wait3A_657 : memref<640x32xf32, #tpu.memory_space<vmem_shared>>)
      tpu.yield
    }) : () -> ()
    %barrier3A = arith.constant 0 : index
    tpu.barrier barrier_id(%barrier3A)
    %dma_start3A = arith.constant 0 : i32
    %dma_start3A_9 = arith.constant 0 : i32
    %dma_start3A_10 = tpu.memref_slice %arg11[%dma_start3A, %dma_start3A_9] : memref<512x32xf32, #tpu.memory_space<vmem>> -> memref<512x32xf32, #tpu.memory_space<vmem>>
    %dma_start3A_11 = arith.constant 0 : i32
    %dma_start3A_12 = tpu.memref_slice %arg7[%dma_start3A_11] : memref<10000xi32, #tpu.memory_space<vmem>> -> memref<512xi32, #tpu.memory_space<vmem>>
    %dma_start3A_13 = arith.constant 0 : i32
    %dma_start3A_14 = arith.constant 0 : i32
    %dma_start3A_15 = tpu.memref_slice %arg2[%dma_start3A_13, %dma_start3A_14] : memref<10000x32xf32, #tpu.memory_space<hbm>> -> memref<10000x32xf32, #tpu.memory_space<hbm>>
    tpu.enqueue_indirect_dma source(%dma_start3A_15 : memref<10000x32xf32, #tpu.memory_space<hbm>>) target(%dma_start3A_10 : memref<512x32xf32, #tpu.memory_space<vmem>>) offsets(%dma_start3A_12 : memref<512xi32, #tpu.memory_space<vmem>>) semaphore(%arg15 : memref<!tpu.dma_semaphore, #tpu.memory_space<semaphore_mem>>)
    %dma_start3A_16 = arith.constant 0 : i32
    %dma_start3A_17 = arith.constant 0 : i32
    %dma_start3A_18 = tpu.memref_slice %arg12[%dma_start3A_16, %dma_start3A_17] : memref<512x32xf32, #tpu.memory_space<vmem>> -> memref<512x32xf32, #tpu.memory_space<vmem>>
    %dma_start3A_19 = arith.constant 512 : i32
    %dma_start3A_20 = tpu.memref_slice %arg7[%dma_start3A_19] : memref<10000xi32, #tpu.memory_space<vmem>> -> memref<512xi32, #tpu.memory_space<vmem>>
    %dma_start3A_21 = arith.constant 0 : i32
    %dma_start3A_22 = arith.constant 0 : i32
    %dma_start3A_23 = tpu.memref_slice %arg2[%dma_start3A_21, %dma_start3A_22] : memref<10000x32xf32, #tpu.memory_space<hbm>> -> memref<10000x32xf32, #tpu.memory_space<hbm>>
    tpu.enqueue_indirect_dma source(%dma_start3A_23 : memref<10000x32xf32, #tpu.memory_space<hbm>>) target(%dma_start3A_18 : memref<512x32xf32, #tpu.memory_space<vmem>>) offsets(%dma_start3A_20 : memref<512xi32, #tpu.memory_space<vmem>>) semaphore(%arg16 : memref<!tpu.dma_semaphore, #tpu.memory_space<semaphore_mem>>)
    %dma_start3A_24 = arith.constant 0 : i32
    %dma_start3A_25 = arith.constant 0 : i32
    %dma_start3A_26 = tpu.memref_slice %arg13[%dma_start3A_24, %dma_start3A_25] : memref<512x32xf32, #tpu.memory_space<vmem>> -> memref<512x32xf32, #tpu.memory_space<vmem>>
    %dma_start3A_27 = arith.constant 1024 : i32
    %dma_start3A_28 = tpu.memref_slice %arg7[%dma_start3A_27] : memref<10000xi32, #tpu.memory_space<vmem>> -> memref<512xi32, #tpu.memory_space<vmem>>
    %dma_start3A_29 = arith.constant 0 : i32
    %dma_start3A_30 = arith.constant 0 : i32
    %dma_start3A_31 = tpu.memref_slice %arg2[%dma_start3A_29, %dma_start3A_30] : memref<10000x32xf32, #tpu.memory_space<hbm>> -> memref<10000x32xf32, #tpu.memory_space<hbm>>
    tpu.enqueue_indirect_dma source(%dma_start3A_31 : memref<10000x32xf32, #tpu.memory_space<hbm>>) target(%dma_start3A_26 : memref<512x32xf32, #tpu.memory_space<vmem>>) offsets(%dma_start3A_28 : memref<512xi32, #tpu.memory_space<vmem>>) semaphore(%arg17 : memref<!tpu.dma_semaphore, #tpu.memory_space<semaphore_mem>>)
    %dma_wait3A = arith.constant 0 : i32
    %dma_wait3A_32 = arith.constant 0 : i32
    %dma_wait3A_33 = tpu.memref_slice %arg11[%dma_wait3A, %dma_wait3A_32] : memref<512x32xf32, #tpu.memory_space<vmem>> -> memref<512x32xf32, #tpu.memory_space<vmem>>
    %dma_wait3A_34 = arith.constant 0 : i32
    %dma_wait3A_35 = tpu.memref_slice %arg7[%dma_wait3A_34] : memref<10000xi32, #tpu.memory_space<vmem>> -> memref<512xi32, #tpu.memory_space<vmem>>
    %dma_wait3A_36 = arith.constant 0 : i32
    %dma_wait3A_37 = arith.constant 0 : i32
    %dma_wait3A_38 = tpu.memref_slice %arg2[%dma_wait3A_36, %dma_wait3A_37] : memref<10000x32xf32, #tpu.memory_space<hbm>> -> memref<10000x32xf32, #tpu.memory_space<hbm>>
    tpu.wait_indirect_dma semaphore(%arg15 : memref<!tpu.dma_semaphore, #tpu.memory_space<semaphore_mem>>) src(%dma_wait3A_38 : memref<10000x32xf32, #tpu.memory_space<hbm>>) dst(%dma_wait3A_33 : memref<512x32xf32, #tpu.memory_space<vmem>>)
    %dma_start3A_39 = arith.constant 0 : i32
    %dma_start3A_40 = arith.constant 0 : i32
    %dma_start3A_41 = tpu.memref_slice %arg11[%dma_start3A_39, %dma_start3A_40] : memref<512x32xf32, #tpu.memory_space<vmem>> -> memref<512x32xf32, #tpu.memory_space<vmem>>
    %dma_start3A_42 = arith.constant 0 : i32
    %dma_start3A_43 = tpu.memref_slice %arg8[%dma_start3A_42] : memref<10000xi32, #tpu.memory_space<vmem>> -> memref<512xi32, #tpu.memory_space<vmem>>
    %dma_start3A_44 = arith.constant 0 : i32
    %dma_start3A_45 = arith.constant 0 : i32
    %dma_start3A_46 = tpu.memref_slice %arg10[%dma_start3A_44, %dma_start3A_45] : memref<10240x32xf32, #tpu.memory_space<vmem_shared>> -> memref<10240x32xf32, #tpu.memory_space<vmem_shared>>
    tpu.enqueue_indirect_dma source(%dma_start3A_41 : memref<512x32xf32, #tpu.memory_space<vmem>>) target(%dma_start3A_46 : memref<10240x32xf32, #tpu.memory_space<vmem_shared>>) offsets(%dma_start3A_43 : memref<512xi32, #tpu.memory_space<vmem>>) semaphore(%arg19 : memref<!tpu.dma_semaphore, #tpu.memory_space<semaphore_mem>>) {add = true}
    %dma_start3A_47 = arith.constant 0 : i32
    %dma_start3A_48 = arith.constant 0 : i32
    %dma_start3A_49 = tpu.memref_slice %arg14[%dma_start3A_47, %dma_start3A_48] : memref<512x32xf32, #tpu.memory_space<vmem>> -> memref<512x32xf32, #tpu.memory_space<vmem>>
    %dma_start3A_50 = arith.constant 1536 : i32
    %dma_start3A_51 = tpu.memref_slice %arg7[%dma_start3A_50] : memref<10000xi32, #tpu.memory_space<vmem>> -> memref<512xi32, #tpu.memory_space<vmem>>
    %dma_start3A_52 = arith.constant 0 : i32
    %dma_start3A_53 = arith.constant 0 : i32
    %dma_start3A_54 = tpu.memref_slice %arg2[%dma_start3A_52, %dma_start3A_53] : memref<10000x32xf32, #tpu.memory_space<hbm>> -> memref<10000x32xf32, #tpu.memory_space<hbm>>
    tpu.enqueue_indirect_dma source(%dma_start3A_54 : memref<10000x32xf32, #tpu.memory_space<hbm>>) target(%dma_start3A_49 : memref<512x32xf32, #tpu.memory_space<vmem>>) offsets(%dma_start3A_51 : memref<512xi32, #tpu.memory_space<vmem>>) semaphore(%arg18 : memref<!tpu.dma_semaphore, #tpu.memory_space<semaphore_mem>>)
    %dma_wait3A_55 = arith.constant 0 : i32
    %dma_wait3A_56 = arith.constant 0 : i32
    %dma_wait3A_57 = tpu.memref_slice %arg12[%dma_wait3A_55, %dma_wait3A_56] : memref<512x32xf32, #tpu.memory_space<vmem>> -> memref<512x32xf32, #tpu.memory_space<vmem>>
    %dma_wait3A_58 = arith.constant 512 : i32
    %dma_wait3A_59 = tpu.memref_slice %arg7[%dma_wait3A_58] : memref<10000xi32, #tpu.memory_space<vmem>> -> memref<512xi32, #tpu.memory_space<vmem>>
    %dma_wait3A_60 = arith.constant 0 : i32
    %dma_wait3A_61 = arith.constant 0 : i32
    %dma_wait3A_62 = tpu.memref_slice %arg2[%dma_wait3A_60, %dma_wait3A_61] : memref<10000x32xf32, #tpu.memory_space<hbm>> -> memref<10000x32xf32, #tpu.memory_space<hbm>>
    tpu.wait_indirect_dma semaphore(%arg16 : memref<!tpu.dma_semaphore, #tpu.memory_space<semaphore_mem>>) src(%dma_wait3A_62 : memref<10000x32xf32, #tpu.memory_space<hbm>>) dst(%dma_wait3A_57 : memref<512x32xf32, #tpu.memory_space<vmem>>)
    %dma_start3A_63 = arith.constant 0 : i32
    %dma_start3A_64 = arith.constant 0 : i32
    %dma_start3A_65 = tpu.memref_slice %arg12[%dma_start3A_63, %dma_start3A_64] : memref<512x32xf32, #tpu.memory_space<vmem>> -> memref<512x32xf32, #tpu.memory_space<vmem>>
    %dma_start3A_66 = arith.constant 512 : i32
    %dma_start3A_67 = tpu.memref_slice %arg8[%dma_start3A_66] : memref<10000xi32, #tpu.memory_space<vmem>> -> memref<512xi32, #tpu.memory_space<vmem>>
    %dma_start3A_68 = arith.constant 0 : i32
    %dma_start3A_69 = arith.constant 0 : i32
    %dma_start3A_70 = tpu.memref_slice %arg10[%dma_start3A_68, %dma_start3A_69] : memref<10240x32xf32, #tpu.memory_space<vmem_shared>> -> memref<10240x32xf32, #tpu.memory_space<vmem_shared>>
    tpu.enqueue_indirect_dma source(%dma_start3A_65 : memref<512x32xf32, #tpu.memory_space<vmem>>) target(%dma_start3A_70 : memref<10240x32xf32, #tpu.memory_space<vmem_shared>>) offsets(%dma_start3A_67 : memref<512xi32, #tpu.memory_space<vmem>>) semaphore(%arg20 : memref<!tpu.dma_semaphore, #tpu.memory_space<semaphore_mem>>) {add = true}
    %dma_wait3A_71 = arith.constant 0 : i32
    %dma_wait3A_72 = arith.constant 0 : i32
    %dma_wait3A_73 = tpu.memref_slice %arg11[%dma_wait3A_71, %dma_wait3A_72] : memref<512x32xf32, #tpu.memory_space<vmem>> -> memref<512x32xf32, #tpu.memory_space<vmem>>
    %dma_wait3A_74 = arith.constant 0 : i32
    %dma_wait3A_75 = tpu.memref_slice %arg8[%dma_wait3A_74] : memref<10000xi32, #tpu.memory_space<vmem>> -> memref<512xi32, #tpu.memory_space<vmem>>
    %dma_wait3A_76 = arith.constant 0 : i32
    %dma_wait3A_77 = arith.constant 0 : i32
    %dma_wait3A_78 = tpu.memref_slice %arg10[%dma_wait3A_76, %dma_wait3A_77] : memref<10240x32xf32, #tpu.memory_space<vmem_shared>> -> memref<10240x32xf32, #tpu.memory_space<vmem_shared>>
    tpu.wait_indirect_dma semaphore(%arg19 : memref<!tpu.dma_semaphore, #tpu.memory_space<semaphore_mem>>) src(%dma_wait3A_73 : memref<512x32xf32, #tpu.memory_space<vmem>>) dst(%dma_wait3A_78 : memref<10240x32xf32, #tpu.memory_space<vmem_shared>>)
    %dma_start3A_79 = arith.constant 0 : i32
    %dma_start3A_80 = arith.constant 0 : i32
    %dma_start3A_81 = tpu.memref_slice %arg11[%dma_start3A_79, %dma_start3A_80] : memref<512x32xf32, #tpu.memory_space<vmem>> -> memref<512x32xf32, #tpu.memory_space<vmem>>
    %dma_start3A_82 = arith.constant 2048 : i32
    %dma_start3A_83 = tpu.memref_slice %arg7[%dma_start3A_82] : memref<10000xi32, #tpu.memory_space<vmem>> -> memref<512xi32, #tpu.memory_space<vmem>>
    %dma_start3A_84 = arith.constant 0 : i32
    %dma_start3A_85 = arith.constant 0 : i32
    %dma_start3A_86 = tpu.memref_slice %arg2[%dma_start3A_84, %dma_start3A_85] : memref<10000x32xf32, #tpu.memory_space<hbm>> -> memref<10000x32xf32, #tpu.memory_space<hbm>>
    tpu.enqueue_indirect_dma source(%dma_start3A_86 : memref<10000x32xf32, #tpu.memory_space<hbm>>) target(%dma_start3A_81 : memref<512x32xf32, #tpu.memory_space<vmem>>) offsets(%dma_start3A_83 : memref<512xi32, #tpu.memory_space<vmem>>) semaphore(%arg15 : memref<!tpu.dma_semaphore, #tpu.memory_space<semaphore_mem>>)
    %dma_wait3A_87 = arith.constant 0 : i32
    %dma_wait3A_88 = arith.constant 0 : i32
    %dma_wait3A_89 = tpu.memref_slice %arg13[%dma_wait3A_87, %dma_wait3A_88] : memref<512x32xf32, #tpu.memory_space<vmem>> -> memref<512x32xf32, #tpu.memory_space<vmem>>
    %dma_wait3A_90 = arith.constant 1024 : i32
    %dma_wait3A_91 = tpu.memref_slice %arg7[%dma_wait3A_90] : memref<10000xi32, #tpu.memory_space<vmem>> -> memref<512xi32, #tpu.memory_space<vmem>>
    %dma_wait3A_92 = arith.constant 0 : i32
    %dma_wait3A_93 = arith.constant 0 : i32
    %dma_wait3A_94 = tpu.memref_slice %arg2[%dma_wait3A_92, %dma_wait3A_93] : memref<10000x32xf32, #tpu.memory_space<hbm>> -> memref<10000x32xf32, #tpu.memory_space<hbm>>
    tpu.wait_indirect_dma semaphore(%arg17 : memref<!tpu.dma_semaphore, #tpu.memory_space<semaphore_mem>>) src(%dma_wait3A_94 : memref<10000x32xf32, #tpu.memory_space<hbm>>) dst(%dma_wait3A_89 : memref<512x32xf32, #tpu.memory_space<vmem>>)
    %dma_start3A_95 = arith.constant 0 : i32
    %dma_start3A_96 = arith.constant 0 : i32
    %dma_start3A_97 = tpu.memref_slice %arg13[%dma_start3A_95, %dma_start3A_96] : memref<512x32xf32, #tpu.memory_space<vmem>> -> memref<512x32xf32, #tpu.memory_space<vmem>>
    %dma_start3A_98 = arith.constant 1024 : i32
    %dma_start3A_99 = tpu.memref_slice %arg8[%dma_start3A_98] : memref<10000xi32, #tpu.memory_space<vmem>> -> memref<512xi32, #tpu.memory_space<vmem>>
    %dma_start3A_100 = arith.constant 0 : i32
    %dma_start3A_101 = arith.constant 0 : i32
    %dma_start3A_102 = tpu.memref_slice %arg10[%dma_start3A_100, %dma_start3A_101] : memref<10240x32xf32, #tpu.memory_space<vmem_shared>> -> memref<10240x32xf32, #tpu.memory_space<vmem_shared>>
    tpu.enqueue_indirect_dma source(%dma_start3A_97 : memref<512x32xf32, #tpu.memory_space<vmem>>) target(%dma_start3A_102 : memref<10240x32xf32, #tpu.memory_space<vmem_shared>>) offsets(%dma_start3A_99 : memref<512xi32, #tpu.memory_space<vmem>>) semaphore(%arg21 : memref<!tpu.dma_semaphore, #tpu.memory_space<semaphore_mem>>) {add = true}
    %dma_wait3A_103 = arith.constant 0 : i32
    %dma_wait3A_104 = arith.constant 0 : i32
    %dma_wait3A_105 = tpu.memref_slice %arg12[%dma_wait3A_103, %dma_wait3A_104] : memref<512x32xf32, #tpu.memory_space<vmem>> -> memref<512x32xf32, #tpu.memory_space<vmem>>
    %dma_wait3A_106 = arith.constant 512 : i32
    %dma_wait3A_107 = tpu.memref_slice %arg8[%dma_wait3A_106] : memref<10000xi32, #tpu.memory_space<vmem>> -> memref<512xi32, #tpu.memory_space<vmem>>
    %dma_wait3A_108 = arith.constant 0 : i32
    %dma_wait3A_109 = arith.constant 0 : i32
    %dma_wait3A_110 = tpu.memref_slice %arg10[%dma_wait3A_108, %dma_wait3A_109] : memref<10240x32xf32, #tpu.memory_space<vmem_shared>> -> memref<10240x32xf32, #tpu.memory_space<vmem_shared>>
    tpu.wait_indirect_dma semaphore(%arg20 : memref<!tpu.dma_semaphore, #tpu.memory_space<semaphore_mem>>) src(%dma_wait3A_105 : memref<512x32xf32, #tpu.memory_space<vmem>>) dst(%dma_wait3A_110 : memref<10240x32xf32, #tpu.memory_space<vmem_shared>>)
    %dma_start3A_111 = arith.constant 0 : i32
    %dma_start3A_112 = arith.constant 0 : i32
    %dma_start3A_113 = tpu.memref_slice %arg12[%dma_start3A_111, %dma_start3A_112] : memref<512x32xf32, #tpu.memory_space<vmem>> -> memref<512x32xf32, #tpu.memory_space<vmem>>
    %dma_start3A_114 = arith.constant 2560 : i32
    %dma_start3A_115 = tpu.memref_slice %arg7[%dma_start3A_114] : memref<10000xi32, #tpu.memory_space<vmem>> -> memref<512xi32, #tpu.memory_space<vmem>>
    %dma_start3A_116 = arith.constant 0 : i32
    %dma_start3A_117 = arith.constant 0 : i32
    %dma_start3A_118 = tpu.memref_slice %arg2[%dma_start3A_116, %dma_start3A_117] : memref<10000x32xf32, #tpu.memory_space<hbm>> -> memref<10000x32xf32, #tpu.memory_space<hbm>>
    tpu.enqueue_indirect_dma source(%dma_start3A_118 : memref<10000x32xf32, #tpu.memory_space<hbm>>) target(%dma_start3A_113 : memref<512x32xf32, #tpu.memory_space<vmem>>) offsets(%dma_start3A_115 : memref<512xi32, #tpu.memory_space<vmem>>) semaphore(%arg16 : memref<!tpu.dma_semaphore, #tpu.memory_space<semaphore_mem>>)
    %dma_wait3A_119 = arith.constant 0 : i32
    %dma_wait3A_120 = arith.constant 0 : i32
    %dma_wait3A_121 = tpu.memref_slice %arg14[%dma_wait3A_119, %dma_wait3A_120] : memref<512x32xf32, #tpu.memory_space<vmem>> -> memref<512x32xf32, #tpu.memory_space<vmem>>
    %dma_wait3A_122 = arith.constant 1536 : i32
    %dma_wait3A_123 = tpu.memref_slice %arg7[%dma_wait3A_122] : memref<10000xi32, #tpu.memory_space<vmem>> -> memref<512xi32, #tpu.memory_space<vmem>>
    %dma_wait3A_124 = arith.constant 0 : i32
    %dma_wait3A_125 = arith.constant 0 : i32
    %dma_wait3A_126 = tpu.memref_slice %arg2[%dma_wait3A_124, %dma_wait3A_125] : memref<10000x32xf32, #tpu.memory_space<hbm>> -> memref<10000x32xf32, #tpu.memory_space<hbm>>
    tpu.wait_indirect_dma semaphore(%arg18 : memref<!tpu.dma_semaphore, #tpu.memory_space<semaphore_mem>>) src(%dma_wait3A_126 : memref<10000x32xf32, #tpu.memory_space<hbm>>) dst(%dma_wait3A_121 : memref<512x32xf32, #tpu.memory_space<vmem>>)
    %dma_start3A_127 = arith.constant 0 : i32
    %dma_start3A_128 = arith.constant 0 : i32
    %dma_start3A_129 = tpu.memref_slice %arg14[%dma_start3A_127, %dma_start3A_128] : memref<512x32xf32, #tpu.memory_space<vmem>> -> memref<512x32xf32, #tpu.memory_space<vmem>>
    %dma_start3A_130 = arith.constant 1536 : i32
    %dma_start3A_131 = tpu.memref_slice %arg8[%dma_start3A_130] : memref<10000xi32, #tpu.memory_space<vmem>> -> memref<512xi32, #tpu.memory_space<vmem>>
    %dma_start3A_132 = arith.constant 0 : i32
    %dma_start3A_133 = arith.constant 0 : i32
    %dma_start3A_134 = tpu.memref_slice %arg10[%dma_start3A_132, %dma_start3A_133] : memref<10240x32xf32, #tpu.memory_space<vmem_shared>> -> memref<10240x32xf32, #tpu.memory_space<vmem_shared>>
    tpu.enqueue_indirect_dma source(%dma_start3A_129 : memref<512x32xf32, #tpu.memory_space<vmem>>) target(%dma_start3A_134 : memref<10240x32xf32, #tpu.memory_space<vmem_shared>>) offsets(%dma_start3A_131 : memref<512xi32, #tpu.memory_space<vmem>>) semaphore(%arg22 : memref<!tpu.dma_semaphore, #tpu.memory_space<semaphore_mem>>) {add = true}
    %dma_wait3A_135 = arith.constant 0 : i32
    %dma_wait3A_136 = arith.constant 0 : i32
    %dma_wait3A_137 = tpu.memref_slice %arg13[%dma_wait3A_135, %dma_wait3A_136] : memref<512x32xf32, #tpu.memory_space<vmem>> -> memref<512x32xf32, #tpu.memory_space<vmem>>
    %dma_wait3A_138 = arith.constant 1024 : i32
    %dma_wait3A_139 = tpu.memref_slice %arg8[%dma_wait3A_138] : memref<10000xi32, #tpu.memory_space<vmem>> -> memref<512xi32, #tpu.memory_space<vmem>>
    %dma_wait3A_140 = arith.constant 0 : i32
    %dma_wait3A_141 = arith.constant 0 : i32
    %dma_wait3A_142 = tpu.memref_slice %arg10[%dma_wait3A_140, %dma_wait3A_141] : memref<10240x32xf32, #tpu.memory_space<vmem_shared>> -> memref<10240x32xf32, #tpu.memory_space<vmem_shared>>
    tpu.wait_indirect_dma semaphore(%arg21 : memref<!tpu.dma_semaphore, #tpu.memory_space<semaphore_mem>>) src(%dma_wait3A_137 : memref<512x32xf32, #tpu.memory_space<vmem>>) dst(%dma_wait3A_142 : memref<10240x32xf32, #tpu.memory_space<vmem_shared>>)
    %dma_start3A_143 = arith.constant 0 : i32
    %dma_start3A_144 = arith.constant 0 : i32
    %dma_start3A_145 = tpu.memref_slice %arg13[%dma_start3A_143, %dma_start3A_144] : memref<512x32xf32, #tpu.memory_space<vmem>> -> memref<512x32xf32, #tpu.memory_space<vmem>>
    %dma_start3A_146 = arith.constant 3072 : i32
    %dma_start3A_147 = tpu.memref_slice %arg7[%dma_start3A_146] : memref<10000xi32, #tpu.memory_space<vmem>> -> memref<512xi32, #tpu.memory_space<vmem>>
    %dma_start3A_148 = arith.constant 0 : i32
    %dma_start3A_149 = arith.constant 0 : i32
    %dma_start3A_150 = tpu.memref_slice %arg2[%dma_start3A_148, %dma_start3A_149] : memref<10000x32xf32, #tpu.memory_space<hbm>> -> memref<10000x32xf32, #tpu.memory_space<hbm>>
    tpu.enqueue_indirect_dma source(%dma_start3A_150 : memref<10000x32xf32, #tpu.memory_space<hbm>>) target(%dma_start3A_145 : memref<512x32xf32, #tpu.memory_space<vmem>>) offsets(%dma_start3A_147 : memref<512xi32, #tpu.memory_space<vmem>>) semaphore(%arg17 : memref<!tpu.dma_semaphore, #tpu.memory_space<semaphore_mem>>)
    %dma_wait3A_151 = arith.constant 0 : i32
    %dma_wait3A_152 = arith.constant 0 : i32
    %dma_wait3A_153 = tpu.memref_slice %arg11[%dma_wait3A_151, %dma_wait3A_152] : memref<512x32xf32, #tpu.memory_space<vmem>> -> memref<512x32xf32, #tpu.memory_space<vmem>>
    %dma_wait3A_154 = arith.constant 2048 : i32
    %dma_wait3A_155 = tpu.memref_slice %arg7[%dma_wait3A_154] : memref<10000xi32, #tpu.memory_space<vmem>> -> memref<512xi32, #tpu.memory_space<vmem>>
    %dma_wait3A_156 = arith.constant 0 : i32
    %dma_wait3A_157 = arith.constant 0 : i32
    %dma_wait3A_158 = tpu.memref_slice %arg2[%dma_wait3A_156, %dma_wait3A_157] : memref<10000x32xf32, #tpu.memory_space<hbm>> -> memref<10000x32xf32, #tpu.memory_space<hbm>>
    tpu.wait_indirect_dma semaphore(%arg15 : memref<!tpu.dma_semaphore, #tpu.memory_space<semaphore_mem>>) src(%dma_wait3A_158 : memref<10000x32xf32, #tpu.memory_space<hbm>>) dst(%dma_wait3A_153 : memref<512x32xf32, #tpu.memory_space<vmem>>)
    %dma_start3A_159 = arith.constant 0 : i32
    %dma_start3A_160 = arith.constant 0 : i32
    %dma_start3A_161 = tpu.memref_slice %arg11[%dma_start3A_159, %dma_start3A_160] : memref<512x32xf32, #tpu.memory_space<vmem>> -> memref<512x32xf32, #tpu.memory_space<vmem>>
    %dma_start3A_162 = arith.constant 2048 : i32
    %dma_start3A_163 = tpu.memref_slice %arg8[%dma_start3A_162] : memref<10000xi32, #tpu.memory_space<vmem>> -> memref<512xi32, #tpu.memory_space<vmem>>
    %dma_start3A_164 = arith.constant 0 : i32
    %dma_start3A_165 = arith.constant 0 : i32
    %dma_start3A_166 = tpu.memref_slice %arg10[%dma_start3A_164, %dma_start3A_165] : memref<10240x32xf32, #tpu.memory_space<vmem_shared>> -> memref<10240x32xf32, #tpu.memory_space<vmem_shared>>
    tpu.enqueue_indirect_dma source(%dma_start3A_161 : memref<512x32xf32, #tpu.memory_space<vmem>>) target(%dma_start3A_166 : memref<10240x32xf32, #tpu.memory_space<vmem_shared>>) offsets(%dma_start3A_163 : memref<512xi32, #tpu.memory_space<vmem>>) semaphore(%arg19 : memref<!tpu.dma_semaphore, #tpu.memory_space<semaphore_mem>>) {add = true}
    %dma_wait3A_167 = arith.constant 0 : i32
    %dma_wait3A_168 = arith.constant 0 : i32
    %dma_wait3A_169 = tpu.memref_slice %arg14[%dma_wait3A_167, %dma_wait3A_168] : memref<512x32xf32, #tpu.memory_space<vmem>> -> memref<512x32xf32, #tpu.memory_space<vmem>>
    %dma_wait3A_170 = arith.constant 1536 : i32
    %dma_wait3A_171 = tpu.memref_slice %arg8[%dma_wait3A_170] : memref<10000xi32, #tpu.memory_space<vmem>> -> memref<512xi32, #tpu.memory_space<vmem>>
    %dma_wait3A_172 = arith.constant 0 : i32
    %dma_wait3A_173 = arith.constant 0 : i32
    %dma_wait3A_174 = tpu.memref_slice %arg10[%dma_wait3A_172, %dma_wait3A_173] : memref<10240x32xf32, #tpu.memory_space<vmem_shared>> -> memref<10240x32xf32, #tpu.memory_space<vmem_shared>>
    tpu.wait_indirect_dma semaphore(%arg22 : memref<!tpu.dma_semaphore, #tpu.memory_space<semaphore_mem>>) src(%dma_wait3A_169 : memref<512x32xf32, #tpu.memory_space<vmem>>) dst(%dma_wait3A_174 : memref<10240x32xf32, #tpu.memory_space<vmem_shared>>)
    %dma_start3A_175 = arith.constant 0 : i32
    %dma_start3A_176 = arith.constant 0 : i32
    %dma_start3A_177 = tpu.memref_slice %arg14[%dma_start3A_175, %dma_start3A_176] : memref<512x32xf32, #tpu.memory_space<vmem>> -> memref<512x32xf32, #tpu.memory_space<vmem>>
    %dma_start3A_178 = arith.constant 3584 : i32
    %dma_start3A_179 = tpu.memref_slice %arg7[%dma_start3A_178] : memref<10000xi32, #tpu.memory_space<vmem>> -> memref<512xi32, #tpu.memory_space<vmem>>
    %dma_start3A_180 = arith.constant 0 : i32
    %dma_start3A_181 = arith.constant 0 : i32
    %dma_start3A_182 = tpu.memref_slice %arg2[%dma_start3A_180, %dma_start3A_181] : memref<10000x32xf32, #tpu.memory_space<hbm>> -> memref<10000x32xf32, #tpu.memory_space<hbm>>
    tpu.enqueue_indirect_dma source(%dma_start3A_182 : memref<10000x32xf32, #tpu.memory_space<hbm>>) target(%dma_start3A_177 : memref<512x32xf32, #tpu.memory_space<vmem>>) offsets(%dma_start3A_179 : memref<512xi32, #tpu.memory_space<vmem>>) semaphore(%arg18 : memref<!tpu.dma_semaphore, #tpu.memory_space<semaphore_mem>>)
    %dma_wait3A_183 = arith.constant 0 : i32
    %dma_wait3A_184 = arith.constant 0 : i32
    %dma_wait3A_185 = tpu.memref_slice %arg12[%dma_wait3A_183, %dma_wait3A_184] : memref<512x32xf32, #tpu.memory_space<vmem>> -> memref<512x32xf32, #tpu.memory_space<vmem>>
    %dma_wait3A_186 = arith.constant 2560 : i32
    %dma_wait3A_187 = tpu.memref_slice %arg7[%dma_wait3A_186] : memref<10000xi32, #tpu.memory_space<vmem>> -> memref<512xi32, #tpu.memory_space<vmem>>
    %dma_wait3A_188 = arith.constant 0 : i32
    %dma_wait3A_189 = arith.constant 0 : i32
    %dma_wait3A_190 = tpu.memref_slice %arg2[%dma_wait3A_188, %dma_wait3A_189] : memref<10000x32xf32, #tpu.memory_space<hbm>> -> memref<10000x32xf32, #tpu.memory_space<hbm>>
    tpu.wait_indirect_dma semaphore(%arg16 : memref<!tpu.dma_semaphore, #tpu.memory_space<semaphore_mem>>) src(%dma_wait3A_190 : memref<10000x32xf32, #tpu.memory_space<hbm>>) dst(%dma_wait3A_185 : memref<512x32xf32, #tpu.memory_space<vmem>>)
    %dma_start3A_191 = arith.constant 0 : i32
    %dma_start3A_192 = arith.constant 0 : i32
    %dma_start3A_193 = tpu.memref_slice %arg12[%dma_start3A_191, %dma_start3A_192] : memref<512x32xf32, #tpu.memory_space<vmem>> -> memref<512x32xf32, #tpu.memory_space<vmem>>
    %dma_start3A_194 = arith.constant 2560 : i32
    %dma_start3A_195 = tpu.memref_slice %arg8[%dma_start3A_194] : memref<10000xi32, #tpu.memory_space<vmem>> -> memref<512xi32, #tpu.memory_space<vmem>>
    %dma_start3A_196 = arith.constant 0 : i32
    %dma_start3A_197 = arith.constant 0 : i32
    %dma_start3A_198 = tpu.memref_slice %arg10[%dma_start3A_196, %dma_start3A_197] : memref<10240x32xf32, #tpu.memory_space<vmem_shared>> -> memref<10240x32xf32, #tpu.memory_space<vmem_shared>>
    tpu.enqueue_indirect_dma source(%dma_start3A_193 : memref<512x32xf32, #tpu.memory_space<vmem>>) target(%dma_start3A_198 : memref<10240x32xf32, #tpu.memory_space<vmem_shared>>) offsets(%dma_start3A_195 : memref<512xi32, #tpu.memory_space<vmem>>) semaphore(%arg20 : memref<!tpu.dma_semaphore, #tpu.memory_space<semaphore_mem>>) {add = true}
    %dma_wait3A_199 = arith.constant 0 : i32
    %dma_wait3A_200 = arith.constant 0 : i32
    %dma_wait3A_201 = tpu.memref_slice %arg11[%dma_wait3A_199, %dma_wait3A_200] : memref<512x32xf32, #tpu.memory_space<vmem>> -> memref<512x32xf32, #tpu.memory_space<vmem>>
    %dma_wait3A_202 = arith.constant 2048 : i32
    %dma_wait3A_203 = tpu.memref_slice %arg8[%dma_wait3A_202] : memref<10000xi32, #tpu.memory_space<vmem>> -> memref<512xi32, #tpu.memory_space<vmem>>
    %dma_wait3A_204 = arith.constant 0 : i32
    %dma_wait3A_205 = arith.constant 0 : i32
    %dma_wait3A_206 = tpu.memref_slice %arg10[%dma_wait3A_204, %dma_wait3A_205] : memref<10240x32xf32, #tpu.memory_space<vmem_shared>> -> memref<10240x32xf32, #tpu.memory_space<vmem_shared>>
    tpu.wait_indirect_dma semaphore(%arg19 : memref<!tpu.dma_semaphore, #tpu.memory_space<semaphore_mem>>) src(%dma_wait3A_201 : memref<512x32xf32, #tpu.memory_space<vmem>>) dst(%dma_wait3A_206 : memref<10240x32xf32, #tpu.memory_space<vmem_shared>>)
    %dma_start3A_207 = arith.constant 0 : i32
    %dma_start3A_208 = arith.constant 0 : i32
    %dma_start3A_209 = tpu.memref_slice %arg11[%dma_start3A_207, %dma_start3A_208] : memref<512x32xf32, #tpu.memory_space<vmem>> -> memref<512x32xf32, #tpu.memory_space<vmem>>
    %dma_start3A_210 = arith.constant 4096 : i32
    %dma_start3A_211 = tpu.memref_slice %arg7[%dma_start3A_210] : memref<10000xi32, #tpu.memory_space<vmem>> -> memref<512xi32, #tpu.memory_space<vmem>>
    %dma_start3A_212 = arith.constant 0 : i32
    %dma_start3A_213 = arith.constant 0 : i32
    %dma_start3A_214 = tpu.memref_slice %arg2[%dma_start3A_212, %dma_start3A_213] : memref<10000x32xf32, #tpu.memory_space<hbm>> -> memref<10000x32xf32, #tpu.memory_space<hbm>>
    tpu.enqueue_indirect_dma source(%dma_start3A_214 : memref<10000x32xf32, #tpu.memory_space<hbm>>) target(%dma_start3A_209 : memref<512x32xf32, #tpu.memory_space<vmem>>) offsets(%dma_start3A_211 : memref<512xi32, #tpu.memory_space<vmem>>) semaphore(%arg15 : memref<!tpu.dma_semaphore, #tpu.memory_space<semaphore_mem>>)
    %dma_wait3A_215 = arith.constant 0 : i32
    %dma_wait3A_216 = arith.constant 0 : i32
    %dma_wait3A_217 = tpu.memref_slice %arg13[%dma_wait3A_215, %dma_wait3A_216] : memref<512x32xf32, #tpu.memory_space<vmem>> -> memref<512x32xf32, #tpu.memory_space<vmem>>
    %dma_wait3A_218 = arith.constant 3072 : i32
    %dma_wait3A_219 = tpu.memref_slice %arg7[%dma_wait3A_218] : memref<10000xi32, #tpu.memory_space<vmem>> -> memref<512xi32, #tpu.memory_space<vmem>>
    %dma_wait3A_220 = arith.constant 0 : i32
    %dma_wait3A_221 = arith.constant 0 : i32
    %dma_wait3A_222 = tpu.memref_slice %arg2[%dma_wait3A_220, %dma_wait3A_221] : memref<10000x32xf32, #tpu.memory_space<hbm>> -> memref<10000x32xf32, #tpu.memory_space<hbm>>
    tpu.wait_indirect_dma semaphore(%arg17 : memref<!tpu.dma_semaphore, #tpu.memory_space<semaphore_mem>>) src(%dma_wait3A_222 : memref<10000x32xf32, #tpu.memory_space<hbm>>) dst(%dma_wait3A_217 : memref<512x32xf32, #tpu.memory_space<vmem>>)
    %dma_start3A_223 = arith.constant 0 : i32
    %dma_start3A_224 = arith.constant 0 : i32
    %dma_start3A_225 = tpu.memref_slice %arg13[%dma_start3A_223, %dma_start3A_224] : memref<512x32xf32, #tpu.memory_space<vmem>> -> memref<512x32xf32, #tpu.memory_space<vmem>>
    %dma_start3A_226 = arith.constant 3072 : i32
    %dma_start3A_227 = tpu.memref_slice %arg8[%dma_start3A_226] : memref<10000xi32, #tpu.memory_space<vmem>> -> memref<512xi32, #tpu.memory_space<vmem>>
    %dma_start3A_228 = arith.constant 0 : i32
    %dma_start3A_229 = arith.constant 0 : i32
    %dma_start3A_230 = tpu.memref_slice %arg10[%dma_start3A_228, %dma_start3A_229] : memref<10240x32xf32, #tpu.memory_space<vmem_shared>> -> memref<10240x32xf32, #tpu.memory_space<vmem_shared>>
    tpu.enqueue_indirect_dma source(%dma_start3A_225 : memref<512x32xf32, #tpu.memory_space<vmem>>) target(%dma_start3A_230 : memref<10240x32xf32, #tpu.memory_space<vmem_shared>>) offsets(%dma_start3A_227 : memref<512xi32, #tpu.memory_space<vmem>>) semaphore(%arg21 : memref<!tpu.dma_semaphore, #tpu.memory_space<semaphore_mem>>) {add = true}
    %dma_wait3A_231 = arith.constant 0 : i32
    %dma_wait3A_232 = arith.constant 0 : i32
    %dma_wait3A_233 = tpu.memref_slice %arg12[%dma_wait3A_231, %dma_wait3A_232] : memref<512x32xf32, #tpu.memory_space<vmem>> -> memref<512x32xf32, #tpu.memory_space<vmem>>
    %dma_wait3A_234 = arith.constant 2560 : i32
    %dma_wait3A_235 = tpu.memref_slice %arg8[%dma_wait3A_234] : memref<10000xi32, #tpu.memory_space<vmem>> -> memref<512xi32, #tpu.memory_space<vmem>>
    %dma_wait3A_236 = arith.constant 0 : i32
    %dma_wait3A_237 = arith.constant 0 : i32
    %dma_wait3A_238 = tpu.memref_slice %arg10[%dma_wait3A_236, %dma_wait3A_237] : memref<10240x32xf32, #tpu.memory_space<vmem_shared>> -> memref<10240x32xf32, #tpu.memory_space<vmem_shared>>
    tpu.wait_indirect_dma semaphore(%arg20 : memref<!tpu.dma_semaphore, #tpu.memory_space<semaphore_mem>>) src(%dma_wait3A_233 : memref<512x32xf32, #tpu.memory_space<vmem>>) dst(%dma_wait3A_238 : memref<10240x32xf32, #tpu.memory_space<vmem_shared>>)
    %dma_start3A_239 = arith.constant 0 : i32
    %dma_start3A_240 = arith.constant 0 : i32
    %dma_start3A_241 = tpu.memref_slice %arg12[%dma_start3A_239, %dma_start3A_240] : memref<512x32xf32, #tpu.memory_space<vmem>> -> memref<512x32xf32, #tpu.memory_space<vmem>>
    %dma_start3A_242 = arith.constant 4608 : i32
    %dma_start3A_243 = tpu.memref_slice %arg7[%dma_start3A_242] : memref<10000xi32, #tpu.memory_space<vmem>> -> memref<512xi32, #tpu.memory_space<vmem>>
    %dma_start3A_244 = arith.constant 0 : i32
    %dma_start3A_245 = arith.constant 0 : i32
    %dma_start3A_246 = tpu.memref_slice %arg2[%dma_start3A_244, %dma_start3A_245] : memref<10000x32xf32, #tpu.memory_space<hbm>> -> memref<10000x32xf32, #tpu.memory_space<hbm>>
    tpu.enqueue_indirect_dma source(%dma_start3A_246 : memref<10000x32xf32, #tpu.memory_space<hbm>>) target(%dma_start3A_241 : memref<512x32xf32, #tpu.memory_space<vmem>>) offsets(%dma_start3A_243 : memref<512xi32, #tpu.memory_space<vmem>>) semaphore(%arg16 : memref<!tpu.dma_semaphore, #tpu.memory_space<semaphore_mem>>)
    %dma_wait3A_247 = arith.constant 0 : i32
    %dma_wait3A_248 = arith.constant 0 : i32
    %dma_wait3A_249 = tpu.memref_slice %arg14[%dma_wait3A_247, %dma_wait3A_248] : memref<512x32xf32, #tpu.memory_space<vmem>> -> memref<512x32xf32, #tpu.memory_space<vmem>>
    %dma_wait3A_250 = arith.constant 3584 : i32
    %dma_wait3A_251 = tpu.memref_slice %arg7[%dma_wait3A_250] : memref<10000xi32, #tpu.memory_space<vmem>> -> memref<512xi32, #tpu.memory_space<vmem>>
    %dma_wait3A_252 = arith.constant 0 : i32
    %dma_wait3A_253 = arith.constant 0 : i32
    %dma_wait3A_254 = tpu.memref_slice %arg2[%dma_wait3A_252, %dma_wait3A_253] : memref<10000x32xf32, #tpu.memory_space<hbm>> -> memref<10000x32xf32, #tpu.memory_space<hbm>>
    tpu.wait_indirect_dma semaphore(%arg18 : memref<!tpu.dma_semaphore, #tpu.memory_space<semaphore_mem>>) src(%dma_wait3A_254 : memref<10000x32xf32, #tpu.memory_space<hbm>>) dst(%dma_wait3A_249 : memref<512x32xf32, #tpu.memory_space<vmem>>)
    %dma_start3A_255 = arith.constant 0 : i32
    %dma_start3A_256 = arith.constant 0 : i32
    %dma_start3A_257 = tpu.memref_slice %arg14[%dma_start3A_255, %dma_start3A_256] : memref<512x32xf32, #tpu.memory_space<vmem>> -> memref<512x32xf32, #tpu.memory_space<vmem>>
    %dma_start3A_258 = arith.constant 3584 : i32
    %dma_start3A_259 = tpu.memref_slice %arg8[%dma_start3A_258] : memref<10000xi32, #tpu.memory_space<vmem>> -> memref<512xi32, #tpu.memory_space<vmem>>
    %dma_start3A_260 = arith.constant 0 : i32
    %dma_start3A_261 = arith.constant 0 : i32
    %dma_start3A_262 = tpu.memref_slice %arg10[%dma_start3A_260, %dma_start3A_261] : memref<10240x32xf32, #tpu.memory_space<vmem_shared>> -> memref<10240x32xf32, #tpu.memory_space<vmem_shared>>
    tpu.enqueue_indirect_dma source(%dma_start3A_257 : memref<512x32xf32, #tpu.memory_space<vmem>>) target(%dma_start3A_262 : memref<10240x32xf32, #tpu.memory_space<vmem_shared>>) offsets(%dma_start3A_259 : memref<512xi32, #tpu.memory_space<vmem>>) semaphore(%arg22 : memref<!tpu.dma_semaphore, #tpu.memory_space<semaphore_mem>>) {add = true}
    %dma_wait3A_263 = arith.constant 0 : i32
    %dma_wait3A_264 = arith.constant 0 : i32
    %dma_wait3A_265 = tpu.memref_slice %arg13[%dma_wait3A_263, %dma_wait3A_264] : memref<512x32xf32, #tpu.memory_space<vmem>> -> memref<512x32xf32, #tpu.memory_space<vmem>>
    %dma_wait3A_266 = arith.constant 3072 : i32
    %dma_wait3A_267 = tpu.memref_slice %arg8[%dma_wait3A_266] : memref<10000xi32, #tpu.memory_space<vmem>> -> memref<512xi32, #tpu.memory_space<vmem>>
    %dma_wait3A_268 = arith.constant 0 : i32
    %dma_wait3A_269 = arith.constant 0 : i32
    %dma_wait3A_270 = tpu.memref_slice %arg10[%dma_wait3A_268, %dma_wait3A_269] : memref<10240x32xf32, #tpu.memory_space<vmem_shared>> -> memref<10240x32xf32, #tpu.memory_space<vmem_shared>>
    tpu.wait_indirect_dma semaphore(%arg21 : memref<!tpu.dma_semaphore, #tpu.memory_space<semaphore_mem>>) src(%dma_wait3A_265 : memref<512x32xf32, #tpu.memory_space<vmem>>) dst(%dma_wait3A_270 : memref<10240x32xf32, #tpu.memory_space<vmem_shared>>)
    %dma_start3A_271 = arith.constant 0 : i32
    %dma_start3A_272 = arith.constant 0 : i32
    %dma_start3A_273 = tpu.memref_slice %arg13[%dma_start3A_271, %dma_start3A_272] : memref<512x32xf32, #tpu.memory_space<vmem>> -> memref<512x32xf32, #tpu.memory_space<vmem>>
    %dma_start3A_274 = arith.constant 5120 : i32
    %dma_start3A_275 = tpu.memref_slice %arg7[%dma_start3A_274] : memref<10000xi32, #tpu.memory_space<vmem>> -> memref<512xi32, #tpu.memory_space<vmem>>
    %dma_start3A_276 = arith.constant 0 : i32
    %dma_start3A_277 = arith.constant 0 : i32
    %dma_start3A_278 = tpu.memref_slice %arg2[%dma_start3A_276, %dma_start3A_277] : memref<10000x32xf32, #tpu.memory_space<hbm>> -> memref<10000x32xf32, #tpu.memory_space<hbm>>
    tpu.enqueue_indirect_dma source(%dma_start3A_278 : memref<10000x32xf32, #tpu.memory_space<hbm>>) target(%dma_start3A_273 : memref<512x32xf32, #tpu.memory_space<vmem>>) offsets(%dma_start3A_275 : memref<512xi32, #tpu.memory_space<vmem>>) semaphore(%arg17 : memref<!tpu.dma_semaphore, #tpu.memory_space<semaphore_mem>>)
    %dma_wait3A_279 = arith.constant 0 : i32
    %dma_wait3A_280 = arith.constant 0 : i32
    %dma_wait3A_281 = tpu.memref_slice %arg11[%dma_wait3A_279, %dma_wait3A_280] : memref<512x32xf32, #tpu.memory_space<vmem>> -> memref<512x32xf32, #tpu.memory_space<vmem>>
    %dma_wait3A_282 = arith.constant 4096 : i32
    %dma_wait3A_283 = tpu.memref_slice %arg7[%dma_wait3A_282] : memref<10000xi32, #tpu.memory_space<vmem>> -> memref<512xi32, #tpu.memory_space<vmem>>
    %dma_wait3A_284 = arith.constant 0 : i32
    %dma_wait3A_285 = arith.constant 0 : i32
    %dma_wait3A_286 = tpu.memref_slice %arg2[%dma_wait3A_284, %dma_wait3A_285] : memref<10000x32xf32, #tpu.memory_space<hbm>> -> memref<10000x32xf32, #tpu.memory_space<hbm>>
    tpu.wait_indirect_dma semaphore(%arg15 : memref<!tpu.dma_semaphore, #tpu.memory_space<semaphore_mem>>) src(%dma_wait3A_286 : memref<10000x32xf32, #tpu.memory_space<hbm>>) dst(%dma_wait3A_281 : memref<512x32xf32, #tpu.memory_space<vmem>>)
    %dma_start3A_287 = arith.constant 0 : i32
    %dma_start3A_288 = arith.constant 0 : i32
    %dma_start3A_289 = tpu.memref_slice %arg11[%dma_start3A_287, %dma_start3A_288] : memref<512x32xf32, #tpu.memory_space<vmem>> -> memref<512x32xf32, #tpu.memory_space<vmem>>
    %dma_start3A_290 = arith.constant 4096 : i32
    %dma_start3A_291 = tpu.memref_slice %arg8[%dma_start3A_290] : memref<10000xi32, #tpu.memory_space<vmem>> -> memref<512xi32, #tpu.memory_space<vmem>>
    %dma_start3A_292 = arith.constant 0 : i32
    %dma_start3A_293 = arith.constant 0 : i32
    %dma_start3A_294 = tpu.memref_slice %arg10[%dma_start3A_292, %dma_start3A_293] : memref<10240x32xf32, #tpu.memory_space<vmem_shared>> -> memref<10240x32xf32, #tpu.memory_space<vmem_shared>>
    tpu.enqueue_indirect_dma source(%dma_start3A_289 : memref<512x32xf32, #tpu.memory_space<vmem>>) target(%dma_start3A_294 : memref<10240x32xf32, #tpu.memory_space<vmem_shared>>) offsets(%dma_start3A_291 : memref<512xi32, #tpu.memory_space<vmem>>) semaphore(%arg19 : memref<!tpu.dma_semaphore, #tpu.memory_space<semaphore_mem>>) {add = true}
    %dma_wait3A_295 = arith.constant 0 : i32
    %dma_wait3A_296 = arith.constant 0 : i32
    %dma_wait3A_297 = tpu.memref_slice %arg14[%dma_wait3A_295, %dma_wait3A_296] : memref<512x32xf32, #tpu.memory_space<vmem>> -> memref<512x32xf32, #tpu.memory_space<vmem>>
    %dma_wait3A_298 = arith.constant 3584 : i32
    %dma_wait3A_299 = tpu.memref_slice %arg8[%dma_wait3A_298] : memref<10000xi32, #tpu.memory_space<vmem>> -> memref<512xi32, #tpu.memory_space<vmem>>
    %dma_wait3A_300 = arith.constant 0 : i32
    %dma_wait3A_301 = arith.constant 0 : i32
    %dma_wait3A_302 = tpu.memref_slice %arg10[%dma_wait3A_300, %dma_wait3A_301] : memref<10240x32xf32, #tpu.memory_space<vmem_shared>> -> memref<10240x32xf32, #tpu.memory_space<vmem_shared>>
    tpu.wait_indirect_dma semaphore(%arg22 : memref<!tpu.dma_semaphore, #tpu.memory_space<semaphore_mem>>) src(%dma_wait3A_297 : memref<512x32xf32, #tpu.memory_space<vmem>>) dst(%dma_wait3A_302 : memref<10240x32xf32, #tpu.memory_space<vmem_shared>>)
    %dma_start3A_303 = arith.constant 0 : i32
    %dma_start3A_304 = arith.constant 0 : i32
    %dma_start3A_305 = tpu.memref_slice %arg14[%dma_start3A_303, %dma_start3A_304] : memref<512x32xf32, #tpu.memory_space<vmem>> -> memref<512x32xf32, #tpu.memory_space<vmem>>
    %dma_start3A_306 = arith.constant 5632 : i32
    %dma_start3A_307 = tpu.memref_slice %arg7[%dma_start3A_306] : memref<10000xi32, #tpu.memory_space<vmem>> -> memref<512xi32, #tpu.memory_space<vmem>>
    %dma_start3A_308 = arith.constant 0 : i32
    %dma_start3A_309 = arith.constant 0 : i32
    %dma_start3A_310 = tpu.memref_slice %arg2[%dma_start3A_308, %dma_start3A_309] : memref<10000x32xf32, #tpu.memory_space<hbm>> -> memref<10000x32xf32, #tpu.memory_space<hbm>>
    tpu.enqueue_indirect_dma source(%dma_start3A_310 : memref<10000x32xf32, #tpu.memory_space<hbm>>) target(%dma_start3A_305 : memref<512x32xf32, #tpu.memory_space<vmem>>) offsets(%dma_start3A_307 : memref<512xi32, #tpu.memory_space<vmem>>) semaphore(%arg18 : memref<!tpu.dma_semaphore, #tpu.memory_space<semaphore_mem>>)
    %dma_wait3A_311 = arith.constant 0 : i32
    %dma_wait3A_312 = arith.constant 0 : i32
    %dma_wait3A_313 = tpu.memref_slice %arg12[%dma_wait3A_311, %dma_wait3A_312] : memref<512x32xf32, #tpu.memory_space<vmem>> -> memref<512x32xf32, #tpu.memory_space<vmem>>
    %dma_wait3A_314 = arith.constant 4608 : i32
    %dma_wait3A_315 = tpu.memref_slice %arg7[%dma_wait3A_314] : memref<10000xi32, #tpu.memory_space<vmem>> -> memref<512xi32, #tpu.memory_space<vmem>>
    %dma_wait3A_316 = arith.constant 0 : i32
    %dma_wait3A_317 = arith.constant 0 : i32
    %dma_wait3A_318 = tpu.memref_slice %arg2[%dma_wait3A_316, %dma_wait3A_317] : memref<10000x32xf32, #tpu.memory_space<hbm>> -> memref<10000x32xf32, #tpu.memory_space<hbm>>
    tpu.wait_indirect_dma semaphore(%arg16 : memref<!tpu.dma_semaphore, #tpu.memory_space<semaphore_mem>>) src(%dma_wait3A_318 : memref<10000x32xf32, #tpu.memory_space<hbm>>) dst(%dma_wait3A_313 : memref<512x32xf32, #tpu.memory_space<vmem>>)
    %dma_start3A_319 = arith.constant 0 : i32
    %dma_start3A_320 = arith.constant 0 : i32
    %dma_start3A_321 = tpu.memref_slice %arg12[%dma_start3A_319, %dma_start3A_320] : memref<512x32xf32, #tpu.memory_space<vmem>> -> memref<512x32xf32, #tpu.memory_space<vmem>>
    %dma_start3A_322 = arith.constant 4608 : i32
    %dma_start3A_323 = tpu.memref_slice %arg8[%dma_start3A_322] : memref<10000xi32, #tpu.memory_space<vmem>> -> memref<512xi32, #tpu.memory_space<vmem>>
    %dma_start3A_324 = arith.constant 0 : i32
    %dma_start3A_325 = arith.constant 0 : i32
    %dma_start3A_326 = tpu.memref_slice %arg10[%dma_start3A_324, %dma_start3A_325] : memref<10240x32xf32, #tpu.memory_space<vmem_shared>> -> memref<10240x32xf32, #tpu.memory_space<vmem_shared>>
    tpu.enqueue_indirect_dma source(%dma_start3A_321 : memref<512x32xf32, #tpu.memory_space<vmem>>) target(%dma_start3A_326 : memref<10240x32xf32, #tpu.memory_space<vmem_shared>>) offsets(%dma_start3A_323 : memref<512xi32, #tpu.memory_space<vmem>>) semaphore(%arg20 : memref<!tpu.dma_semaphore, #tpu.memory_space<semaphore_mem>>) {add = true}
    %dma_wait3A_327 = arith.constant 0 : i32
    %dma_wait3A_328 = arith.constant 0 : i32
    %dma_wait3A_329 = tpu.memref_slice %arg11[%dma_wait3A_327, %dma_wait3A_328] : memref<512x32xf32, #tpu.memory_space<vmem>> -> memref<512x32xf32, #tpu.memory_space<vmem>>
    %dma_wait3A_330 = arith.constant 4096 : i32
    %dma_wait3A_331 = tpu.memref_slice %arg8[%dma_wait3A_330] : memref<10000xi32, #tpu.memory_space<vmem>> -> memref<512xi32, #tpu.memory_space<vmem>>
    %dma_wait3A_332 = arith.constant 0 : i32
    %dma_wait3A_333 = arith.constant 0 : i32
    %dma_wait3A_334 = tpu.memref_slice %arg10[%dma_wait3A_332, %dma_wait3A_333] : memref<10240x32xf32, #tpu.memory_space<vmem_shared>> -> memref<10240x32xf32, #tpu.memory_space<vmem_shared>>
    tpu.wait_indirect_dma semaphore(%arg19 : memref<!tpu.dma_semaphore, #tpu.memory_space<semaphore_mem>>) src(%dma_wait3A_329 : memref<512x32xf32, #tpu.memory_space<vmem>>) dst(%dma_wait3A_334 : memref<10240x32xf32, #tpu.memory_space<vmem_shared>>)
    %dma_start3A_335 = arith.constant 0 : i32
    %dma_start3A_336 = arith.constant 0 : i32
    %dma_start3A_337 = tpu.memref_slice %arg11[%dma_start3A_335, %dma_start3A_336] : memref<512x32xf32, #tpu.memory_space<vmem>> -> memref<512x32xf32, #tpu.memory_space<vmem>>
    %dma_start3A_338 = arith.constant 6144 : i32
    %dma_start3A_339 = tpu.memref_slice %arg7[%dma_start3A_338] : memref<10000xi32, #tpu.memory_space<vmem>> -> memref<512xi32, #tpu.memory_space<vmem>>
    %dma_start3A_340 = arith.constant 0 : i32
    %dma_start3A_341 = arith.constant 0 : i32
    %dma_start3A_342 = tpu.memref_slice %arg2[%dma_start3A_340, %dma_start3A_341] : memref<10000x32xf32, #tpu.memory_space<hbm>> -> memref<10000x32xf32, #tpu.memory_space<hbm>>
    tpu.enqueue_indirect_dma source(%dma_start3A_342 : memref<10000x32xf32, #tpu.memory_space<hbm>>) target(%dma_start3A_337 : memref<512x32xf32, #tpu.memory_space<vmem>>) offsets(%dma_start3A_339 : memref<512xi32, #tpu.memory_space<vmem>>) semaphore(%arg15 : memref<!tpu.dma_semaphore, #tpu.memory_space<semaphore_mem>>)
    %dma_wait3A_343 = arith.constant 0 : i32
    %dma_wait3A_344 = arith.constant 0 : i32
    %dma_wait3A_345 = tpu.memref_slice %arg13[%dma_wait3A_343, %dma_wait3A_344] : memref<512x32xf32, #tpu.memory_space<vmem>> -> memref<512x32xf32, #tpu.memory_space<vmem>>
    %dma_wait3A_346 = arith.constant 5120 : i32
    %dma_wait3A_347 = tpu.memref_slice %arg7[%dma_wait3A_346] : memref<10000xi32, #tpu.memory_space<vmem>> -> memref<512xi32, #tpu.memory_space<vmem>>
    %dma_wait3A_348 = arith.constant 0 : i32
    %dma_wait3A_349 = arith.constant 0 : i32
    %dma_wait3A_350 = tpu.memref_slice %arg2[%dma_wait3A_348, %dma_wait3A_349] : memref<10000x32xf32, #tpu.memory_space<hbm>> -> memref<10000x32xf32, #tpu.memory_space<hbm>>
    tpu.wait_indirect_dma semaphore(%arg17 : memref<!tpu.dma_semaphore, #tpu.memory_space<semaphore_mem>>) src(%dma_wait3A_350 : memref<10000x32xf32, #tpu.memory_space<hbm>>) dst(%dma_wait3A_345 : memref<512x32xf32, #tpu.memory_space<vmem>>)
    %dma_start3A_351 = arith.constant 0 : i32
    %dma_start3A_352 = arith.constant 0 : i32
    %dma_start3A_353 = tpu.memref_slice %arg13[%dma_start3A_351, %dma_start3A_352] : memref<512x32xf32, #tpu.memory_space<vmem>> -> memref<512x32xf32, #tpu.memory_space<vmem>>
    %dma_start3A_354 = arith.constant 5120 : i32
    %dma_start3A_355 = tpu.memref_slice %arg8[%dma_start3A_354] : memref<10000xi32, #tpu.memory_space<vmem>> -> memref<512xi32, #tpu.memory_space<vmem>>
    %dma_start3A_356 = arith.constant 0 : i32
    %dma_start3A_357 = arith.constant 0 : i32
    %dma_start3A_358 = tpu.memref_slice %arg10[%dma_start3A_356, %dma_start3A_357] : memref<10240x32xf32, #tpu.memory_space<vmem_shared>> -> memref<10240x32xf32, #tpu.memory_space<vmem_shared>>
    tpu.enqueue_indirect_dma source(%dma_start3A_353 : memref<512x32xf32, #tpu.memory_space<vmem>>) target(%dma_start3A_358 : memref<10240x32xf32, #tpu.memory_space<vmem_shared>>) offsets(%dma_start3A_355 : memref<512xi32, #tpu.memory_space<vmem>>) semaphore(%arg21 : memref<!tpu.dma_semaphore, #tpu.memory_space<semaphore_mem>>) {add = true}
    %dma_wait3A_359 = arith.constant 0 : i32
    %dma_wait3A_360 = arith.constant 0 : i32
    %dma_wait3A_361 = tpu.memref_slice %arg12[%dma_wait3A_359, %dma_wait3A_360] : memref<512x32xf32, #tpu.memory_space<vmem>> -> memref<512x32xf32, #tpu.memory_space<vmem>>
    %dma_wait3A_362 = arith.constant 4608 : i32
    %dma_wait3A_363 = tpu.memref_slice %arg8[%dma_wait3A_362] : memref<10000xi32, #tpu.memory_space<vmem>> -> memref<512xi32, #tpu.memory_space<vmem>>
    %dma_wait3A_364 = arith.constant 0 : i32
    %dma_wait3A_365 = arith.constant 0 : i32
    %dma_wait3A_366 = tpu.memref_slice %arg10[%dma_wait3A_364, %dma_wait3A_365] : memref<10240x32xf32, #tpu.memory_space<vmem_shared>> -> memref<10240x32xf32, #tpu.memory_space<vmem_shared>>
    tpu.wait_indirect_dma semaphore(%arg20 : memref<!tpu.dma_semaphore, #tpu.memory_space<semaphore_mem>>) src(%dma_wait3A_361 : memref<512x32xf32, #tpu.memory_space<vmem>>) dst(%dma_wait3A_366 : memref<10240x32xf32, #tpu.memory_space<vmem_shared>>)
    %dma_start3A_367 = arith.constant 0 : i32
    %dma_start3A_368 = arith.constant 0 : i32
    %dma_start3A_369 = tpu.memref_slice %arg12[%dma_start3A_367, %dma_start3A_368] : memref<512x32xf32, #tpu.memory_space<vmem>> -> memref<512x32xf32, #tpu.memory_space<vmem>>
    %dma_start3A_370 = arith.constant 6656 : i32
    %dma_start3A_371 = tpu.memref_slice %arg7[%dma_start3A_370] : memref<10000xi32, #tpu.memory_space<vmem>> -> memref<512xi32, #tpu.memory_space<vmem>>
    %dma_start3A_372 = arith.constant 0 : i32
    %dma_start3A_373 = arith.constant 0 : i32
    %dma_start3A_374 = tpu.memref_slice %arg2[%dma_start3A_372, %dma_start3A_373] : memref<10000x32xf32, #tpu.memory_space<hbm>> -> memref<10000x32xf32, #tpu.memory_space<hbm>>
    tpu.enqueue_indirect_dma source(%dma_start3A_374 : memref<10000x32xf32, #tpu.memory_space<hbm>>) target(%dma_start3A_369 : memref<512x32xf32, #tpu.memory_space<vmem>>) offsets(%dma_start3A_371 : memref<512xi32, #tpu.memory_space<vmem>>) semaphore(%arg16 : memref<!tpu.dma_semaphore, #tpu.memory_space<semaphore_mem>>)
    %dma_wait3A_375 = arith.constant 0 : i32
    %dma_wait3A_376 = arith.constant 0 : i32
    %dma_wait3A_377 = tpu.memref_slice %arg14[%dma_wait3A_375, %dma_wait3A_376] : memref<512x32xf32, #tpu.memory_space<vmem>> -> memref<512x32xf32, #tpu.memory_space<vmem>>
    %dma_wait3A_378 = arith.constant 5632 : i32
    %dma_wait3A_379 = tpu.memref_slice %arg7[%dma_wait3A_378] : memref<10000xi32, #tpu.memory_space<vmem>> -> memref<512xi32, #tpu.memory_space<vmem>>
    %dma_wait3A_380 = arith.constant 0 : i32
    %dma_wait3A_381 = arith.constant 0 : i32
    %dma_wait3A_382 = tpu.memref_slice %arg2[%dma_wait3A_380, %dma_wait3A_381] : memref<10000x32xf32, #tpu.memory_space<hbm>> -> memref<10000x32xf32, #tpu.memory_space<hbm>>
    tpu.wait_indirect_dma semaphore(%arg18 : memref<!tpu.dma_semaphore, #tpu.memory_space<semaphore_mem>>) src(%dma_wait3A_382 : memref<10000x32xf32, #tpu.memory_space<hbm>>) dst(%dma_wait3A_377 : memref<512x32xf32, #tpu.memory_space<vmem>>)
    %dma_start3A_383 = arith.constant 0 : i32
    %dma_start3A_384 = arith.constant 0 : i32
    %dma_start3A_385 = tpu.memref_slice %arg14[%dma_start3A_383, %dma_start3A_384] : memref<512x32xf32, #tpu.memory_space<vmem>> -> memref<512x32xf32, #tpu.memory_space<vmem>>
    %dma_start3A_386 = arith.constant 5632 : i32
    %dma_start3A_387 = tpu.memref_slice %arg8[%dma_start3A_386] : memref<10000xi32, #tpu.memory_space<vmem>> -> memref<512xi32, #tpu.memory_space<vmem>>
    %dma_start3A_388 = arith.constant 0 : i32
    %dma_start3A_389 = arith.constant 0 : i32
    %dma_start3A_390 = tpu.memref_slice %arg10[%dma_start3A_388, %dma_start3A_389] : memref<10240x32xf32, #tpu.memory_space<vmem_shared>> -> memref<10240x32xf32, #tpu.memory_space<vmem_shared>>
    tpu.enqueue_indirect_dma source(%dma_start3A_385 : memref<512x32xf32, #tpu.memory_space<vmem>>) target(%dma_start3A_390 : memref<10240x32xf32, #tpu.memory_space<vmem_shared>>) offsets(%dma_start3A_387 : memref<512xi32, #tpu.memory_space<vmem>>) semaphore(%arg22 : memref<!tpu.dma_semaphore, #tpu.memory_space<semaphore_mem>>) {add = true}
    %dma_wait3A_391 = arith.constant 0 : i32
    %dma_wait3A_392 = arith.constant 0 : i32
    %dma_wait3A_393 = tpu.memref_slice %arg13[%dma_wait3A_391, %dma_wait3A_392] : memref<512x32xf32, #tpu.memory_space<vmem>> -> memref<512x32xf32, #tpu.memory_space<vmem>>
    %dma_wait3A_394 = arith.constant 5120 : i32
    %dma_wait3A_395 = tpu.memref_slice %arg8[%dma_wait3A_394] : memref<10000xi32, #tpu.memory_space<vmem>> -> memref<512xi32, #tpu.memory_space<vmem>>
    %dma_wait3A_396 = arith.constant 0 : i32
    %dma_wait3A_397 = arith.constant 0 : i32
    %dma_wait3A_398 = tpu.memref_slice %arg10[%dma_wait3A_396, %dma_wait3A_397] : memref<10240x32xf32, #tpu.memory_space<vmem_shared>> -> memref<10240x32xf32, #tpu.memory_space<vmem_shared>>
    tpu.wait_indirect_dma semaphore(%arg21 : memref<!tpu.dma_semaphore, #tpu.memory_space<semaphore_mem>>) src(%dma_wait3A_393 : memref<512x32xf32, #tpu.memory_space<vmem>>) dst(%dma_wait3A_398 : memref<10240x32xf32, #tpu.memory_space<vmem_shared>>)
    %dma_start3A_399 = arith.constant 0 : i32
    %dma_start3A_400 = arith.constant 0 : i32
    %dma_start3A_401 = tpu.memref_slice %arg13[%dma_start3A_399, %dma_start3A_400] : memref<512x32xf32, #tpu.memory_space<vmem>> -> memref<512x32xf32, #tpu.memory_space<vmem>>
    %dma_start3A_402 = arith.constant 7168 : i32
    %dma_start3A_403 = tpu.memref_slice %arg7[%dma_start3A_402] : memref<10000xi32, #tpu.memory_space<vmem>> -> memref<512xi32, #tpu.memory_space<vmem>>
    %dma_start3A_404 = arith.constant 0 : i32
    %dma_start3A_405 = arith.constant 0 : i32
    %dma_start3A_406 = tpu.memref_slice %arg2[%dma_start3A_404, %dma_start3A_405] : memref<10000x32xf32, #tpu.memory_space<hbm>> -> memref<10000x32xf32, #tpu.memory_space<hbm>>
    tpu.enqueue_indirect_dma source(%dma_start3A_406 : memref<10000x32xf32, #tpu.memory_space<hbm>>) target(%dma_start3A_401 : memref<512x32xf32, #tpu.memory_space<vmem>>) offsets(%dma_start3A_403 : memref<512xi32, #tpu.memory_space<vmem>>) semaphore(%arg17 : memref<!tpu.dma_semaphore, #tpu.memory_space<semaphore_mem>>)
    %dma_wait3A_407 = arith.constant 0 : i32
    %dma_wait3A_408 = arith.constant 0 : i32
    %dma_wait3A_409 = tpu.memref_slice %arg11[%dma_wait3A_407, %dma_wait3A_408] : memref<512x32xf32, #tpu.memory_space<vmem>> -> memref<512x32xf32, #tpu.memory_space<vmem>>
    %dma_wait3A_410 = arith.constant 6144 : i32
    %dma_wait3A_411 = tpu.memref_slice %arg7[%dma_wait3A_410] : memref<10000xi32, #tpu.memory_space<vmem>> -> memref<512xi32, #tpu.memory_space<vmem>>
    %dma_wait3A_412 = arith.constant 0 : i32
    %dma_wait3A_413 = arith.constant 0 : i32
    %dma_wait3A_414 = tpu.memref_slice %arg2[%dma_wait3A_412, %dma_wait3A_413] : memref<10000x32xf32, #tpu.memory_space<hbm>> -> memref<10000x32xf32, #tpu.memory_space<hbm>>
    tpu.wait_indirect_dma semaphore(%arg15 : memref<!tpu.dma_semaphore, #tpu.memory_space<semaphore_mem>>) src(%dma_wait3A_414 : memref<10000x32xf32, #tpu.memory_space<hbm>>) dst(%dma_wait3A_409 : memref<512x32xf32, #tpu.memory_space<vmem>>)
    %dma_start3A_415 = arith.constant 0 : i32
    %dma_start3A_416 = arith.constant 0 : i32
    %dma_start3A_417 = tpu.memref_slice %arg11[%dma_start3A_415, %dma_start3A_416] : memref<512x32xf32, #tpu.memory_space<vmem>> -> memref<512x32xf32, #tpu.memory_space<vmem>>
    %dma_start3A_418 = arith.constant 6144 : i32
    %dma_start3A_419 = tpu.memref_slice %arg8[%dma_start3A_418] : memref<10000xi32, #tpu.memory_space<vmem>> -> memref<512xi32, #tpu.memory_space<vmem>>
    %dma_start3A_420 = arith.constant 0 : i32
    %dma_start3A_421 = arith.constant 0 : i32
    %dma_start3A_422 = tpu.memref_slice %arg10[%dma_start3A_420, %dma_start3A_421] : memref<10240x32xf32, #tpu.memory_space<vmem_shared>> -> memref<10240x32xf32, #tpu.memory_space<vmem_shared>>
    tpu.enqueue_indirect_dma source(%dma_start3A_417 : memref<512x32xf32, #tpu.memory_space<vmem>>) target(%dma_start3A_422 : memref<10240x32xf32, #tpu.memory_space<vmem_shared>>) offsets(%dma_start3A_419 : memref<512xi32, #tpu.memory_space<vmem>>) semaphore(%arg19 : memref<!tpu.dma_semaphore, #tpu.memory_space<semaphore_mem>>) {add = true}
    %dma_wait3A_423 = arith.constant 0 : i32
    %dma_wait3A_424 = arith.constant 0 : i32
    %dma_wait3A_425 = tpu.memref_slice %arg14[%dma_wait3A_423, %dma_wait3A_424] : memref<512x32xf32, #tpu.memory_space<vmem>> -> memref<512x32xf32, #tpu.memory_space<vmem>>
    %dma_wait3A_426 = arith.constant 5632 : i32
    %dma_wait3A_427 = tpu.memref_slice %arg8[%dma_wait3A_426] : memref<10000xi32, #tpu.memory_space<vmem>> -> memref<512xi32, #tpu.memory_space<vmem>>
    %dma_wait3A_428 = arith.constant 0 : i32
    %dma_wait3A_429 = arith.constant 0 : i32
    %dma_wait3A_430 = tpu.memref_slice %arg10[%dma_wait3A_428, %dma_wait3A_429] : memref<10240x32xf32, #tpu.memory_space<vmem_shared>> -> memref<10240x32xf32, #tpu.memory_space<vmem_shared>>
    tpu.wait_indirect_dma semaphore(%arg22 : memref<!tpu.dma_semaphore, #tpu.memory_space<semaphore_mem>>) src(%dma_wait3A_425 : memref<512x32xf32, #tpu.memory_space<vmem>>) dst(%dma_wait3A_430 : memref<10240x32xf32, #tpu.memory_space<vmem_shared>>)
    %dma_start3A_431 = arith.constant 0 : i32
    %dma_start3A_432 = arith.constant 0 : i32
    %dma_start3A_433 = tpu.memref_slice %arg14[%dma_start3A_431, %dma_start3A_432] : memref<512x32xf32, #tpu.memory_space<vmem>> -> memref<512x32xf32, #tpu.memory_space<vmem>>
    %dma_start3A_434 = arith.constant 7680 : i32
    %dma_start3A_435 = tpu.memref_slice %arg7[%dma_start3A_434] : memref<10000xi32, #tpu.memory_space<vmem>> -> memref<512xi32, #tpu.memory_space<vmem>>
    %dma_start3A_436 = arith.constant 0 : i32
    %dma_start3A_437 = arith.constant 0 : i32
    %dma_start3A_438 = tpu.memref_slice %arg2[%dma_start3A_436, %dma_start3A_437] : memref<10000x32xf32, #tpu.memory_space<hbm>> -> memref<10000x32xf32, #tpu.memory_space<hbm>>
    tpu.enqueue_indirect_dma source(%dma_start3A_438 : memref<10000x32xf32, #tpu.memory_space<hbm>>) target(%dma_start3A_433 : memref<512x32xf32, #tpu.memory_space<vmem>>) offsets(%dma_start3A_435 : memref<512xi32, #tpu.memory_space<vmem>>) semaphore(%arg18 : memref<!tpu.dma_semaphore, #tpu.memory_space<semaphore_mem>>)
    %dma_wait3A_439 = arith.constant 0 : i32
    %dma_wait3A_440 = arith.constant 0 : i32
    %dma_wait3A_441 = tpu.memref_slice %arg12[%dma_wait3A_439, %dma_wait3A_440] : memref<512x32xf32, #tpu.memory_space<vmem>> -> memref<512x32xf32, #tpu.memory_space<vmem>>
    %dma_wait3A_442 = arith.constant 6656 : i32
    %dma_wait3A_443 = tpu.memref_slice %arg7[%dma_wait3A_442] : memref<10000xi32, #tpu.memory_space<vmem>> -> memref<512xi32, #tpu.memory_space<vmem>>
    %dma_wait3A_444 = arith.constant 0 : i32
    %dma_wait3A_445 = arith.constant 0 : i32
    %dma_wait3A_446 = tpu.memref_slice %arg2[%dma_wait3A_444, %dma_wait3A_445] : memref<10000x32xf32, #tpu.memory_space<hbm>> -> memref<10000x32xf32, #tpu.memory_space<hbm>>
    tpu.wait_indirect_dma semaphore(%arg16 : memref<!tpu.dma_semaphore, #tpu.memory_space<semaphore_mem>>) src(%dma_wait3A_446 : memref<10000x32xf32, #tpu.memory_space<hbm>>) dst(%dma_wait3A_441 : memref<512x32xf32, #tpu.memory_space<vmem>>)
    %dma_start3A_447 = arith.constant 0 : i32
    %dma_start3A_448 = arith.constant 0 : i32
    %dma_start3A_449 = tpu.memref_slice %arg12[%dma_start3A_447, %dma_start3A_448] : memref<512x32xf32, #tpu.memory_space<vmem>> -> memref<512x32xf32, #tpu.memory_space<vmem>>
    %dma_start3A_450 = arith.constant 6656 : i32
    %dma_start3A_451 = tpu.memref_slice %arg8[%dma_start3A_450] : memref<10000xi32, #tpu.memory_space<vmem>> -> memref<512xi32, #tpu.memory_space<vmem>>
    %dma_start3A_452 = arith.constant 0 : i32
    %dma_start3A_453 = arith.constant 0 : i32
    %dma_start3A_454 = tpu.memref_slice %arg10[%dma_start3A_452, %dma_start3A_453] : memref<10240x32xf32, #tpu.memory_space<vmem_shared>> -> memref<10240x32xf32, #tpu.memory_space<vmem_shared>>
    tpu.enqueue_indirect_dma source(%dma_start3A_449 : memref<512x32xf32, #tpu.memory_space<vmem>>) target(%dma_start3A_454 : memref<10240x32xf32, #tpu.memory_space<vmem_shared>>) offsets(%dma_start3A_451 : memref<512xi32, #tpu.memory_space<vmem>>) semaphore(%arg20 : memref<!tpu.dma_semaphore, #tpu.memory_space<semaphore_mem>>) {add = true}
    %dma_wait3A_455 = arith.constant 0 : i32
    %dma_wait3A_456 = arith.constant 0 : i32
    %dma_wait3A_457 = tpu.memref_slice %arg11[%dma_wait3A_455, %dma_wait3A_456] : memref<512x32xf32, #tpu.memory_space<vmem>> -> memref<512x32xf32, #tpu.memory_space<vmem>>
    %dma_wait3A_458 = arith.constant 6144 : i32
    %dma_wait3A_459 = tpu.memref_slice %arg8[%dma_wait3A_458] : memref<10000xi32, #tpu.memory_space<vmem>> -> memref<512xi32, #tpu.memory_space<vmem>>
    %dma_wait3A_460 = arith.constant 0 : i32
    %dma_wait3A_461 = arith.constant 0 : i32
    %dma_wait3A_462 = tpu.memref_slice %arg10[%dma_wait3A_460, %dma_wait3A_461] : memref<10240x32xf32, #tpu.memory_space<vmem_shared>> -> memref<10240x32xf32, #tpu.memory_space<vmem_shared>>
    tpu.wait_indirect_dma semaphore(%arg19 : memref<!tpu.dma_semaphore, #tpu.memory_space<semaphore_mem>>) src(%dma_wait3A_457 : memref<512x32xf32, #tpu.memory_space<vmem>>) dst(%dma_wait3A_462 : memref<10240x32xf32, #tpu.memory_space<vmem_shared>>)
    %dma_start3A_463 = arith.constant 0 : i32
    %dma_start3A_464 = arith.constant 0 : i32
    %dma_start3A_465 = tpu.memref_slice %arg11[%dma_start3A_463, %dma_start3A_464] : memref<512x32xf32, #tpu.memory_space<vmem>> -> memref<512x32xf32, #tpu.memory_space<vmem>>
    %dma_start3A_466 = arith.constant 8192 : i32
    %dma_start3A_467 = tpu.memref_slice %arg7[%dma_start3A_466] : memref<10000xi32, #tpu.memory_space<vmem>> -> memref<512xi32, #tpu.memory_space<vmem>>
    %dma_start3A_468 = arith.constant 0 : i32
    %dma_start3A_469 = arith.constant 0 : i32
    %dma_start3A_470 = tpu.memref_slice %arg2[%dma_start3A_468, %dma_start3A_469] : memref<10000x32xf32, #tpu.memory_space<hbm>> -> memref<10000x32xf32, #tpu.memory_space<hbm>>
    tpu.enqueue_indirect_dma source(%dma_start3A_470 : memref<10000x32xf32, #tpu.memory_space<hbm>>) target(%dma_start3A_465 : memref<512x32xf32, #tpu.memory_space<vmem>>) offsets(%dma_start3A_467 : memref<512xi32, #tpu.memory_space<vmem>>) semaphore(%arg15 : memref<!tpu.dma_semaphore, #tpu.memory_space<semaphore_mem>>)
    %dma_wait3A_471 = arith.constant 0 : i32
    %dma_wait3A_472 = arith.constant 0 : i32
    %dma_wait3A_473 = tpu.memref_slice %arg13[%dma_wait3A_471, %dma_wait3A_472] : memref<512x32xf32, #tpu.memory_space<vmem>> -> memref<512x32xf32, #tpu.memory_space<vmem>>
    %dma_wait3A_474 = arith.constant 7168 : i32
    %dma_wait3A_475 = tpu.memref_slice %arg7[%dma_wait3A_474] : memref<10000xi32, #tpu.memory_space<vmem>> -> memref<512xi32, #tpu.memory_space<vmem>>
    %dma_wait3A_476 = arith.constant 0 : i32
    %dma_wait3A_477 = arith.constant 0 : i32
    %dma_wait3A_478 = tpu.memref_slice %arg2[%dma_wait3A_476, %dma_wait3A_477] : memref<10000x32xf32, #tpu.memory_space<hbm>> -> memref<10000x32xf32, #tpu.memory_space<hbm>>
    tpu.wait_indirect_dma semaphore(%arg17 : memref<!tpu.dma_semaphore, #tpu.memory_space<semaphore_mem>>) src(%dma_wait3A_478 : memref<10000x32xf32, #tpu.memory_space<hbm>>) dst(%dma_wait3A_473 : memref<512x32xf32, #tpu.memory_space<vmem>>)
    %dma_start3A_479 = arith.constant 0 : i32
    %dma_start3A_480 = arith.constant 0 : i32
    %dma_start3A_481 = tpu.memref_slice %arg13[%dma_start3A_479, %dma_start3A_480] : memref<512x32xf32, #tpu.memory_space<vmem>> -> memref<512x32xf32, #tpu.memory_space<vmem>>
    %dma_start3A_482 = arith.constant 7168 : i32
    %dma_start3A_483 = tpu.memref_slice %arg8[%dma_start3A_482] : memref<10000xi32, #tpu.memory_space<vmem>> -> memref<512xi32, #tpu.memory_space<vmem>>
    %dma_start3A_484 = arith.constant 0 : i32
    %dma_start3A_485 = arith.constant 0 : i32
    %dma_start3A_486 = tpu.memref_slice %arg10[%dma_start3A_484, %dma_start3A_485] : memref<10240x32xf32, #tpu.memory_space<vmem_shared>> -> memref<10240x32xf32, #tpu.memory_space<vmem_shared>>
    tpu.enqueue_indirect_dma source(%dma_start3A_481 : memref<512x32xf32, #tpu.memory_space<vmem>>) target(%dma_start3A_486 : memref<10240x32xf32, #tpu.memory_space<vmem_shared>>) offsets(%dma_start3A_483 : memref<512xi32, #tpu.memory_space<vmem>>) semaphore(%arg21 : memref<!tpu.dma_semaphore, #tpu.memory_space<semaphore_mem>>) {add = true}
    %dma_wait3A_487 = arith.constant 0 : i32
    %dma_wait3A_488 = arith.constant 0 : i32
    %dma_wait3A_489 = tpu.memref_slice %arg12[%dma_wait3A_487, %dma_wait3A_488] : memref<512x32xf32, #tpu.memory_space<vmem>> -> memref<512x32xf32, #tpu.memory_space<vmem>>
    %dma_wait3A_490 = arith.constant 6656 : i32
    %dma_wait3A_491 = tpu.memref_slice %arg8[%dma_wait3A_490] : memref<10000xi32, #tpu.memory_space<vmem>> -> memref<512xi32, #tpu.memory_space<vmem>>
    %dma_wait3A_492 = arith.constant 0 : i32
    %dma_wait3A_493 = arith.constant 0 : i32
    %dma_wait3A_494 = tpu.memref_slice %arg10[%dma_wait3A_492, %dma_wait3A_493] : memref<10240x32xf32, #tpu.memory_space<vmem_shared>> -> memref<10240x32xf32, #tpu.memory_space<vmem_shared>>
    tpu.wait_indirect_dma semaphore(%arg20 : memref<!tpu.dma_semaphore, #tpu.memory_space<semaphore_mem>>) src(%dma_wait3A_489 : memref<512x32xf32, #tpu.memory_space<vmem>>) dst(%dma_wait3A_494 : memref<10240x32xf32, #tpu.memory_space<vmem_shared>>)
    %dma_start3A_495 = arith.constant 0 : i32
    %dma_start3A_496 = arith.constant 0 : i32
    %dma_start3A_497 = tpu.memref_slice %arg12[%dma_start3A_495, %dma_start3A_496] : memref<512x32xf32, #tpu.memory_space<vmem>> -> memref<512x32xf32, #tpu.memory_space<vmem>>
    %dma_start3A_498 = arith.constant 8704 : i32
    %dma_start3A_499 = tpu.memref_slice %arg7[%dma_start3A_498] : memref<10000xi32, #tpu.memory_space<vmem>> -> memref<512xi32, #tpu.memory_space<vmem>>
    %dma_start3A_500 = arith.constant 0 : i32
    %dma_start3A_501 = arith.constant 0 : i32
    %dma_start3A_502 = tpu.memref_slice %arg2[%dma_start3A_500, %dma_start3A_501] : memref<10000x32xf32, #tpu.memory_space<hbm>> -> memref<10000x32xf32, #tpu.memory_space<hbm>>
    tpu.enqueue_indirect_dma source(%dma_start3A_502 : memref<10000x32xf32, #tpu.memory_space<hbm>>) target(%dma_start3A_497 : memref<512x32xf32, #tpu.memory_space<vmem>>) offsets(%dma_start3A_499 : memref<512xi32, #tpu.memory_space<vmem>>) semaphore(%arg16 : memref<!tpu.dma_semaphore, #tpu.memory_space<semaphore_mem>>)
    %dma_wait3A_503 = arith.constant 0 : i32
    %dma_wait3A_504 = arith.constant 0 : i32
    %dma_wait3A_505 = tpu.memref_slice %arg14[%dma_wait3A_503, %dma_wait3A_504] : memref<512x32xf32, #tpu.memory_space<vmem>> -> memref<512x32xf32, #tpu.memory_space<vmem>>
    %dma_wait3A_506 = arith.constant 7680 : i32
    %dma_wait3A_507 = tpu.memref_slice %arg7[%dma_wait3A_506] : memref<10000xi32, #tpu.memory_space<vmem>> -> memref<512xi32, #tpu.memory_space<vmem>>
    %dma_wait3A_508 = arith.constant 0 : i32
    %dma_wait3A_509 = arith.constant 0 : i32
    %dma_wait3A_510 = tpu.memref_slice %arg2[%dma_wait3A_508, %dma_wait3A_509] : memref<10000x32xf32, #tpu.memory_space<hbm>> -> memref<10000x32xf32, #tpu.memory_space<hbm>>
    tpu.wait_indirect_dma semaphore(%arg18 : memref<!tpu.dma_semaphore, #tpu.memory_space<semaphore_mem>>) src(%dma_wait3A_510 : memref<10000x32xf32, #tpu.memory_space<hbm>>) dst(%dma_wait3A_505 : memref<512x32xf32, #tpu.memory_space<vmem>>)
    %dma_start3A_511 = arith.constant 0 : i32
    %dma_start3A_512 = arith.constant 0 : i32
    %dma_start3A_513 = tpu.memref_slice %arg14[%dma_start3A_511, %dma_start3A_512] : memref<512x32xf32, #tpu.memory_space<vmem>> -> memref<512x32xf32, #tpu.memory_space<vmem>>
    %dma_start3A_514 = arith.constant 7680 : i32
    %dma_start3A_515 = tpu.memref_slice %arg8[%dma_start3A_514] : memref<10000xi32, #tpu.memory_space<vmem>> -> memref<512xi32, #tpu.memory_space<vmem>>
    %dma_start3A_516 = arith.constant 0 : i32
    %dma_start3A_517 = arith.constant 0 : i32
    %dma_start3A_518 = tpu.memref_slice %arg10[%dma_start3A_516, %dma_start3A_517] : memref<10240x32xf32, #tpu.memory_space<vmem_shared>> -> memref<10240x32xf32, #tpu.memory_space<vmem_shared>>
    tpu.enqueue_indirect_dma source(%dma_start3A_513 : memref<512x32xf32, #tpu.memory_space<vmem>>) target(%dma_start3A_518 : memref<10240x32xf32, #tpu.memory_space<vmem_shared>>) offsets(%dma_start3A_515 : memref<512xi32, #tpu.memory_space<vmem>>) semaphore(%arg22 : memref<!tpu.dma_semaphore, #tpu.memory_space<semaphore_mem>>) {add = true}
    %dma_wait3A_519 = arith.constant 0 : i32
    %dma_wait3A_520 = arith.constant 0 : i32
    %dma_wait3A_521 = tpu.memref_slice %arg13[%dma_wait3A_519, %dma_wait3A_520] : memref<512x32xf32, #tpu.memory_space<vmem>> -> memref<512x32xf32, #tpu.memory_space<vmem>>
    %dma_wait3A_522 = arith.constant 7168 : i32
    %dma_wait3A_523 = tpu.memref_slice %arg8[%dma_wait3A_522] : memref<10000xi32, #tpu.memory_space<vmem>> -> memref<512xi32, #tpu.memory_space<vmem>>
    %dma_wait3A_524 = arith.constant 0 : i32
    %dma_wait3A_525 = arith.constant 0 : i32
    %dma_wait3A_526 = tpu.memref_slice %arg10[%dma_wait3A_524, %dma_wait3A_525] : memref<10240x32xf32, #tpu.memory_space<vmem_shared>> -> memref<10240x32xf32, #tpu.memory_space<vmem_shared>>
    tpu.wait_indirect_dma semaphore(%arg21 : memref<!tpu.dma_semaphore, #tpu.memory_space<semaphore_mem>>) src(%dma_wait3A_521 : memref<512x32xf32, #tpu.memory_space<vmem>>) dst(%dma_wait3A_526 : memref<10240x32xf32, #tpu.memory_space<vmem_shared>>)
    %dma_start3A_527 = arith.constant 0 : i32
    %dma_start3A_528 = arith.constant 0 : i32
    %dma_start3A_529 = tpu.memref_slice %arg13[%dma_start3A_527, %dma_start3A_528] : memref<512x32xf32, #tpu.memory_space<vmem>> -> memref<512x32xf32, #tpu.memory_space<vmem>>
    %dma_start3A_530 = arith.constant 9216 : i32
    %dma_start3A_531 = tpu.memref_slice %arg7[%dma_start3A_530] : memref<10000xi32, #tpu.memory_space<vmem>> -> memref<512xi32, #tpu.memory_space<vmem>>
    %dma_start3A_532 = arith.constant 0 : i32
    %dma_start3A_533 = arith.constant 0 : i32
    %dma_start3A_534 = tpu.memref_slice %arg2[%dma_start3A_532, %dma_start3A_533] : memref<10000x32xf32, #tpu.memory_space<hbm>> -> memref<10000x32xf32, #tpu.memory_space<hbm>>
    tpu.enqueue_indirect_dma source(%dma_start3A_534 : memref<10000x32xf32, #tpu.memory_space<hbm>>) target(%dma_start3A_529 : memref<512x32xf32, #tpu.memory_space<vmem>>) offsets(%dma_start3A_531 : memref<512xi32, #tpu.memory_space<vmem>>) semaphore(%arg17 : memref<!tpu.dma_semaphore, #tpu.memory_space<semaphore_mem>>)
    %dma_wait3A_535 = arith.constant 0 : i32
    %dma_wait3A_536 = arith.constant 0 : i32
    %dma_wait3A_537 = tpu.memref_slice %arg11[%dma_wait3A_535, %dma_wait3A_536] : memref<512x32xf32, #tpu.memory_space<vmem>> -> memref<512x32xf32, #tpu.memory_space<vmem>>
    %dma_wait3A_538 = arith.constant 8192 : i32
    %dma_wait3A_539 = tpu.memref_slice %arg7[%dma_wait3A_538] : memref<10000xi32, #tpu.memory_space<vmem>> -> memref<512xi32, #tpu.memory_space<vmem>>
    %dma_wait3A_540 = arith.constant 0 : i32
    %dma_wait3A_541 = arith.constant 0 : i32
    %dma_wait3A_542 = tpu.memref_slice %arg2[%dma_wait3A_540, %dma_wait3A_541] : memref<10000x32xf32, #tpu.memory_space<hbm>> -> memref<10000x32xf32, #tpu.memory_space<hbm>>
    tpu.wait_indirect_dma semaphore(%arg15 : memref<!tpu.dma_semaphore, #tpu.memory_space<semaphore_mem>>) src(%dma_wait3A_542 : memref<10000x32xf32, #tpu.memory_space<hbm>>) dst(%dma_wait3A_537 : memref<512x32xf32, #tpu.memory_space<vmem>>)
    %dma_start3A_543 = arith.constant 0 : i32
    %dma_start3A_544 = arith.constant 0 : i32
    %dma_start3A_545 = tpu.memref_slice %arg11[%dma_start3A_543, %dma_start3A_544] : memref<512x32xf32, #tpu.memory_space<vmem>> -> memref<512x32xf32, #tpu.memory_space<vmem>>
    %dma_start3A_546 = arith.constant 8192 : i32
    %dma_start3A_547 = tpu.memref_slice %arg8[%dma_start3A_546] : memref<10000xi32, #tpu.memory_space<vmem>> -> memref<512xi32, #tpu.memory_space<vmem>>
    %dma_start3A_548 = arith.constant 0 : i32
    %dma_start3A_549 = arith.constant 0 : i32
    %dma_start3A_550 = tpu.memref_slice %arg10[%dma_start3A_548, %dma_start3A_549] : memref<10240x32xf32, #tpu.memory_space<vmem_shared>> -> memref<10240x32xf32, #tpu.memory_space<vmem_shared>>
    tpu.enqueue_indirect_dma source(%dma_start3A_545 : memref<512x32xf32, #tpu.memory_space<vmem>>) target(%dma_start3A_550 : memref<10240x32xf32, #tpu.memory_space<vmem_shared>>) offsets(%dma_start3A_547 : memref<512xi32, #tpu.memory_space<vmem>>) semaphore(%arg19 : memref<!tpu.dma_semaphore, #tpu.memory_space<semaphore_mem>>) {add = true}
    %dma_wait3A_551 = arith.constant 0 : i32
    %dma_wait3A_552 = arith.constant 0 : i32
    %dma_wait3A_553 = tpu.memref_slice %arg14[%dma_wait3A_551, %dma_wait3A_552] : memref<512x32xf32, #tpu.memory_space<vmem>> -> memref<512x32xf32, #tpu.memory_space<vmem>>
    %dma_wait3A_554 = arith.constant 7680 : i32
    %dma_wait3A_555 = tpu.memref_slice %arg8[%dma_wait3A_554] : memref<10000xi32, #tpu.memory_space<vmem>> -> memref<512xi32, #tpu.memory_space<vmem>>
    %dma_wait3A_556 = arith.constant 0 : i32
    %dma_wait3A_557 = arith.constant 0 : i32
    %dma_wait3A_558 = tpu.memref_slice %arg10[%dma_wait3A_556, %dma_wait3A_557] : memref<10240x32xf32, #tpu.memory_space<vmem_shared>> -> memref<10240x32xf32, #tpu.memory_space<vmem_shared>>
    tpu.wait_indirect_dma semaphore(%arg22 : memref<!tpu.dma_semaphore, #tpu.memory_space<semaphore_mem>>) src(%dma_wait3A_553 : memref<512x32xf32, #tpu.memory_space<vmem>>) dst(%dma_wait3A_558 : memref<10240x32xf32, #tpu.memory_space<vmem_shared>>)
    %dma_start3A_559 = arith.constant 0 : i32
    %dma_start3A_560 = arith.constant 0 : i32
    %dma_start3A_561 = tpu.memref_slice %arg14[%dma_start3A_559, %dma_start3A_560] : memref<512x32xf32, #tpu.memory_space<vmem>> -> memref<272x32xf32, #tpu.memory_space<vmem>>
    %dma_start3A_562 = arith.constant 9728 : i32
    %dma_start3A_563 = tpu.memref_slice %arg7[%dma_start3A_562] : memref<10000xi32, #tpu.memory_space<vmem>> -> memref<272xi32, #tpu.memory_space<vmem>>
    %dma_start3A_564 = arith.constant 0 : i32
    %dma_start3A_565 = arith.constant 0 : i32
    %dma_start3A_566 = tpu.memref_slice %arg2[%dma_start3A_564, %dma_start3A_565] : memref<10000x32xf32, #tpu.memory_space<hbm>> -> memref<10000x32xf32, #tpu.memory_space<hbm>>
    tpu.enqueue_indirect_dma source(%dma_start3A_566 : memref<10000x32xf32, #tpu.memory_space<hbm>>) target(%dma_start3A_561 : memref<272x32xf32, #tpu.memory_space<vmem>>) offsets(%dma_start3A_563 : memref<272xi32, #tpu.memory_space<vmem>>) semaphore(%arg18 : memref<!tpu.dma_semaphore, #tpu.memory_space<semaphore_mem>>)
    %dma_wait3A_567 = arith.constant 0 : i32
    %dma_wait3A_568 = arith.constant 0 : i32
    %dma_wait3A_569 = tpu.memref_slice %arg12[%dma_wait3A_567, %dma_wait3A_568] : memref<512x32xf32, #tpu.memory_space<vmem>> -> memref<512x32xf32, #tpu.memory_space<vmem>>
    %dma_wait3A_570 = arith.constant 8704 : i32
    %dma_wait3A_571 = tpu.memref_slice %arg7[%dma_wait3A_570] : memref<10000xi32, #tpu.memory_space<vmem>> -> memref<512xi32, #tpu.memory_space<vmem>>
    %dma_wait3A_572 = arith.constant 0 : i32
    %dma_wait3A_573 = arith.constant 0 : i32
    %dma_wait3A_574 = tpu.memref_slice %arg2[%dma_wait3A_572, %dma_wait3A_573] : memref<10000x32xf32, #tpu.memory_space<hbm>> -> memref<10000x32xf32, #tpu.memory_space<hbm>>
    tpu.wait_indirect_dma semaphore(%arg16 : memref<!tpu.dma_semaphore, #tpu.memory_space<semaphore_mem>>) src(%dma_wait3A_574 : memref<10000x32xf32, #tpu.memory_space<hbm>>) dst(%dma_wait3A_569 : memref<512x32xf32, #tpu.memory_space<vmem>>)
    %dma_start3A_575 = arith.constant 0 : i32
    %dma_start3A_576 = arith.constant 0 : i32
    %dma_start3A_577 = tpu.memref_slice %arg12[%dma_start3A_575, %dma_start3A_576] : memref<512x32xf32, #tpu.memory_space<vmem>> -> memref<512x32xf32, #tpu.memory_space<vmem>>
    %dma_start3A_578 = arith.constant 8704 : i32
    %dma_start3A_579 = tpu.memref_slice %arg8[%dma_start3A_578] : memref<10000xi32, #tpu.memory_space<vmem>> -> memref<512xi32, #tpu.memory_space<vmem>>
    %dma_start3A_580 = arith.constant 0 : i32
    %dma_start3A_581 = arith.constant 0 : i32
    %dma_start3A_582 = tpu.memref_slice %arg10[%dma_start3A_580, %dma_start3A_581] : memref<10240x32xf32, #tpu.memory_space<vmem_shared>> -> memref<10240x32xf32, #tpu.memory_space<vmem_shared>>
    tpu.enqueue_indirect_dma source(%dma_start3A_577 : memref<512x32xf32, #tpu.memory_space<vmem>>) target(%dma_start3A_582 : memref<10240x32xf32, #tpu.memory_space<vmem_shared>>) offsets(%dma_start3A_579 : memref<512xi32, #tpu.memory_space<vmem>>) semaphore(%arg20 : memref<!tpu.dma_semaphore, #tpu.memory_space<semaphore_mem>>) {add = true}
    %dma_wait3A_583 = arith.constant 0 : i32
    %dma_wait3A_584 = arith.constant 0 : i32
    %dma_wait3A_585 = tpu.memref_slice %arg13[%dma_wait3A_583, %dma_wait3A_584] : memref<512x32xf32, #tpu.memory_space<vmem>> -> memref<512x32xf32, #tpu.memory_space<vmem>>
    %dma_wait3A_586 = arith.constant 9216 : i32
    %dma_wait3A_587 = tpu.memref_slice %arg7[%dma_wait3A_586] : memref<10000xi32, #tpu.memory_space<vmem>> -> memref<512xi32, #tpu.memory_space<vmem>>
    %dma_wait3A_588 = arith.constant 0 : i32
    %dma_wait3A_589 = arith.constant 0 : i32
    %dma_wait3A_590 = tpu.memref_slice %arg2[%dma_wait3A_588, %dma_wait3A_589] : memref<10000x32xf32, #tpu.memory_space<hbm>> -> memref<10000x32xf32, #tpu.memory_space<hbm>>
    tpu.wait_indirect_dma semaphore(%arg17 : memref<!tpu.dma_semaphore, #tpu.memory_space<semaphore_mem>>) src(%dma_wait3A_590 : memref<10000x32xf32, #tpu.memory_space<hbm>>) dst(%dma_wait3A_585 : memref<512x32xf32, #tpu.memory_space<vmem>>)
    %dma_start3A_591 = arith.constant 0 : i32
    %dma_start3A_592 = arith.constant 0 : i32
    %dma_start3A_593 = tpu.memref_slice %arg13[%dma_start3A_591, %dma_start3A_592] : memref<512x32xf32, #tpu.memory_space<vmem>> -> memref<512x32xf32, #tpu.memory_space<vmem>>
    %dma_start3A_594 = arith.constant 9216 : i32
    %dma_start3A_595 = tpu.memref_slice %arg8[%dma_start3A_594] : memref<10000xi32, #tpu.memory_space<vmem>> -> memref<512xi32, #tpu.memory_space<vmem>>
    %dma_start3A_596 = arith.constant 0 : i32
    %dma_start3A_597 = arith.constant 0 : i32
    %dma_start3A_598 = tpu.memref_slice %arg10[%dma_start3A_596, %dma_start3A_597] : memref<10240x32xf32, #tpu.memory_space<vmem_shared>> -> memref<10240x32xf32, #tpu.memory_space<vmem_shared>>
    tpu.enqueue_indirect_dma source(%dma_start3A_593 : memref<512x32xf32, #tpu.memory_space<vmem>>) target(%dma_start3A_598 : memref<10240x32xf32, #tpu.memory_space<vmem_shared>>) offsets(%dma_start3A_595 : memref<512xi32, #tpu.memory_space<vmem>>) semaphore(%arg21 : memref<!tpu.dma_semaphore, #tpu.memory_space<semaphore_mem>>) {add = true}
    %dma_wait3A_599 = arith.constant 0 : i32
    %dma_wait3A_600 = arith.constant 0 : i32
    %dma_wait3A_601 = tpu.memref_slice %arg14[%dma_wait3A_599, %dma_wait3A_600] : memref<512x32xf32, #tpu.memory_space<vmem>> -> memref<272x32xf32, #tpu.memory_space<vmem>>
    %dma_wait3A_602 = arith.constant 9728 : i32
    %dma_wait3A_603 = tpu.memref_slice %arg7[%dma_wait3A_602] : memref<10000xi32, #tpu.memory_space<vmem>> -> memref<272xi32, #tpu.memory_space<vmem>>
    %dma_wait3A_604 = arith.constant 0 : i32
    %dma_wait3A_605 = arith.constant 0 : i32
    %dma_wait3A_606 = tpu.memref_slice %arg2[%dma_wait3A_604, %dma_wait3A_605] : memref<10000x32xf32, #tpu.memory_space<hbm>> -> memref<10000x32xf32, #tpu.memory_space<hbm>>
    tpu.wait_indirect_dma semaphore(%arg18 : memref<!tpu.dma_semaphore, #tpu.memory_space<semaphore_mem>>) src(%dma_wait3A_606 : memref<10000x32xf32, #tpu.memory_space<hbm>>) dst(%dma_wait3A_601 : memref<272x32xf32, #tpu.memory_space<vmem>>)
    %dma_start3A_607 = arith.constant 0 : i32
    %dma_start3A_608 = arith.constant 0 : i32
    %dma_start3A_609 = tpu.memref_slice %arg14[%dma_start3A_607, %dma_start3A_608] : memref<512x32xf32, #tpu.memory_space<vmem>> -> memref<272x32xf32, #tpu.memory_space<vmem>>
    %dma_start3A_610 = arith.constant 9728 : i32
    %dma_start3A_611 = tpu.memref_slice %arg8[%dma_start3A_610] : memref<10000xi32, #tpu.memory_space<vmem>> -> memref<272xi32, #tpu.memory_space<vmem>>
    %dma_start3A_612 = arith.constant 0 : i32
    %dma_start3A_613 = arith.constant 0 : i32
    %dma_start3A_614 = tpu.memref_slice %arg10[%dma_start3A_612, %dma_start3A_613] : memref<10240x32xf32, #tpu.memory_space<vmem_shared>> -> memref<10240x32xf32, #tpu.memory_space<vmem_shared>>
    tpu.enqueue_indirect_dma source(%dma_start3A_609 : memref<272x32xf32, #tpu.memory_space<vmem>>) target(%dma_start3A_614 : memref<10240x32xf32, #tpu.memory_space<vmem_shared>>) offsets(%dma_start3A_611 : memref<272xi32, #tpu.memory_space<vmem>>) semaphore(%arg22 : memref<!tpu.dma_semaphore, #tpu.memory_space<semaphore_mem>>) {add = true}
    %dma_wait3A_615 = arith.constant 0 : i32
    %dma_wait3A_616 = arith.constant 0 : i32
    %dma_wait3A_617 = tpu.memref_slice %arg11[%dma_wait3A_615, %dma_wait3A_616] : memref<512x32xf32, #tpu.memory_space<vmem>> -> memref<512x32xf32, #tpu.memory_space<vmem>>
    %dma_wait3A_618 = arith.constant 8192 : i32
    %dma_wait3A_619 = tpu.memref_slice %arg8[%dma_wait3A_618] : memref<10000xi32, #tpu.memory_space<vmem>> -> memref<512xi32, #tpu.memory_space<vmem>>
    %dma_wait3A_620 = arith.constant 0 : i32
    %dma_wait3A_621 = arith.constant 0 : i32
    %dma_wait3A_622 = tpu.memref_slice %arg10[%dma_wait3A_620, %dma_wait3A_621] : memref<10240x32xf32, #tpu.memory_space<vmem_shared>> -> memref<10240x32xf32, #tpu.memory_space<vmem_shared>>
    tpu.wait_indirect_dma semaphore(%arg19 : memref<!tpu.dma_semaphore, #tpu.memory_space<semaphore_mem>>) src(%dma_wait3A_617 : memref<512x32xf32, #tpu.memory_space<vmem>>) dst(%dma_wait3A_622 : memref<10240x32xf32, #tpu.memory_space<vmem_shared>>)
    %dma_wait3A_623 = arith.constant 0 : i32
    %dma_wait3A_624 = arith.constant 0 : i32
    %dma_wait3A_625 = tpu.memref_slice %arg12[%dma_wait3A_623, %dma_wait3A_624] : memref<512x32xf32, #tpu.memory_space<vmem>> -> memref<512x32xf32, #tpu.memory_space<vmem>>
    %dma_wait3A_626 = arith.constant 8704 : i32
    %dma_wait3A_627 = tpu.memref_slice %arg8[%dma_wait3A_626] : memref<10000xi32, #tpu.memory_space<vmem>> -> memref<512xi32, #tpu.memory_space<vmem>>
    %dma_wait3A_628 = arith.constant 0 : i32
    %dma_wait3A_629 = arith.constant 0 : i32
    %dma_wait3A_630 = tpu.memref_slice %arg10[%dma_wait3A_628, %dma_wait3A_629] : memref<10240x32xf32, #tpu.memory_space<vmem_shared>> -> memref<10240x32xf32, #tpu.memory_space<vmem_shared>>
    tpu.wait_indirect_dma semaphore(%arg20 : memref<!tpu.dma_semaphore, #tpu.memory_space<semaphore_mem>>) src(%dma_wait3A_625 : memref<512x32xf32, #tpu.memory_space<vmem>>) dst(%dma_wait3A_630 : memref<10240x32xf32, #tpu.memory_space<vmem_shared>>)
    %dma_wait3A_631 = arith.constant 0 : i32
    %dma_wait3A_632 = arith.constant 0 : i32
    %dma_wait3A_633 = tpu.memref_slice %arg13[%dma_wait3A_631, %dma_wait3A_632] : memref<512x32xf32, #tpu.memory_space<vmem>> -> memref<512x32xf32, #tpu.memory_space<vmem>>
    %dma_wait3A_634 = arith.constant 9216 : i32
    %dma_wait3A_635 = tpu.memref_slice %arg8[%dma_wait3A_634] : memref<10000xi32, #tpu.memory_space<vmem>> -> memref<512xi32, #tpu.memory_space<vmem>>
    %dma_wait3A_636 = arith.constant 0 : i32
    %dma_wait3A_637 = arith.constant 0 : i32
    %dma_wait3A_638 = tpu.memref_slice %arg10[%dma_wait3A_636, %dma_wait3A_637] : memref<10240x32xf32, #tpu.memory_space<vmem_shared>> -> memref<10240x32xf32, #tpu.memory_space<vmem_shared>>
    tpu.wait_indirect_dma semaphore(%arg21 : memref<!tpu.dma_semaphore, #tpu.memory_space<semaphore_mem>>) src(%dma_wait3A_633 : memref<512x32xf32, #tpu.memory_space<vmem>>) dst(%dma_wait3A_638 : memref<10240x32xf32, #tpu.memory_space<vmem_shared>>)
    %dma_wait3A_639 = arith.constant 0 : i32
    %dma_wait3A_640 = arith.constant 0 : i32
    %dma_wait3A_641 = tpu.memref_slice %arg14[%dma_wait3A_639, %dma_wait3A_640] : memref<512x32xf32, #tpu.memory_space<vmem>> -> memref<272x32xf32, #tpu.memory_space<vmem>>
    %dma_wait3A_642 = arith.constant 9728 : i32
    %dma_wait3A_643 = tpu.memref_slice %arg8[%dma_wait3A_642] : memref<10000xi32, #tpu.memory_space<vmem>> -> memref<272xi32, #tpu.memory_space<vmem>>
    %dma_wait3A_644 = arith.constant 0 : i32
    %dma_wait3A_645 = arith.constant 0 : i32
    %dma_wait3A_646 = tpu.memref_slice %arg10[%dma_wait3A_644, %dma_wait3A_645] : memref<10240x32xf32, #tpu.memory_space<vmem_shared>> -> memref<10240x32xf32, #tpu.memory_space<vmem_shared>>
    tpu.wait_indirect_dma semaphore(%arg22 : memref<!tpu.dma_semaphore, #tpu.memory_space<semaphore_mem>>) src(%dma_wait3A_641 : memref<272x32xf32, #tpu.memory_space<vmem>>) dst(%dma_wait3A_646 : memref<10240x32xf32, #tpu.memory_space<vmem_shared>>)
    %barrier3A_647 = arith.constant 0 : index
    tpu.barrier barrier_id(%barrier3A_647)
    %mul3A_648 = arith.constant 640 : i32
    %mul3A_649 = arith.muli %arg1, %mul3A_648 : i32
    "tpu.region"() ({
      %run_scoped3A = tpu.sem_alloc : memref<!tpu.dma_semaphore, #tpu.memory_space<semaphore_mem>>
      %dma_start3A_652 = arith.constant 0 : i32
      %dma_start3A_653 = tpu.memref_slice %arg10[%mul3A_649, %dma_start3A_652] : memref<10240x32xf32, #tpu.memory_space<vmem_shared>> -> memref<640x32xf32, #tpu.memory_space<vmem_shared>>
      %dma_start3A_654 = arith.constant 0 : i32
      %dma_start3A_655 = tpu.memref_slice %arg10[%mul3A_649, %dma_start3A_654] : memref<10240x32xf32, #tpu.memory_space<vmem_shared>> -> memref<640x32xf32, #tpu.memory_space<vmem_shared>>
      tpu.enqueue_dma source(%dma_start3A_655 : memref<640x32xf32, #tpu.memory_space<vmem_shared>>) target(%arg9 : memref<640x32xf32, #tpu.memory_space<vmem>>) target_semaphore(%run_scoped3A : memref<!tpu.dma_semaphore, #tpu.memory_space<semaphore_mem>>)
      %dma_wait3A_656 = arith.constant 0 : i32
      %dma_wait3A_657 = tpu.memref_slice %arg10[%mul3A_649, %dma_wait3A_656] : memref<10240x32xf32, #tpu.memory_space<vmem_shared>> -> memref<640x32xf32, #tpu.memory_space<vmem_shared>>
      %dma_wait3A_658 = arith.constant 0 : i32
      %dma_wait3A_659 = tpu.memref_slice %arg10[%mul3A_649, %dma_wait3A_658] : memref<10240x32xf32, #tpu.memory_space<vmem_shared>> -> memref<640x32xf32, #tpu.memory_space<vmem_shared>>
      tpu.wait_dma2 semaphore(%run_scoped3A : memref<!tpu.dma_semaphore, #tpu.memory_space<semaphore_mem>>) src(%dma_wait3A_659 : memref<640x32xf32, #tpu.memory_space<vmem_shared>>) dst(%arg9 : memref<640x32xf32, #tpu.memory_space<vmem>>)
      tpu.yield
    }) : () -> ()
    %mul3A_650 = arith.constant 640 : i32
    %mul3A_651 = arith.muli %arg1, %mul3A_650 : i32
    "tpu.region"() ({
      %run_scoped3A = tpu.sem_alloc : memref<!tpu.dma_semaphore, #tpu.memory_space<semaphore_mem>>
      %dma_start3A_652 = arith.constant 0 : i32
      %dma_start3A_653 = tpu.memref_slice %arg6[%arg0, %mul3A_651, %dma_start3A_652] : memref<2x10240x32xf32, #tpu.memory_space<hbm>> -> memref<1x640x32xf32, #tpu.memory_space<hbm>>
      %dma_start3A_654 = tpu.memref_squeeze %dma_start3A_653 : memref<1x640x32xf32, #tpu.memory_space<hbm>> -> memref<640x32xf32, #tpu.memory_space<hbm>>
      %dma_start3A_655 = arith.constant 0 : i32
      %dma_start3A_656 = tpu.memref_slice %arg6[%arg0, %mul3A_651, %dma_start3A_655] : memref<2x10240x32xf32, #tpu.memory_space<hbm>> -> memref<1x640x32xf32, #tpu.memory_space<hbm>>
      %dma_start3A_657 = tpu.memref_squeeze %dma_start3A_656 : memref<1x640x32xf32, #tpu.memory_space<hbm>> -> memref<640x32xf32, #tpu.memory_space<hbm>>
      tpu.enqueue_dma source(%arg9 : memref<640x32xf32, #tpu.memory_space<vmem>>) target(%dma_start3A_657 : memref<640x32xf32, #tpu.memory_space<hbm>>) target_semaphore(%run_scoped3A : memref<!tpu.dma_semaphore, #tpu.memory_space<semaphore_mem>>)
      %dma_wait3A_658 = arith.constant 0 : i32
      %dma_wait3A_659 = tpu.memref_slice %arg6[%arg0, %mul3A_651, %dma_wait3A_658] : memref<2x10240x32xf32, #tpu.memory_space<hbm>> -> memref<1x640x32xf32, #tpu.memory_space<hbm>>
      %dma_wait3A_660 = tpu.memref_squeeze %dma_wait3A_659 : memref<1x640x32xf32, #tpu.memory_space<hbm>> -> memref<640x32xf32, #tpu.memory_space<hbm>>
      %dma_wait3A_661 = arith.constant 0 : i32
      %dma_wait3A_662 = tpu.memref_slice %arg6[%arg0, %mul3A_651, %dma_wait3A_661] : memref<2x10240x32xf32, #tpu.memory_space<hbm>> -> memref<1x640x32xf32, #tpu.memory_space<hbm>>
      %dma_wait3A_663 = tpu.memref_squeeze %dma_wait3A_662 : memref<1x640x32xf32, #tpu.memory_space<hbm>> -> memref<640x32xf32, #tpu.memory_space<hbm>>
      tpu.wait_dma2 semaphore(%run_scoped3A : memref<!tpu.dma_semaphore, #tpu.memory_space<semaphore_mem>>) src(%arg9 : memref<640x32xf32, #tpu.memory_space<vmem>>) dst(%dma_wait3A_663 : memref<640x32xf32, #tpu.memory_space<hbm>>)
      tpu.yield
    }) : () -> ()
    return
  }
}

module attributes {stable_mosaic.version = 14 : i64} {
  func.func @_m1_body(%arg0: memref<10000x128xf32, #tpu.memory_space<vmem>>, %arg1: memref<128x16xf32, #tpu.memory_space<vmem>>, %arg2: memref<10000x16xf32, #tpu.memory_space<vmem>>) attributes {dimension_semantics = [], scalar_prefetch = 0 : i64, scratch_operands = 0 : i64, tpu.core_type = #tpu.core_type<tc>} {
    %get3A = arith.constant 0 : index
    %get3A_0 = arith.constant 0 : index
    %get3A_1 = vector.load %arg0[%get3A, %get3A_0] : memref<10000x128xf32, #tpu.memory_space<vmem>>, vector<10000x128xf32>
    %get3A_2 = arith.constant 0 : index
    %get3A_3 = arith.constant 0 : index
    %get3A_4 = vector.load %arg1[%get3A_2, %get3A_3] : memref<128x16xf32, #tpu.memory_space<vmem>>, vector<128x16xf32>
    %dot_general3A = arith.constant dense<0.000000e+00> : vector<10000x16xf32>
    %dot_general3A_5 = tpu.matmul %get3A_1, %get3A_4, %dot_general3A {dimension_numbers = #tpu.dot_dimension_numbers<[1], [0], [0], [1], [0, 0, 1, 1], [], []>, transpose_lhs_hint = false} : vector<10000x128xf32>, vector<128x16xf32>, vector<10000x16xf32> -> vector<10000x16xf32>
    %swap3A = arith.constant 0 : index
    %swap3A_6 = arith.constant 0 : index
    %swap3A_7 = vector.load %arg2[%swap3A, %swap3A_6] : memref<10000x16xf32, #tpu.memory_space<vmem>>, vector<10000x16xf32>
    tpu.vector_store %arg2[%swap3A, %swap3A_6], %dot_general3A_5 {strides = array<i32>} : memref<10000x16xf32, #tpu.memory_space<vmem>>, vector<10000x16xf32>,
    return
  }
}

module attributes {stable_mosaic.version = 14 : i64} {
  func.func @_prep1_body(%arg0: memref<10000x16xf32, #tpu.memory_space<vmem>>, %arg1: memref<2x10240xf32, #tpu.memory_space<vmem>>, %arg2: memref<10000xf32, #tpu.memory_space<vmem>>, %arg3: memref<10000x16xf32, #tpu.memory_space<vmem>>) attributes {dimension_semantics = [], scalar_prefetch = 0 : i64, scratch_operands = 0 : i64, tpu.core_type = #tpu.core_type<tc>} {
    %get3A = arith.constant 0 : index
    %get3A_0 = arith.constant 0 : index
    %get3A_1 = vector.load %arg1[%get3A, %get3A_0] : memref<2x10240xf32, #tpu.memory_space<vmem>>, vector<1x10000xf32>
    %get3A_2 = vector.shape_cast %get3A_1 : vector<1x10000xf32> to vector<10000xf32>
    %get3A_3 = arith.constant 1 : index
    %get3A_4 = arith.constant 0 : index
    %get3A_5 = vector.load %arg1[%get3A_3, %get3A_4] : memref<2x10240xf32, #tpu.memory_space<vmem>>, vector<1x10000xf32>
    %get3A_6 = vector.shape_cast %get3A_5 : vector<1x10000xf32> to vector<10000xf32>
    %add3A = arith.addf %get3A_2, %get3A_6 : vector<10000xf32>
    %add3A_7 = arith.constant 1.000000e+00 : f32
    %add3A_8 = vector.broadcast %add3A_7 : f32 to vector<10000xf32>
    %add3A_9 = arith.addf %add3A, %add3A_8 : vector<10000xf32>
    %max3A = arith.constant 9.99999996E-13 : f32
    %max3A_10 = vector.broadcast %max3A : f32 to vector<10000xf32>
    %max3A_11 = arith.maximumf %add3A_9, %max3A_10 : vector<10000xf32>
    %rsqrt3A = math.rsqrt %max3A_11 : vector<10000xf32>
    %swap3A = arith.constant 0 : index
    %swap3A_12 = vector.load %arg2[%swap3A] : memref<10000xf32, #tpu.memory_space<vmem>>, vector<10000xf32>
    tpu.vector_store %arg2[%swap3A], %rsqrt3A {strides = array<i32>} : memref<10000xf32, #tpu.memory_space<vmem>>, vector<10000xf32>,
    %broadcast_in_dim3A = vector.shape_cast %rsqrt3A : vector<10000xf32> to vector<10000x1xf32>
    %get3A_13 = arith.constant 0 : index
    %get3A_14 = arith.constant 0 : index
    %get3A_15 = vector.load %arg0[%get3A_13, %get3A_14] : memref<10000x16xf32, #tpu.memory_space<vmem>>, vector<10000x16xf32>
    %mul3A = vector.broadcast %broadcast_in_dim3A : vector<10000x1xf32> to vector<10000x16xf32>
    %mul3A_16 = arith.mulf %mul3A, %get3A_15 : vector<10000x16xf32>
    %swap3A_17 = arith.constant 0 : index
    %swap3A_18 = arith.constant 0 : index
    %swap3A_19 = vector.load %arg3[%swap3A_17, %swap3A_18] : memref<10000x16xf32, #tpu.memory_space<vmem>>, vector<10000x16xf32>
    tpu.vector_store %arg3[%swap3A_17, %swap3A_18], %mul3A_16 {strides = array<i32>} : memref<10000x16xf32, #tpu.memory_space<vmem>>, vector<10000x16xf32>,
    return
  }
}

module attributes {stable_mosaic.version = 14 : i64} {
  func.func @_mid_body(%arg0: memref<2x10240x16xf32, #tpu.memory_space<vmem>>, %arg1: memref<10000xf32, #tpu.memory_space<vmem>>, %arg2: memref<10000x16xf32, #tpu.memory_space<vmem>>, %arg3: memref<16xf32, #tpu.memory_space<vmem>>, %arg4: memref<16x32xf32, #tpu.memory_space<vmem>>, %arg5: memref<10000x32xf32, #tpu.memory_space<vmem>>) attributes {dimension_semantics = [], scalar_prefetch = 0 : i64, scratch_operands = 0 : i64, tpu.core_type = #tpu.core_type<tc>} {
    %get3A = arith.constant 0 : index
    %get3A_0 = vector.load %arg1[%get3A] : memref<10000xf32, #tpu.memory_space<vmem>>, vector<10000xf32>
    %get3A_1 = arith.constant 0 : index
    %get3A_2 = arith.constant 0 : index
    %get3A_3 = arith.constant 0 : index
    %get3A_4 = vector.load %arg0[%get3A_1, %get3A_2, %get3A_3] : memref<2x10240x16xf32, #tpu.memory_space<vmem>>, vector<1x10000x16xf32>
    %get3A_5 = vector.shape_cast %get3A_4 : vector<1x10000x16xf32> to vector<10000x16xf32>
    %get3A_6 = arith.constant 1 : index
    %get3A_7 = arith.constant 0 : index
    %get3A_8 = arith.constant 0 : index
    %get3A_9 = vector.load %arg0[%get3A_6, %get3A_7, %get3A_8] : memref<2x10240x16xf32, #tpu.memory_space<vmem>>, vector<1x10000x16xf32>
    %get3A_10 = vector.shape_cast %get3A_9 : vector<1x10000x16xf32> to vector<10000x16xf32>
    %add3A = arith.addf %get3A_5, %get3A_10 : vector<10000x16xf32>
    %get3A_11 = arith.constant 0 : index
    %get3A_12 = arith.constant 0 : index
    %get3A_13 = vector.load %arg2[%get3A_11, %get3A_12] : memref<10000x16xf32, #tpu.memory_space<vmem>>, vector<10000x16xf32>
    %add3A_14 = arith.addf %add3A, %get3A_13 : vector<10000x16xf32>
    %broadcast_in_dim3A = vector.shape_cast %get3A_0 : vector<10000xf32> to vector<10000x1xf32>
    %mul3A = vector.broadcast %broadcast_in_dim3A : vector<10000x1xf32> to vector<10000x16xf32>
    %mul3A_15 = arith.mulf %mul3A, %add3A_14 : vector<10000x16xf32>
    %get3A_16 = arith.constant 0 : index
    %get3A_17 = vector.load %arg3[%get3A_16] : memref<16xf32, #tpu.memory_space<vmem>>, vector<16xf32>
    %broadcast_in_dim3A_18 = vector.shape_cast %get3A_17 : vector<16xf32> to vector<1x16xf32>
    %add3A_19 = vector.broadcast %broadcast_in_dim3A_18 : vector<1x16xf32> to vector<10000x16xf32>
    %add3A_20 = arith.addf %mul3A_15, %add3A_19 : vector<10000x16xf32>
    %max3A = arith.constant 0.000000e+00 : f32
    %max3A_21 = vector.broadcast %max3A : f32 to vector<10000x16xf32>
    %max3A_22 = arith.maximumf %add3A_20, %max3A_21 : vector<10000x16xf32>
    %get3A_23 = arith.constant 0 : index
    %get3A_24 = arith.constant 0 : index
    %get3A_25 = vector.load %arg4[%get3A_23, %get3A_24] : memref<16x32xf32, #tpu.memory_space<vmem>>, vector<16x32xf32>
    %dot_general3A = arith.constant dense<0.000000e+00> : vector<10000x32xf32>
    %dot_general3A_26 = tpu.matmul %max3A_22, %get3A_25, %dot_general3A {dimension_numbers = #tpu.dot_dimension_numbers<[1], [0], [0], [1], [0, 0, 1, 1], [], []>, transpose_lhs_hint = false} : vector<10000x16xf32>, vector<16x32xf32>, vector<10000x32xf32> -> vector<10000x32xf32>
    %broadcast_in_dim3A_27 = vector.shape_cast %get3A_0 : vector<10000xf32> to vector<10000x1xf32>
    %mul3A_28 = vector.broadcast %broadcast_in_dim3A_27 : vector<10000x1xf32> to vector<10000x32xf32>
    %mul3A_29 = arith.mulf %mul3A_28, %dot_general3A_26 : vector<10000x32xf32>
    %swap3A = arith.constant 0 : index
    %swap3A_30 = arith.constant 0 : index
    %swap3A_31 = vector.load %arg5[%swap3A, %swap3A_30] : memref<10000x32xf32, #tpu.memory_space<vmem>>, vector<10000x32xf32>
    tpu.vector_store %arg5[%swap3A, %swap3A_30], %mul3A_29 {strides = array<i32>} : memref<10000x32xf32, #tpu.memory_space<vmem>>, vector<10000x32xf32>,
    return
  }
}

module attributes {stable_mosaic.version = 14 : i64} {
  func.func @_final_body(%arg0: memref<2x10240x32xf32, #tpu.memory_space<vmem>>, %arg1: memref<10000xf32, #tpu.memory_space<vmem>>, %arg2: memref<10000x32xf32, #tpu.memory_space<vmem>>, %arg3: memref<32xf32, #tpu.memory_space<vmem>>, %arg4: memref<10000xi32, #tpu.memory_space<vmem>>, %arg5: memref<32x10xf32, #tpu.memory_space<vmem>>, %arg6: memref<10xf32, #tpu.memory_space<vmem>>, %arg7: memref<16x10xf32, #tpu.memory_space<vmem>>) attributes {dimension_semantics = [], scalar_prefetch = 0 : i64, scratch_operands = 0 : i64, tpu.core_type = #tpu.core_type<tc>} {
    %get3A = arith.constant 0 : index
    %get3A_0 = vector.load %arg1[%get3A] : memref<10000xf32, #tpu.memory_space<vmem>>, vector<10000xf32>
    %get3A_1 = arith.constant 0 : index
    %get3A_2 = arith.constant 0 : index
    %get3A_3 = arith.constant 0 : index
    %get3A_4 = vector.load %arg0[%get3A_1, %get3A_2, %get3A_3] : memref<2x10240x32xf32, #tpu.memory_space<vmem>>, vector<1x10000x32xf32>
    %get3A_5 = vector.shape_cast %get3A_4 : vector<1x10000x32xf32> to vector<10000x32xf32>
    %get3A_6 = arith.constant 1 : index
    %get3A_7 = arith.constant 0 : index
    %get3A_8 = arith.constant 0 : index
    %get3A_9 = vector.load %arg0[%get3A_6, %get3A_7, %get3A_8] : memref<2x10240x32xf32, #tpu.memory_space<vmem>>, vector<1x10000x32xf32>
    %get3A_10 = vector.shape_cast %get3A_9 : vector<1x10000x32xf32> to vector<10000x32xf32>
    %add3A = arith.addf %get3A_5, %get3A_10 : vector<10000x32xf32>
    %get3A_11 = arith.constant 0 : index
    %get3A_12 = arith.constant 0 : index
    %get3A_13 = vector.load %arg2[%get3A_11, %get3A_12] : memref<10000x32xf32, #tpu.memory_space<vmem>>, vector<10000x32xf32>
    %add3A_14 = arith.addf %add3A, %get3A_13 : vector<10000x32xf32>
    %broadcast_in_dim3A = vector.shape_cast %get3A_0 : vector<10000xf32> to vector<10000x1xf32>
    %mul3A = vector.broadcast %broadcast_in_dim3A : vector<10000x1xf32> to vector<10000x32xf32>
    %mul3A_15 = arith.mulf %mul3A, %add3A_14 : vector<10000x32xf32>
    %get3A_16 = arith.constant 0 : index
    %get3A_17 = vector.load %arg3[%get3A_16] : memref<32xf32, #tpu.memory_space<vmem>>, vector<32xf32>
    %broadcast_in_dim3A_18 = vector.shape_cast %get3A_17 : vector<32xf32> to vector<1x32xf32>
    %add3A_19 = vector.broadcast %broadcast_in_dim3A_18 : vector<1x32xf32> to vector<10000x32xf32>
    %add3A_20 = arith.addf %mul3A_15, %add3A_19 : vector<10000x32xf32>
    %max3A = arith.constant 0.000000e+00 : f32
    %max3A_21 = vector.broadcast %max3A : f32 to vector<10000x32xf32>
    %max3A_22 = arith.maximumf %add3A_20, %max3A_21 : vector<10000x32xf32>
    %iota3A = tpu.iota {dimensions = array<i32: 1>} : vector<10000x16xi32>
    %get3A_23 = arith.constant 0 : index
    %get3A_24 = vector.load %arg4[%get3A_23] : memref<10000xi32, #tpu.memory_space<vmem>>, vector<10000xi32>
    %broadcast_in_dim3A_25 = vector.shape_cast %get3A_24 : vector<10000xi32> to vector<10000x1xi32>
    %eq3A = vector.broadcast %broadcast_in_dim3A_25 : vector<10000x1xi32> to vector<10000x16xi32>
    %eq3A_26 = arith.cmpi eq, %eq3A, %iota3A : vector<10000x16xi32>
    %convert_element_type3A = arith.extui %eq3A_26 : vector<10000x16xi1> to vector<10000x16xi32>
    %convert_element_type3A_27 = arith.sitofp %convert_element_type3A : vector<10000x16xi32> to vector<10000x16xf32>
    %dot_general3A = arith.constant dense<0.000000e+00> : vector<16x32xf32>
    %dot_general3A_28 = tpu.matmul %convert_element_type3A_27, %max3A_22, %dot_general3A {dimension_numbers = #tpu.dot_dimension_numbers<[0], [0], [1], [1], [0, 1, 1, 1], [], []>, transpose_lhs_hint = false} : vector<10000x16xf32>, vector<10000x32xf32>, vector<16x32xf32> -> vector<16x32xf32>
    %reduce_sum3A = arith.constant dense<0.000000e+00> : vector<16xf32>
    %reduce_sum3A_29 = vector.multi_reduction <add>, %convert_element_type3A_27, %reduce_sum3A [0] : vector<10000x16xf32> to vector<16xf32>
    %max3A_30 = arith.constant 1.000000e+00 : f32
    %max3A_31 = vector.broadcast %max3A_30 : f32 to vector<16xf32>
    %max3A_32 = arith.maximumf %reduce_sum3A_29, %max3A_31 : vector<16xf32>
    %broadcast_in_dim3A_33 = vector.shape_cast %max3A_32 : vector<16xf32> to vector<16x1xf32>
    %div3A = vector.broadcast %broadcast_in_dim3A_33 : vector<16x1xf32> to vector<16x32xf32>
    %div3A_34 = arith.divf %dot_general3A_28, %div3A : vector<16x32xf32>
    %get3A_35 = arith.constant 0 : index
    %get3A_36 = arith.constant 0 : index
    %get3A_37 = vector.load %arg5[%get3A_35, %get3A_36] : memref<32x10xf32, #tpu.memory_space<vmem>>, vector<32x10xf32>
    %dot_general3A_38 = arith.constant dense<0.000000e+00> : vector<16x10xf32>
    %dot_general3A_39 = tpu.matmul %div3A_34, %get3A_37, %dot_general3A_38 {dimension_numbers = #tpu.dot_dimension_numbers<[1], [0], [0], [1], [0, 0, 1, 1], [], []>, transpose_lhs_hint = false} : vector<16x32xf32>, vector<32x10xf32>, vector<16x10xf32> -> vector<16x10xf32>
    %get3A_40 = arith.constant 0 : index
    %get3A_41 = vector.load %arg6[%get3A_40] : memref<10xf32, #tpu.memory_space<vmem>>, vector<10xf32>
    %broadcast_in_dim3A_42 = vector.shape_cast %get3A_41 : vector<10xf32> to vector<1x10xf32>
    %add3A_43 = vector.broadcast %broadcast_in_dim3A_42 : vector<1x10xf32> to vector<16x10xf32>
    %add3A_44 = arith.addf %dot_general3A_39, %add3A_43 : vector<16x10xf32>
    %swap3A = arith.constant 0 : index
    %swap3A_45 = arith.constant 0 : index
    %swap3A_46 = vector.load %arg7[%swap3A, %swap3A_45] : memref<16x10xf32, #tpu.memory_space<vmem>>, vector<16x10xf32>
    tpu.vector_store %arg7[%swap3A, %swap3A_45], %add3A_44 {strides = array<i32>} : memref<16x10xf32, #tpu.memory_space<vmem>>, vector<16x10xf32>,
    return
  }
}

</mosaic_0001>

<sc_bundles>
// kernel: kernel.12.cloned.1.call-start
scs
__scs_entry_jumppad:
0x0: {  	(pc) =	sbr.rel $0x88, $3  }
0x1: {  	(tag) =	ssettag $0x0;
	lr =	simm.s32 $0x1  }
0x2: {  	[smem:$0x3F98] =	sst lr;
	_ =	strace $0xD0000000  }
0x3: {  	_ = 	snop  }
0x4: {  	_ = 	snop  }
0x5: {  	_ = 	snop  }
0x6: {  	_ = 	snop  }
0x7: {  	_ = 	snop  }
__scs_overlays_trampoline_lowered:
0x8: {  	[smem:$0x3FA7] =	sst s0  }
0x9: {  	[smem:$0x3FA8] =	sst s1  }
0xa: {  	[smem:$0x3FA9] =	sst s2  }
0xb: {  	[smem:$0x3FAA] =	sst s3  }
0xc: {  	[smem:$0x3FAB] =	sst s4  }
0xd: {  	[smem:$0x3FAC] =	sst s5  }
0xe: {  	[smem:$0x3FAD] =	sst s6  }
0xf: {  	[smem:$0x3FAE] =	sst s7  }
0x10: {  	[smem:$0x3FAF] =	sst s8  }
0x11: {  	[smem:$0x3FB0] =	sst s9;
	s0 =	simm.s32 @!p0 $0x0  }
0x12: {  	s1 =	sld [smem:$0x3F96];
	s0 =	simm.s32 @p0 $0x1  }
0x13: {  	[smem:$0x3FB1] =	sst s0;
	s0 =	simm.s32 @!p1 $0x0  }
0x14: {  	s2 =	sld [smem:$0x3F95];
	s0 =	simm.s32 @p1 $0x1  }
0x15: {  	[smem:$0x3FB2] =	sst s0;
	s0 =	simm.s32 @!p2 $0x0  }
0x16: {  	s3 =	sld [smem:$0x3FDB];
	s0 =	simm.s32 @p2 $0x1  }
0x17: {  	s4 =	simm.s32 $0x1BF5;
	[smem:$0x3FB4] =	sst s0  }
0x18: {  	s0 =	sld [smem:$0x3F97];
	_ =	swait.ge [sflag:s4], $0x0  }
0x19: {  	s7 =	sld [smem:$0x3F98]  }
0x1a: {  	s8 =	sadd.s32 $0xFFFFE003, lr  }
0x1b: {  	s9 =	sadd.s32 $0xFFFFFEF7, lr;
	s5 =	simm.s32 $0xFFFFFFFF;
	p2 =	slt.u32 s8, $0xFFFFF086  }
0x1c: {  	p1 =	slt.u32 s9, $0xF7A;
	s5 =	simm.s32 @!p2 $0x0  }
0x1d: {  	s5 =	simm.s32 @p1 $0x1;
	p0 =	seq.s32 s7, s2  }
0x1e: {  	s7 =	smul.u32 @!p0 $0xF7A, s2;
	p2 =	seq.s32 @!p0 s5, $0x0  }
0x1f: {  	s9 =	smul.u32 $0xF7A, s1;
	s8 =	simm.s32 @!p0 $0x1BF5;
	p2 =	por !p2, p0  }
0x20: {  	[sflag:s8] =	ssyncset.s32 @!p0 $0xFFFFF086;
	s6 =	sadd.s32 @!p0 s3, s7;
	s7 =	simm.s32 @!p0 $0x108  }
0x21: {  	s3 =	sadd.s32 s3, s9;
	s6 =	sadd.s32 @!p0 $0x88, s6;
	s7 =	simm.s32 @p2 $0x1082  }
0x22: {  	[simem:s7], [sflag:s8] =	dma.local @!p0 [hbm:s6], $0xF7A  }
0x23: {  	s9 =	sor.u32 $0xD0000000, s2;
	s6 =	simm.s32 $0x108;
	_ =	swait.ge @!p0 [sflag:s8], $0x0  }
0x24: {  	s3 =	sadd.s32 $0x88, s3;
	s6 =	simm.s32 @!p1 $0x1082;
	[sflag:s4] =	ssyncset.s32 $0xFFFFF086  }
0x25: {  	[simem:s6], [sflag:s4] =	dma.local [hbm:s3], $0xF7A  }
0x26: {  	[smem:$0x3F98] =	sst s1;
	(tag) =	ssettag s2;
	_ =	strace s9  }
0x27: {  	s1 =	sld [smem:$0x3FA8]  }
0x28: {  	s2 =	sld [smem:$0x3FA9]  }
0x29: {  	s4 =	sld [smem:$0x3FAB]  }
0x2a: {  	p0 =	seq.s32 s5, $0x0;
	s5 =	sld [smem:$0x3FAC]  }
0x2b: {  	s6 =	sld [smem:$0x3FAD]  }
0x2c: {  	s7 =	sld [smem:$0x3FAE]  }
0x2d: {  	s3 =	simm.s32 $0x108;
	s8 =	sld [smem:$0x3FAF]  }
0x2e: {  	s3 =	simm.s32 @!p0 $0x1082;
	s9 =	sld [smem:$0x3FB0]  }
0x2f: {  	lr =	sadd.s32 s0, s3;
	s0 =	sld [smem:$0x3FA7]  }
0x30: {  	s3 =	sld [smem:$0x3FAA]  }
0x31: {  	[smem:$0x3FB3] =	sst s10  }
0x32: {  	s10 =	sld [smem:$0x3FB1];
	_ =	sdelay $0x3  }
0x33: {  	p0 =	seq.s32 s10, $0x1;
	s10 =	sld [smem:$0x3FB3];
	_ =	sdelay $0x3  }
0x34: {  	[smem:$0x3FB3] =	sst s10  }
0x35: {  	s10 =	sld [smem:$0x3FB2];
	_ =	sdelay $0x3  }
0x36: {  	p1 =	seq.s32 s10, $0x1;
	s10 =	sld [smem:$0x3FB3];
	_ =	sdelay $0x3  }
0x37: {  	[smem:$0x3FB3] =	sst s10  }
0x38: {  	s10 =	sld [smem:$0x3FB4]  }
0x39: {  	_ = 	snop;
	(pc) =	sbr.ind lr, $3  }
0x3a: {  	_ = 	snop  }
0x3b: {  	_ = 	snop  }
0x3c: {  	p2 =	seq.s32 s10, $0x1;
	s10 =	sld [smem:$0x3FB3]  }
0x3d: {  	_ =	shalt  }
0x3e: {  	_ =	shalt  }
0x3f: {  	_ =	shalt  }
0x40: {  	_ =	shalt  }
0x41: {  	_ =	shalt  }
0x42: {  	_ =	shalt  }
0x43: {  	_ =	shalt  }
0x44: {  	_ =	shalt  }
0x45: {  	_ =	shalt  }
0x46: {  	_ =	shalt  }
0x47: {  	_ =	shalt  }
0x48: {  	_ =	shalt  }
0x49: {  	_ =	shalt  }
0x4a: {  	_ =	shalt  }
0x4b: {  	_ =	shalt  }
0x4c: {  	_ =	shalt  }
0x4d: {  	_ =	shalt  }
0x4e: {  	_ =	shalt  }
0x4f: {  	_ =	shalt  }
0x50: {  	_ =	shalt  }
0x51: {  	_ =	shalt  }
0x52: {  	_ =	shalt  }
0x53: {  	_ =	shalt  }
0x54: {  	_ =	shalt  }
0x55: {  	_ =	shalt  }
0x56: {  	_ =	shalt  }
0x57: {  	_ =	shalt  }
0x58: {  	_ =	shalt  }
0x59: {  	_ =	shalt  }
0x5a: {  	_ =	shalt  }
0x5b: {  	_ =	shalt  }
0x5c: {  	_ =	shalt  }
0x5d: {  	_ =	shalt  }
0x5e: {  	_ =	shalt  }
0x5f: {  	_ =	shalt  }
0x60: {  	_ =	shalt  }
0x61: {  	_ =	shalt  }
0x62: {  	_ =	shalt  }
0x63: {  	_ =	shalt  }
0x64: {  	_ =	shalt  }
0x65: {  	_ =	shalt  }
0x66: {  	_ =	shalt  }
0x67: {  	_ =	shalt  }
0x68: {  	_ =	shalt  }
0x69: {  	_ =	shalt  }
0x6a: {  	_ =	shalt  }
0x6b: {  	_ =	shalt  }
0x6c: {  	_ =	shalt  }
0x6d: {  	_ =	shalt  }
0x6e: {  	_ =	shalt  }
0x6f: {  	_ =	shalt  }
0x70: {  	_ =	shalt  }
0x71: {  	_ =	shalt  }
0x72: {  	_ =	shalt  }
0x73: {  	_ =	shalt  }
0x74: {  	_ =	shalt  }
0x75: {  	_ =	shalt  }
0x76: {  	_ =	shalt  }
0x77: {  	_ =	shalt  }
0x78: {  	_ =	shalt  }
0x79: {  	_ =	shalt  }
0x7a: {  	_ =	shalt  }
0x7b: {  	_ =	shalt  }
0x7c: {  	_ =	shalt  }
0x7d: {  	_ =	shalt  }
0x7e: {  	_ =	shalt  }
0x7f: {  	_ =	shalt  }
0x80: {  	_ =	shalt  }
0x81: {  	_ =	shalt  }
0x82: {  	_ =	shalt  }
0x83: {  	_ =	shalt  }
0x84: {  	_ =	shalt  }
0x85: {  	_ =	shalt  }
0x86: {  	_ =	shalt  }
0x87: {  	_ =	shalt  }
.Lfunc_end0:
.L_simem_size_0:
called_computation.1_lowered:
.L_overlay_start_0:
0x88: {  	s2 =	sld [smem:$0x3FD9]  }
0x89: {  	s3 =	sld [smem:$0x3FFE];
	_ =	sdelay $0x1  }
0x8a: {  	s1 =	srdreg.scid  }
0x8b: {  	s0 =	sand.u32 $0x1, s1  }
0x8c: {  	s16 =	sshll.u32 s0, $0xA;
	s2 =	sadd.s32 s3, s2  }
0x8d: {  	s2 =	sadd.s32 s2, s16  }
0x8e: {  	[smem:$0x3FBF] =	sst s2  }
0x8f: {  	_ = 	snop  }
0x90: {  	(tm) =	ssettm $0x1  }
0x91: {  	s17 =	sld [smem:$0x3FFB];
	_ =	sdelay $0x3  }
0x92: {  	_ =	strace s17  }
0x93: {  	s2 =	sld [smem:$0x3FFC];
	_ =	sdelay $0x3  }
0x94: {  	_ =	strace s2  }
0x95: {  	s2 =	sld [smem:$0x3FFD];
	_ =	sdelay $0x3  }
0x96: {  	_ =	strace s2  }
0x97: {  	_ =	strace $0x8FFFFFFF  }
0x98: {  	s18 =	sld [smem:$0x3FDB];
	_ =	sdelay $0x1  }
0x99: {  	s19 =	simm.s32 $_scs_section_size  }
0x9a: {  	s4 =	simm.s32 $_size__tile_overlayer_lowered;
	s5 =	simm.s32 $_tile_overlayer_lowered  }
0x9b: {  	s22 =	simm.s32 $0x1BFF;
	s21 =	sshll.u32 s5, $0x1;
	s2 =	sadd.s32 s19, s18  }
0x9c: {  	s6 =	simm.s32 $0x0;
	s20 =	sshll.u32 s4, $0x1;
	s4 =	sadd.s32 s21, s2  }
0x9d: {  	[timem:s6], [sflag:s22] =	dma.local [hbm:s4], s20  }
0x9e: {  	_ =	swait.ge [sflag:s22], s20  }
0x9f: {  	s3 =	ssub.s32 $0x0, s20;
	[sflag:s22] =	ssyncset.done $0x0  }
0xa0: {  	[sflag:s22] =	ssyncadd.s32 s3;
	_ =	sdelay $0x1  }
0xa1: {  	s23 =	simm.s32 $0x1B8B  }
0xa2: {  	_ =	swait.ge [sflag:s23], $0x1  }
0xa3: {  	[sflag:s23] =	ssyncset.done $0x0  }
0xa4: {  	s25 =	simm.s32 $0x1B8E;
	s24 =	sld [smem:$0x3FFE];
	[sflag:s23] =	ssyncadd.s32 $0xFFFFFFFF  }
0xa5: {  	s26 =	simm.s32 $execute0_lowered;
	[smem:$0x3FD2] =	sst s25  }
0xa6: {  	s4 =	sshll.u32 s26, $0x1;
	_ =	strace $0x80000049;
	[dreg:$0x1] =	wrdreg $0xFFFFFFFF  }
0xa7: {  	s28 =	simm.s32 $_size_execute0_lowered;
	s2 =	sadd.s32 s2, s4;
	[dreg:$0x0] =	wrdreg $0x0  }
0xa8: {  	s4 =	sshll.u32 s28, $0x1;
	[dreg:$0x2] =	wrdreg s2  }
0xa9: {  	[dreg:$0x3] =	wrdreg s4  }
0xaa: {  	[dreg:$0x4] =	wrdreg $0xC0  }
0xab: {  	_ =	task [dreg:s6], $0x5FFFF  }
0xac: {  	[dreg:$0x1] =	wrdreg $0xFFFFFFFF  }
0xad: {  	[dreg:$0x0] =	wrdreg $0x60  }
0xae: {  	[dreg:$0x2] =	wrdreg s24  }
0xaf: {  	[dreg:$0x3] =	wrdreg $0x76200  }
0xb0: {  	[dreg:$0x4] =	wrdreg $0x9  }
0xb1: {  	_ =	task.clear_ibuf [dreg:s6], $0x5FFFF;
	_ =	strace $0x90000049  }
0xb2: {  	s29 =	simm.s32 $0x9;
	_ =	strace $0x8000004B  }
0xb3: {  	_ =	swait.ge [sflag:s29], $0x1  }
0xb4: {  	[sflag:s29] =	ssyncadd.s32 $0xFFFFFFFF  }
0xb5: {  	_ =	strace $0x9000004B  }
0xb6: {  	_ =	sfence  }
0xb7: {  	s30 =	sld [smem:$0x0];
	_ =	sdelay $0x2  }
0xb8: {  	s31 =	sshll.u32 s1, $0xD;
	s1 =	sshrl.u32 s1, $0x2  }
0xb9: {  	s3 =	sand.u32 $0x4000, s31;
	s1 =	sadd.s32 s1, s30  }
0xba: {  	s0 =	sor.u32 s3, s0;
	s1 =	sshll.u32 s1, $0x11  }
0xbb: {  	s0 =	sor.u32 s1, s0  }
0xbc: {  	s0 =	sadd.s32 $0x8F2B, s0  }
0xbd: {  	[sflag:s0] =	ssyncadd.remote.s32 $0x1  }
0xbe: {  	_ =	sfence.sel $0xFFFF  }
0xbf: {  	[dreg:$0x0] =	wrdreg $0xFFFFFFFF;
	(pc) =	sbr.abs _section_cstart, $3  }
0xc0: {  	[dreg:$0x1] =	wrdreg $0xFFFFFFFF  }
0xc1: {  	_ =	task.clear_ibuf [dreg:s6], $0x2FFFF;
	_ =	strace $0x9FFFFFFF  }
0xc2: {  	(tm) =	ssettm $0x7FFFFFFF  }
0xc3: {  	_ =	shalt  }
tec
execute0_lowered:
.L_overlay_start_1:
0x0: {  	(tag) =	ssettag $0x1  }
0x1: {  	s1 =	srdreg.scid;
	s0 =	stileid.u32  }
0x2: {  	s1 =	sand.u32 $0x1, s1;
	s2 =	sshll.u32 s0, $0x1  }
0x3: {  	s7 =	rddreg [dreg:$0x0];
	s3 =	sor.u32 s1, s2  }
0x4: {  	s2 =	rddreg [dreg:$0x1];
	s4 =	smul.u32 $0x4E2, s3;
	s3 =	simm.s32 $0x0  }
0x5: {  	s11 =	simm.s32 $0x400;
	[smem:$0x7FF] =	sst s3  }
0x6: {  	s12 =	simm.s32 $0x600;
	_ =	strace $0x8000004A;
	[dreg:$0x9] =	wrdreg s11  }
0x7: {  	s13 =	simm.s32 $0x2910;
	[dreg:$0xa] =	wrdreg s12  }
0x8: {  	s14 =	simm.s32 $0x800;
	[dreg:$0xb] =	wrdreg s13  }
0x9: {  	s15 =	simm.s32 $0x2B10;
	[dreg:$0xc] =	wrdreg s14  }
0xa: {  	s16 =	simm.s32 $0xA00;
	[dreg:$0xd] =	wrdreg s15  }
0xb: {  	s17 =	simm.s32 $0x2D10;
	[dreg:$0xe] =	wrdreg s16  }
0xc: {  	s18 =	simm.s32 $0xC00;
	[dreg:$0xf] =	wrdreg s17  }
0xd: {  	s19 =	simm.s32 $0x2F10;
	[dreg:$0x10] =	wrdreg s18  }
0xe: {  	s20 =	simm.s32 $0xE00;
	[dreg:$0x11] =	wrdreg s19  }
0xf: {  	s21 =	simm.s32 $0x3110;
	[dreg:$0x12] =	wrdreg s20  }
0x10: {  	s22 =	simm.s32 $0x1000;
	s5 =	smul.u32 $0x2800, s0;
	[dreg:$0x13] =	wrdreg s21  }
0x11: {  	s23 =	simm.s32 $0x3310;
	[dreg:$0x14] =	wrdreg s22  }
0x12: {  	s24 =	simm.s32 $0x1200;
	s8 =	sshrl.u32 s5, $0x3;
	[dreg:$0x15] =	wrdreg s23  }
0x13: {  	s25 =	simm.s32 $0x3510;
	s8 =	sadd.s32 s8, s7;
	[dreg:$0x16] =	wrdreg s24  }
0x14: {  	s26 =	sadd.s32 $0x1A800, s8;
	[dreg:$0x17] =	wrdreg s25  }
0x15: {  	s8 =	simm.s32 $0x3910;
	[dreg:$0x5] =	wrdreg s26  }
0x16: {  	s11 =	simm.s32 $0x1A00;
	[dreg:$0x1b] =	wrdreg s8  }
0x17: {  	s12 =	simm.s32 $0x3D10;
	[dreg:$0x1e] =	wrdreg s11  }
0x18: {  	s13 =	simm.s32 $0x1C00;
	[dreg:$0x1f] =	wrdreg s12  }
0x19: {  	s14 =	simm.s32 $0x3F10;
	[smem:$0x7F8] =	sst s13  }
0x1a: {  	s15 =	simm.s32 $0x1E00;
	[smem:$0x7F9] =	sst s14  }
0x1b: {  	s16 =	simm.s32 $0x4110;
	[smem:$0x7FA] =	sst s15  }
0x1c: {  	s6 =	smul.u32 $0x28000, s1;
	s17 =	simm.s32 $0x2000;
	[smem:$0x7FB] =	sst s16  }
0x1d: {  	s4 =	sadd.s32 s4, s7;
	s19 =	simm.s32 $0x4310;
	[smem:$0x7FC] =	sst s17  }
0x1e: {  	s6 =	sadd.s32 s5, s6;
	s9 =	sadd.s32 $0x1C00, s4;
	[smem:$0x7FD] =	sst s19  }
0x1f: {  	s6 =	sshrl.u32 s6, $0x3;
	s4 =	sadd.s32 $0xBA00, s4;
	[dreg:$0x3] =	wrdreg s9  }
0x20: {  	s6 =	sadd.s32 s6, s7;
	s26 =	simm.s32 $0x1400;
	[dreg:$0x4] =	wrdreg s4  }
0x21: {  	s0 =	sshll.u32 s0, $0x6;
	s6 =	sadd.s32 $0x1F800, s6;
	[dreg:$0x18] =	wrdreg s26  }
0x22: {  	s9 =	sor.u32 $0x1C09, s0;
	[dreg:$0x6] =	wrdreg s6  }
0x23: {  	s0 =	simm.s32 $0x3710;
	[dreg:$0x7] =	wrdreg s9  }
0x24: {  	s4 =	sadd.s32 s5, s2;
	[dreg:$0x19] =	wrdreg s0  }
0x25: {  	s10 =	sshrl.u32 s4, $0x3;
	s18 =	rddreg [dreg:$0x3]  }
0x26: {  	s6 =	simm.s32 $0x1600;
	[dreg:$0x8] =	wrdreg s10  }
0x27: {  	s9 =	simm.s32 $0x1800;
	[dreg:$0x1a] =	wrdreg s6  }
0x28: {  	[dreg:$0x1c] =	wrdreg s9;
	s10 =	simm.s32 $0x3B10  }
0x29: {  	[tilespmem:s3], [sflag:$0x9] =	stream.linear.gather [hbm4b:s18+s3], $0x2710, $0x38;
	[tilespmem:$0x11E20] =	vst v63  }
0x2a: {  	s5 =	simm.s32 $0x9;
	[dreg:$0x1d] =	wrdreg s10  }
0x2b: {  	_ =	swait.ge [sflag:s5], $0x2710  }
0x2c: {  	[sflag:s5] =	ssyncset.done $0x0  }
0x2d: {  	s6 =	simm.s32 $0x2710;
	s20 =	rddreg [dreg:$0x4];
	[sflag:s5] =	ssyncadd.s32 $0xFFFFD8F0  }
0x2e: {  	[tilespmem:s6], [sflag:$0x9] =	stream.linear.gather [hbm4b:s20+s3], $0x2710, $0x38;
	[tilespmem:$0x11E20] =	vst v63  }
0x2f: {  	_ =	swait.ge [sflag:s5], $0x2710  }
0x30: {  	s21 =	rddreg [dreg:$0x8]  }
0x31: {  	s22 =	rddreg [dreg:$0x5];
	[sflag:s5] =	ssyncset.done $0x0  }
0x32: {  	s10 =	rddreg [dreg:$0x7];
	[sflag:s5] =	ssyncadd.s32 $0xFFFFD8F0  }
0x33: {  	[spmem:s21], [sflag:s10] =	dma.local [hbm:s22], $0x500  }
0x34: {  	_ =	swait.ge [sflag:s5], $0x500  }
0x35: {  	[sflag:s5] =	ssyncset.done $0x0  }
0x36: {  	s7 =	sadd.s32 $0x15800, s7;
	[sflag:s5] =	ssyncadd.s32 $0xFFFFFB00  }
0x37: {  	s8 =	simm.s32 $0x200;
	s9 =	simm.s32 $0x9E20;
	[bflag:$0x0] =	sbarrier.arrive $0xFFFF  }
0x38: {  	[tilespmem:s9], [sflag:$0x1] =	stream.indirect.gather [hbm4b:s7+s8], $0x10, s3, s8, $0xb8;
	[tilespmem:$0x11E20] =	vst v63  }
0x39: {  	s10 =	simm.s32 $0xBE20  }
0x3a: {  	[tilespmem:s10], [sflag:$0x2] =	stream.indirect.gather [hbm4b:s7+s8], $0x10, s8, s8, $0xb8;
	[tilespmem:$0x11E20] =	vst v63  }
0x3b: {  	s11 =	simm.s32 $0xDE20;
	s12 =	simm.s32 $0x1;
	s13 =	rddreg [dreg:$0x9]  }
0x3c: {  	[tilespmem:s11], [sflag:$0x3] =	stream.indirect.gather [hbm4b:s7+s8], $0x10, s13, s8, $0xb8;
	[tilespmem:$0x11E20] =	vst v63  }
0x3d: {  	_ =	swait.ge [sflag:s12], $0x2000  }
0x3e: {  	[sflag:s12] =	ssyncset.done $0x0  }
0x3f: {  	[sflag:s12] =	ssyncadd.s32 $0xFFFFE000  }
0x40: {  	[spmem:s2] =	stream.indirect.scatter.add.f32 [tilespmem:s9], [sflag:$0x5], $0x10, s6, s8, $0xb8;
	[tilespmem:$0x11E20] =	vst v63  }
0x41: {  	s14 =	simm.s32 $0x2;
	s13 =	simm.s32 $0xFE20;
	s15 =	rddreg [dreg:$0xa]  }
0x42: {  	[tilespmem:s13], [sflag:$0x4] =	stream.indirect.gather [hbm4b:s7+s8], $0x10, s15, s8, $0xb8;
	[tilespmem:$0x11E20] =	vst v63  }
0x43: {  	_ =	swait.ge [sflag:s14], $0x2000  }
0x44: {  	[sflag:s14] =	ssyncset.done $0x0  }
0x45: {  	s15 =	simm.s32 $0x5;
	s16 =	rddreg [dreg:$0xb];
	[sflag:s14] =	ssyncadd.s32 $0xFFFFE000  }
0x46: {  	[spmem:s2] =	stream.indirect.scatter.add.f32 [tilespmem:s10], [sflag:$0x6], $0x10, s16, s8, $0xb8;
	[tilespmem:$0x11E20] =	vst v63  }
0x47: {  	_ =	swait.ge [sflag:s15], $0x2000  }
0x48: {  	[sflag:s15] =	ssyncset.done $0x0  }
0x49: {  	s16 =	simm.s32 $0x3;
	s17 =	rddreg [dreg:$0xc];
	[sflag:s15] =	ssyncadd.s32 $0xFFFFE000  }
0x4a: {  	[tilespmem:s9], [sflag:$0x1] =	stream.indirect.gather [hbm4b:s7+s8], $0x10, s17, s8, $0xb8;
	[tilespmem:$0x11E20] =	vst v63  }
0x4b: {  	_ =	swait.ge [sflag:s16], $0x2000  }
0x4c: {  	[sflag:s16] =	ssyncset.done $0x0  }
0x4d: {  	s17 =	simm.s32 $0x6;
	s18 =	rddreg [dreg:$0xd];
	[sflag:s16] =	ssyncadd.s32 $0xFFFFE000  }
0x4e: {  	[spmem:s2] =	stream.indirect.scatter.add.f32 [tilespmem:s11], [sflag:$0x7], $0x10, s18, s8, $0xb8;
	[tilespmem:$0x11E20] =	vst v63  }
0x4f: {  	_ =	swait.ge [sflag:s17], $0x2000  }
0x50: {  	[sflag:s17] =	ssyncset.done $0x0  }
0x51: {  	s18 =	simm.s32 $0x4;
	s19 =	rddreg [dreg:$0xe];
	[sflag:s17] =	ssyncadd.s32 $0xFFFFE000  }
0x52: {  	[tilespmem:s10], [sflag:$0x2] =	stream.indirect.gather [hbm4b:s7+s8], $0x10, s19, s8, $0xb8;
	[tilespmem:$0x11E20] =	vst v63  }
0x53: {  	_ =	swait.ge [sflag:s18], $0x2000  }
0x54: {  	[sflag:s18] =	ssyncset.done $0x0  }
0x55: {  	s19 =	simm.s32 $0x7;
	s20 =	rddreg [dreg:$0xf];
	[sflag:s18] =	ssyncadd.s32 $0xFFFFE000  }
0x56: {  	[spmem:s2] =	stream.indirect.scatter.add.f32 [tilespmem:s13], [sflag:$0x8], $0x10, s20, s8, $0xb8;
	[tilespmem:$0x11E20] =	vst v63  }
0x57: {  	_ =	swait.ge [sflag:s19], $0x2000  }
0x58: {  	[sflag:s19] =	ssyncset.done $0x0  }
0x59: {  	s23 =	rddreg [dreg:$0x10];
	[sflag:s19] =	ssyncadd.s32 $0xFFFFE000  }
0x5a: {  	[tilespmem:s11], [sflag:$0x3] =	stream.indirect.gather [hbm4b:s7+s8], $0x10, s23, s8, $0xb8;
	[tilespmem:$0x11E20] =	vst v63  }
0x5b: {  	_ =	swait.ge [sflag:s12], $0x2000  }
0x5c: {  	[sflag:s12] =	ssyncset.done $0x0  }
0x5d: {  	s20 =	simm.s32 $0x8;
	s21 =	rddreg [dreg:$0x11];
	[sflag:s12] =	ssyncadd.s32 $0xFFFFE000  }
0x5e: {  	[spmem:s2] =	stream.indirect.scatter.add.f32 [tilespmem:s9], [sflag:$0x5], $0x10, s21, s8, $0xb8;
	[tilespmem:$0x11E20] =	vst v63  }
0x5f: {  	_ =	swait.ge [sflag:s20], $0x2000  }
0x60: {  	[sflag:s20] =	ssyncset.done $0x0  }
0x61: {  	s24 =	rddreg [dreg:$0x12];
	[sflag:s20] =	ssyncadd.s32 $0xFFFFE000  }
0x62: {  	[tilespmem:s13], [sflag:$0x4] =	stream.indirect.gather [hbm4b:s7+s8], $0x10, s24, s8, $0xb8;
	[tilespmem:$0x11E20] =	vst v63  }
0x63: {  	_ =	swait.ge [sflag:s14], $0x2000  }
0x64: {  	[sflag:s14] =	ssyncset.done $0x0  }
0x65: {  	s25 =	rddreg [dreg:$0x13];
	[sflag:s14] =	ssyncadd.s32 $0xFFFFE000  }
0x66: {  	[spmem:s2] =	stream.indirect.scatter.add.f32 [tilespmem:s10], [sflag:$0x6], $0x10, s25, s8, $0xb8;
	[tilespmem:$0x11E20] =	vst v63  }
0x67: {  	_ =	swait.ge [sflag:s15], $0x2000  }
0x68: {  	[sflag:s15] =	ssyncset.done $0x0  }
0x69: {  	s26 =	rddreg [dreg:$0x14];
	[sflag:s15] =	ssyncadd.s32 $0xFFFFE000  }
0x6a: {  	[tilespmem:s9], [sflag:$0x1] =	stream.indirect.gather [hbm4b:s7+s8], $0x10, s26, s8, $0xb8;
	[tilespmem:$0x11E20] =	vst v63  }
0x6b: {  	_ =	swait.ge [sflag:s16], $0x2000  }
0x6c: {  	[sflag:s16] =	ssyncset.done $0x0  }
0x6d: {  	s0 =	rddreg [dreg:$0x15];
	[sflag:s16] =	ssyncadd.s32 $0xFFFFE000  }
0x6e: {  	[spmem:s2] =	stream.indirect.scatter.add.f32 [tilespmem:s11], [sflag:$0x7], $0x10, s0, s8, $0xb8;
	[tilespmem:$0x11E20] =	vst v63  }
0x6f: {  	_ =	swait.ge [sflag:s17], $0x2000  }
0x70: {  	[sflag:s17] =	ssyncset.done $0x0  }
0x71: {  	s22 =	rddreg [dreg:$0x16];
	[sflag:s17] =	ssyncadd.s32 $0xFFFFE000  }
0x72: {  	[tilespmem:s10], [sflag:$0x2] =	stream.indirect.gather [hbm4b:s7+s8], $0x10, s22, s8, $0xb8;
	[tilespmem:$0x11E20] =	vst v63  }
0x73: {  	_ =	swait.ge [sflag:s18], $0x2000  }
0x74: {  	[sflag:s18] =	ssyncset.done $0x0  }
0x75: {  	s23 =	rddreg [dreg:$0x17];
	[sflag:s18] =	ssyncadd.s32 $0xFFFFE000  }
0x76: {  	[spmem:s2] =	stream.indirect.scatter.add.f32 [tilespmem:s13], [sflag:$0x8], $0x10, s23, s8, $0xb8;
	[tilespmem:$0x11E20] =	vst v63  }
0x77: {  	_ =	swait.ge [sflag:s19], $0x2000  }
0x78: {  	[sflag:s19] =	ssyncset.done $0x0  }
0x79: {  	s24 =	rddreg [dreg:$0x18];
	[sflag:s19] =	ssyncadd.s32 $0xFFFFE000  }
0x7a: {  	[tilespmem:s11], [sflag:$0x3] =	stream.indirect.gather [hbm4b:s7+s8], $0x10, s24, s8, $0xb8;
	[tilespmem:$0x11E20] =	vst v63  }
0x7b: {  	_ =	swait.ge [sflag:s12], $0x2000  }
0x7c: {  	[sflag:s12] =	ssyncset.done $0x0  }
0x7d: {  	s25 =	rddreg [dreg:$0x19];
	[sflag:s12] =	ssyncadd.s32 $0xFFFFE000  }
0x7e: {  	[spmem:s2] =	stream.indirect.scatter.add.f32 [tilespmem:s9], [sflag:$0x5], $0x10, s25, s8, $0xb8;
	[tilespmem:$0x11E20] =	vst v63  }
0x7f: {  	_ =	swait.ge [sflag:s20], $0x2000  }
0x80: {  	[sflag:s20] =	ssyncset.done $0x0  }
0x81: {  	s26 =	rddreg [dreg:$0x1a];
	[sflag:s20] =	ssyncadd.s32 $0xFFFFE000  }
0x82: {  	[tilespmem:s13], [sflag:$0x4] =	stream.indirect.gather [hbm4b:s7+s8], $0x10, s26, s8, $0xb8;
	[tilespmem:$0x11E20] =	vst v63  }
0x83: {  	_ =	swait.ge [sflag:s14], $0x2000  }
0x84: {  	[sflag:s14] =	ssyncset.done $0x0  }
0x85: {  	s0 =	rddreg [dreg:$0x1b];
	[sflag:s14] =	ssyncadd.s32 $0xFFFFE000  }
0x86: {  	[spmem:s2] =	stream.indirect.scatter.add.f32 [tilespmem:s10], [sflag:$0x6], $0x10, s0, s8, $0xb8;
	[tilespmem:$0x11E20] =	vst v63  }
0x87: {  	_ =	swait.ge [sflag:s15], $0x2000  }
0x88: {  	[sflag:s15] =	ssyncset.done $0x0  }
0x89: {  	s22 =	rddreg [dreg:$0x1c];
	[sflag:s15] =	ssyncadd.s32 $0xFFFFE000  }
0x8a: {  	[tilespmem:s9], [sflag:$0x1] =	stream.indirect.gather [hbm4b:s7+s8], $0x10, s22, s8, $0xb8;
	[tilespmem:$0x11E20] =	vst v63  }
0x8b: {  	_ =	swait.ge [sflag:s16], $0x2000  }
0x8c: {  	[sflag:s16] =	ssyncset.done $0x0  }
0x8d: {  	s23 =	rddreg [dreg:$0x1d];
	[sflag:s16] =	ssyncadd.s32 $0xFFFFE000  }
0x8e: {  	[spmem:s2] =	stream.indirect.scatter.add.f32 [tilespmem:s11], [sflag:$0x7], $0x10, s23, s8, $0xb8;
	[tilespmem:$0x11E20] =	vst v63  }
0x8f: {  	_ =	swait.ge [sflag:s17], $0x2000  }
0x90: {  	[sflag:s17] =	ssyncset.done $0x0  }
0x91: {  	s24 =	rddreg [dreg:$0x1e];
	[sflag:s17] =	ssyncadd.s32 $0xFFFFE000  }
0x92: {  	[tilespmem:s10], [sflag:$0x2] =	stream.indirect.gather [hbm4b:s7+s8], $0x10, s24, s8, $0xb8;
	[tilespmem:$0x11E20] =	vst v63  }
0x93: {  	_ =	swait.ge [sflag:s18], $0x2000  }
0x94: {  	[sflag:s18] =	ssyncset.done $0x0  }
0x95: {  	s25 =	rddreg [dreg:$0x1f];
	[sflag:s18] =	ssyncadd.s32 $0xFFFFE000  }
0x96: {  	[spmem:s2] =	stream.indirect.scatter.add.f32 [tilespmem:s13], [sflag:$0x8], $0x10, s25, s8, $0xb8;
	[tilespmem:$0x11E20] =	vst v63  }
0x97: {  	_ =	swait.ge [sflag:s19], $0x2000  }
0x98: {  	s26 =	sld [smem:$0x7F8]  }
0x99: {  	[sflag:s19] =	ssyncset.done $0x0  }
0x9a: {  	[sflag:s19] =	ssyncadd.s32 $0xFFFFE000  }
0x9b: {  	[tilespmem:s11], [sflag:$0x3] =	stream.indirect.gather [hbm4b:s7+s8], $0x10, s26, s8, $0xb8;
	[tilespmem:$0x11E20] =	vst v63  }
0x9c: {  	_ =	swait.ge [sflag:s12], $0x2000  }
0x9d: {  	s0 =	sld [smem:$0x7F9]  }
0x9e: {  	[sflag:s12] =	ssyncset.done $0x0  }
0x9f: {  	[sflag:s12] =	ssyncadd.s32 $0xFFFFE000  }
0xa0: {  	[spmem:s2] =	stream.indirect.scatter.add.f32 [tilespmem:s9], [sflag:$0x5], $0x10, s0, s8, $0xb8;
	[tilespmem:$0x11E20] =	vst v63  }
0xa1: {  	_ =	swait.ge [sflag:s20], $0x2000  }
0xa2: {  	s22 =	sld [smem:$0x7FA]  }
0xa3: {  	[sflag:s20] =	ssyncset.done $0x0  }
0xa4: {  	[sflag:s20] =	ssyncadd.s32 $0xFFFFE000  }
0xa5: {  	[tilespmem:s13], [sflag:$0x4] =	stream.indirect.gather [hbm4b:s7+s8], $0x10, s22, s8, $0xb8;
	[tilespmem:$0x11E20] =	vst v63  }
0xa6: {  	_ =	swait.ge [sflag:s14], $0x2000  }
0xa7: {  	s23 =	sld [smem:$0x7FB]  }
0xa8: {  	[sflag:s14] =	ssyncset.done $0x0  }
0xa9: {  	[sflag:s14] =	ssyncadd.s32 $0xFFFFE000  }
0xaa: {  	[spmem:s2] =	stream.indirect.scatter.add.f32 [tilespmem:s10], [sflag:$0x6], $0x10, s23, s8, $0xb8;
	[tilespmem:$0x11E20] =	vst v63  }
0xab: {  	_ =	swait.ge [sflag:s15], $0x2000  }
0xac: {  	s24 =	sld [smem:$0x7FC]  }
0xad: {  	[sflag:s15] =	ssyncset.done $0x0  }
0xae: {  	[sflag:s15] =	ssyncadd.s32 $0xFFFFE000  }
0xaf: {  	[tilespmem:s9], [sflag:$0x1] =	stream.indirect.gather [hbm4b:s7+s8], $0x10, s24, s8, $0xb8;
	[tilespmem:$0x11E20] =	vst v63  }
0xb0: {  	_ =	swait.ge [sflag:s16], $0x2000  }
0xb1: {  	s25 =	sld [smem:$0x7FD]  }
0xb2: {  	[sflag:s16] =	ssyncset.done $0x0  }
0xb3: {  	[sflag:s16] =	ssyncadd.s32 $0xFFFFE000  }
0xb4: {  	[spmem:s2] =	stream.indirect.scatter.add.f32 [tilespmem:s11], [sflag:$0x7], $0x10, s25, s8, $0xb8;
	[tilespmem:$0x11E20] =	vst v63  }
0xb5: {  	_ =	swait.ge [sflag:s17], $0x2000  }
0xb6: {  	[sflag:s17] =	ssyncset.done $0x0  }
0xb7: {  	s26 =	simm.s32 $0x2200;
	[sflag:s17] =	ssyncadd.s32 $0xFFFFE000  }
0xb8: {  	[tilespmem:s10], [sflag:$0x2] =	stream.indirect.gather [hbm4b:s7+s8], $0x10, s26, s8, $0xb8;
	[tilespmem:$0x11E20] =	vst v63  }
0xb9: {  	_ =	swait.ge [sflag:s18], $0x2000  }
0xba: {  	[sflag:s18] =	ssyncset.done $0x0  }
0xbb: {  	s21 =	simm.s32 $0x4510;
	[sflag:s18] =	ssyncadd.s32 $0xFFFFE000  }
0xbc: {  	[spmem:s2] =	stream.indirect.scatter.add.f32 [tilespmem:s13], [sflag:$0x8], $0x10, s21, s8, $0xb8;
	[tilespmem:$0x11E20] =	vst v63  }
0xbd: {  	_ =	swait.ge [sflag:s19], $0x2000  }
0xbe: {  	[sflag:s19] =	ssyncset.done $0x0  }
0xbf: {  	s23 =	simm.s32 $0x2400;
	[sflag:s19] =	ssyncadd.s32 $0xFFFFE000  }
0xc0: {  	[tilespmem:s11], [sflag:$0x3] =	stream.indirect.gather [hbm4b:s7+s8], $0x10, s23, s8, $0xb8;
	[tilespmem:$0x11E20] =	vst v63  }
0xc1: {  	_ =	swait.ge [sflag:s12], $0x2000  }
0xc2: {  	[sflag:s12] =	ssyncset.done $0x0  }
0xc3: {  	s24 =	simm.s32 $0x4710;
	[sflag:s12] =	ssyncadd.s32 $0xFFFFE000  }
0xc4: {  	[spmem:s2] =	stream.indirect.scatter.add.f32 [tilespmem:s9], [sflag:$0x5], $0x10, s24, s8, $0xb8;
	[tilespmem:$0x11E20] =	vst v63  }
0xc5: {  	_ =	swait.ge [sflag:s20], $0x2000  }
0xc6: {  	[sflag:s20] =	ssyncset.done $0x0  }
0xc7: {  	s25 =	simm.s32 $0x110;
	s26 =	simm.s32 $0x2600;
	[sflag:s20] =	ssyncadd.s32 $0xFFFFE000  }
0xc8: {  	[tilespmem:s13], [sflag:$0x4] =	stream.indirect.gather [hbm4b:s7+s25], $0x10, s26, s25, $0xb8;
	[tilespmem:$0x11E20] =	vst v63  }
0xc9: {  	_ =	swait.ge [sflag:s14], $0x2000  }
0xca: {  	[sflag:s14] =	ssyncset.done $0x0  }
0xcb: {  	s28 =	simm.s32 $0x4910;
	[sflag:s14] =	ssyncadd.s32 $0xFFFFE000  }
0xcc: {  	[spmem:s2] =	stream.indirect.scatter.add.f32 [tilespmem:s10], [sflag:$0x6], $0x10, s28, s8, $0xb8;
	[tilespmem:$0x11E20] =	vst v63  }
0xcd: {  	_ =	swait.ge [sflag:s16], $0x2000  }
0xce: {  	[sflag:s16] =	ssyncset.done $0x0  }
0xcf: {  	s29 =	simm.s32 $0x4B10;
	[sflag:s16] =	ssyncadd.s32 $0xFFFFE000  }
0xd0: {  	[spmem:s2] =	stream.indirect.scatter.add.f32 [tilespmem:s11], [sflag:$0x7], $0x10, s29, s8, $0xb8;
	[tilespmem:$0x11E20] =	vst v63  }
0xd1: {  	_ =	swait.ge [sflag:s18], $0x1100  }
0xd2: {  	[sflag:s18] =	ssyncset.done $0x0  }
0xd3: {  	s30 =	simm.s32 $0x4D10;
	[sflag:s18] =	ssyncadd.s32 $0xFFFFEF00  }
0xd4: {  	[spmem:s2] =	stream.indirect.scatter.add.f32 [tilespmem:s13], [sflag:$0x8], $0x10, s30, s25, $0xb8;
	[tilespmem:$0x11E20] =	vst v63  }
0xd5: {  	_ =	swait.ge [sflag:s15], $0x2000  }
0xd6: {  	[sflag:s15] =	ssyncset.done $0x0  }
0xd7: {  	[sflag:s15] =	ssyncadd.s32 $0xFFFFE000  }
0xd8: {  	_ =	swait.ge [sflag:s17], $0x2000  }
0xd9: {  	[sflag:s17] =	ssyncset.done $0x0  }
0xda: {  	[sflag:s17] =	ssyncadd.s32 $0xFFFFE000  }
0xdb: {  	_ =	swait.ge [sflag:s19], $0x2000  }
0xdc: {  	[sflag:s19] =	ssyncset.done $0x0  }
0xdd: {  	s1 =	ssub.s32 $0x2, s1;
	[sflag:s19] =	ssyncadd.s32 $0xFFFFE000  }
0xde: {  	s22 =	sshrl.u32 s1, $0x1;
	_ =	swait.ge [sflag:s20], $0x1100  }
0xdf: {  	s0 =	ssub.s32 s1, s22;
	[sflag:s20] =	ssyncset.done $0x0  }
0xe0: {  	s0 =	smax.u32 s0, $0x1;
	[sflag:s20] =	ssyncadd.s32 $0xFFFFEF00  }
0xe1: {  	s31 =	simm.s32 $0x4E20;
	p0 =	sne.s32 s0, $0x1;
	[bflag:$0x0] =	sbarrier.arrive $0xFFFF  }
0xe2: {  	[tilespmem:s31], [sflag:$0x9] =	stream.linear.gather [spmem:s4], $0x2800, $0x38;
	[tilespmem:$0x11E20] =	vst v63  }
.Ltmp0:
0xe3: {  	_ = 	snop;
	(pc) =	sbr.rel @!p0 .LBB2_2-.Ltmp0, $4  }
0xe4: {  	_ =	swait.ge [sflag:s5], $0x2800  }
0xe5: {  	[sflag:s5] =	ssyncset.done $0x0  }
0xe6: {  	s1 =	sadd.s32 $0xFFFFFFFF, s0;
	s21 =	rddreg [dreg:$0x6];
	[sflag:s5] =	ssyncadd.s32 $0xFFFFD800  }
0xe7: {  	[hbm4b:s21+s3] =	stream.linear.scatter [tilespmem:s31], [sflag:$0x9], $0x2800, $0x38;
	[tilespmem:$0x11E20] =	vst v63  }
.LBB2_1:
0xe8: {  	_ =	swait.ge [sflag:s5], $0x2800  }
0xe9: {  	[sflag:s5] =	ssyncset.done $0x0  }
0xea: {  	s0 =	rddreg [dreg:$0x3];
	[sflag:s5] =	ssyncadd.s32 $0xFFFFD800  }
0xeb: {  	[tilespmem:s3], [sflag:$0x9] =	stream.linear.gather [hbm4b:s0+s3], $0x2710, $0x38;
	[tilespmem:$0x11E20] =	vst v63  }
0xec: {  	_ =	swait.ge [sflag:s5], $0x2710  }
0xed: {  	[sflag:s5] =	ssyncset.done $0x0  }
0xee: {  	s22 =	rddreg [dreg:$0x4];
	[sflag:s5] =	ssyncadd.s32 $0xFFFFD8F0  }
0xef: {  	[tilespmem:s6], [sflag:$0x9] =	stream.linear.gather [hbm4b:s22+s3], $0x2710, $0x38;
	[tilespmem:$0x11E20] =	vst v63  }
0xf0: {  	_ =	swait.ge [sflag:s5], $0x2710  }
0xf1: {  	s0 =	rddreg [dreg:$0x8]  }
0xf2: {  	[sflag:s5] =	ssyncset.done $0x0;
	s21 =	rddreg [dreg:$0x5]  }
0xf3: {  	s22 =	rddreg [dreg:$0x7];
	[sflag:s5] =	ssyncadd.s32 $0xFFFFD8F0  }
0xf4: {  	[spmem:s0], [sflag:s22] =	dma.local [hbm:s21], $0x500  }
0xf5: {  	_ =	swait.ge [sflag:s5], $0x500  }
0xf6: {  	[sflag:s5] =	ssyncset.done $0x0  }
0xf7: {  	[sflag:s5] =	ssyncadd.s32 $0xFFFFFB00  }
0xf8: {  	[bflag:$0x0] =	sbarrier.arrive $0xFFFF  }
0xf9: {  	[tilespmem:s9], [sflag:$0x1] =	stream.indirect.gather [hbm4b:s7+s8], $0x10, s3, s8, $0xb8;
	[tilespmem:$0x11E20] =	vst v63  }
0xfa: {  	_ = 	snop  }
0xfb: {  	[tilespmem:s10], [sflag:$0x2] =	stream.indirect.gather [hbm4b:s7+s8], $0x10, s8, s8, $0xb8;
	[tilespmem:$0x11E20] =	vst v63  }
0xfc: {  	s21 =	rddreg [dreg:$0x9]  }
0xfd: {  	[tilespmem:s11], [sflag:$0x3] =	stream.indirect.gather [hbm4b:s7+s8], $0x10, s21, s8, $0xb8;
	[tilespmem:$0x11E20] =	vst v63  }
0xfe: {  	_ =	swait.ge [sflag:s12], $0x2000  }
0xff: {  	[sflag:s12] =	ssyncset.done $0x0  }
0x100: {  	[sflag:s12] =	ssyncadd.s32 $0xFFFFE000  }
0x101: {  	[spmem:s2] =	stream.indirect.scatter.add.f32 [tilespmem:s9], [sflag:$0x5], $0x10, s6, s8, $0xb8;
	[tilespmem:$0x11E20] =	vst v63  }
0x102: {  	s22 =	rddreg [dreg:$0xa]  }
0x103: {  	[tilespmem:s13], [sflag:$0x4] =	stream.indirect.gather [hbm4b:s7+s8], $0x10, s22, s8, $0xb8;
	[tilespmem:$0x11E20] =	vst v63  }
0x104: {  	_ =	swait.ge [sflag:s14], $0x2000  }
0x105: {  	[sflag:s14] =	ssyncset.done $0x0  }
0x106: {  	s21 =	rddreg [dreg:$0xb];
	[sflag:s14] =	ssyncadd.s32 $0xFFFFE000  }
0x107: {  	[spmem:s2] =	stream.indirect.scatter.add.f32 [tilespmem:s10], [sflag:$0x6], $0x10, s21, s8, $0xb8;
	[tilespmem:$0x11E20] =	vst v63  }
0x108: {  	_ =	swait.ge [sflag:s15], $0x2000  }
0x109: {  	[sflag:s15] =	ssyncset.done $0x0  }
0x10a: {  	s22 =	rddreg [dreg:$0xc];
	[sflag:s15] =	ssyncadd.s32 $0xFFFFE000  }
0x10b: {  	[tilespmem:s9], [sflag:$0x1] =	stream.indirect.gather [hbm4b:s7+s8], $0x10, s22, s8, $0xb8;
	[tilespmem:$0x11E20] =	vst v63  }
0x10c: {  	_ =	swait.ge [sflag:s16], $0x2000  }
0x10d: {  	[sflag:s16] =	ssyncset.done $0x0  }
0x10e: {  	s21 =	rddreg [dreg:$0xd];
	[sflag:s16] =	ssyncadd.s32 $0xFFFFE000  }
0x10f: {  	[spmem:s2] =	stream.indirect.scatter.add.f32 [tilespmem:s11], [sflag:$0x7], $0x10, s21, s8, $0xb8;
	[tilespmem:$0x11E20] =	vst v63  }
0x110: {  	_ =	swait.ge [sflag:s17], $0x2000  }
0x111: {  	[sflag:s17] =	ssyncset.done $0x0  }
0x112: {  	s22 =	rddreg [dreg:$0xe];
	[sflag:s17] =	ssyncadd.s32 $0xFFFFE000  }
0x113: {  	[tilespmem:s10], [sflag:$0x2] =	stream.indirect.gather [hbm4b:s7+s8], $0x10, s22, s8, $0xb8;
	[tilespmem:$0x11E20] =	vst v63  }
0x114: {  	_ =	swait.ge [sflag:s18], $0x2000  }
0x115: {  	[sflag:s18] =	ssyncset.done $0x0  }
0x116: {  	s21 =	rddreg [dreg:$0xf];
	[sflag:s18] =	ssyncadd.s32 $0xFFFFE000  }
0x117: {  	[spmem:s2] =	stream.indirect.scatter.add.f32 [tilespmem:s13], [sflag:$0x8], $0x10, s21, s8, $0xb8;
	[tilespmem:$0x11E20] =	vst v63  }
0x118: {  	_ =	swait.ge [sflag:s19], $0x2000  }
0x119: {  	[sflag:s19] =	ssyncset.done $0x0  }
0x11a: {  	s22 =	rddreg [dreg:$0x10];
	[sflag:s19] =	ssyncadd.s32 $0xFFFFE000  }
0x11b: {  	[tilespmem:s11], [sflag:$0x3] =	stream.indirect.gather [hbm4b:s7+s8], $0x10, s22, s8, $0xb8;
	[tilespmem:$0x11E20] =	vst v63  }
0x11c: {  	_ =	swait.ge [sflag:s12], $0x2000  }
0x11d: {  	[sflag:s12] =	ssyncset.done $0x0  }
0x11e: {  	s21 =	rddreg [dreg:$0x11];
	[sflag:s12] =	ssyncadd.s32 $0xFFFFE000  }
0x11f: {  	[spmem:s2] =	stream.indirect.scatter.add.f32 [tilespmem:s9], [sflag:$0x5], $0x10, s21, s8, $0xb8;
	[tilespmem:$0x11E20] =	vst v63  }
0x120: {  	_ =	swait.ge [sflag:s20], $0x2000  }
0x121: {  	[sflag:s20] =	ssyncset.done $0x0  }
0x122: {  	s22 =	rddreg [dreg:$0x12];
	[sflag:s20] =	ssyncadd.s32 $0xFFFFE000  }
0x123: {  	[tilespmem:s13], [sflag:$0x4] =	stream.indirect.gather [hbm4b:s7+s8], $0x10, s22, s8, $0xb8;
	[tilespmem:$0x11E20] =	vst v63  }
0x124: {  	_ =	swait.ge [sflag:s14], $0x2000  }
0x125: {  	[sflag:s14] =	ssyncset.done $0x0  }
0x126: {  	s21 =	rddreg [dreg:$0x13];
	[sflag:s14] =	ssyncadd.s32 $0xFFFFE000  }
0x127: {  	[spmem:s2] =	stream.indirect.scatter.add.f32 [tilespmem:s10], [sflag:$0x6], $0x10, s21, s8, $0xb8;
	[tilespmem:$0x11E20] =	vst v63  }
0x128: {  	_ =	swait.ge [sflag:s15], $0x2000  }
0x129: {  	[sflag:s15] =	ssyncset.done $0x0  }
0x12a: {  	s22 =	rddreg [dreg:$0x14];
	[sflag:s15] =	ssyncadd.s32 $0xFFFFE000  }
0x12b: {  	[tilespmem:s9], [sflag:$0x1] =	stream.indirect.gather [hbm4b:s7+s8], $0x10, s22, s8, $0xb8;
	[tilespmem:$0x11E20] =	vst v63  }
0x12c: {  	_ =	swait.ge [sflag:s16], $0x2000  }
0x12d: {  	[sflag:s16] =	ssyncset.done $0x0  }
0x12e: {  	s21 =	rddreg [dreg:$0x15];
	[sflag:s16] =	ssyncadd.s32 $0xFFFFE000  }
0x12f: {  	[spmem:s2] =	stream.indirect.scatter.add.f32 [tilespmem:s11], [sflag:$0x7], $0x10, s21, s8, $0xb8;
	[tilespmem:$0x11E20] =	vst v63  }
0x130: {  	_ =	swait.ge [sflag:s17], $0x2000  }
0x131: {  	[sflag:s17] =	ssyncset.done $0x0  }
0x132: {  	s22 =	rddreg [dreg:$0x16];
	[sflag:s17] =	ssyncadd.s32 $0xFFFFE000  }
0x133: {  	[tilespmem:s10], [sflag:$0x2] =	stream.indirect.gather [hbm4b:s7+s8], $0x10, s22, s8, $0xb8;
	[tilespmem:$0x11E20] =	vst v63  }
0x134: {  	_ =	swait.ge [sflag:s18], $0x2000  }
0x135: {  	[sflag:s18] =	ssyncset.done $0x0  }
0x136: {  	s21 =	rddreg [dreg:$0x17];
	[sflag:s18] =	ssyncadd.s32 $0xFFFFE000  }
0x137: {  	[spmem:s2] =	stream.indirect.scatter.add.f32 [tilespmem:s13], [sflag:$0x8], $0x10, s21, s8, $0xb8;
	[tilespmem:$0x11E20] =	vst v63  }
0x138: {  	_ =	swait.ge [sflag:s19], $0x2000  }
0x139: {  	[sflag:s19] =	ssyncset.done $0x0  }
0x13a: {  	s22 =	rddreg [dreg:$0x18];
	[sflag:s19] =	ssyncadd.s32 $0xFFFFE000  }
0x13b: {  	[tilespmem:s11], [sflag:$0x3] =	stream.indirect.gather [hbm4b:s7+s8], $0x10, s22, s8, $0xb8;
	[tilespmem:$0x11E20] =	vst v63  }
0x13c: {  	_ =	swait.ge [sflag:s12], $0x2000  }
0x13d: {  	[sflag:s12] =	ssyncset.done $0x0  }
0x13e: {  	s21 =	rddreg [dreg:$0x19];
	[sflag:s12] =	ssyncadd.s32 $0xFFFFE000  }
0x13f: {  	[spmem:s2] =	stream.indirect.scatter.add.f32 [tilespmem:s9], [sflag:$0x5], $0x10, s21, s8, $0xb8;
	[tilespmem:$0x11E20] =	vst v63  }
0x140: {  	_ =	swait.ge [sflag:s20], $0x2000  }
0x141: {  	[sflag:s20] =	ssyncset.done $0x0  }
0x142: {  	s22 =	rddreg [dreg:$0x1a];
	[sflag:s20] =	ssyncadd.s32 $0xFFFFE000  }
0x143: {  	[tilespmem:s13], [sflag:$0x4] =	stream.indirect.gather [hbm4b:s7+s8], $0x10, s22, s8, $0xb8;
	[tilespmem:$0x11E20] =	vst v63  }
0x144: {  	_ =	swait.ge [sflag:s14], $0x2000  }
0x145: {  	[sflag:s14] =	ssyncset.done $0x0  }
0x146: {  	s21 =	rddreg [dreg:$0x1b];
	[sflag:s14] =	ssyncadd.s32 $0xFFFFE000  }
0x147: {  	[spmem:s2] =	stream.indirect.scatter.add.f32 [tilespmem:s10], [sflag:$0x6], $0x10, s21, s8, $0xb8;
	[tilespmem:$0x11E20] =	vst v63  }
0x148: {  	_ =	swait.ge [sflag:s15], $0x2000  }
0x149: {  	[sflag:s15] =	ssyncset.done $0x0  }
0x14a: {  	s22 =	rddreg [dreg:$0x1c];
	[sflag:s15] =	ssyncadd.s32 $0xFFFFE000  }
0x14b: {  	[tilespmem:s9], [sflag:$0x1] =	stream.indirect.gather [hbm4b:s7+s8], $0x10, s22, s8, $0xb8;
	[tilespmem:$0x11E20] =	vst v63  }
0x14c: {  	_ =	swait.ge [sflag:s16], $0x2000  }
0x14d: {  	[sflag:s16] =	ssyncset.done $0x0  }
0x14e: {  	s21 =	rddreg [dreg:$0x1d];
	[sflag:s16] =	ssyncadd.s32 $0xFFFFE000  }
0x14f: {  	[spmem:s2] =	stream.indirect.scatter.add.f32 [tilespmem:s11], [sflag:$0x7], $0x10, s21, s8, $0xb8;
	[tilespmem:$0x11E20] =	vst v63  }
0x150: {  	_ =	swait.ge [sflag:s17], $0x2000  }
0x151: {  	[sflag:s17] =	ssyncset.done $0x0  }
0x152: {  	s22 =	rddreg [dreg:$0x1e];
	[sflag:s17] =	ssyncadd.s32 $0xFFFFE000  }
0x153: {  	[tilespmem:s10], [sflag:$0x2] =	stream.indirect.gather [hbm4b:s7+s8], $0x10, s22, s8, $0xb8;
	[tilespmem:$0x11E20] =	vst v63  }
0x154: {  	_ =	swait.ge [sflag:s18], $0x2000  }
0x155: {  	[sflag:s18] =	ssyncset.done $0x0  }
0x156: {  	s21 =	rddreg [dreg:$0x1f];
	[sflag:s18] =	ssyncadd.s32 $0xFFFFE000  }
0x157: {  	[spmem:s2] =	stream.indirect.scatter.add.f32 [tilespmem:s13], [sflag:$0x8], $0x10, s21, s8, $0xb8;
	[tilespmem:$0x11E20] =	vst v63  }
0x158: {  	_ =	swait.ge [sflag:s19], $0x2000  }
0x159: {  	s22 =	sld [smem:$0x7F8]  }
0x15a: {  	[sflag:s19] =	ssyncset.done $0x0  }
0x15b: {  	[sflag:s19] =	ssyncadd.s32 $0xFFFFE000  }
0x15c: {  	[tilespmem:s11], [sflag:$0x3] =	stream.indirect.gather [hbm4b:s7+s8], $0x10, s22, s8, $0xb8;
	[tilespmem:$0x11E20] =	vst v63  }
0x15d: {  	_ =	swait.ge [sflag:s12], $0x2000  }
0x15e: {  	s21 =	sld [smem:$0x7F9]  }
0x15f: {  	[sflag:s12] =	ssyncset.done $0x0  }
0x160: {  	[sflag:s12] =	ssyncadd.s32 $0xFFFFE000  }
0x161: {  	[spmem:s2] =	stream.indirect.scatter.add.f32 [tilespmem:s9], [sflag:$0x5], $0x10, s21, s8, $0xb8;
	[tilespmem:$0x11E20] =	vst v63  }
0x162: {  	_ =	swait.ge [sflag:s20], $0x2000  }
0x163: {  	s22 =	sld [smem:$0x7FA]  }
0x164: {  	[sflag:s20] =	ssyncset.done $0x0  }
0x165: {  	[sflag:s20] =	ssyncadd.s32 $0xFFFFE000  }
0x166: {  	[tilespmem:s13], [sflag:$0x4] =	stream.indirect.gather [hbm4b:s7+s8], $0x10, s22, s8, $0xb8;
	[tilespmem:$0x11E20] =	vst v63  }
0x167: {  	_ =	swait.ge [sflag:s14], $0x2000  }
0x168: {  	s21 =	sld [smem:$0x7FB]  }
0x169: {  	[sflag:s14] =	ssyncset.done $0x0  }
0x16a: {  	[sflag:s14] =	ssyncadd.s32 $0xFFFFE000  }
0x16b: {  	[spmem:s2] =	stream.indirect.scatter.add.f32 [tilespmem:s10], [sflag:$0x6], $0x10, s21, s8, $0xb8;
	[tilespmem:$0x11E20] =	vst v63  }
0x16c: {  	_ =	swait.ge [sflag:s15], $0x2000  }
0x16d: {  	s22 =	sld [smem:$0x7FC]  }
0x16e: {  	[sflag:s15] =	ssyncset.done $0x0  }
0x16f: {  	[sflag:s15] =	ssyncadd.s32 $0xFFFFE000  }
0x170: {  	[tilespmem:s9], [sflag:$0x1] =	stream.indirect.gather [hbm4b:s7+s8], $0x10, s22, s8, $0xb8;
	[tilespmem:$0x11E20] =	vst v63  }
0x171: {  	_ =	swait.ge [sflag:s16], $0x2000  }
0x172: {  	s21 =	sld [smem:$0x7FD]  }
0x173: {  	[sflag:s16] =	ssyncset.done $0x0  }
0x174: {  	[sflag:s16] =	ssyncadd.s32 $0xFFFFE000  }
0x175: {  	[spmem:s2] =	stream.indirect.scatter.add.f32 [tilespmem:s11], [sflag:$0x7], $0x10, s21, s8, $0xb8;
	[tilespmem:$0x11E20] =	vst v63  }
0x176: {  	_ =	swait.ge [sflag:s17], $0x2000  }
0x177: {  	[sflag:s17] =	ssyncset.done $0x0  }
0x178: {  	s22 =	simm.s32 $0x2200;
	[sflag:s17] =	ssyncadd.s32 $0xFFFFE000  }
0x179: {  	[tilespmem:s10], [sflag:$0x2] =	stream.indirect.gather [hbm4b:s7+s8], $0x10, s22, s8, $0xb8;
	[tilespmem:$0x11E20] =	vst v63  }
0x17a: {  	_ =	swait.ge [sflag:s18], $0x2000  }
0x17b: {  	[sflag:s18] =	ssyncset.done $0x0  }
0x17c: {  	s21 =	simm.s32 $0x4510;
	[sflag:s18] =	ssyncadd.s32 $0xFFFFE000  }
0x17d: {  	[spmem:s2] =	stream.indirect.scatter.add.f32 [tilespmem:s13], [sflag:$0x8], $0x10, s21, s8, $0xb8;
	[tilespmem:$0x11E20] =	vst v63  }
0x17e: {  	_ =	swait.ge [sflag:s19], $0x2000  }
0x17f: {  	[sflag:s19] =	ssyncset.done $0x0  }
0x180: {  	[sflag:s19] =	ssyncadd.s32 $0xFFFFE000  }
0x181: {  	[tilespmem:s11], [sflag:$0x3] =	stream.indirect.gather [hbm4b:s7+s8], $0x10, s23, s8, $0xb8;
	[tilespmem:$0x11E20] =	vst v63  }
0x182: {  	_ =	swait.ge [sflag:s12], $0x2000  }
0x183: {  	[sflag:s12] =	ssyncset.done $0x0  }
0x184: {  	[sflag:s12] =	ssyncadd.s32 $0xFFFFE000  }
0x185: {  	[spmem:s2] =	stream.indirect.scatter.add.f32 [tilespmem:s9], [sflag:$0x5], $0x10, s24, s8, $0xb8;
	[tilespmem:$0x11E20] =	vst v63  }
0x186: {  	_ =	swait.ge [sflag:s20], $0x2000  }
0x187: {  	[sflag:s20] =	ssyncset.done $0x0  }
0x188: {  	[sflag:s20] =	ssyncadd.s32 $0xFFFFE000  }
0x189: {  	[tilespmem:s13], [sflag:$0x4] =	stream.indirect.gather [hbm4b:s7+s25], $0x10, s26, s25, $0xb8;
	[tilespmem:$0x11E20] =	vst v63  }
0x18a: {  	_ =	swait.ge [sflag:s14], $0x2000  }
0x18b: {  	[sflag:s14] =	ssyncset.done $0x0  }
0x18c: {  	[sflag:s14] =	ssyncadd.s32 $0xFFFFE000  }
0x18d: {  	[spmem:s2] =	stream.indirect.scatter.add.f32 [tilespmem:s10], [sflag:$0x6], $0x10, s28, s8, $0xb8;
	[tilespmem:$0x11E20] =	vst v63  }
0x18e: {  	_ =	swait.ge [sflag:s16], $0x2000  }
0x18f: {  	[sflag:s16] =	ssyncset.done $0x0  }
0x190: {  	[sflag:s16] =	ssyncadd.s32 $0xFFFFE000  }
0x191: {  	[spmem:s2] =	stream.indirect.scatter.add.f32 [tilespmem:s11], [sflag:$0x7], $0x10, s29, s8, $0xb8;
	[tilespmem:$0x11E20] =	vst v63  }
0x192: {  	_ =	swait.ge [sflag:s18], $0x1100  }
0x193: {  	[sflag:s18] =	ssyncset.done $0x0  }
0x194: {  	[sflag:s18] =	ssyncadd.s32 $0xFFFFEF00  }
0x195: {  	[spmem:s2] =	stream.indirect.scatter.add.f32 [tilespmem:s13], [sflag:$0x8], $0x10, s30, s25, $0xb8;
	[tilespmem:$0x11E20] =	vst v63  }
0x196: {  	_ =	swait.ge [sflag:s15], $0x2000  }
0x197: {  	[sflag:s15] =	ssyncset.done $0x0  }
0x198: {  	[sflag:s15] =	ssyncadd.s32 $0xFFFFE000  }
0x199: {  	_ =	swait.ge [sflag:s17], $0x2000  }
0x19a: {  	[sflag:s17] =	ssyncset.done $0x0  }
0x19b: {  	[sflag:s17] =	ssyncadd.s32 $0xFFFFE000  }
0x19c: {  	_ =	swait.ge [sflag:s19], $0x2000  }
0x19d: {  	[sflag:s19] =	ssyncset.done $0x0  }
0x19e: {  	[sflag:s19] =	ssyncadd.s32 $0xFFFFE000  }
0x19f: {  	_ =	swait.ge [sflag:s20], $0x1100  }
0x1a0: {  	[sflag:s20] =	ssyncset.done $0x0  }
0x1a1: {  	[sflag:s20] =	ssyncadd.s32 $0xFFFFEF00  }
0x1a2: {  	p0 =	sne.s32 s1, $0x1;
	[bflag:$0x0] =	sbarrier.arrive $0xFFFF  }
0x1a3: {  	[tilespmem:s31], [sflag:$0x9] =	stream.linear.gather [spmem:s4], $0x2800, $0x38;
	[tilespmem:$0x11E20] =	vst v63  }
.Ltmp1:
0x1a4: {  	_ = 	snop;
	(pc) =	sbr.rel @p0 .LBB2_1-.Ltmp1, $4  }
0x1a5: {  	_ =	swait.ge [sflag:s5], $0x2800  }
0x1a6: {  	[sflag:s5] =	ssyncset.done $0x0  }
0x1a7: {  	s1 =	sadd.s32 $0xFFFFFFFF, s1;
	s22 =	rddreg [dreg:$0x6];
	[sflag:s5] =	ssyncadd.s32 $0xFFFFD800  }
0x1a8: {  	[hbm4b:s22+s3] =	stream.linear.scatter [tilespmem:s31], [sflag:$0x9], $0x2800, $0x38;
	[tilespmem:$0x11E20] =	vst v63  }
.LBB2_2:
0x1a9: {  	_ =	swait.ge [sflag:s5], $0x2800  }
0x1aa: {  	[sflag:s5] =	ssyncset.done $0x0  }
0x1ab: {  	[sflag:s5] =	ssyncadd.s32 $0xFFFFD800  }
0x1ac: {  	_ =	sfence.sel $0x180000  }
0x1ad: {  	[bflag:$0x0] =	sbarrier.arrive $0xFFFF  }
0x1ae: {  	_ =	strace $0x9000004A  }
0x1af: {  	s0 =	stileid.u32;
	[bflag:$0x2] =	sbarrier.arrive $0xFFFF  }
0x1b0: {  	p0 =	sne.s32 s0, $0x0;
	s0 =	rddreg [dreg:$0x2]  }
0x1b1: {  	s0 =	sadd.s32 @!p0 $0x100000, s0  }
0x1b2: {  	[sflag:s0] =	ssyncadd.tile.s32 @!p0 $0x1;
	_ =	shalt  }
.Lfunc_end2:
_tile_overlayer_lowered:
.L_overlay_start_2:
0x1b3: {  	(tag) =	ssettag $0x2  }
0x1b4: {  	s0 =	rddreg [dreg:$0x0];
	s2 =	stileid.u32  }
0x1b5: {  	s1 =	rddreg [dreg:$0x1];
	p0 =	sne.s32 s2, $0x0  }
0x1b6: {  	s3 =	rddreg [dreg:$0x2];
	[bflag:$0x3] =	sbarrier.arrive $0xFFFF;
	s2 =	simm.s32 @!p0 $0x1C09  }
0x1b7: {  	[timem:s3], [sflag:s2] =	dma.local @!p0 [hbm:s0], s1  }
0x1b8: {  	s0 =	simm.s32 @!p0 $0x9  }
0x1b9: {  	_ =	swait.ge @!p0 [sflag:s0], s1  }
0x1ba: {  	s1 =	ssub.s32 @!p0 $0x0, s1;
	[sflag:s0] =	ssyncset.done @!p0 $0x0  }
0x1bb: {  	[sflag:s0] =	ssyncadd.s32 @!p0 s1  }
0x1bc: {  	[bflag:$0x3] =	sbarrier.arrive $0xFFFF  }
0x1bd: {  	_ =	shalt  }

// kernel: kernel.15.cloned.1.call-start
scs
__scs_entry_jumppad:
0x0: {  	(pc) =	sbr.rel $0x88, $3  }
0x1: {  	(tag) =	ssettag $0x0;
	lr =	simm.s32 $0x1  }
0x2: {  	[smem:$0x3F98] =	sst lr;
	_ =	strace $0xD0000000  }
0x3: {  	_ = 	snop  }
0x4: {  	_ = 	snop  }
0x5: {  	_ = 	snop  }
0x6: {  	_ = 	snop  }
0x7: {  	_ = 	snop  }
__scs_overlays_trampoline_lowered:
0x8: {  	[smem:$0x3FA7] =	sst s0  }
0x9: {  	[smem:$0x3FA8] =	sst s1  }
0xa: {  	[smem:$0x3FA9] =	sst s2  }
0xb: {  	[smem:$0x3FAA] =	sst s3  }
0xc: {  	[smem:$0x3FAB] =	sst s4  }
0xd: {  	[smem:$0x3FAC] =	sst s5  }
0xe: {  	[smem:$0x3FAD] =	sst s6  }
0xf: {  	[smem:$0x3FAE] =	sst s7  }
0x10: {  	[smem:$0x3FAF] =	sst s8  }
0x11: {  	[smem:$0x3FB0] =	sst s9;
	s0 =	simm.s32 @!p0 $0x0  }
0x12: {  	s1 =	sld [smem:$0x3F96];
	s0 =	simm.s32 @p0 $0x1  }
0x13: {  	[smem:$0x3FB1] =	sst s0;
	s0 =	simm.s32 @!p1 $0x0  }
0x14: {  	s2 =	sld [smem:$0x3F95];
	s0 =	simm.s32 @p1 $0x1  }
0x15: {  	[smem:$0x3FB2] =	sst s0;
	s0 =	simm.s32 @!p2 $0x0  }
0x16: {  	s3 =	sld [smem:$0x3FDB];
	s0 =	simm.s32 @p2 $0x1  }
0x17: {  	s4 =	simm.s32 $0x1BF5;
	[smem:$0x3FB4] =	sst s0  }
0x18: {  	s0 =	sld [smem:$0x3F97];
	_ =	swait.ge [sflag:s4], $0x0  }
0x19: {  	s7 =	sld [smem:$0x3F98]  }
0x1a: {  	s8 =	sadd.s32 $0xFFFFE003, lr  }
0x1b: {  	s9 =	sadd.s32 $0xFFFFFEF7, lr;
	s5 =	simm.s32 $0xFFFFFFFF;
	p2 =	slt.u32 s8, $0xFFFFF086  }
0x1c: {  	p1 =	slt.u32 s9, $0xF7A;
	s5 =	simm.s32 @!p2 $0x0  }
0x1d: {  	s5 =	simm.s32 @p1 $0x1;
	p0 =	seq.s32 s7, s2  }
0x1e: {  	s7 =	smul.u32 @!p0 $0xF7A, s2;
	p2 =	seq.s32 @!p0 s5, $0x0  }
0x1f: {  	s9 =	smul.u32 $0xF7A, s1;
	s8 =	simm.s32 @!p0 $0x1BF5;
	p2 =	por !p2, p0  }
0x20: {  	[sflag:s8] =	ssyncset.s32 @!p0 $0xFFFFF086;
	s6 =	sadd.s32 @!p0 s3, s7;
	s7 =	simm.s32 @!p0 $0x108  }
0x21: {  	s3 =	sadd.s32 s3, s9;
	s6 =	sadd.s32 @!p0 $0x88, s6;
	s7 =	simm.s32 @p2 $0x1082  }
0x22: {  	[simem:s7], [sflag:s8] =	dma.local @!p0 [hbm:s6], $0xF7A  }
0x23: {  	s9 =	sor.u32 $0xD0000000, s2;
	s6 =	simm.s32 $0x108;
	_ =	swait.ge @!p0 [sflag:s8], $0x0  }
0x24: {  	s3 =	sadd.s32 $0x88, s3;
	s6 =	simm.s32 @!p1 $0x1082;
	[sflag:s4] =	ssyncset.s32 $0xFFFFF086  }
0x25: {  	[simem:s6], [sflag:s4] =	dma.local [hbm:s3], $0xF7A  }
0x26: {  	[smem:$0x3F98] =	sst s1;
	(tag) =	ssettag s2;
	_ =	strace s9  }
0x27: {  	s1 =	sld [smem:$0x3FA8]  }
0x28: {  	s2 =	sld [smem:$0x3FA9]  }
0x29: {  	s4 =	sld [smem:$0x3FAB]  }
0x2a: {  	p0 =	seq.s32 s5, $0x0;
	s5 =	sld [smem:$0x3FAC]  }
0x2b: {  	s6 =	sld [smem:$0x3FAD]  }
0x2c: {  	s7 =	sld [smem:$0x3FAE]  }
0x2d: {  	s3 =	simm.s32 $0x108;
	s8 =	sld [smem:$0x3FAF]  }
0x2e: {  	s3 =	simm.s32 @!p0 $0x1082;
	s9 =	sld [smem:$0x3FB0]  }
0x2f: {  	lr =	sadd.s32 s0, s3;
	s0 =	sld [smem:$0x3FA7]  }
0x30: {  	s3 =	sld [smem:$0x3FAA]  }
0x31: {  	[smem:$0x3FB3] =	sst s10  }
0x32: {  	s10 =	sld [smem:$0x3FB1];
	_ =	sdelay $0x3  }
0x33: {  	p0 =	seq.s32 s10, $0x1;
	s10 =	sld [smem:$0x3FB3];
	_ =	sdelay $0x3  }
0x34: {  	[smem:$0x3FB3] =	sst s10  }
0x35: {  	s10 =	sld [smem:$0x3FB2];
	_ =	sdelay $0x3  }
0x36: {  	p1 =	seq.s32 s10, $0x1;
	s10 =	sld [smem:$0x3FB3];
	_ =	sdelay $0x3  }
0x37: {  	[smem:$0x3FB3] =	sst s10  }
0x38: {  	s10 =	sld [smem:$0x3FB4]  }
0x39: {  	_ = 	snop;
	(pc) =	sbr.ind lr, $3  }
0x3a: {  	_ = 	snop  }
0x3b: {  	_ = 	snop  }
0x3c: {  	p2 =	seq.s32 s10, $0x1;
	s10 =	sld [smem:$0x3FB3]  }
0x3d: {  	_ =	shalt  }
0x3e: {  	_ =	shalt  }
0x3f: {  	_ =	shalt  }
0x40: {  	_ =	shalt  }
0x41: {  	_ =	shalt  }
0x42: {  	_ =	shalt  }
0x43: {  	_ =	shalt  }
0x44: {  	_ =	shalt  }
0x45: {  	_ =	shalt  }
0x46: {  	_ =	shalt  }
0x47: {  	_ =	shalt  }
0x48: {  	_ =	shalt  }
0x49: {  	_ =	shalt  }
0x4a: {  	_ =	shalt  }
0x4b: {  	_ =	shalt  }
0x4c: {  	_ =	shalt  }
0x4d: {  	_ =	shalt  }
0x4e: {  	_ =	shalt  }
0x4f: {  	_ =	shalt  }
0x50: {  	_ =	shalt  }
0x51: {  	_ =	shalt  }
0x52: {  	_ =	shalt  }
0x53: {  	_ =	shalt  }
0x54: {  	_ =	shalt  }
0x55: {  	_ =	shalt  }
0x56: {  	_ =	shalt  }
0x57: {  	_ =	shalt  }
0x58: {  	_ =	shalt  }
0x59: {  	_ =	shalt  }
0x5a: {  	_ =	shalt  }
0x5b: {  	_ =	shalt  }
0x5c: {  	_ =	shalt  }
0x5d: {  	_ =	shalt  }
0x5e: {  	_ =	shalt  }
0x5f: {  	_ =	shalt  }
0x60: {  	_ =	shalt  }
0x61: {  	_ =	shalt  }
0x62: {  	_ =	shalt  }
0x63: {  	_ =	shalt  }
0x64: {  	_ =	shalt  }
0x65: {  	_ =	shalt  }
0x66: {  	_ =	shalt  }
0x67: {  	_ =	shalt  }
0x68: {  	_ =	shalt  }
0x69: {  	_ =	shalt  }
0x6a: {  	_ =	shalt  }
0x6b: {  	_ =	shalt  }
0x6c: {  	_ =	shalt  }
0x6d: {  	_ =	shalt  }
0x6e: {  	_ =	shalt  }
0x6f: {  	_ =	shalt  }
0x70: {  	_ =	shalt  }
0x71: {  	_ =	shalt  }
0x72: {  	_ =	shalt  }
0x73: {  	_ =	shalt  }
0x74: {  	_ =	shalt  }
0x75: {  	_ =	shalt  }
0x76: {  	_ =	shalt  }
0x77: {  	_ =	shalt  }
0x78: {  	_ =	shalt  }
0x79: {  	_ =	shalt  }
0x7a: {  	_ =	shalt  }
0x7b: {  	_ =	shalt  }
0x7c: {  	_ =	shalt  }
0x7d: {  	_ =	shalt  }
0x7e: {  	_ =	shalt  }
0x7f: {  	_ =	shalt  }
0x80: {  	_ =	shalt  }
0x81: {  	_ =	shalt  }
0x82: {  	_ =	shalt  }
0x83: {  	_ =	shalt  }
0x84: {  	_ =	shalt  }
0x85: {  	_ =	shalt  }
0x86: {  	_ =	shalt  }
0x87: {  	_ =	shalt  }
.Lfunc_end0:
.L_simem_size_0:
called_computation.2_lowered:
.L_overlay_start_0:
0x88: {  	s2 =	sld [smem:$0x3FD9]  }
0x89: {  	s3 =	sld [smem:$0x3FFE];
	_ =	sdelay $0x1  }
0x8a: {  	s1 =	srdreg.scid  }
0x8b: {  	s0 =	sand.u32 $0x1, s1  }
0x8c: {  	s16 =	sshll.u32 s0, $0xA;
	s2 =	sadd.s32 s3, s2  }
0x8d: {  	s2 =	sadd.s32 s2, s16  }
0x8e: {  	[smem:$0x3FBF] =	sst s2  }
0x8f: {  	_ = 	snop  }
0x90: {  	(tm) =	ssettm $0x1  }
0x91: {  	s17 =	sld [smem:$0x3FFB];
	_ =	sdelay $0x3  }
0x92: {  	_ =	strace s17  }
0x93: {  	s2 =	sld [smem:$0x3FFC];
	_ =	sdelay $0x3  }
0x94: {  	_ =	strace s2  }
0x95: {  	s2 =	sld [smem:$0x3FFD];
	_ =	sdelay $0x3  }
0x96: {  	_ =	strace s2  }
0x97: {  	_ =	strace $0x8FFFFFFF  }
0x98: {  	s18 =	sld [smem:$0x3FDB];
	_ =	sdelay $0x1  }
0x99: {  	s19 =	simm.s32 $_scs_section_size  }
0x9a: {  	s4 =	simm.s32 $_size__tile_overlayer_lowered;
	s5 =	simm.s32 $_tile_overlayer_lowered  }
0x9b: {  	s22 =	simm.s32 $0x1BFF;
	s21 =	sshll.u32 s5, $0x1;
	s2 =	sadd.s32 s19, s18  }
0x9c: {  	s6 =	simm.s32 $0x0;
	s20 =	sshll.u32 s4, $0x1;
	s4 =	sadd.s32 s21, s2  }
0x9d: {  	[timem:s6], [sflag:s22] =	dma.local [hbm:s4], s20  }
0x9e: {  	_ =	swait.ge [sflag:s22], s20  }
0x9f: {  	s3 =	ssub.s32 $0x0, s20;
	[sflag:s22] =	ssyncset.done $0x0  }
0xa0: {  	[sflag:s22] =	ssyncadd.s32 s3;
	_ =	sdelay $0x1  }
0xa1: {  	s23 =	simm.s32 $0x1B8B  }
0xa2: {  	_ =	swait.ge [sflag:s23], $0x1  }
0xa3: {  	[sflag:s23] =	ssyncset.done $0x0  }
0xa4: {  	s25 =	simm.s32 $0x1B8E;
	s24 =	sld [smem:$0x3FFE];
	[sflag:s23] =	ssyncadd.s32 $0xFFFFFFFF  }
0xa5: {  	s26 =	simm.s32 $execute0_lowered;
	[smem:$0x3FD2] =	sst s25  }
0xa6: {  	s4 =	sshll.u32 s26, $0x1;
	_ =	strace $0x8000004C;
	[dreg:$0x1] =	wrdreg $0xFFFFFFFF  }
0xa7: {  	s28 =	simm.s32 $_size_execute0_lowered;
	s2 =	sadd.s32 s2, s4;
	[dreg:$0x0] =	wrdreg $0x0  }
0xa8: {  	s4 =	sshll.u32 s28, $0x1;
	[dreg:$0x2] =	wrdreg s2  }
0xa9: {  	[dreg:$0x3] =	wrdreg s4  }
0xaa: {  	[dreg:$0x4] =	wrdreg $0xC0  }
0xab: {  	_ =	task [dreg:s6], $0x5FFFF  }
0xac: {  	[dreg:$0x1] =	wrdreg $0xFFFFFFFF  }
0xad: {  	[dreg:$0x0] =	wrdreg $0x60  }
0xae: {  	[dreg:$0x2] =	wrdreg s24  }
0xaf: {  	[dreg:$0x3] =	wrdreg $0x9E200  }
0xb0: {  	[dreg:$0x4] =	wrdreg $0x9  }
0xb1: {  	_ =	task.clear_ibuf [dreg:s6], $0x5FFFF;
	_ =	strace $0x9000004C  }
0xb2: {  	s29 =	simm.s32 $0x9;
	_ =	strace $0x8000004E  }
0xb3: {  	_ =	swait.ge [sflag:s29], $0x1  }
0xb4: {  	[sflag:s29] =	ssyncadd.s32 $0xFFFFFFFF  }
0xb5: {  	_ =	strace $0x9000004E  }
0xb6: {  	_ =	sfence  }
0xb7: {  	s30 =	sld [smem:$0x0];
	_ =	sdelay $0x2  }
0xb8: {  	s31 =	sshll.u32 s1, $0xD;
	s1 =	sshrl.u32 s1, $0x2  }
0xb9: {  	s3 =	sand.u32 $0x4000, s31;
	s1 =	sadd.s32 s1, s30  }
0xba: {  	s0 =	sor.u32 s3, s0;
	s1 =	sshll.u32 s1, $0x11  }
0xbb: {  	s0 =	sor.u32 s1, s0  }
0xbc: {  	s0 =	sadd.s32 $0x8F2B, s0  }
0xbd: {  	[sflag:s0] =	ssyncadd.remote.s32 $0x1  }
0xbe: {  	_ =	sfence.sel $0xFFFF  }
0xbf: {  	[dreg:$0x0] =	wrdreg $0xFFFFFFFF;
	(pc) =	sbr.abs _section_cstart, $3  }
0xc0: {  	[dreg:$0x1] =	wrdreg $0xFFFFFFFF  }
0xc1: {  	_ =	task.clear_ibuf [dreg:s6], $0x2FFFF;
	_ =	strace $0x9FFFFFFF  }
0xc2: {  	(tm) =	ssettm $0x7FFFFFFF  }
0xc3: {  	_ =	shalt  }
tec
execute0_lowered:
.L_overlay_start_1:
0x0: {  	(tag) =	ssettag $0x1  }
0x1: {  	s1 =	srdreg.scid;
	s0 =	stileid.u32  }
0x2: {  	s1 =	sand.u32 $0x1, s1;
	s2 =	sshll.u32 s0, $0x1  }
0x3: {  	s7 =	rddreg [dreg:$0x0];
	s3 =	sor.u32 s1, s2  }
0x4: {  	s2 =	rddreg [dreg:$0x1];
	s4 =	smul.u32 $0x4E2, s3;
	s3 =	simm.s32 $0x0  }
0x5: {  	s11 =	simm.s32 $0x400;
	[smem:$0x7FF] =	sst s3  }
0x6: {  	s12 =	simm.s32 $0x600;
	_ =	strace $0x8000004D;
	[dreg:$0x9] =	wrdreg s11  }
0x7: {  	s13 =	simm.s32 $0x2910;
	[dreg:$0xa] =	wrdreg s12  }
0x8: {  	s14 =	simm.s32 $0x800;
	[dreg:$0xb] =	wrdreg s13  }
0x9: {  	s15 =	simm.s32 $0x2B10;
	[dreg:$0xc] =	wrdreg s14  }
0xa: {  	s16 =	simm.s32 $0xA00;
	[dreg:$0xd] =	wrdreg s15  }
0xb: {  	s17 =	simm.s32 $0x2D10;
	[dreg:$0xe] =	wrdreg s16  }
0xc: {  	s18 =	simm.s32 $0xC00;
	[dreg:$0xf] =	wrdreg s17  }
0xd: {  	s19 =	simm.s32 $0x2F10;
	[dreg:$0x10] =	wrdreg s18  }
0xe: {  	s20 =	simm.s32 $0xE00;
	[dreg:$0x11] =	wrdreg s19  }
0xf: {  	s21 =	simm.s32 $0x3110;
	[dreg:$0x12] =	wrdreg s20  }
0x10: {  	s22 =	simm.s32 $0x1000;
	s5 =	smul.u32 $0x5000, s0;
	[dreg:$0x13] =	wrdreg s21  }
0x11: {  	s23 =	simm.s32 $0x3310;
	[dreg:$0x14] =	wrdreg s22  }
0x12: {  	s24 =	simm.s32 $0x1200;
	s8 =	sshrl.u32 s5, $0x3;
	[dreg:$0x15] =	wrdreg s23  }
0x13: {  	s25 =	simm.s32 $0x3510;
	s8 =	sadd.s32 s8, s7;
	[dreg:$0x16] =	wrdreg s24  }
0x14: {  	s26 =	sadd.s32 $0x1F600, s8;
	[dreg:$0x17] =	wrdreg s25  }
0x15: {  	s8 =	simm.s32 $0x3910;
	[dreg:$0x5] =	wrdreg s26  }
0x16: {  	s11 =	simm.s32 $0x1A00;
	[dreg:$0x1b] =	wrdreg s8  }
0x17: {  	s12 =	simm.s32 $0x3D10;
	[dreg:$0x1e] =	wrdreg s11  }
0x18: {  	s13 =	simm.s32 $0x1C00;
	[dreg:$0x1f] =	wrdreg s12  }
0x19: {  	s14 =	simm.s32 $0x3F10;
	[smem:$0x7F8] =	sst s13  }
0x1a: {  	s15 =	simm.s32 $0x1E00;
	[smem:$0x7F9] =	sst s14  }
0x1b: {  	s16 =	simm.s32 $0x4110;
	[smem:$0x7FA] =	sst s15  }
0x1c: {  	s6 =	smul.u32 $0x50000, s1;
	s17 =	simm.s32 $0x2000;
	[smem:$0x7FB] =	sst s16  }
0x1d: {  	s4 =	sadd.s32 s4, s7;
	s19 =	simm.s32 $0x4310;
	[smem:$0x7FC] =	sst s17  }
0x1e: {  	s6 =	sadd.s32 s5, s6;
	s9 =	sadd.s32 $0x1C00, s4;
	[smem:$0x7FD] =	sst s19  }
0x1f: {  	s6 =	sshrl.u32 s6, $0x3;
	s4 =	sadd.s32 $0xBA00, s4;
	[dreg:$0x3] =	wrdreg s9  }
0x20: {  	s6 =	sadd.s32 s6, s7;
	s26 =	simm.s32 $0x1400;
	[dreg:$0x4] =	wrdreg s4  }
0x21: {  	s0 =	sshll.u32 s0, $0x6;
	s6 =	sadd.s32 $0x29600, s6;
	[dreg:$0x18] =	wrdreg s26  }
0x22: {  	s9 =	sor.u32 $0x1C09, s0;
	[dreg:$0x6] =	wrdreg s6  }
0x23: {  	s0 =	simm.s32 $0x3710;
	[dreg:$0x7] =	wrdreg s9  }
0x24: {  	s4 =	sadd.s32 s5, s2;
	[dreg:$0x19] =	wrdreg s0  }
0x25: {  	s10 =	sshrl.u32 s4, $0x3;
	s18 =	rddreg [dreg:$0x3]  }
0x26: {  	s6 =	simm.s32 $0x1600;
	[dreg:$0x8] =	wrdreg s10  }
0x27: {  	s9 =	simm.s32 $0x1800;
	[dreg:$0x1a] =	wrdreg s6  }
0x28: {  	[dreg:$0x1c] =	wrdreg s9;
	s10 =	simm.s32 $0x3B10  }
0x29: {  	[tilespmem:s3], [sflag:$0x9] =	stream.linear.gather [hbm4b:s18+s3], $0x2710, $0x38;
	[tilespmem:$0x1EE20] =	vst v63  }
0x2a: {  	s5 =	simm.s32 $0x9;
	[dreg:$0x1d] =	wrdreg s10  }
0x2b: {  	_ =	swait.ge [sflag:s5], $0x2710  }
0x2c: {  	[sflag:s5] =	ssyncset.done $0x0  }
0x2d: {  	s6 =	simm.s32 $0x2710;
	s20 =	rddreg [dreg:$0x4];
	[sflag:s5] =	ssyncadd.s32 $0xFFFFD8F0  }
0x2e: {  	[tilespmem:s6], [sflag:$0x9] =	stream.linear.gather [hbm4b:s20+s3], $0x2710, $0x38;
	[tilespmem:$0x1EE20] =	vst v63  }
0x2f: {  	_ =	swait.ge [sflag:s5], $0x2710  }
0x30: {  	s21 =	rddreg [dreg:$0x8]  }
0x31: {  	s22 =	rddreg [dreg:$0x5];
	[sflag:s5] =	ssyncset.done $0x0  }
0x32: {  	s10 =	rddreg [dreg:$0x7];
	[sflag:s5] =	ssyncadd.s32 $0xFFFFD8F0  }
0x33: {  	[spmem:s21], [sflag:s10] =	dma.local [hbm:s22], $0xA00  }
0x34: {  	_ =	swait.ge [sflag:s5], $0xA00  }
0x35: {  	[sflag:s5] =	ssyncset.done $0x0  }
0x36: {  	s7 =	sadd.s32 $0x15800, s7;
	[sflag:s5] =	ssyncadd.s32 $0xFFFFF600  }
0x37: {  	s8 =	simm.s32 $0x200;
	s9 =	simm.s32 $0xEE20;
	[bflag:$0x0] =	sbarrier.arrive $0xFFFF  }
0x38: {  	[tilespmem:s9], [sflag:$0x1] =	stream.indirect.gather [hbm4b:s7+s8], $0x20, s3, s8, $0xb8;
	[tilespmem:$0x1EE20] =	vst v63  }
0x39: {  	s10 =	simm.s32 $0x12E20  }
0x3a: {  	[tilespmem:s10], [sflag:$0x2] =	stream.indirect.gather [hbm4b:s7+s8], $0x20, s8, s8, $0xb8;
	[tilespmem:$0x1EE20] =	vst v63  }
0x3b: {  	s11 =	simm.s32 $0x16E20;
	s12 =	simm.s32 $0x1;
	s13 =	rddreg [dreg:$0x9]  }
0x3c: {  	[tilespmem:s11], [sflag:$0x3] =	stream.indirect.gather [hbm4b:s7+s8], $0x20, s13, s8, $0xb8;
	[tilespmem:$0x1EE20] =	vst v63  }
0x3d: {  	_ =	swait.ge [sflag:s12], $0x4000  }
0x3e: {  	[sflag:s12] =	ssyncset.done $0x0  }
0x3f: {  	[sflag:s12] =	ssyncadd.s32 $0xFFFFC000  }
0x40: {  	[spmem:s2] =	stream.indirect.scatter.add.f32 [tilespmem:s9], [sflag:$0x5], $0x20, s6, s8, $0xb8;
	[tilespmem:$0x1EE20] =	vst v63  }
0x41: {  	s14 =	simm.s32 $0x2;
	s13 =	simm.s32 $0x1AE20;
	s15 =	rddreg [dreg:$0xa]  }
0x42: {  	[tilespmem:s13], [sflag:$0x4] =	stream.indirect.gather [hbm4b:s7+s8], $0x20, s15, s8, $0xb8;
	[tilespmem:$0x1EE20] =	vst v63  }
0x43: {  	_ =	swait.ge [sflag:s14], $0x4000  }
0x44: {  	[sflag:s14] =	ssyncset.done $0x0  }
0x45: {  	s15 =	simm.s32 $0x5;
	s16 =	rddreg [dreg:$0xb];
	[sflag:s14] =	ssyncadd.s32 $0xFFFFC000  }
0x46: {  	[spmem:s2] =	stream.indirect.scatter.add.f32 [tilespmem:s10], [sflag:$0x6], $0x20, s16, s8, $0xb8;
	[tilespmem:$0x1EE20] =	vst v63  }
0x47: {  	_ =	swait.ge [sflag:s15], $0x4000  }
0x48: {  	[sflag:s15] =	ssyncset.done $0x0  }
0x49: {  	s16 =	simm.s32 $0x3;
	s17 =	rddreg [dreg:$0xc];
	[sflag:s15] =	ssyncadd.s32 $0xFFFFC000  }
0x4a: {  	[tilespmem:s9], [sflag:$0x1] =	stream.indirect.gather [hbm4b:s7+s8], $0x20, s17, s8, $0xb8;
	[tilespmem:$0x1EE20] =	vst v63  }
0x4b: {  	_ =	swait.ge [sflag:s16], $0x4000  }
0x4c: {  	[sflag:s16] =	ssyncset.done $0x0  }
0x4d: {  	s17 =	simm.s32 $0x6;
	s18 =	rddreg [dreg:$0xd];
	[sflag:s16] =	ssyncadd.s32 $0xFFFFC000  }
0x4e: {  	[spmem:s2] =	stream.indirect.scatter.add.f32 [tilespmem:s11], [sflag:$0x7], $0x20, s18, s8, $0xb8;
	[tilespmem:$0x1EE20] =	vst v63  }
0x4f: {  	_ =	swait.ge [sflag:s17], $0x4000  }
0x50: {  	[sflag:s17] =	ssyncset.done $0x0  }
0x51: {  	s18 =	simm.s32 $0x4;
	s19 =	rddreg [dreg:$0xe];
	[sflag:s17] =	ssyncadd.s32 $0xFFFFC000  }
0x52: {  	[tilespmem:s10], [sflag:$0x2] =	stream.indirect.gather [hbm4b:s7+s8], $0x20, s19, s8, $0xb8;
	[tilespmem:$0x1EE20] =	vst v63  }
0x53: {  	_ =	swait.ge [sflag:s18], $0x4000  }
0x54: {  	[sflag:s18] =	ssyncset.done $0x0  }
0x55: {  	s19 =	simm.s32 $0x7;
	s20 =	rddreg [dreg:$0xf];
	[sflag:s18] =	ssyncadd.s32 $0xFFFFC000  }
0x56: {  	[spmem:s2] =	stream.indirect.scatter.add.f32 [tilespmem:s13], [sflag:$0x8], $0x20, s20, s8, $0xb8;
	[tilespmem:$0x1EE20] =	vst v63  }
0x57: {  	_ =	swait.ge [sflag:s19], $0x4000  }
0x58: {  	[sflag:s19] =	ssyncset.done $0x0  }
0x59: {  	s23 =	rddreg [dreg:$0x10];
	[sflag:s19] =	ssyncadd.s32 $0xFFFFC000  }
0x5a: {  	[tilespmem:s11], [sflag:$0x3] =	stream.indirect.gather [hbm4b:s7+s8], $0x20, s23, s8, $0xb8;
	[tilespmem:$0x1EE20] =	vst v63  }
0x5b: {  	_ =	swait.ge [sflag:s12], $0x4000  }
0x5c: {  	[sflag:s12] =	ssyncset.done $0x0  }
0x5d: {  	s20 =	simm.s32 $0x8;
	s21 =	rddreg [dreg:$0x11];
	[sflag:s12] =	ssyncadd.s32 $0xFFFFC000  }
0x5e: {  	[spmem:s2] =	stream.indirect.scatter.add.f32 [tilespmem:s9], [sflag:$0x5], $0x20, s21, s8, $0xb8;
	[tilespmem:$0x1EE20] =	vst v63  }
0x5f: {  	_ =	swait.ge [sflag:s20], $0x4000  }
0x60: {  	[sflag:s20] =	ssyncset.done $0x0  }
0x61: {  	s24 =	rddreg [dreg:$0x12];
	[sflag:s20] =	ssyncadd.s32 $0xFFFFC000  }
0x62: {  	[tilespmem:s13], [sflag:$0x4] =	stream.indirect.gather [hbm4b:s7+s8], $0x20, s24, s8, $0xb8;
	[tilespmem:$0x1EE20] =	vst v63  }
0x63: {  	_ =	swait.ge [sflag:s14], $0x4000  }
0x64: {  	[sflag:s14] =	ssyncset.done $0x0  }
0x65: {  	s25 =	rddreg [dreg:$0x13];
	[sflag:s14] =	ssyncadd.s32 $0xFFFFC000  }
0x66: {  	[spmem:s2] =	stream.indirect.scatter.add.f32 [tilespmem:s10], [sflag:$0x6], $0x20, s25, s8, $0xb8;
	[tilespmem:$0x1EE20] =	vst v63  }
0x67: {  	_ =	swait.ge [sflag:s15], $0x4000  }
0x68: {  	[sflag:s15] =	ssyncset.done $0x0  }
0x69: {  	s26 =	rddreg [dreg:$0x14];
	[sflag:s15] =	ssyncadd.s32 $0xFFFFC000  }
0x6a: {  	[tilespmem:s9], [sflag:$0x1] =	stream.indirect.gather [hbm4b:s7+s8], $0x20, s26, s8, $0xb8;
	[tilespmem:$0x1EE20] =	vst v63  }
0x6b: {  	_ =	swait.ge [sflag:s16], $0x4000  }
0x6c: {  	[sflag:s16] =	ssyncset.done $0x0  }
0x6d: {  	s0 =	rddreg [dreg:$0x15];
	[sflag:s16] =	ssyncadd.s32 $0xFFFFC000  }
0x6e: {  	[spmem:s2] =	stream.indirect.scatter.add.f32 [tilespmem:s11], [sflag:$0x7], $0x20, s0, s8, $0xb8;
	[tilespmem:$0x1EE20] =	vst v63  }
0x6f: {  	_ =	swait.ge [sflag:s17], $0x4000  }
0x70: {  	[sflag:s17] =	ssyncset.done $0x0  }
0x71: {  	s22 =	rddreg [dreg:$0x16];
	[sflag:s17] =	ssyncadd.s32 $0xFFFFC000  }
0x72: {  	[tilespmem:s10], [sflag:$0x2] =	stream.indirect.gather [hbm4b:s7+s8], $0x20, s22, s8, $0xb8;
	[tilespmem:$0x1EE20] =	vst v63  }
0x73: {  	_ =	swait.ge [sflag:s18], $0x4000  }
0x74: {  	[sflag:s18] =	ssyncset.done $0x0  }
0x75: {  	s23 =	rddreg [dreg:$0x17];
	[sflag:s18] =	ssyncadd.s32 $0xFFFFC000  }
0x76: {  	[spmem:s2] =	stream.indirect.scatter.add.f32 [tilespmem:s13], [sflag:$0x8], $0x20, s23, s8, $0xb8;
	[tilespmem:$0x1EE20] =	vst v63  }
0x77: {  	_ =	swait.ge [sflag:s19], $0x4000  }
0x78: {  	[sflag:s19] =	ssyncset.done $0x0  }
0x79: {  	s24 =	rddreg [dreg:$0x18];
	[sflag:s19] =	ssyncadd.s32 $0xFFFFC000  }
0x7a: {  	[tilespmem:s11], [sflag:$0x3] =	stream.indirect.gather [hbm4b:s7+s8], $0x20, s24, s8, $0xb8;
	[tilespmem:$0x1EE20] =	vst v63  }
0x7b: {  	_ =	swait.ge [sflag:s12], $0x4000  }
0x7c: {  	[sflag:s12] =	ssyncset.done $0x0  }
0x7d: {  	s25 =	rddreg [dreg:$0x19];
	[sflag:s12] =	ssyncadd.s32 $0xFFFFC000  }
0x7e: {  	[spmem:s2] =	stream.indirect.scatter.add.f32 [tilespmem:s9], [sflag:$0x5], $0x20, s25, s8, $0xb8;
	[tilespmem:$0x1EE20] =	vst v63  }
0x7f: {  	_ =	swait.ge [sflag:s20], $0x4000  }
0x80: {  	[sflag:s20] =	ssyncset.done $0x0  }
0x81: {  	s26 =	rddreg [dreg:$0x1a];
	[sflag:s20] =	ssyncadd.s32 $0xFFFFC000  }
0x82: {  	[tilespmem:s13], [sflag:$0x4] =	stream.indirect.gather [hbm4b:s7+s8], $0x20, s26, s8, $0xb8;
	[tilespmem:$0x1EE20] =	vst v63  }
0x83: {  	_ =	swait.ge [sflag:s14], $0x4000  }
0x84: {  	[sflag:s14] =	ssyncset.done $0x0  }
0x85: {  	s0 =	rddreg [dreg:$0x1b];
	[sflag:s14] =	ssyncadd.s32 $0xFFFFC000  }
0x86: {  	[spmem:s2] =	stream.indirect.scatter.add.f32 [tilespmem:s10], [sflag:$0x6], $0x20, s0, s8, $0xb8;
	[tilespmem:$0x1EE20] =	vst v63  }
0x87: {  	_ =	swait.ge [sflag:s15], $0x4000  }
0x88: {  	[sflag:s15] =	ssyncset.done $0x0  }
0x89: {  	s22 =	rddreg [dreg:$0x1c];
	[sflag:s15] =	ssyncadd.s32 $0xFFFFC000  }
0x8a: {  	[tilespmem:s9], [sflag:$0x1] =	stream.indirect.gather [hbm4b:s7+s8], $0x20, s22, s8, $0xb8;
	[tilespmem:$0x1EE20] =	vst v63  }
0x8b: {  	_ =	swait.ge [sflag:s16], $0x4000  }
0x8c: {  	[sflag:s16] =	ssyncset.done $0x0  }
0x8d: {  	s23 =	rddreg [dreg:$0x1d];
	[sflag:s16] =	ssyncadd.s32 $0xFFFFC000  }
0x8e: {  	[spmem:s2] =	stream.indirect.scatter.add.f32 [tilespmem:s11], [sflag:$0x7], $0x20, s23, s8, $0xb8;
	[tilespmem:$0x1EE20] =	vst v63  }
0x8f: {  	_ =	swait.ge [sflag:s17], $0x4000  }
0x90: {  	[sflag:s17] =	ssyncset.done $0x0  }
0x91: {  	s24 =	rddreg [dreg:$0x1e];
	[sflag:s17] =	ssyncadd.s32 $0xFFFFC000  }
0x92: {  	[tilespmem:s10], [sflag:$0x2] =	stream.indirect.gather [hbm4b:s7+s8], $0x20, s24, s8, $0xb8;
	[tilespmem:$0x1EE20] =	vst v63  }
0x93: {  	_ =	swait.ge [sflag:s18], $0x4000  }
0x94: {  	[sflag:s18] =	ssyncset.done $0x0  }
0x95: {  	s25 =	rddreg [dreg:$0x1f];
	[sflag:s18] =	ssyncadd.s32 $0xFFFFC000  }
0x96: {  	[spmem:s2] =	stream.indirect.scatter.add.f32 [tilespmem:s13], [sflag:$0x8], $0x20, s25, s8, $0xb8;
	[tilespmem:$0x1EE20] =	vst v63  }
0x97: {  	_ =	swait.ge [sflag:s19], $0x4000  }
0x98: {  	s26 =	sld [smem:$0x7F8]  }
0x99: {  	[sflag:s19] =	ssyncset.done $0x0  }
0x9a: {  	[sflag:s19] =	ssyncadd.s32 $0xFFFFC000  }
0x9b: {  	[tilespmem:s11], [sflag:$0x3] =	stream.indirect.gather [hbm4b:s7+s8], $0x20, s26, s8, $0xb8;
	[tilespmem:$0x1EE20] =	vst v63  }
0x9c: {  	_ =	swait.ge [sflag:s12], $0x4000  }
0x9d: {  	s0 =	sld [smem:$0x7F9]  }
0x9e: {  	[sflag:s12] =	ssyncset.done $0x0  }
0x9f: {  	[sflag:s12] =	ssyncadd.s32 $0xFFFFC000  }
0xa0: {  	[spmem:s2] =	stream.indirect.scatter.add.f32 [tilespmem:s9], [sflag:$0x5], $0x20, s0, s8, $0xb8;
	[tilespmem:$0x1EE20] =	vst v63  }
0xa1: {  	_ =	swait.ge [sflag:s20], $0x4000  }
0xa2: {  	s22 =	sld [smem:$0x7FA]  }
0xa3: {  	[sflag:s20] =	ssyncset.done $0x0  }
0xa4: {  	[sflag:s20] =	ssyncadd.s32 $0xFFFFC000  }
0xa5: {  	[tilespmem:s13], [sflag:$0x4] =	stream.indirect.gather [hbm4b:s7+s8], $0x20, s22, s8, $0xb8;
	[tilespmem:$0x1EE20] =	vst v63  }
0xa6: {  	_ =	swait.ge [sflag:s14], $0x4000  }
0xa7: {  	s23 =	sld [smem:$0x7FB]  }
0xa8: {  	[sflag:s14] =	ssyncset.done $0x0  }
0xa9: {  	[sflag:s14] =	ssyncadd.s32 $0xFFFFC000  }
0xaa: {  	[spmem:s2] =	stream.indirect.scatter.add.f32 [tilespmem:s10], [sflag:$0x6], $0x20, s23, s8, $0xb8;
	[tilespmem:$0x1EE20] =	vst v63  }
0xab: {  	_ =	swait.ge [sflag:s15], $0x4000  }
0xac: {  	s24 =	sld [smem:$0x7FC]  }
0xad: {  	[sflag:s15] =	ssyncset.done $0x0  }
0xae: {  	[sflag:s15] =	ssyncadd.s32 $0xFFFFC000  }
0xaf: {  	[tilespmem:s9], [sflag:$0x1] =	stream.indirect.gather [hbm4b:s7+s8], $0x20, s24, s8, $0xb8;
	[tilespmem:$0x1EE20] =	vst v63  }
0xb0: {  	_ =	swait.ge [sflag:s16], $0x4000  }
0xb1: {  	s25 =	sld [smem:$0x7FD]  }
0xb2: {  	[sflag:s16] =	ssyncset.done $0x0  }
0xb3: {  	[sflag:s16] =	ssyncadd.s32 $0xFFFFC000  }
0xb4: {  	[spmem:s2] =	stream.indirect.scatter.add.f32 [tilespmem:s11], [sflag:$0x7], $0x20, s25, s8, $0xb8;
	[tilespmem:$0x1EE20] =	vst v63  }
0xb5: {  	_ =	swait.ge [sflag:s17], $0x4000  }
0xb6: {  	[sflag:s17] =	ssyncset.done $0x0  }
0xb7: {  	s26 =	simm.s32 $0x2200;
	[sflag:s17] =	ssyncadd.s32 $0xFFFFC000  }
0xb8: {  	[tilespmem:s10], [sflag:$0x2] =	stream.indirect.gather [hbm4b:s7+s8], $0x20, s26, s8, $0xb8;
	[tilespmem:$0x1EE20] =	vst v63  }
0xb9: {  	_ =	swait.ge [sflag:s18], $0x4000  }
0xba: {  	[sflag:s18] =	ssyncset.done $0x0  }
0xbb: {  	s21 =	simm.s32 $0x4510;
	[sflag:s18] =	ssyncadd.s32 $0xFFFFC000  }
0xbc: {  	[spmem:s2] =	stream.indirect.scatter.add.f32 [tilespmem:s13], [sflag:$0x8], $0x20, s21, s8, $0xb8;
	[tilespmem:$0x1EE20] =	vst v63  }
0xbd: {  	_ =	swait.ge [sflag:s19], $0x4000  }
0xbe: {  	[sflag:s19] =	ssyncset.done $0x0  }
0xbf: {  	s23 =	simm.s32 $0x2400;
	[sflag:s19] =	ssyncadd.s32 $0xFFFFC000  }
0xc0: {  	[tilespmem:s11], [sflag:$0x3] =	stream.indirect.gather [hbm4b:s7+s8], $0x20, s23, s8, $0xb8;
	[tilespmem:$0x1EE20] =	vst v63  }
0xc1: {  	_ =	swait.ge [sflag:s12], $0x4000  }
0xc2: {  	[sflag:s12] =	ssyncset.done $0x0  }
0xc3: {  	s24 =	simm.s32 $0x4710;
	[sflag:s12] =	ssyncadd.s32 $0xFFFFC000  }
0xc4: {  	[spmem:s2] =	stream.indirect.scatter.add.f32 [tilespmem:s9], [sflag:$0x5], $0x20, s24, s8, $0xb8;
	[tilespmem:$0x1EE20] =	vst v63  }
0xc5: {  	_ =	swait.ge [sflag:s20], $0x4000  }
0xc6: {  	[sflag:s20] =	ssyncset.done $0x0  }
0xc7: {  	s25 =	simm.s32 $0x110;
	s26 =	simm.s32 $0x2600;
	[sflag:s20] =	ssyncadd.s32 $0xFFFFC000  }
0xc8: {  	[tilespmem:s13], [sflag:$0x4] =	stream.indirect.gather [hbm4b:s7+s25], $0x20, s26, s25, $0xb8;
	[tilespmem:$0x1EE20] =	vst v63  }
0xc9: {  	_ =	swait.ge [sflag:s14], $0x4000  }
0xca: {  	[sflag:s14] =	ssyncset.done $0x0  }
0xcb: {  	s28 =	simm.s32 $0x4910;
	[sflag:s14] =	ssyncadd.s32 $0xFFFFC000  }
0xcc: {  	[spmem:s2] =	stream.indirect.scatter.add.f32 [tilespmem:s10], [sflag:$0x6], $0x20, s28, s8, $0xb8;
	[tilespmem:$0x1EE20] =	vst v63  }
0xcd: {  	_ =	swait.ge [sflag:s16], $0x4000  }
0xce: {  	[sflag:s16] =	ssyncset.done $0x0  }
0xcf: {  	s29 =	simm.s32 $0x4B10;
	[sflag:s16] =	ssyncadd.s32 $0xFFFFC000  }
0xd0: {  	[spmem:s2] =	stream.indirect.scatter.add.f32 [tilespmem:s11], [sflag:$0x7], $0x20, s29, s8, $0xb8;
	[tilespmem:$0x1EE20] =	vst v63  }
0xd1: {  	_ =	swait.ge [sflag:s18], $0x2200  }
0xd2: {  	[sflag:s18] =	ssyncset.done $0x0  }
0xd3: {  	s30 =	simm.s32 $0x4D10;
	[sflag:s18] =	ssyncadd.s32 $0xFFFFDE00  }
0xd4: {  	[spmem:s2] =	stream.indirect.scatter.add.f32 [tilespmem:s13], [sflag:$0x8], $0x20, s30, s25, $0xb8;
	[tilespmem:$0x1EE20] =	vst v63  }
0xd5: {  	_ =	swait.ge [sflag:s15], $0x4000  }
0xd6: {  	[sflag:s15] =	ssyncset.done $0x0  }
0xd7: {  	[sflag:s15] =	ssyncadd.s32 $0xFFFFC000  }
0xd8: {  	_ =	swait.ge [sflag:s17], $0x4000  }
0xd9: {  	[sflag:s17] =	ssyncset.done $0x0  }
0xda: {  	[sflag:s17] =	ssyncadd.s32 $0xFFFFC000  }
0xdb: {  	_ =	swait.ge [sflag:s19], $0x4000  }
0xdc: {  	[sflag:s19] =	ssyncset.done $0x0  }
0xdd: {  	s1 =	ssub.s32 $0x2, s1;
	[sflag:s19] =	ssyncadd.s32 $0xFFFFC000  }
0xde: {  	s22 =	sshrl.u32 s1, $0x1;
	_ =	swait.ge [sflag:s20], $0x2200  }
0xdf: {  	s0 =	ssub.s32 s1, s22;
	[sflag:s20] =	ssyncset.done $0x0  }
0xe0: {  	s0 =	smax.u32 s0, $0x1;
	[sflag:s20] =	ssyncadd.s32 $0xFFFFDE00  }
0xe1: {  	s31 =	simm.s32 $0x4E20;
	p0 =	sne.s32 s0, $0x1;
	[bflag:$0x0] =	sbarrier.arrive $0xFFFF  }
0xe2: {  	[tilespmem:s31], [sflag:$0x9] =	stream.linear.gather [spmem:s4], $0x5000, $0x38;
	[tilespmem:$0x1EE20] =	vst v63  }
.Ltmp0:
0xe3: {  	_ = 	snop;
	(pc) =	sbr.rel @!p0 .LBB2_2-.Ltmp0, $4  }
0xe4: {  	_ =	swait.ge [sflag:s5], $0x5000  }
0xe5: {  	[sflag:s5] =	ssyncset.done $0x0  }
0xe6: {  	s1 =	sadd.s32 $0xFFFFFFFF, s0;
	s21 =	rddreg [dreg:$0x6];
	[sflag:s5] =	ssyncadd.s32 $0xFFFFB000  }
0xe7: {  	[hbm4b:s21+s3] =	stream.linear.scatter [tilespmem:s31], [sflag:$0x9], $0x5000, $0x38;
	[tilespmem:$0x1EE20] =	vst v63  }
.LBB2_1:
0xe8: {  	_ =	swait.ge [sflag:s5], $0x5000  }
0xe9: {  	[sflag:s5] =	ssyncset.done $0x0  }
0xea: {  	s0 =	rddreg [dreg:$0x3];
	[sflag:s5] =	ssyncadd.s32 $0xFFFFB000  }
0xeb: {  	[tilespmem:s3], [sflag:$0x9] =	stream.linear.gather [hbm4b:s0+s3], $0x2710, $0x38;
	[tilespmem:$0x1EE20] =	vst v63  }
0xec: {  	_ =	swait.ge [sflag:s5], $0x2710  }
0xed: {  	[sflag:s5] =	ssyncset.done $0x0  }
0xee: {  	s22 =	rddreg [dreg:$0x4];
	[sflag:s5] =	ssyncadd.s32 $0xFFFFD8F0  }
0xef: {  	[tilespmem:s6], [sflag:$0x9] =	stream.linear.gather [hbm4b:s22+s3], $0x2710, $0x38;
	[tilespmem:$0x1EE20] =	vst v63  }
0xf0: {  	_ =	swait.ge [sflag:s5], $0x2710  }
0xf1: {  	s0 =	rddreg [dreg:$0x8]  }
0xf2: {  	[sflag:s5] =	ssyncset.done $0x0;
	s21 =	rddreg [dreg:$0x5]  }
0xf3: {  	s22 =	rddreg [dreg:$0x7];
	[sflag:s5] =	ssyncadd.s32 $0xFFFFD8F0  }
0xf4: {  	[spmem:s0], [sflag:s22] =	dma.local [hbm:s21], $0xA00  }
0xf5: {  	_ =	swait.ge [sflag:s5], $0xA00  }
0xf6: {  	[sflag:s5] =	ssyncset.done $0x0  }
0xf7: {  	[sflag:s5] =	ssyncadd.s32 $0xFFFFF600  }
0xf8: {  	[bflag:$0x0] =	sbarrier.arrive $0xFFFF  }
0xf9: {  	[tilespmem:s9], [sflag:$0x1] =	stream.indirect.gather [hbm4b:s7+s8], $0x20, s3, s8, $0xb8;
	[tilespmem:$0x1EE20] =	vst v63  }
0xfa: {  	_ = 	snop  }
0xfb: {  	[tilespmem:s10], [sflag:$0x2] =	stream.indirect.gather [hbm4b:s7+s8], $0x20, s8, s8, $0xb8;
	[tilespmem:$0x1EE20] =	vst v63  }
0xfc: {  	s21 =	rddreg [dreg:$0x9]  }
0xfd: {  	[tilespmem:s11], [sflag:$0x3] =	stream.indirect.gather [hbm4b:s7+s8], $0x20, s21, s8, $0xb8;
	[tilespmem:$0x1EE20] =	vst v63  }
0xfe: {  	_ =	swait.ge [sflag:s12], $0x4000  }
0xff: {  	[sflag:s12] =	ssyncset.done $0x0  }
0x100: {  	[sflag:s12] =	ssyncadd.s32 $0xFFFFC000  }
0x101: {  	[spmem:s2] =	stream.indirect.scatter.add.f32 [tilespmem:s9], [sflag:$0x5], $0x20, s6, s8, $0xb8;
	[tilespmem:$0x1EE20] =	vst v63  }
0x102: {  	s22 =	rddreg [dreg:$0xa]  }
0x103: {  	[tilespmem:s13], [sflag:$0x4] =	stream.indirect.gather [hbm4b:s7+s8], $0x20, s22, s8, $0xb8;
	[tilespmem:$0x1EE20] =	vst v63  }
0x104: {  	_ =	swait.ge [sflag:s14], $0x4000  }
0x105: {  	[sflag:s14] =	ssyncset.done $0x0  }
0x106: {  	s21 =	rddreg [dreg:$0xb];
	[sflag:s14] =	ssyncadd.s32 $0xFFFFC000  }
0x107: {  	[spmem:s2] =	stream.indirect.scatter.add.f32 [tilespmem:s10], [sflag:$0x6], $0x20, s21, s8, $0xb8;
	[tilespmem:$0x1EE20] =	vst v63  }
0x108: {  	_ =	swait.ge [sflag:s15], $0x4000  }
0x109: {  	[sflag:s15] =	ssyncset.done $0x0  }
0x10a: {  	s22 =	rddreg [dreg:$0xc];
	[sflag:s15] =	ssyncadd.s32 $0xFFFFC000  }
0x10b: {  	[tilespmem:s9], [sflag:$0x1] =	stream.indirect.gather [hbm4b:s7+s8], $0x20, s22, s8, $0xb8;
	[tilespmem:$0x1EE20] =	vst v63  }
0x10c: {  	_ =	swait.ge [sflag:s16], $0x4000  }
0x10d: {  	[sflag:s16] =	ssyncset.done $0x0  }
0x10e: {  	s21 =	rddreg [dreg:$0xd];
	[sflag:s16] =	ssyncadd.s32 $0xFFFFC000  }
0x10f: {  	[spmem:s2] =	stream.indirect.scatter.add.f32 [tilespmem:s11], [sflag:$0x7], $0x20, s21, s8, $0xb8;
	[tilespmem:$0x1EE20] =	vst v63  }
0x110: {  	_ =	swait.ge [sflag:s17], $0x4000  }
0x111: {  	[sflag:s17] =	ssyncset.done $0x0  }
0x112: {  	s22 =	rddreg [dreg:$0xe];
	[sflag:s17] =	ssyncadd.s32 $0xFFFFC000  }
0x113: {  	[tilespmem:s10], [sflag:$0x2] =	stream.indirect.gather [hbm4b:s7+s8], $0x20, s22, s8, $0xb8;
	[tilespmem:$0x1EE20] =	vst v63  }
0x114: {  	_ =	swait.ge [sflag:s18], $0x4000  }
0x115: {  	[sflag:s18] =	ssyncset.done $0x0  }
0x116: {  	s21 =	rddreg [dreg:$0xf];
	[sflag:s18] =	ssyncadd.s32 $0xFFFFC000  }
0x117: {  	[spmem:s2] =	stream.indirect.scatter.add.f32 [tilespmem:s13], [sflag:$0x8], $0x20, s21, s8, $0xb8;
	[tilespmem:$0x1EE20] =	vst v63  }
0x118: {  	_ =	swait.ge [sflag:s19], $0x4000  }
0x119: {  	[sflag:s19] =	ssyncset.done $0x0  }
0x11a: {  	s22 =	rddreg [dreg:$0x10];
	[sflag:s19] =	ssyncadd.s32 $0xFFFFC000  }
0x11b: {  	[tilespmem:s11], [sflag:$0x3] =	stream.indirect.gather [hbm4b:s7+s8], $0x20, s22, s8, $0xb8;
	[tilespmem:$0x1EE20] =	vst v63  }
0x11c: {  	_ =	swait.ge [sflag:s12], $0x4000  }
0x11d: {  	[sflag:s12] =	ssyncset.done $0x0  }
0x11e: {  	s21 =	rddreg [dreg:$0x11];
	[sflag:s12] =	ssyncadd.s32 $0xFFFFC000  }
0x11f: {  	[spmem:s2] =	stream.indirect.scatter.add.f32 [tilespmem:s9], [sflag:$0x5], $0x20, s21, s8, $0xb8;
	[tilespmem:$0x1EE20] =	vst v63  }
0x120: {  	_ =	swait.ge [sflag:s20], $0x4000  }
0x121: {  	[sflag:s20] =	ssyncset.done $0x0  }
0x122: {  	s22 =	rddreg [dreg:$0x12];
	[sflag:s20] =	ssyncadd.s32 $0xFFFFC000  }
0x123: {  	[tilespmem:s13], [sflag:$0x4] =	stream.indirect.gather [hbm4b:s7+s8], $0x20, s22, s8, $0xb8;
	[tilespmem:$0x1EE20] =	vst v63  }
0x124: {  	_ =	swait.ge [sflag:s14], $0x4000  }
0x125: {  	[sflag:s14] =	ssyncset.done $0x0  }
0x126: {  	s21 =	rddreg [dreg:$0x13];
	[sflag:s14] =	ssyncadd.s32 $0xFFFFC000  }
0x127: {  	[spmem:s2] =	stream.indirect.scatter.add.f32 [tilespmem:s10], [sflag:$0x6], $0x20, s21, s8, $0xb8;
	[tilespmem:$0x1EE20] =	vst v63  }
0x128: {  	_ =	swait.ge [sflag:s15], $0x4000  }
0x129: {  	[sflag:s15] =	ssyncset.done $0x0  }
0x12a: {  	s22 =	rddreg [dreg:$0x14];
	[sflag:s15] =	ssyncadd.s32 $0xFFFFC000  }
0x12b: {  	[tilespmem:s9], [sflag:$0x1] =	stream.indirect.gather [hbm4b:s7+s8], $0x20, s22, s8, $0xb8;
	[tilespmem:$0x1EE20] =	vst v63  }
0x12c: {  	_ =	swait.ge [sflag:s16], $0x4000  }
0x12d: {  	[sflag:s16] =	ssyncset.done $0x0  }
0x12e: {  	s21 =	rddreg [dreg:$0x15];
	[sflag:s16] =	ssyncadd.s32 $0xFFFFC000  }
0x12f: {  	[spmem:s2] =	stream.indirect.scatter.add.f32 [tilespmem:s11], [sflag:$0x7], $0x20, s21, s8, $0xb8;
	[tilespmem:$0x1EE20] =	vst v63  }
0x130: {  	_ =	swait.ge [sflag:s17], $0x4000  }
0x131: {  	[sflag:s17] =	ssyncset.done $0x0  }
0x132: {  	s22 =	rddreg [dreg:$0x16];
	[sflag:s17] =	ssyncadd.s32 $0xFFFFC000  }
0x133: {  	[tilespmem:s10], [sflag:$0x2] =	stream.indirect.gather [hbm4b:s7+s8], $0x20, s22, s8, $0xb8;
	[tilespmem:$0x1EE20] =	vst v63  }
0x134: {  	_ =	swait.ge [sflag:s18], $0x4000  }
0x135: {  	[sflag:s18] =	ssyncset.done $0x0  }
0x136: {  	s21 =	rddreg [dreg:$0x17];
	[sflag:s18] =	ssyncadd.s32 $0xFFFFC000  }
0x137: {  	[spmem:s2] =	stream.indirect.scatter.add.f32 [tilespmem:s13], [sflag:$0x8], $0x20, s21, s8, $0xb8;
	[tilespmem:$0x1EE20] =	vst v63  }
0x138: {  	_ =	swait.ge [sflag:s19], $0x4000  }
0x139: {  	[sflag:s19] =	ssyncset.done $0x0  }
0x13a: {  	s22 =	rddreg [dreg:$0x18];
	[sflag:s19] =	ssyncadd.s32 $0xFFFFC000  }
0x13b: {  	[tilespmem:s11], [sflag:$0x3] =	stream.indirect.gather [hbm4b:s7+s8], $0x20, s22, s8, $0xb8;
	[tilespmem:$0x1EE20] =	vst v63  }
0x13c: {  	_ =	swait.ge [sflag:s12], $0x4000  }
0x13d: {  	[sflag:s12] =	ssyncset.done $0x0  }
0x13e: {  	s21 =	rddreg [dreg:$0x19];
	[sflag:s12] =	ssyncadd.s32 $0xFFFFC000  }
0x13f: {  	[spmem:s2] =	stream.indirect.scatter.add.f32 [tilespmem:s9], [sflag:$0x5], $0x20, s21, s8, $0xb8;
	[tilespmem:$0x1EE20] =	vst v63  }
0x140: {  	_ =	swait.ge [sflag:s20], $0x4000  }
0x141: {  	[sflag:s20] =	ssyncset.done $0x0  }
0x142: {  	s22 =	rddreg [dreg:$0x1a];
	[sflag:s20] =	ssyncadd.s32 $0xFFFFC000  }
0x143: {  	[tilespmem:s13], [sflag:$0x4] =	stream.indirect.gather [hbm4b:s7+s8], $0x20, s22, s8, $0xb8;
	[tilespmem:$0x1EE20] =	vst v63  }
0x144: {  	_ =	swait.ge [sflag:s14], $0x4000  }
0x145: {  	[sflag:s14] =	ssyncset.done $0x0  }
0x146: {  	s21 =	rddreg [dreg:$0x1b];
	[sflag:s14] =	ssyncadd.s32 $0xFFFFC000  }
0x147: {  	[spmem:s2] =	stream.indirect.scatter.add.f32 [tilespmem:s10], [sflag:$0x6], $0x20, s21, s8, $0xb8;
	[tilespmem:$0x1EE20] =	vst v63  }
0x148: {  	_ =	swait.ge [sflag:s15], $0x4000  }
0x149: {  	[sflag:s15] =	ssyncset.done $0x0  }
0x14a: {  	s22 =	rddreg [dreg:$0x1c];
	[sflag:s15] =	ssyncadd.s32 $0xFFFFC000  }
0x14b: {  	[tilespmem:s9], [sflag:$0x1] =	stream.indirect.gather [hbm4b:s7+s8], $0x20, s22, s8, $0xb8;
	[tilespmem:$0x1EE20] =	vst v63  }
0x14c: {  	_ =	swait.ge [sflag:s16], $0x4000  }
0x14d: {  	[sflag:s16] =	ssyncset.done $0x0  }
0x14e: {  	s21 =	rddreg [dreg:$0x1d];
	[sflag:s16] =	ssyncadd.s32 $0xFFFFC000  }
0x14f: {  	[spmem:s2] =	stream.indirect.scatter.add.f32 [tilespmem:s11], [sflag:$0x7], $0x20, s21, s8, $0xb8;
	[tilespmem:$0x1EE20] =	vst v63  }
0x150: {  	_ =	swait.ge [sflag:s17], $0x4000  }
0x151: {  	[sflag:s17] =	ssyncset.done $0x0  }
0x152: {  	s22 =	rddreg [dreg:$0x1e];
	[sflag:s17] =	ssyncadd.s32 $0xFFFFC000  }
0x153: {  	[tilespmem:s10], [sflag:$0x2] =	stream.indirect.gather [hbm4b:s7+s8], $0x20, s22, s8, $0xb8;
	[tilespmem:$0x1EE20] =	vst v63  }
0x154: {  	_ =	swait.ge [sflag:s18], $0x4000  }
0x155: {  	[sflag:s18] =	ssyncset.done $0x0  }
0x156: {  	s21 =	rddreg [dreg:$0x1f];
	[sflag:s18] =	ssyncadd.s32 $0xFFFFC000  }
0x157: {  	[spmem:s2] =	stream.indirect.scatter.add.f32 [tilespmem:s13], [sflag:$0x8], $0x20, s21, s8, $0xb8;
	[tilespmem:$0x1EE20] =	vst v63  }
0x158: {  	_ =	swait.ge [sflag:s19], $0x4000  }
0x159: {  	s22 =	sld [smem:$0x7F8]  }
0x15a: {  	[sflag:s19] =	ssyncset.done $0x0  }
0x15b: {  	[sflag:s19] =	ssyncadd.s32 $0xFFFFC000  }
0x15c: {  	[tilespmem:s11], [sflag:$0x3] =	stream.indirect.gather [hbm4b:s7+s8], $0x20, s22, s8, $0xb8;
	[tilespmem:$0x1EE20] =	vst v63  }
0x15d: {  	_ =	swait.ge [sflag:s12], $0x4000  }
0x15e: {  	s21 =	sld [smem:$0x7F9]  }
0x15f: {  	[sflag:s12] =	ssyncset.done $0x0  }
0x160: {  	[sflag:s12] =	ssyncadd.s32 $0xFFFFC000  }
0x161: {  	[spmem:s2] =	stream.indirect.scatter.add.f32 [tilespmem:s9], [sflag:$0x5], $0x20, s21, s8, $0xb8;
	[tilespmem:$0x1EE20] =	vst v63  }
0x162: {  	_ =	swait.ge [sflag:s20], $0x4000  }
0x163: {  	s22 =	sld [smem:$0x7FA]  }
0x164: {  	[sflag:s20] =	ssyncset.done $0x0  }
0x165: {  	[sflag:s20] =	ssyncadd.s32 $0xFFFFC000  }
0x166: {  	[tilespmem:s13], [sflag:$0x4] =	stream.indirect.gather [hbm4b:s7+s8], $0x20, s22, s8, $0xb8;
	[tilespmem:$0x1EE20] =	vst v63  }
0x167: {  	_ =	swait.ge [sflag:s14], $0x4000  }
0x168: {  	s21 =	sld [smem:$0x7FB]  }
0x169: {  	[sflag:s14] =	ssyncset.done $0x0  }
0x16a: {  	[sflag:s14] =	ssyncadd.s32 $0xFFFFC000  }
0x16b: {  	[spmem:s2] =	stream.indirect.scatter.add.f32 [tilespmem:s10], [sflag:$0x6], $0x20, s21, s8, $0xb8;
	[tilespmem:$0x1EE20] =	vst v63  }
0x16c: {  	_ =	swait.ge [sflag:s15], $0x4000  }
0x16d: {  	s22 =	sld [smem:$0x7FC]  }
0x16e: {  	[sflag:s15] =	ssyncset.done $0x0  }
0x16f: {  	[sflag:s15] =	ssyncadd.s32 $0xFFFFC000  }
0x170: {  	[tilespmem:s9], [sflag:$0x1] =	stream.indirect.gather [hbm4b:s7+s8], $0x20, s22, s8, $0xb8;
	[tilespmem:$0x1EE20] =	vst v63  }
0x171: {  	_ =	swait.ge [sflag:s16], $0x4000  }
0x172: {  	s21 =	sld [smem:$0x7FD]  }
0x173: {  	[sflag:s16] =	ssyncset.done $0x0  }
0x174: {  	[sflag:s16] =	ssyncadd.s32 $0xFFFFC000  }
0x175: {  	[spmem:s2] =	stream.indirect.scatter.add.f32 [tilespmem:s11], [sflag:$0x7], $0x20, s21, s8, $0xb8;
	[tilespmem:$0x1EE20] =	vst v63  }
0x176: {  	_ =	swait.ge [sflag:s17], $0x4000  }
0x177: {  	[sflag:s17] =	ssyncset.done $0x0  }
0x178: {  	s22 =	simm.s32 $0x2200;
	[sflag:s17] =	ssyncadd.s32 $0xFFFFC000  }
0x179: {  	[tilespmem:s10], [sflag:$0x2] =	stream.indirect.gather [hbm4b:s7+s8], $0x20, s22, s8, $0xb8;
	[tilespmem:$0x1EE20] =	vst v63  }
0x17a: {  	_ =	swait.ge [sflag:s18], $0x4000  }
0x17b: {  	[sflag:s18] =	ssyncset.done $0x0  }
0x17c: {  	s21 =	simm.s32 $0x4510;
	[sflag:s18] =	ssyncadd.s32 $0xFFFFC000  }
0x17d: {  	[spmem:s2] =	stream.indirect.scatter.add.f32 [tilespmem:s13], [sflag:$0x8], $0x20, s21, s8, $0xb8;
	[tilespmem:$0x1EE20] =	vst v63  }
0x17e: {  	_ =	swait.ge [sflag:s19], $0x4000  }
0x17f: {  	[sflag:s19] =	ssyncset.done $0x0  }
0x180: {  	[sflag:s19] =	ssyncadd.s32 $0xFFFFC000  }
0x181: {  	[tilespmem:s11], [sflag:$0x3] =	stream.indirect.gather [hbm4b:s7+s8], $0x20, s23, s8, $0xb8;
	[tilespmem:$0x1EE20] =	vst v63  }
0x182: {  	_ =	swait.ge [sflag:s12], $0x4000  }
0x183: {  	[sflag:s12] =	ssyncset.done $0x0  }
0x184: {  	[sflag:s12] =	ssyncadd.s32 $0xFFFFC000  }
0x185: {  	[spmem:s2] =	stream.indirect.scatter.add.f32 [tilespmem:s9], [sflag:$0x5], $0x20, s24, s8, $0xb8;
	[tilespmem:$0x1EE20] =	vst v63  }
0x186: {  	_ =	swait.ge [sflag:s20], $0x4000  }
0x187: {  	[sflag:s20] =	ssyncset.done $0x0  }
0x188: {  	[sflag:s20] =	ssyncadd.s32 $0xFFFFC000  }
0x189: {  	[tilespmem:s13], [sflag:$0x4] =	stream.indirect.gather [hbm4b:s7+s25], $0x20, s26, s25, $0xb8;
	[tilespmem:$0x1EE20] =	vst v63  }
0x18a: {  	_ =	swait.ge [sflag:s14], $0x4000  }
0x18b: {  	[sflag:s14] =	ssyncset.done $0x0  }
0x18c: {  	[sflag:s14] =	ssyncadd.s32 $0xFFFFC000  }
0x18d: {  	[spmem:s2] =	stream.indirect.scatter.add.f32 [tilespmem:s10], [sflag:$0x6], $0x20, s28, s8, $0xb8;
	[tilespmem:$0x1EE20] =	vst v63  }
0x18e: {  	_ =	swait.ge [sflag:s16], $0x4000  }
0x18f: {  	[sflag:s16] =	ssyncset.done $0x0  }
0x190: {  	[sflag:s16] =	ssyncadd.s32 $0xFFFFC000  }
0x191: {  	[spmem:s2] =	stream.indirect.scatter.add.f32 [tilespmem:s11], [sflag:$0x7], $0x20, s29, s8, $0xb8;
	[tilespmem:$0x1EE20] =	vst v63  }
0x192: {  	_ =	swait.ge [sflag:s18], $0x2200  }
0x193: {  	[sflag:s18] =	ssyncset.done $0x0  }
0x194: {  	[sflag:s18] =	ssyncadd.s32 $0xFFFFDE00  }
0x195: {  	[spmem:s2] =	stream.indirect.scatter.add.f32 [tilespmem:s13], [sflag:$0x8], $0x20, s30, s25, $0xb8;
	[tilespmem:$0x1EE20] =	vst v63  }
0x196: {  	_ =	swait.ge [sflag:s15], $0x4000  }
0x197: {  	[sflag:s15] =	ssyncset.done $0x0  }
0x198: {  	[sflag:s15] =	ssyncadd.s32 $0xFFFFC000  }
0x199: {  	_ =	swait.ge [sflag:s17], $0x4000  }
0x19a: {  	[sflag:s17] =	ssyncset.done $0x0  }
0x19b: {  	[sflag:s17] =	ssyncadd.s32 $0xFFFFC000  }
0x19c: {  	_ =	swait.ge [sflag:s19], $0x4000  }
0x19d: {  	[sflag:s19] =	ssyncset.done $0x0  }
0x19e: {  	[sflag:s19] =	ssyncadd.s32 $0xFFFFC000  }
0x19f: {  	_ =	swait.ge [sflag:s20], $0x2200  }
0x1a0: {  	[sflag:s20] =	ssyncset.done $0x0  }
0x1a1: {  	[sflag:s20] =	ssyncadd.s32 $0xFFFFDE00  }
0x1a2: {  	p0 =	sne.s32 s1, $0x1;
	[bflag:$0x0] =	sbarrier.arrive $0xFFFF  }
0x1a3: {  	[tilespmem:s31], [sflag:$0x9] =	stream.linear.gather [spmem:s4], $0x5000, $0x38;
	[tilespmem:$0x1EE20] =	vst v63  }
.Ltmp1:
0x1a4: {  	_ = 	snop;
	(pc) =	sbr.rel @p0 .LBB2_1-.Ltmp1, $4  }
0x1a5: {  	_ =	swait.ge [sflag:s5], $0x5000  }
0x1a6: {  	[sflag:s5] =	ssyncset.done $0x0  }
0x1a7: {  	s1 =	sadd.s32 $0xFFFFFFFF, s1;
	s22 =	rddreg [dreg:$0x6];
	[sflag:s5] =	ssyncadd.s32 $0xFFFFB000  }
0x1a8: {  	[hbm4b:s22+s3] =	stream.linear.scatter [tilespmem:s31], [sflag:$0x9], $0x5000, $0x38;
	[tilespmem:$0x1EE20] =	vst v63  }
.LBB2_2:
0x1a9: {  	_ =	swait.ge [sflag:s5], $0x5000  }
0x1aa: {  	[sflag:s5] =	ssyncset.done $0x0  }
0x1ab: {  	[sflag:s5] =	ssyncadd.s32 $0xFFFFB000  }
0x1ac: {  	_ =	sfence.sel $0x180000  }
0x1ad: {  	[bflag:$0x0] =	sbarrier.arrive $0xFFFF  }
0x1ae: {  	_ =	strace $0x9000004D  }
0x1af: {  	s0 =	stileid.u32;
	[bflag:$0x2] =	sbarrier.arrive $0xFFFF  }
0x1b0: {  	p0 =	sne.s32 s0, $0x0;
	s0 =	rddreg [dreg:$0x2]  }
0x1b1: {  	s0 =	sadd.s32 @!p0 $0x100000, s0  }
0x1b2: {  	[sflag:s0] =	ssyncadd.tile.s32 @!p0 $0x1;
	_ =	shalt  }
.Lfunc_end2:
_tile_overlayer_lowered:
.L_overlay_start_2:
0x1b3: {  	(tag) =	ssettag $0x2  }
0x1b4: {  	s0 =	rddreg [dreg:$0x0];
	s2 =	stileid.u32  }
0x1b5: {  	s1 =	rddreg [dreg:$0x1];
	p0 =	sne.s32 s2, $0x0  }
0x1b6: {  	s3 =	rddreg [dreg:$0x2];
	[bflag:$0x3] =	sbarrier.arrive $0xFFFF;
	s2 =	simm.s32 @!p0 $0x1C09  }
0x1b7: {  	[timem:s3], [sflag:s2] =	dma.local @!p0 [hbm:s0], s1  }
0x1b8: {  	s0 =	simm.s32 @!p0 $0x9  }
0x1b9: {  	_ =	swait.ge @!p0 [sflag:s0], s1  }
0x1ba: {  	s1 =	ssub.s32 @!p0 $0x0, s1;
	[sflag:s0] =	ssyncset.done @!p0 $0x0  }
0x1bb: {  	[sflag:s0] =	ssyncadd.s32 @!p0 s1  }
0x1bc: {  	[bflag:$0x3] =	sbarrier.arrive $0xFFFF  }
0x1bd: {  	_ =	shalt  }

// kernel: kernel.9.cloned.1.call-start
scs
__scs_entry_jumppad:
0x0: {  	(pc) =	sbr.rel $0x88, $3  }
0x1: {  	(tag) =	ssettag $0x0;
	lr =	simm.s32 $0x1  }
0x2: {  	[smem:$0x3F98] =	sst lr;
	_ =	strace $0xD0000000  }
0x3: {  	_ = 	snop  }
0x4: {  	_ = 	snop  }
0x5: {  	_ = 	snop  }
0x6: {  	_ = 	snop  }
0x7: {  	_ = 	snop  }
__scs_overlays_trampoline_lowered:
0x8: {  	[smem:$0x3FA7] =	sst s0  }
0x9: {  	[smem:$0x3FA8] =	sst s1  }
0xa: {  	[smem:$0x3FA9] =	sst s2  }
0xb: {  	[smem:$0x3FAA] =	sst s3  }
0xc: {  	[smem:$0x3FAB] =	sst s4  }
0xd: {  	[smem:$0x3FAC] =	sst s5  }
0xe: {  	[smem:$0x3FAD] =	sst s6  }
0xf: {  	[smem:$0x3FAE] =	sst s7  }
0x10: {  	[smem:$0x3FAF] =	sst s8  }
0x11: {  	[smem:$0x3FB0] =	sst s9;
	s0 =	simm.s32 @!p0 $0x0  }
0x12: {  	s1 =	sld [smem:$0x3F96];
	s0 =	simm.s32 @p0 $0x1  }
0x13: {  	[smem:$0x3FB1] =	sst s0;
	s0 =	simm.s32 @!p1 $0x0  }
0x14: {  	s2 =	sld [smem:$0x3F95];
	s0 =	simm.s32 @p1 $0x1  }
0x15: {  	[smem:$0x3FB2] =	sst s0;
	s0 =	simm.s32 @!p2 $0x0  }
0x16: {  	s3 =	sld [smem:$0x3FDB];
	s0 =	simm.s32 @p2 $0x1  }
0x17: {  	s4 =	simm.s32 $0x1BF5;
	[smem:$0x3FB4] =	sst s0  }
0x18: {  	s0 =	sld [smem:$0x3F97];
	_ =	swait.ge [sflag:s4], $0x0  }
0x19: {  	s7 =	sld [smem:$0x3F98]  }
0x1a: {  	s8 =	sadd.s32 $0xFFFFE003, lr  }
0x1b: {  	s9 =	sadd.s32 $0xFFFFFEF7, lr;
	s5 =	simm.s32 $0xFFFFFFFF;
	p2 =	slt.u32 s8, $0xFFFFF086  }
0x1c: {  	p1 =	slt.u32 s9, $0xF7A;
	s5 =	simm.s32 @!p2 $0x0  }
0x1d: {  	s5 =	simm.s32 @p1 $0x1;
	p0 =	seq.s32 s7, s2  }
0x1e: {  	s7 =	smul.u32 @!p0 $0xF7A, s2;
	p2 =	seq.s32 @!p0 s5, $0x0  }
0x1f: {  	s9 =	smul.u32 $0xF7A, s1;
	s8 =	simm.s32 @!p0 $0x1BF5;
	p2 =	por !p2, p0  }
0x20: {  	[sflag:s8] =	ssyncset.s32 @!p0 $0xFFFFF086;
	s6 =	sadd.s32 @!p0 s3, s7;
	s7 =	simm.s32 @!p0 $0x108  }
0x21: {  	s3 =	sadd.s32 s3, s9;
	s6 =	sadd.s32 @!p0 $0x88, s6;
	s7 =	simm.s32 @p2 $0x1082  }
0x22: {  	[simem:s7], [sflag:s8] =	dma.local @!p0 [hbm:s6], $0xF7A  }
0x23: {  	s9 =	sor.u32 $0xD0000000, s2;
	s6 =	simm.s32 $0x108;
	_ =	swait.ge @!p0 [sflag:s8], $0x0  }
0x24: {  	s3 =	sadd.s32 $0x88, s3;
	s6 =	simm.s32 @!p1 $0x1082;
	[sflag:s4] =	ssyncset.s32 $0xFFFFF086  }
0x25: {  	[simem:s6], [sflag:s4] =	dma.local [hbm:s3], $0xF7A  }
0x26: {  	[smem:$0x3F98] =	sst s1;
	(tag) =	ssettag s2;
	_ =	strace s9  }
0x27: {  	s1 =	sld [smem:$0x3FA8]  }
0x28: {  	s2 =	sld [smem:$0x3FA9]  }
0x29: {  	s4 =	sld [smem:$0x3FAB]  }
0x2a: {  	p0 =	seq.s32 s5, $0x0;
	s5 =	sld [smem:$0x3FAC]  }
0x2b: {  	s6 =	sld [smem:$0x3FAD]  }
0x2c: {  	s7 =	sld [smem:$0x3FAE]  }
0x2d: {  	s3 =	simm.s32 $0x108;
	s8 =	sld [smem:$0x3FAF]  }
0x2e: {  	s3 =	simm.s32 @!p0 $0x1082;
	s9 =	sld [smem:$0x3FB0]  }
0x2f: {  	lr =	sadd.s32 s0, s3;
	s0 =	sld [smem:$0x3FA7]  }
0x30: {  	s3 =	sld [smem:$0x3FAA]  }
0x31: {  	[smem:$0x3FB3] =	sst s10  }
0x32: {  	s10 =	sld [smem:$0x3FB1];
	_ =	sdelay $0x3  }
0x33: {  	p0 =	seq.s32 s10, $0x1;
	s10 =	sld [smem:$0x3FB3];
	_ =	sdelay $0x3  }
0x34: {  	[smem:$0x3FB3] =	sst s10  }
0x35: {  	s10 =	sld [smem:$0x3FB2];
	_ =	sdelay $0x3  }
0x36: {  	p1 =	seq.s32 s10, $0x1;
	s10 =	sld [smem:$0x3FB3];
	_ =	sdelay $0x3  }
0x37: {  	[smem:$0x3FB3] =	sst s10  }
0x38: {  	s10 =	sld [smem:$0x3FB4]  }
0x39: {  	_ = 	snop;
	(pc) =	sbr.ind lr, $3  }
0x3a: {  	_ = 	snop  }
0x3b: {  	_ = 	snop  }
0x3c: {  	p2 =	seq.s32 s10, $0x1;
	s10 =	sld [smem:$0x3FB3]  }
0x3d: {  	_ =	shalt  }
0x3e: {  	_ =	shalt  }
0x3f: {  	_ =	shalt  }
0x40: {  	_ =	shalt  }
0x41: {  	_ =	shalt  }
0x42: {  	_ =	shalt  }
0x43: {  	_ =	shalt  }
0x44: {  	_ =	shalt  }
0x45: {  	_ =	shalt  }
0x46: {  	_ =	shalt  }
0x47: {  	_ =	shalt  }
0x48: {  	_ =	shalt  }
0x49: {  	_ =	shalt  }
0x4a: {  	_ =	shalt  }
0x4b: {  	_ =	shalt  }
0x4c: {  	_ =	shalt  }
0x4d: {  	_ =	shalt  }
0x4e: {  	_ =	shalt  }
0x4f: {  	_ =	shalt  }
0x50: {  	_ =	shalt  }
0x51: {  	_ =	shalt  }
0x52: {  	_ =	shalt  }
0x53: {  	_ =	shalt  }
0x54: {  	_ =	shalt  }
0x55: {  	_ =	shalt  }
0x56: {  	_ =	shalt  }
0x57: {  	_ =	shalt  }
0x58: {  	_ =	shalt  }
0x59: {  	_ =	shalt  }
0x5a: {  	_ =	shalt  }
0x5b: {  	_ =	shalt  }
0x5c: {  	_ =	shalt  }
0x5d: {  	_ =	shalt  }
0x5e: {  	_ =	shalt  }
0x5f: {  	_ =	shalt  }
0x60: {  	_ =	shalt  }
0x61: {  	_ =	shalt  }
0x62: {  	_ =	shalt  }
0x63: {  	_ =	shalt  }
0x64: {  	_ =	shalt  }
0x65: {  	_ =	shalt  }
0x66: {  	_ =	shalt  }
0x67: {  	_ =	shalt  }
0x68: {  	_ =	shalt  }
0x69: {  	_ =	shalt  }
0x6a: {  	_ =	shalt  }
0x6b: {  	_ =	shalt  }
0x6c: {  	_ =	shalt  }
0x6d: {  	_ =	shalt  }
0x6e: {  	_ =	shalt  }
0x6f: {  	_ =	shalt  }
0x70: {  	_ =	shalt  }
0x71: {  	_ =	shalt  }
0x72: {  	_ =	shalt  }
0x73: {  	_ =	shalt  }
0x74: {  	_ =	shalt  }
0x75: {  	_ =	shalt  }
0x76: {  	_ =	shalt  }
0x77: {  	_ =	shalt  }
0x78: {  	_ =	shalt  }
0x79: {  	_ =	shalt  }
0x7a: {  	_ =	shalt  }
0x7b: {  	_ =	shalt  }
0x7c: {  	_ =	shalt  }
0x7d: {  	_ =	shalt  }
0x7e: {  	_ =	shalt  }
0x7f: {  	_ =	shalt  }
0x80: {  	_ =	shalt  }
0x81: {  	_ =	shalt  }
0x82: {  	_ =	shalt  }
0x83: {  	_ =	shalt  }
0x84: {  	_ =	shalt  }
0x85: {  	_ =	shalt  }
0x86: {  	_ =	shalt  }
0x87: {  	_ =	shalt  }
.Lfunc_end0:
.L_simem_size_0:
called_computation_lowered:
.L_overlay_start_0:
0x88: {  	s2 =	sld [smem:$0x3FD9]  }
0x89: {  	s3 =	sld [smem:$0x3FFE];
	_ =	sdelay $0x1  }
0x8a: {  	s1 =	srdreg.scid  }
0x8b: {  	s0 =	sand.u32 $0x1, s1  }
0x8c: {  	s16 =	sshll.u32 s0, $0xA;
	s2 =	sadd.s32 s3, s2  }
0x8d: {  	s2 =	sadd.s32 s2, s16  }
0x8e: {  	[smem:$0x3FBF] =	sst s2  }
0x8f: {  	_ = 	snop  }
0x90: {  	(tm) =	ssettm $0x1  }
0x91: {  	s17 =	sld [smem:$0x3FFB];
	_ =	sdelay $0x3  }
0x92: {  	_ =	strace s17  }
0x93: {  	s2 =	sld [smem:$0x3FFC];
	_ =	sdelay $0x3  }
0x94: {  	_ =	strace s2  }
0x95: {  	s2 =	sld [smem:$0x3FFD];
	_ =	sdelay $0x3  }
0x96: {  	_ =	strace s2  }
0x97: {  	_ =	strace $0x8FFFFFFF  }
0x98: {  	s18 =	sld [smem:$0x3FDB];
	_ =	sdelay $0x1  }
0x99: {  	s19 =	simm.s32 $_scs_section_size  }
0x9a: {  	s4 =	simm.s32 $_size__tile_overlayer_lowered;
	s5 =	simm.s32 $_tile_overlayer_lowered  }
0x9b: {  	s22 =	simm.s32 $0x1BFF;
	s21 =	sshll.u32 s5, $0x1;
	s2 =	sadd.s32 s19, s18  }
0x9c: {  	s6 =	simm.s32 $0x0;
	s20 =	sshll.u32 s4, $0x1;
	s4 =	sadd.s32 s21, s2  }
0x9d: {  	[timem:s6], [sflag:s22] =	dma.local [hbm:s4], s20  }
0x9e: {  	_ =	swait.ge [sflag:s22], s20  }
0x9f: {  	s3 =	ssub.s32 $0x0, s20;
	[sflag:s22] =	ssyncset.done $0x0  }
0xa0: {  	[sflag:s22] =	ssyncadd.s32 s3;
	_ =	sdelay $0x1  }
0xa1: {  	s23 =	simm.s32 $0x1B8B  }
0xa2: {  	_ =	swait.ge [sflag:s23], $0x1  }
0xa3: {  	[sflag:s23] =	ssyncset.done $0x0  }
0xa4: {  	s25 =	simm.s32 $0x1B8E;
	s24 =	sld [smem:$0x3FFE];
	[sflag:s23] =	ssyncadd.s32 $0xFFFFFFFF  }
0xa5: {  	s26 =	simm.s32 $execute0_lowered;
	[smem:$0x3FD2] =	sst s25  }
0xa6: {  	s4 =	sshll.u32 s26, $0x1;
	_ =	strace $0x80000046;
	[dreg:$0x1] =	wrdreg $0xFFFFFFFF  }
0xa7: {  	s28 =	simm.s32 $_size_execute0_lowered;
	s2 =	sadd.s32 s2, s4;
	[dreg:$0x0] =	wrdreg $0x0  }
0xa8: {  	s4 =	sshll.u32 s28, $0x1;
	[dreg:$0x2] =	wrdreg s2  }
0xa9: {  	[dreg:$0x3] =	wrdreg s4  }
0xaa: {  	[dreg:$0x4] =	wrdreg $0xC0  }
0xab: {  	_ =	task [dreg:s6], $0x5FFFF  }
0xac: {  	[dreg:$0x1] =	wrdreg $0xFFFFFFFF  }
0xad: {  	[dreg:$0x0] =	wrdreg $0x60  }
0xae: {  	[dreg:$0x2] =	wrdreg s24  }
0xaf: {  	[dreg:$0x3] =	wrdreg $0x2B900  }
0xb0: {  	[dreg:$0x4] =	wrdreg $0x9  }
0xb1: {  	_ =	task.clear_ibuf [dreg:s6], $0x5FFFF;
	_ =	strace $0x90000046  }
0xb2: {  	s29 =	simm.s32 $0x9;
	_ =	strace $0x80000048  }
0xb3: {  	_ =	swait.ge [sflag:s29], $0x1  }
0xb4: {  	[sflag:s29] =	ssyncadd.s32 $0xFFFFFFFF  }
0xb5: {  	_ =	strace $0x90000048  }
0xb6: {  	_ =	sfence  }
0xb7: {  	s30 =	sld [smem:$0x0];
	_ =	sdelay $0x2  }
0xb8: {  	s31 =	sshll.u32 s1, $0xD;
	s1 =	sshrl.u32 s1, $0x2  }
0xb9: {  	s3 =	sand.u32 $0x4000, s31;
	s1 =	sadd.s32 s1, s30  }
0xba: {  	s0 =	sor.u32 s3, s0;
	s1 =	sshll.u32 s1, $0x11  }
0xbb: {  	s0 =	sor.u32 s1, s0  }
0xbc: {  	s0 =	sadd.s32 $0x8F2B, s0  }
0xbd: {  	[sflag:s0] =	ssyncadd.remote.s32 $0x1  }
0xbe: {  	_ =	sfence.sel $0xFFFF  }
0xbf: {  	[dreg:$0x0] =	wrdreg $0xFFFFFFFF;
	(pc) =	sbr.abs _section_cstart, $3  }
0xc0: {  	[dreg:$0x1] =	wrdreg $0xFFFFFFFF  }
0xc1: {  	_ =	task.clear_ibuf [dreg:s6], $0x2FFFF;
	_ =	strace $0x9FFFFFFF  }
0xc2: {  	(tm) =	ssettm $0x7FFFFFFF  }
0xc3: {  	_ =	shalt  }
tec
execute0_lowered:
.L_overlay_start_1:
0x0: {  	(tag) =	ssettag $0x1  }
0x1: {  	s0 =	srdreg.scid  }
0x2: {  	s8 =	stileid.u32;
	s3 =	rddreg [dreg:$0x0]  }
0x3: {  	s1 =	sand.u32 $0x1, s0;
	s21 =	sshll.u32 s8, $0x1;
	s5 =	smul.u32 $0x280, s8  }
0x4: {  	s2 =	simm.s32 $0x0;
	s0 =	sor.u32 s1, s21;
	s6 =	smul.u32 $0x2800, s1  }
0x5: {  	[smem:$0x7FF] =	sst s2;
	s0 =	smul.u32 $0x4E2, s0;
	s7 =	sshrl.u32 s5, $0x3  }
0x6: {  	s4 =	rddreg [dreg:$0x1];
	_ =	strace $0x80000047;
	s7 =	sadd.s32 s7, s3  }
0x7: {  	s6 =	sadd.s32 s5, s6;
	s0 =	sadd.s32 s0, s3;
	s23 =	sadd.s32 $0x15800, s7  }
0x8: {  	s6 =	sshrl.u32 s6, $0x3;
	s0 =	sadd.s32 $0xBA00, s0;
	[dreg:$0x4] =	wrdreg s23  }
0x9: {  	s22 =	sadd.s32 s6, s3;
	[dreg:$0x3] =	wrdreg s0  }
0xa: {  	s0 =	sadd.s32 $0x15E00, s22;
	s24 =	rddreg [dreg:$0x3]  }
0xb: {  	s3 =	simm.s32 $0x2;
	[dreg:$0x5] =	wrdreg s0  }
0xc: {  	[tilespmem:s2], [sflag:$0x2] =	stream.linear.gather [hbm4b:s24+s2], $0x2710, $0x38;
	[tilespmem:$0x2E10] =	vst v63  }
0xd: {  	_ =	swait.ge [sflag:s3], $0x2710  }
0xe: {  	[sflag:s3] =	ssyncset.done $0x0  }
0xf: {  	v0 =	vimm.f32 $1.000000000e+00;
	[sflag:s3] =	ssyncadd.s32 $0xFFFFD8F0  }
0x10: {  	[tilespmem:$0x2900] =	vst v0  }
0x11: {  	[tilespmem:$0x28F0] =	vst v0  }
0x12: {  	[tilespmem:$0x28E0] =	vst v0  }
0x13: {  	[tilespmem:$0x28D0] =	vst v0  }
0x14: {  	[tilespmem:$0x28C0] =	vst v0  }
0x15: {  	[tilespmem:$0x28B0] =	vst v0  }
0x16: {  	[tilespmem:$0x28A0] =	vst v0  }
0x17: {  	[tilespmem:$0x2890] =	vst v0  }
0x18: {  	[tilespmem:$0x2880] =	vst v0  }
0x19: {  	[tilespmem:$0x2870] =	vst v0  }
0x1a: {  	[tilespmem:$0x2860] =	vst v0  }
0x1b: {  	[tilespmem:$0x2850] =	vst v0  }
0x1c: {  	[tilespmem:$0x2840] =	vst v0  }
0x1d: {  	[tilespmem:$0x2830] =	vst v0  }
0x1e: {  	[tilespmem:$0x2820] =	vst v0  }
0x1f: {  	[tilespmem:$0x2810] =	vst v0  }
0x20: {  	[tilespmem:$0x2800] =	vst v0  }
0x21: {  	[tilespmem:$0x27F0] =	vst v0  }
0x22: {  	[tilespmem:$0x27E0] =	vst v0  }
0x23: {  	[tilespmem:$0x27D0] =	vst v0  }
0x24: {  	[tilespmem:$0x27C0] =	vst v0  }
0x25: {  	[tilespmem:$0x27B0] =	vst v0  }
0x26: {  	[tilespmem:$0x27A0] =	vst v0  }
0x27: {  	[tilespmem:$0x2790] =	vst v0  }
0x28: {  	[tilespmem:$0x2780] =	vst v0  }
0x29: {  	[tilespmem:$0x2770] =	vst v0  }
0x2a: {  	[tilespmem:$0x2760] =	vst v0  }
0x2b: {  	[tilespmem:$0x2750] =	vst v0  }
0x2c: {  	[tilespmem:$0x2740] =	vst v0  }
0x2d: {  	[tilespmem:$0x2730] =	vst v0  }
0x2e: {  	s26 =	sshll.u32 s8, $0x6;
	s5 =	sadd.s32 s5, s4;
	[tilespmem:$0x2710] =	vst v0  }
0x2f: {  	s7 =	sshrl.u32 s5, $0x3;
	s6 =	sor.u32 $0x1C02, s26;
	s25 =	rddreg [dreg:$0x4];
	[tilespmem:$0x2720] =	vst v0  }
0x30: {  	[spmem:s7], [sflag:s6] =	dma.local [hbm:s25], $0x50  }
0x31: {  	_ =	swait.ge [sflag:s3], $0x50  }
0x32: {  	[sflag:s3] =	ssyncset.done $0x0  }
0x33: {  	[sflag:s3] =	ssyncadd.s32 $0xFFFFFFB0  }
0x34: {  	s9 =	simm.s32 $0x2710;
	s8 =	simm.s32 $0x200;
	[bflag:$0x0] =	sbarrier.arrive $0xFFFF  }
0x35: {  	[spmem:s4] =	stream.indirect.scatter.add.f32 [tilespmem:s9], [sflag:$0x1], $0x1, s2, s8, $0xb8;
	[tilespmem:$0x2E10] =	vst v63  }
0x36: {  	_ = 	snop  }
0x37: {  	[spmem:s4] =	stream.indirect.scatter.add.f32 [tilespmem:s9], [sflag:$0x1], $0x1, s8, s8, $0xb8;
	[tilespmem:$0x2E10] =	vst v63  }
0x38: {  	s10 =	simm.s32 $0x400  }
0x39: {  	[spmem:s4] =	stream.indirect.scatter.add.f32 [tilespmem:s9], [sflag:$0x1], $0x1, s10, s8, $0xb8;
	[tilespmem:$0x2E10] =	vst v63  }
0x3a: {  	s11 =	simm.s32 $0x600  }
0x3b: {  	[spmem:s4] =	stream.indirect.scatter.add.f32 [tilespmem:s9], [sflag:$0x1], $0x1, s11, s8, $0xb8;
	[tilespmem:$0x2E10] =	vst v63  }
0x3c: {  	s12 =	simm.s32 $0x800  }
0x3d: {  	[spmem:s4] =	stream.indirect.scatter.add.f32 [tilespmem:s9], [sflag:$0x1], $0x1, s12, s8, $0xb8;
	[tilespmem:$0x2E10] =	vst v63  }
0x3e: {  	s13 =	simm.s32 $0xA00  }
0x3f: {  	[spmem:s4] =	stream.indirect.scatter.add.f32 [tilespmem:s9], [sflag:$0x1], $0x1, s13, s8, $0xb8;
	[tilespmem:$0x2E10] =	vst v63  }
0x40: {  	s14 =	simm.s32 $0xC00  }
0x41: {  	[spmem:s4] =	stream.indirect.scatter.add.f32 [tilespmem:s9], [sflag:$0x1], $0x1, s14, s8, $0xb8;
	[tilespmem:$0x2E10] =	vst v63  }
0x42: {  	s15 =	simm.s32 $0xE00  }
0x43: {  	[spmem:s4] =	stream.indirect.scatter.add.f32 [tilespmem:s9], [sflag:$0x1], $0x1, s15, s8, $0xb8;
	[tilespmem:$0x2E10] =	vst v63  }
0x44: {  	s16 =	simm.s32 $0x1000  }
0x45: {  	[spmem:s4] =	stream.indirect.scatter.add.f32 [tilespmem:s9], [sflag:$0x1], $0x1, s16, s8, $0xb8;
	[tilespmem:$0x2E10] =	vst v63  }
0x46: {  	s17 =	simm.s32 $0x1200  }
0x47: {  	[spmem:s4] =	stream.indirect.scatter.add.f32 [tilespmem:s9], [sflag:$0x1], $0x1, s17, s8, $0xb8;
	[tilespmem:$0x2E10] =	vst v63  }
0x48: {  	s19 =	simm.s32 $0x1400  }
0x49: {  	[spmem:s4] =	stream.indirect.scatter.add.f32 [tilespmem:s9], [sflag:$0x1], $0x1, s19, s8, $0xb8;
	[tilespmem:$0x2E10] =	vst v63  }
0x4a: {  	s20 =	simm.s32 $0x1600  }
0x4b: {  	[spmem:s4] =	stream.indirect.scatter.add.f32 [tilespmem:s9], [sflag:$0x1], $0x1, s20, s8, $0xb8;
	[tilespmem:$0x2E10] =	vst v63  }
0x4c: {  	s21 =	simm.s32 $0x1800  }
0x4d: {  	[spmem:s4] =	stream.indirect.scatter.add.f32 [tilespmem:s9], [sflag:$0x1], $0x1, s21, s8, $0xb8;
	[tilespmem:$0x2E10] =	vst v63  }
0x4e: {  	s22 =	simm.s32 $0x1A00  }
0x4f: {  	[spmem:s4] =	stream.indirect.scatter.add.f32 [tilespmem:s9], [sflag:$0x1], $0x1, s22, s8, $0xb8;
	[tilespmem:$0x2E10] =	vst v63  }
0x50: {  	s23 =	simm.s32 $0x1C00  }
0x51: {  	[spmem:s4] =	stream.indirect.scatter.add.f32 [tilespmem:s9], [sflag:$0x1], $0x1, s23, s8, $0xb8;
	[tilespmem:$0x2E10] =	vst v63  }
0x52: {  	s24 =	simm.s32 $0x1E00  }
0x53: {  	[spmem:s4] =	stream.indirect.scatter.add.f32 [tilespmem:s9], [sflag:$0x1], $0x1, s24, s8, $0xb8;
	[tilespmem:$0x2E10] =	vst v63  }
0x54: {  	s25 =	simm.s32 $0x2000  }
0x55: {  	[spmem:s4] =	stream.indirect.scatter.add.f32 [tilespmem:s9], [sflag:$0x1], $0x1, s25, s8, $0xb8;
	[tilespmem:$0x2E10] =	vst v63  }
0x56: {  	s26 =	simm.s32 $0x2200  }
0x57: {  	[spmem:s4] =	stream.indirect.scatter.add.f32 [tilespmem:s9], [sflag:$0x1], $0x1, s26, s8, $0xb8;
	[tilespmem:$0x2E10] =	vst v63  }
0x58: {  	s28 =	simm.s32 $0x2400  }
0x59: {  	[spmem:s4] =	stream.indirect.scatter.add.f32 [tilespmem:s9], [sflag:$0x1], $0x1, s28, s8, $0xb8;
	[tilespmem:$0x2E10] =	vst v63  }
0x5a: {  	s29 =	simm.s32 $0x110;
	s30 =	simm.s32 $0x2600;
	s18 =	simm.s32 $0x1  }
0x5b: {  	[spmem:s4] =	stream.indirect.scatter.add.f32 [tilespmem:s9], [sflag:$0x1], $0x1, s30, s29, $0xb8;
	[tilespmem:$0x2E10] =	vst v63  }
0x5c: {  	_ =	swait.ge [sflag:s18], $0x200  }
0x5d: {  	[sflag:s18] =	ssyncset.done $0x0  }
0x5e: {  	[sflag:s18] =	ssyncadd.s32 $0xFFFFFE00  }
0x5f: {  	_ =	swait.ge [sflag:s18], $0x200  }
0x60: {  	[sflag:s18] =	ssyncset.done $0x0  }
0x61: {  	[sflag:s18] =	ssyncadd.s32 $0xFFFFFE00  }
0x62: {  	_ =	swait.ge [sflag:s18], $0x200  }
0x63: {  	[sflag:s18] =	ssyncset.done $0x0  }
0x64: {  	[sflag:s18] =	ssyncadd.s32 $0xFFFFFE00  }
0x65: {  	_ =	swait.ge [sflag:s18], $0x200  }
0x66: {  	[sflag:s18] =	ssyncset.done $0x0  }
0x67: {  	[sflag:s18] =	ssyncadd.s32 $0xFFFFFE00  }
0x68: {  	_ =	swait.ge [sflag:s18], $0x200  }
0x69: {  	[sflag:s18] =	ssyncset.done $0x0  }
0x6a: {  	[sflag:s18] =	ssyncadd.s32 $0xFFFFFE00  }
0x6b: {  	_ =	swait.ge [sflag:s18], $0x200  }
0x6c: {  	[sflag:s18] =	ssyncset.done $0x0  }
0x6d: {  	[sflag:s18] =	ssyncadd.s32 $0xFFFFFE00  }
0x6e: {  	_ =	swait.ge [sflag:s18], $0x200  }
0x6f: {  	[sflag:s18] =	ssyncset.done $0x0  }
0x70: {  	[sflag:s18] =	ssyncadd.s32 $0xFFFFFE00  }
0x71: {  	_ =	swait.ge [sflag:s18], $0x200  }
0x72: {  	[sflag:s18] =	ssyncset.done $0x0  }
0x73: {  	[sflag:s18] =	ssyncadd.s32 $0xFFFFFE00  }
0x74: {  	_ =	swait.ge [sflag:s18], $0x200  }
0x75: {  	[sflag:s18] =	ssyncset.done $0x0  }
0x76: {  	[sflag:s18] =	ssyncadd.s32 $0xFFFFFE00  }
0x77: {  	_ =	swait.ge [sflag:s18], $0x200  }
0x78: {  	s0 =	ssub.s32 $0x2, s1;
	[sflag:s18] =	ssyncset.done $0x0  }
0x79: {  	s1 =	sshrl.u32 s0, $0x1;
	[sflag:s18] =	ssyncadd.s32 $0xFFFFFE00  }
0x7a: {  	s0 =	ssub.s32 s0, s1;
	_ =	swait.ge [sflag:s18], $0x200  }
0x7b: {  	s0 =	smax.u32 s0, $0x1;
	[sflag:s18] =	ssyncset.done $0x0  }
0x7c: {  	p0 =	sne.s32 s0, $0x1;
	[sflag:s18] =	ssyncadd.s32 $0xFFFFFE00  }
.Ltmp0:
0x7d: {  	_ =	swait.ge [sflag:s18], $0x200;
	(pc) =	sbr.rel @!p0 .LBB2_2-.Ltmp0, $4  }
0x7e: {  	[sflag:s18] =	ssyncset.done $0x0  }
0x7f: {  	[sflag:s18] =	ssyncadd.s32 $0xFFFFFE00  }
0x80: {  	_ =	swait.ge [sflag:s18], $0x200  }
0x81: {  	s31 =	simm.s32 $0x2910;
	s1 =	sadd.s32 $0xFFFFFFFF, s0;
	[sflag:s18] =	ssyncset.done $0x0  }
.LBB2_1:
0x82: {  	[sflag:s18] =	ssyncadd.s32 $0xFFFFFE00  }
0x83: {  	_ =	swait.ge [sflag:s18], $0x200  }
0x84: {  	[sflag:s18] =	ssyncset.done $0x0  }
0x85: {  	[sflag:s18] =	ssyncadd.s32 $0xFFFFFE00  }
0x86: {  	_ =	swait.ge [sflag:s18], $0x200  }
0x87: {  	[sflag:s18] =	ssyncset.done $0x0  }
0x88: {  	[sflag:s18] =	ssyncadd.s32 $0xFFFFFE00  }
0x89: {  	_ =	swait.ge [sflag:s18], $0x200  }
0x8a: {  	[sflag:s18] =	ssyncset.done $0x0  }
0x8b: {  	[sflag:s18] =	ssyncadd.s32 $0xFFFFFE00  }
0x8c: {  	_ =	swait.ge [sflag:s18], $0x200  }
0x8d: {  	[sflag:s18] =	ssyncset.done $0x0  }
0x8e: {  	[sflag:s18] =	ssyncadd.s32 $0xFFFFFE00  }
0x8f: {  	_ =	swait.ge [sflag:s18], $0x200  }
0x90: {  	[sflag:s18] =	ssyncset.done $0x0  }
0x91: {  	[sflag:s18] =	ssyncadd.s32 $0xFFFFFE00  }
0x92: {  	_ =	swait.ge [sflag:s18], $0x200  }
0x93: {  	[sflag:s18] =	ssyncset.done $0x0  }
0x94: {  	[sflag:s18] =	ssyncadd.s32 $0xFFFFFE00  }
0x95: {  	_ =	swait.ge [sflag:s18], $0x110  }
0x96: {  	[sflag:s18] =	ssyncset.done $0x0  }
0x97: {  	[sflag:s18] =	ssyncadd.s32 $0xFFFFFEF0  }
0x98: {  	[bflag:$0x0] =	sbarrier.arrive $0xFFFF  }
0x99: {  	[tilespmem:s31], [sflag:$0x2] =	stream.linear.gather [spmem:s5], $0x280, $0x38;
	[tilespmem:$0x2E10] =	vst v63  }
0x9a: {  	_ =	swait.ge [sflag:s3], $0x280  }
0x9b: {  	[sflag:s3] =	ssyncset.done $0x0  }
0x9c: {  	s0 =	rddreg [dreg:$0x5];
	[sflag:s3] =	ssyncadd.s32 $0xFFFFFD80  }
0x9d: {  	[hbm4b:s0+s2] =	stream.linear.scatter [tilespmem:s31], [sflag:$0x2], $0x280, $0x38;
	[tilespmem:$0x2E10] =	vst v63  }
0x9e: {  	_ =	swait.ge [sflag:s3], $0x280  }
0x9f: {  	[sflag:s3] =	ssyncset.done $0x0  }
0xa0: {  	s0 =	rddreg [dreg:$0x3];
	[sflag:s3] =	ssyncadd.s32 $0xFFFFFD80  }
0xa1: {  	[tilespmem:s2], [sflag:$0x2] =	stream.linear.gather [hbm4b:s0+s2], $0x2710, $0x38;
	[tilespmem:$0x2E10] =	vst v63  }
0xa2: {  	_ =	swait.ge [sflag:s3], $0x2710  }
0xa3: {  	[sflag:s3] =	ssyncset.done $0x0  }
0xa4: {  	[sflag:s3] =	ssyncadd.s32 $0xFFFFD8F0  }
0xa5: {  	[tilespmem:$0x2900] =	vst v0  }
0xa6: {  	[tilespmem:$0x28F0] =	vst v0  }
0xa7: {  	[tilespmem:$0x28E0] =	vst v0  }
0xa8: {  	[tilespmem:$0x28D0] =	vst v0  }
0xa9: {  	[tilespmem:$0x28C0] =	vst v0  }
0xaa: {  	[tilespmem:$0x28B0] =	vst v0  }
0xab: {  	[tilespmem:$0x28A0] =	vst v0  }
0xac: {  	[tilespmem:$0x2890] =	vst v0  }
0xad: {  	[tilespmem:$0x2880] =	vst v0  }
0xae: {  	[tilespmem:$0x2870] =	vst v0  }
0xaf: {  	[tilespmem:$0x2860] =	vst v0  }
0xb0: {  	[tilespmem:$0x2850] =	vst v0  }
0xb1: {  	[tilespmem:$0x2840] =	vst v0  }
0xb2: {  	[tilespmem:$0x2830] =	vst v0  }
0xb3: {  	[tilespmem:$0x2820] =	vst v0  }
0xb4: {  	[tilespmem:$0x2810] =	vst v0  }
0xb5: {  	[tilespmem:$0x2800] =	vst v0  }
0xb6: {  	[tilespmem:$0x27F0] =	vst v0  }
0xb7: {  	[tilespmem:$0x27E0] =	vst v0  }
0xb8: {  	[tilespmem:$0x27D0] =	vst v0  }
0xb9: {  	[tilespmem:$0x27C0] =	vst v0  }
0xba: {  	[tilespmem:$0x27B0] =	vst v0  }
0xbb: {  	[tilespmem:$0x27A0] =	vst v0  }
0xbc: {  	[tilespmem:$0x2790] =	vst v0  }
0xbd: {  	[tilespmem:$0x2780] =	vst v0  }
0xbe: {  	[tilespmem:$0x2770] =	vst v0  }
0xbf: {  	[tilespmem:$0x2760] =	vst v0  }
0xc0: {  	[tilespmem:$0x2750] =	vst v0  }
0xc1: {  	[tilespmem:$0x2740] =	vst v0  }
0xc2: {  	[tilespmem:$0x2730] =	vst v0  }
0xc3: {  	[tilespmem:$0x2710] =	vst v0  }
0xc4: {  	s0 =	rddreg [dreg:$0x4];
	[tilespmem:$0x2720] =	vst v0  }
0xc5: {  	[spmem:s7], [sflag:s6] =	dma.local [hbm:s0], $0x50  }
0xc6: {  	_ =	swait.ge [sflag:s3], $0x50  }
0xc7: {  	[sflag:s3] =	ssyncset.done $0x0  }
0xc8: {  	[sflag:s3] =	ssyncadd.s32 $0xFFFFFFB0  }
0xc9: {  	[bflag:$0x0] =	sbarrier.arrive $0xFFFF  }
0xca: {  	[spmem:s4] =	stream.indirect.scatter.add.f32 [tilespmem:s9], [sflag:$0x1], $0x1, s2, s8, $0xb8;
	[tilespmem:$0x2E10] =	vst v63  }
0xcb: {  	_ = 	snop  }
0xcc: {  	[spmem:s4] =	stream.indirect.scatter.add.f32 [tilespmem:s9], [sflag:$0x1], $0x1, s8, s8, $0xb8;
	[tilespmem:$0x2E10] =	vst v63  }
0xcd: {  	_ = 	snop  }
0xce: {  	[spmem:s4] =	stream.indirect.scatter.add.f32 [tilespmem:s9], [sflag:$0x1], $0x1, s10, s8, $0xb8;
	[tilespmem:$0x2E10] =	vst v63  }
0xcf: {  	_ = 	snop  }
0xd0: {  	[spmem:s4] =	stream.indirect.scatter.add.f32 [tilespmem:s9], [sflag:$0x1], $0x1, s11, s8, $0xb8;
	[tilespmem:$0x2E10] =	vst v63  }
0xd1: {  	_ = 	snop  }
0xd2: {  	[spmem:s4] =	stream.indirect.scatter.add.f32 [tilespmem:s9], [sflag:$0x1], $0x1, s12, s8, $0xb8;
	[tilespmem:$0x2E10] =	vst v63  }
0xd3: {  	_ = 	snop  }
0xd4: {  	[spmem:s4] =	stream.indirect.scatter.add.f32 [tilespmem:s9], [sflag:$0x1], $0x1, s13, s8, $0xb8;
	[tilespmem:$0x2E10] =	vst v63  }
0xd5: {  	_ = 	snop  }
0xd6: {  	[spmem:s4] =	stream.indirect.scatter.add.f32 [tilespmem:s9], [sflag:$0x1], $0x1, s14, s8, $0xb8;
	[tilespmem:$0x2E10] =	vst v63  }
0xd7: {  	_ = 	snop  }
0xd8: {  	[spmem:s4] =	stream.indirect.scatter.add.f32 [tilespmem:s9], [sflag:$0x1], $0x1, s15, s8, $0xb8;
	[tilespmem:$0x2E10] =	vst v63  }
0xd9: {  	_ = 	snop  }
0xda: {  	[spmem:s4] =	stream.indirect.scatter.add.f32 [tilespmem:s9], [sflag:$0x1], $0x1, s16, s8, $0xb8;
	[tilespmem:$0x2E10] =	vst v63  }
0xdb: {  	_ = 	snop  }
0xdc: {  	[spmem:s4] =	stream.indirect.scatter.add.f32 [tilespmem:s9], [sflag:$0x1], $0x1, s17, s8, $0xb8;
	[tilespmem:$0x2E10] =	vst v63  }
0xdd: {  	_ = 	snop  }
0xde: {  	[spmem:s4] =	stream.indirect.scatter.add.f32 [tilespmem:s9], [sflag:$0x1], $0x1, s19, s8, $0xb8;
	[tilespmem:$0x2E10] =	vst v63  }
0xdf: {  	_ = 	snop  }
0xe0: {  	[spmem:s4] =	stream.indirect.scatter.add.f32 [tilespmem:s9], [sflag:$0x1], $0x1, s20, s8, $0xb8;
	[tilespmem:$0x2E10] =	vst v63  }
0xe1: {  	_ = 	snop  }
0xe2: {  	[spmem:s4] =	stream.indirect.scatter.add.f32 [tilespmem:s9], [sflag:$0x1], $0x1, s21, s8, $0xb8;
	[tilespmem:$0x2E10] =	vst v63  }
0xe3: {  	_ = 	snop  }
0xe4: {  	[spmem:s4] =	stream.indirect.scatter.add.f32 [tilespmem:s9], [sflag:$0x1], $0x1, s22, s8, $0xb8;
	[tilespmem:$0x2E10] =	vst v63  }
0xe5: {  	_ = 	snop  }
0xe6: {  	[spmem:s4] =	stream.indirect.scatter.add.f32 [tilespmem:s9], [sflag:$0x1], $0x1, s23, s8, $0xb8;
	[tilespmem:$0x2E10] =	vst v63  }
0xe7: {  	_ = 	snop  }
0xe8: {  	[spmem:s4] =	stream.indirect.scatter.add.f32 [tilespmem:s9], [sflag:$0x1], $0x1, s24, s8, $0xb8;
	[tilespmem:$0x2E10] =	vst v63  }
0xe9: {  	_ = 	snop  }
0xea: {  	[spmem:s4] =	stream.indirect.scatter.add.f32 [tilespmem:s9], [sflag:$0x1], $0x1, s25, s8, $0xb8;
	[tilespmem:$0x2E10] =	vst v63  }
0xeb: {  	_ = 	snop  }
0xec: {  	[spmem:s4] =	stream.indirect.scatter.add.f32 [tilespmem:s9], [sflag:$0x1], $0x1, s26, s8, $0xb8;
	[tilespmem:$0x2E10] =	vst v63  }
0xed: {  	_ = 	snop  }
0xee: {  	[spmem:s4] =	stream.indirect.scatter.add.f32 [tilespmem:s9], [sflag:$0x1], $0x1, s28, s8, $0xb8;
	[tilespmem:$0x2E10] =	vst v63  }
0xef: {  	_ = 	snop  }
0xf0: {  	[spmem:s4] =	stream.indirect.scatter.add.f32 [tilespmem:s9], [sflag:$0x1], $0x1, s30, s29, $0xb8;
	[tilespmem:$0x2E10] =	vst v63  }
0xf1: {  	_ =	swait.ge [sflag:s18], $0x200  }
0xf2: {  	[sflag:s18] =	ssyncset.done $0x0  }
0xf3: {  	[sflag:s18] =	ssyncadd.s32 $0xFFFFFE00  }
0xf4: {  	_ =	swait.ge [sflag:s18], $0x200  }
0xf5: {  	[sflag:s18] =	ssyncset.done $0x0  }
0xf6: {  	[sflag:s18] =	ssyncadd.s32 $0xFFFFFE00  }
0xf7: {  	_ =	swait.ge [sflag:s18], $0x200  }
0xf8: {  	[sflag:s18] =	ssyncset.done $0x0  }
0xf9: {  	[sflag:s18] =	ssyncadd.s32 $0xFFFFFE00  }
0xfa: {  	_ =	swait.ge [sflag:s18], $0x200  }
0xfb: {  	[sflag:s18] =	ssyncset.done $0x0  }
0xfc: {  	[sflag:s18] =	ssyncadd.s32 $0xFFFFFE00  }
0xfd: {  	_ =	swait.ge [sflag:s18], $0x200  }
0xfe: {  	[sflag:s18] =	ssyncset.done $0x0  }
0xff: {  	[sflag:s18] =	ssyncadd.s32 $0xFFFFFE00  }
0x100: {  	_ =	swait.ge [sflag:s18], $0x200  }
0x101: {  	[sflag:s18] =	ssyncset.done $0x0  }
0x102: {  	[sflag:s18] =	ssyncadd.s32 $0xFFFFFE00  }
0x103: {  	_ =	swait.ge [sflag:s18], $0x200  }
0x104: {  	[sflag:s18] =	ssyncset.done $0x0  }
0x105: {  	[sflag:s18] =	ssyncadd.s32 $0xFFFFFE00  }
0x106: {  	_ =	swait.ge [sflag:s18], $0x200  }
0x107: {  	[sflag:s18] =	ssyncset.done $0x0  }
0x108: {  	[sflag:s18] =	ssyncadd.s32 $0xFFFFFE00  }
0x109: {  	_ =	swait.ge [sflag:s18], $0x200  }
0x10a: {  	[sflag:s18] =	ssyncset.done $0x0  }
0x10b: {  	[sflag:s18] =	ssyncadd.s32 $0xFFFFFE00  }
0x10c: {  	_ =	swait.ge [sflag:s18], $0x200  }
0x10d: {  	[sflag:s18] =	ssyncset.done $0x0  }
0x10e: {  	[sflag:s18] =	ssyncadd.s32 $0xFFFFFE00  }
0x10f: {  	_ =	swait.ge [sflag:s18], $0x200  }
0x110: {  	[sflag:s18] =	ssyncset.done $0x0  }
0x111: {  	p0 =	sne.s32 s1, $0x1;
	[sflag:s18] =	ssyncadd.s32 $0xFFFFFE00  }
.Ltmp1:
0x112: {  	_ =	swait.ge [sflag:s18], $0x200;
	(pc) =	sbr.rel @p0 .LBB2_1-.Ltmp1, $4  }
0x113: {  	[sflag:s18] =	ssyncset.done $0x0  }
0x114: {  	[sflag:s18] =	ssyncadd.s32 $0xFFFFFE00  }
0x115: {  	_ =	swait.ge [sflag:s18], $0x200  }
0x116: {  	s1 =	sadd.s32 $0xFFFFFFFF, s1;
	[sflag:s18] =	ssyncset.done $0x0  }
.LBB2_2:
0x117: {  	[sflag:s18] =	ssyncadd.s32 $0xFFFFFE00  }
0x118: {  	_ =	swait.ge [sflag:s18], $0x200  }
0x119: {  	[sflag:s18] =	ssyncset.done $0x0  }
0x11a: {  	[sflag:s18] =	ssyncadd.s32 $0xFFFFFE00  }
0x11b: {  	_ =	swait.ge [sflag:s18], $0x200  }
0x11c: {  	[sflag:s18] =	ssyncset.done $0x0  }
0x11d: {  	[sflag:s18] =	ssyncadd.s32 $0xFFFFFE00  }
0x11e: {  	_ =	swait.ge [sflag:s18], $0x200  }
0x11f: {  	[sflag:s18] =	ssyncset.done $0x0  }
0x120: {  	[sflag:s18] =	ssyncadd.s32 $0xFFFFFE00  }
0x121: {  	_ =	swait.ge [sflag:s18], $0x200  }
0x122: {  	[sflag:s18] =	ssyncset.done $0x0  }
0x123: {  	[sflag:s18] =	ssyncadd.s32 $0xFFFFFE00  }
0x124: {  	_ =	swait.ge [sflag:s18], $0x200  }
0x125: {  	[sflag:s18] =	ssyncset.done $0x0  }
0x126: {  	[sflag:s18] =	ssyncadd.s32 $0xFFFFFE00  }
0x127: {  	_ =	swait.ge [sflag:s18], $0x200  }
0x128: {  	[sflag:s18] =	ssyncset.done $0x0  }
0x129: {  	[sflag:s18] =	ssyncadd.s32 $0xFFFFFE00  }
0x12a: {  	_ =	swait.ge [sflag:s18], $0x110  }
0x12b: {  	[sflag:s18] =	ssyncset.done $0x0  }
0x12c: {  	[sflag:s18] =	ssyncadd.s32 $0xFFFFFEF0  }
0x12d: {  	[bflag:$0x0] =	sbarrier.arrive $0xFFFF  }
0x12e: {  	[tilespmem:s31], [sflag:$0x2] =	stream.linear.gather [spmem:s5], $0x280, $0x38;
	[tilespmem:$0x2E10] =	vst v63  }
0x12f: {  	_ =	swait.ge [sflag:s3], $0x280  }
0x130: {  	[sflag:s3] =	ssyncset.done $0x0  }
0x131: {  	s0 =	rddreg [dreg:$0x5];
	[sflag:s3] =	ssyncadd.s32 $0xFFFFFD80  }
0x132: {  	[hbm4b:s0+s2] =	stream.linear.scatter [tilespmem:s31], [sflag:$0x2], $0x280, $0x38;
	[tilespmem:$0x2E10] =	vst v63  }
0x133: {  	_ =	swait.ge [sflag:s3], $0x280  }
0x134: {  	[sflag:s3] =	ssyncset.done $0x0  }
0x135: {  	[sflag:s3] =	ssyncadd.s32 $0xFFFFFD80  }
0x136: {  	_ =	sfence.sel $0x180000  }
0x137: {  	[bflag:$0x0] =	sbarrier.arrive $0xFFFF  }
0x138: {  	_ =	strace $0x90000047  }
0x139: {  	s31 =	stileid.u32;
	[bflag:$0x2] =	sbarrier.arrive $0xFFFF  }
0x13a: {  	p0 =	sne.s32 s31, $0x0;
	s0 =	rddreg [dreg:$0x2]  }
0x13b: {  	s0 =	sadd.s32 @!p0 $0x100000, s0  }
0x13c: {  	[sflag:s0] =	ssyncadd.tile.s32 @!p0 $0x1;
	_ =	shalt  }
.Lfunc_end2:
_tile_overlayer_lowered:
.L_overlay_start_2:
0x13d: {  	(tag) =	ssettag $0x2  }
0x13e: {  	s0 =	rddreg [dreg:$0x0];
	s2 =	stileid.u32  }
0x13f: {  	s1 =	rddreg [dreg:$0x1];
	p0 =	sne.s32 s2, $0x0  }
0x140: {  	s3 =	rddreg [dreg:$0x2];
	[bflag:$0x3] =	sbarrier.arrive $0xFFFF;
	s2 =	simm.s32 @!p0 $0x1C02  }
0x141: {  	[timem:s3], [sflag:s2] =	dma.local @!p0 [hbm:s0], s1  }
0x142: {  	s0 =	simm.s32 @!p0 $0x2  }
0x143: {  	_ =	swait.ge @!p0 [sflag:s0], s1  }
0x144: {  	s1 =	ssub.s32 @!p0 $0x0, s1;
	[sflag:s0] =	ssyncset.done @!p0 $0x0  }
0x145: {  	[sflag:s0] =	ssyncadd.s32 @!p0 s1  }
0x146: {  	[bflag:$0x3] =	sbarrier.arrive $0xFFFF  }
0x147: {  	_ =	shalt  }

</sc_bundles>
